<compile_context>
chip_gen: v7x
topology: tpu7x:2x2x1
jax: 0.10.2.dev20260603
libtpu: 0.0.44.dev20260713+nightly
codegen_flags: <defaults>
</compile_context>

<pallas_src>
import functools

import jax
import jax.numpy as jnp
from jax import lax
from jax.experimental import pallas as pl
from jax.experimental.pallas import tpu as pltpu
from jax.experimental.pallas import tpu_sc as plsc

N_CLASSES = 19
B, H, W = 8, 512, 512
N = B * H * W
K_TOP = 100000

L = 16
NSUB = 16
PER_W = N // NSUB
CHUNK = 16384
NCH = PER_W // CHUNK
UNROLL = 4
HR, HC = 128, 512

BH = 64



def _ce_body(x_ref, t_ref, o_ref):
    x = x_ref[0]
    t = t_ref[0]
    m = jnp.max(x, axis=0)
    s = jnp.sum(jnp.exp(x - m[None]), axis=0)
    cls = lax.broadcasted_iota(jnp.int32, x.shape, 0)
    xt = jnp.sum(jnp.where(cls == t[None], x, 0.0), axis=0)
    nll = jnp.log(s) + m - xt
    bits = lax.bitcast_convert_type(nll, jnp.int32)
    u = bits ^ jnp.where(bits < 0, jnp.int32(-1), jnp.int32(-2147483648))
    o_ref[...] = u.reshape(BH * W)


def _ce_keys(inputs, targets):
    return pl.pallas_call(
        _ce_body,
        grid=(B, H // BH),
        in_specs=[
            pl.BlockSpec((1, N_CLASSES, BH, W), lambda b, h: (b, 0, h, 0)),
            pl.BlockSpec((1, BH, W), lambda b, h: (b, h, 0)),
        ],
        out_specs=pl.BlockSpec((BH * W,), lambda b, h: (b * (H // BH) + h,)),
        out_shape=jax.ShapeDtypeStruct((N,), jnp.int32),
    )(inputs, targets)



def _sc_body(keys_hbm, out_hbm,
             buf0, buf1, hist, scanbuf, idxrow, totbuf, wtotbuf, decbuf,
             vec16, vec16f, outbuf, ctot, wctot, sem0, sem1,
             hist_sh0, hist_sh1, tot_sh, dec_sh, sum_sh):
    cid = lax.axis_index("c")
    sid = lax.axis_index("s")
    base = sid * PER_W

    lanes = lax.iota(jnp.int32, L)
    zeros_i = jnp.zeros((L,), jnp.int32)
    ones_i = jnp.ones((L,), jnp.int32)
    zeros_f = jnp.zeros((L,), jnp.float32)
    topbit = jnp.uint32(0x80000000)

    def val_of(u):
        bits = jnp.where(u >= topbit, u ^ topbit, ~u)
        return plsc.bitcast(bits, jnp.float32)

    first_h = pltpu.async_copy(keys_hbm.at[pl.ds(base, CHUNK)], buf0, sem0)

    for j in range(HR // L):
        idxrow[pl.ds(j * L, L)] = lanes + j * L

    def zero_scanbuf():
        @plsc.parallel_loop(0, 8 * HC // L, unroll=8)
        def _zb(i):
            scanbuf[i >> 5, pl.ds((i & 31) * L, L)] = zeros_i

    zero_scanbuf()
    pltpu.sync_copy(scanbuf, hist_sh0.at[pl.ds(sid * 8, 8)])
    pltpu.sync_copy(scanbuf, hist_sh1.at[pl.ds(sid * 8, 8)])
    plsc.subcore_barrier()

    def zero_hist():
        @plsc.parallel_loop(0, HR * HC // L, unroll=8)
        def _zh(i):
            hist[i >> 5, pl.ds((i & 31) * L, L)] = zeros_i

    def stream_pass(run_chunk, carry, h0):
        handles = {0: h0}
        for ch in range(NCH):
            cur = buf0 if ch % 2 == 0 else buf1
            if ch + 1 < NCH:
                nxt = buf1 if ch % 2 == 0 else buf0
                nsem = sem1 if ch % 2 == 0 else sem0
                handles[ch + 1] = pltpu.async_copy(
                    keys_hbm.at[pl.ds(base + (ch + 1) * CHUNK, CHUNK)],
                    nxt, nsem)
            handles[ch].wait()
            carry = run_chunk(cur, carry)
        return carry

    def p1(buf, carry):
        @plsc.parallel_loop(0, CHUNK // L, unroll=8)
        def _body(i):
            u = plsc.bitcast(buf[pl.ds(i * L, L)], jnp.uint32)
            bb = (u >> jnp.uint32(16)).astype(jnp.int32)
            plsc.addupdate_scatter(hist, [bb >> 9, bb & 511], ones_i)
        return carry

    def make_p2(d1u):
        def p2(buf, accs):
            def body(i, a):
                out = []
                for t in range(UNROLL):
                    u = plsc.bitcast(buf[pl.ds((i * UNROLL + t) * L, L)],
                                     jnp.uint32)
                    hi = u >> jnp.uint32(16)
                    bb = (u & jnp.uint32(0xFFFF)).astype(jnp.int32)
                    plsc.addupdate_scatter(
                        hist, [bb >> 9, bb & 511], ones_i, mask=(hi == d1u))
                    out.append(a[t] + jnp.where(hi > d1u, val_of(u), 0.0))
                return tuple(out)
            return plsc.parallel_loop(
                0, CHUNK // (L * UNROLL), unroll=2, carry=accs)(body)
        return p2

    def select_level(level, needed, d1u, hist_sh):
        weighted = level == 1
        with jax.named_scope(f"sc_merge{level}"):
            pltpu.sync_copy(hist, hist_sh.at[idxrow], add=True)
            plsc.subcore_barrier()
        pltpu.sync_copy(hist_sh.at[pl.ds(sid * 8, 8)], scanbuf)

        def bin_vals(chunk_j):
            gbin = sid * 4096 + chunk_j * L + lanes
            u_bin = (d1u << jnp.uint32(16)) | gbin.astype(jnp.uint32)
            return val_of(u_bin)

        def acc_tot(i, carry):
            v = scanbuf[i >> 5, pl.ds((i & 31) * L, L)]
            s = jnp.sum(v)
            lane_sel = lanes == (i & 15)
            if weighted:
                t, wv, tvec, wvec = carry
                w = v.astype(jnp.float32) * bin_vals(i)
                ws = jnp.sum(w)
                wvec = jnp.where(lane_sel, ws, wvec)
                wctot[pl.ds((i >> 4) * L, L)] = wvec
                tvec = jnp.where(lane_sel, s, tvec)
                ctot[pl.ds((i >> 4) * L, L)] = tvec
                return t + s, wv + ws, tvec, wvec
            t, tvec = carry
            tvec = jnp.where(lane_sel, s, tvec)
            ctot[pl.ds((i >> 4) * L, L)] = tvec
            return t + s, tvec

        if weighted:
            tw, wsum, _, _ = lax.fori_loop(
                0, 8 * HC // L, acc_tot,
                (jnp.int32(0), jnp.float32(0), zeros_i, zeros_f))
            vec16f[...] = zeros_f + wsum
            pltpu.sync_copy(vec16f, sum_sh.at[sid])
        else:
            tw, _ = lax.fori_loop(0, 8 * HC // L, acc_tot,
                                  (jnp.int32(0), zeros_i))
        with jax.named_scope(f"sc_pub{level}"):
            vec16[...] = zeros_i + tw
            pltpu.sync_copy(vec16, tot_sh.at[level, sid])
            plsc.subcore_barrier()

        pltpu.sync_copy(tot_sh.at[level], totbuf)
        tv = plsc.load_gather(totbuf, [lanes, zeros_i])
        sfx_b = jnp.flip(jnp.cumsum(jnp.flip(tv)))
        mb = sfx_b >= needed
        blk = jnp.max(plsc.all_reduce_population_count(mb)) - 1
        selb = lanes == blk
        above_blocks = (jnp.sum(jnp.where(selb, sfx_b, 0))
                        - jnp.sum(jnp.where(selb, tv, 0)))
        if weighted:
            pltpu.sync_copy(sum_sh, wtotbuf)
            wv_b = plsc.load_gather(wtotbuf, [lanes, zeros_i])
            wsfx_b = jnp.flip(jnp.cumsum(jnp.flip(wv_b)))
            wabove_blocks = (jnp.sum(jnp.where(selb, wsfx_b, 0.0))
                             - jnp.sum(jnp.where(selb, wv_b, 0.0)))
        else:
            wabove_blocks = jnp.float32(0)

        @pl.when(sid == blk)
        @jax.named_scope(f"sc_scan{level}")
        def _owner():
            def ext_i(vec, idx):
                return jnp.sum(jnp.where(lanes == idx, vec, 0))

            def ext_f(vec, idx):
                return jnp.sum(jnp.where(lanes == idx, vec, 0.0))

            def cross(vec, need):
                sfx = jnp.flip(jnp.cumsum(jnp.flip(vec)))
                idx = jnp.max(plsc.all_reduce_population_count(
                    sfx >= need)) - 1
                above = ext_i(sfx, idx) - ext_i(vec, idx)
                return idx, above

            def wsuffix_above(vec, idx):
                wsfx = jnp.flip(jnp.cumsum(jnp.flip(vec)))
                return ext_f(wsfx, idx) - ext_f(vec, idx)

            need1 = needed - above_blocks
            def grp(g, gv):
                return jnp.where(lanes == g,
                                 jnp.sum(ctot[pl.ds(g * L, L)]), gv)
            gv = lax.fori_loop(0, L, grp, zeros_i)
            gs, above_g = cross(gv, need1)
            cv = ctot[pl.ds(gs * L, L)]
            need2 = need1 - above_g
            cs, above_c = cross(cv, need2)
            jc = gs * L + cs
            c = scanbuf[jc >> 5, pl.ds((jc & 31) * L, L)]
            need3 = need2 - above_c
            ls, above_l = cross(c, need3)
            binstar = jc * L + ls
            aboveg = above_blocks + above_g + above_c + above_l
            if weighted:
                def wgrp(g, gv):
                    return jnp.where(lanes == g,
                                     jnp.sum(wctot[pl.ds(g * L, L)]), gv)
                wgv = lax.fori_loop(0, L, wgrp, zeros_f)
                gbin = (blk * 4096 + jc * L) + lanes
                u_bin = (d1u << jnp.uint32(16)) | gbin.astype(jnp.uint32)
                w = c.astype(jnp.float32) * val_of(u_bin)
                waboveg = (wabove_blocks + wsuffix_above(wgv, gs)
                           + wsuffix_above(wctot[pl.ds(gs * L, L)], cs)
                           + wsuffix_above(w, ls))
            else:
                waboveg = jnp.float32(0)
            digit = blk * 4096 + binstar
            nxt = needed - aboveg
            wbits = plsc.bitcast(zeros_f + waboveg, jnp.int32)
            dvec = (jnp.where(lanes == 0, digit, 0)
                    + jnp.where(lanes == 1, nxt, 0)
                    + jnp.where(lanes == 2, wbits, 0))
            vec16[...] = dvec
            pltpu.sync_copy(vec16, dec_sh.at[level])

        with jax.named_scope(f"sc_dec{level}"):
            plsc.subcore_barrier()
        pltpu.sync_copy(dec_sh.at[level], decbuf)
        dv = decbuf[...]
        wdv = plsc.bitcast(dv, jnp.float32)
        w_above = jnp.sum(jnp.where(lanes == 2, wdv, 0.0))
        return dv[0], dv[1], w_above

    with jax.named_scope("ph_pass1"):
        zero_hist()
        stream_pass(p1, 0, first_h)
        h2 = pltpu.async_copy(keys_hbm.at[pl.ds(base, CHUNK)], buf0, sem0)
    with jax.named_scope("ph_sel1"):
        d1, needed2, _ = select_level(0, jnp.int32(K_TOP), jnp.uint32(0),
                                      hist_sh0)
    d1u = d1.astype(jnp.uint32)

    with jax.named_scope("ph_pass2"):
        zero_hist()
        accs = stream_pass(make_p2(d1u), (zeros_f,) * UNROLL, h2)
        acc_out = accs[0] + accs[1] + accs[2] + accs[3]
    with jax.named_scope("ph_sel2"):
        d2, needed_f, w_above = select_level(1, needed2, d1u, hist_sh1)

    t_u = (d1u << jnp.uint32(16)) | d2.astype(jnp.uint32)

    local = jnp.sum(acc_out)
    vec16f[...] = zeros_f + local
    pltpu.sync_copy(vec16f, sum_sh.at[sid])
    plsc.subcore_barrier()

    @pl.when(jnp.logical_and(sid == 0, cid == 0))
    def _emit():
        pltpu.sync_copy(sum_sh, wtotbuf)
        sums = plsc.load_gather(wtotbuf, [lanes, zeros_i])
        s_above = jnp.sum(sums) + w_above
        t_val = val_of(jnp.zeros((L,), jnp.uint32) + t_u)
        need_f = needed_f.astype(jnp.float32)
        res = (zeros_f + s_above + need_f * t_val) / jnp.float32(K_TOP)
        outbuf[...] = res
        pltpu.sync_copy(outbuf, out_hbm)


def _topk_mean(keys_flat):
    mesh = plsc.VectorSubcoreMesh(
        core_axis_name="c", subcore_axis_name="s", num_cores=2,
        num_subcores=NSUB)
    fn = functools.partial(
        pl.kernel,
        out_type=jax.ShapeDtypeStruct((L,), jnp.float32),
        mesh=mesh,
        compiler_params=pltpu.CompilerParams(
            use_tc_tiling_on_sc=False, needs_layout_passes=False),
        scratch_types=[
            pltpu.VMEM((CHUNK,), jnp.int32),
            pltpu.VMEM((CHUNK,), jnp.int32),
            pltpu.VMEM((HR, HC), jnp.int32),
            pltpu.VMEM((8, HC), jnp.int32),
            pltpu.VMEM((HR,), jnp.int32),
            pltpu.VMEM((L, L), jnp.int32),
            pltpu.VMEM((L, L), jnp.float32),
            pltpu.VMEM((L,), jnp.int32),
            pltpu.VMEM((L,), jnp.int32),
            pltpu.VMEM((L,), jnp.float32),
            pltpu.VMEM((L,), jnp.float32),
            pltpu.VMEM((8 * HC // L,), jnp.int32),
            pltpu.VMEM((8 * HC // L,), jnp.float32),
            pltpu.SemaphoreType.DMA,
            pltpu.SemaphoreType.DMA,
            pltpu.VMEM_SHARED((HR, HC), jnp.int32),
            pltpu.VMEM_SHARED((HR, HC), jnp.int32),
            pltpu.VMEM_SHARED((2, L, L), jnp.int32),
            pltpu.VMEM_SHARED((2, L), jnp.int32),
            pltpu.VMEM_SHARED((L, L), jnp.float32),
        ],
    )(_sc_body)
    return fn(keys_flat)


def kernel(inputs, targets):
    keys = _ce_keys(inputs, targets)
    out = _topk_mean(keys)
    return out[0]

# --- scband reference (transcript-rebuilt; emitter-appended) ---
"""Pipeline reference for scband-ohemcross-entropy-loss-1649267441779 (READ-ONLY COPY).

The authoritative reference and input builder live on the scoring server;
editing this copy changes nothing except your own understanding.
"""

import jax, jax.numpy as jnp
import numpy as np

THRESH = 0.7
MIN_KEPT = 100000
IGNORE_INDEX = 255


def setup_inputs(seed: int = 0) -> dict:
    key = jax.random.key(seed)
    k1, k2 = jax.random.split(key)
    inputs = jax.random.normal(k1, (8, 19, 512, 512), dtype=jnp.float32)
    targets = jax.random.randint(k2, (8, 512, 512), 0, 19, dtype=jnp.int32)
    return {"inputs": inputs, "targets": targets}


def reference(inputs, targets):
    # CrossEntropyLoss(ignore_index, reduction='none') on [B, C, H, W] logits
    logp = jax.nn.log_softmax(inputs, axis=1)
    nll = -jnp.take_along_axis(logp, targets[:, None, :, :].astype(jnp.int32), axis=1)[:, 0]
    pixel_losses = jnp.where(targets == IGNORE_INDEX, 0.0, nll).reshape(-1)
    top_k = min(MIN_KEPT, pixel_losses.shape[0])
    loss_val, _ = jax.lax.top_k(pixel_losses, top_k)
    return jnp.mean(loss_val)

if __name__ == "__main__":
    import jax
    _d = setup_inputs()
    print(jax.jit(kernel)(*tuple(_d.values())))

</pallas_src>

<mosaic_0001>
#map = affine_map<(d0, d1) -> (0)>
module attributes {stable_mosaic.version = 14 : i64} {
  func.func @_sc_body(%arg0: i32, %arg1: i32, %arg2: memref<2097152xi32, #tpu.memory_space<hbm>>, %arg3: memref<16xf32, #tpu.memory_space<hbm>>, %arg4: memref<16384xi32, #tpu.memory_space<vmem>>, %arg5: memref<16384xi32, #tpu.memory_space<vmem>>, %arg6: memref<128x512xi32, #tpu.memory_space<vmem>>, %arg7: memref<8x512xi32, #tpu.memory_space<vmem>>, %arg8: memref<128xi32, #tpu.memory_space<vmem>>, %arg9: memref<16x16xi32, #tpu.memory_space<vmem>>, %arg10: memref<16x16xf32, #tpu.memory_space<vmem>>, %arg11: memref<16xi32, #tpu.memory_space<vmem>>, %arg12: memref<16xi32, #tpu.memory_space<vmem>>, %arg13: memref<16xf32, #tpu.memory_space<vmem>>, %arg14: memref<16xf32, #tpu.memory_space<vmem>>, %arg15: memref<256xi32, #tpu.memory_space<vmem>>, %arg16: memref<256xf32, #tpu.memory_space<vmem>>, %arg17: memref<!tpu.dma_semaphore, #tpu.memory_space<semaphore_mem>>, %arg18: memref<!tpu.dma_semaphore, #tpu.memory_space<semaphore_mem>>, %arg19: memref<128x512xi32, #tpu.memory_space<vmem_shared>>, %arg20: memref<128x512xi32, #tpu.memory_space<vmem_shared>>, %arg21: memref<2x16x16xi32, #tpu.memory_space<vmem_shared>>, %arg22: memref<2x16xi32, #tpu.memory_space<vmem_shared>>, %arg23: memref<16x16xf32, #tpu.memory_space<vmem_shared>>) attributes {dimension_semantics = [#tpu.dimension_semantics<core_parallel>, #tpu.dimension_semantics<subcore_parallel>], iteration_bounds = array<i64: 2, 16>, scalar_prefetch = 0 : i64, scratch_operands = 20 : i64, tpu.core_type = #tpu.core_type<sc_vector_subcore>, window_params = [{transform_indices = #map}, {transform_indices = #map}]} {
    %mul3A = arith.constant 131072 : i32
    %mul3A_0 = arith.muli %arg1, %mul3A : i32
    %iota3A = tpu.iota {dimensions = array<i32: 0>} : vector<16xi32>
    %broadcast_in_dim3A = arith.constant 0 : i32
    %broadcast_in_dim3A_1 = vector.broadcast %broadcast_in_dim3A : i32 to vector<16xi32>
    %broadcast_in_dim3A_2 = arith.constant 1 : i32
    %broadcast_in_dim3A_3 = vector.broadcast %broadcast_in_dim3A_2 : i32 to vector<16xi32>
    %broadcast_in_dim3A_4 = arith.constant 0.000000e+00 : f32
    %broadcast_in_dim3A_5 = vector.broadcast %broadcast_in_dim3A_4 : f32 to vector<16xf32>
    %dma_start3A = tpu.memref_slice %arg2[%mul3A_0] : memref<2097152xi32, #tpu.memory_space<hbm>> -> memref<16384xi32, #tpu.memory_space<hbm>>
    %dma_start3A_6 = tpu.memref_slice %arg2[%mul3A_0] : memref<2097152xi32, #tpu.memory_space<hbm>> -> memref<16384xi32, #tpu.memory_space<hbm>>
    tpu.enqueue_dma source(%dma_start3A_6 : memref<16384xi32, #tpu.memory_space<hbm>>) target(%arg4 : memref<16384xi32, #tpu.memory_space<vmem>>) target_semaphore(%arg17 : memref<!tpu.dma_semaphore, #tpu.memory_space<semaphore_mem>>)
    %add3A = arith.constant 0 : i32
    %add3A_7 = vector.broadcast %add3A : i32 to vector<16xi32>
    %add3A_8 = arith.addi %iota3A, %add3A_7 : vector<16xi32>
    %swap3A = arith.constant 0 : index
    %swap3A_9 = tpu.vector_load %arg8[%swap3A] {strides = array<i32>} : memref<128xi32, #tpu.memory_space<vmem>>, vector<16xi32>,
    tpu.vector_store %arg8[%swap3A], %add3A_8 {strides = array<i32>} : memref<128xi32, #tpu.memory_space<vmem>>, vector<16xi32>,
    %add3A_10 = arith.constant 16 : i32
    %add3A_11 = vector.broadcast %add3A_10 : i32 to vector<16xi32>
    %add3A_12 = arith.addi %iota3A, %add3A_11 : vector<16xi32>
    %swap3A_13 = arith.constant 16 : index
    %swap3A_14 = tpu.vector_load %arg8[%swap3A_13] {strides = array<i32>} : memref<128xi32, #tpu.memory_space<vmem>>, vector<16xi32>,
    tpu.vector_store %arg8[%swap3A_13], %add3A_12 {strides = array<i32>} : memref<128xi32, #tpu.memory_space<vmem>>, vector<16xi32>,
    %add3A_15 = arith.constant 32 : i32
    %add3A_16 = vector.broadcast %add3A_15 : i32 to vector<16xi32>
    %add3A_17 = arith.addi %iota3A, %add3A_16 : vector<16xi32>
    %swap3A_18 = arith.constant 32 : index
    %swap3A_19 = tpu.vector_load %arg8[%swap3A_18] {strides = array<i32>} : memref<128xi32, #tpu.memory_space<vmem>>, vector<16xi32>,
    tpu.vector_store %arg8[%swap3A_18], %add3A_17 {strides = array<i32>} : memref<128xi32, #tpu.memory_space<vmem>>, vector<16xi32>,
    %add3A_20 = arith.constant 48 : i32
    %add3A_21 = vector.broadcast %add3A_20 : i32 to vector<16xi32>
    %add3A_22 = arith.addi %iota3A, %add3A_21 : vector<16xi32>
    %swap3A_23 = arith.constant 48 : index
    %swap3A_24 = tpu.vector_load %arg8[%swap3A_23] {strides = array<i32>} : memref<128xi32, #tpu.memory_space<vmem>>, vector<16xi32>,
    tpu.vector_store %arg8[%swap3A_23], %add3A_22 {strides = array<i32>} : memref<128xi32, #tpu.memory_space<vmem>>, vector<16xi32>,
    %add3A_25 = arith.constant 64 : i32
    %add3A_26 = vector.broadcast %add3A_25 : i32 to vector<16xi32>
    %add3A_27 = arith.addi %iota3A, %add3A_26 : vector<16xi32>
    %swap3A_28 = arith.constant 64 : index
    %swap3A_29 = tpu.vector_load %arg8[%swap3A_28] {strides = array<i32>} : memref<128xi32, #tpu.memory_space<vmem>>, vector<16xi32>,
    tpu.vector_store %arg8[%swap3A_28], %add3A_27 {strides = array<i32>} : memref<128xi32, #tpu.memory_space<vmem>>, vector<16xi32>,
    %add3A_30 = arith.constant 80 : i32
    %add3A_31 = vector.broadcast %add3A_30 : i32 to vector<16xi32>
    %add3A_32 = arith.addi %iota3A, %add3A_31 : vector<16xi32>
    %swap3A_33 = arith.constant 80 : index
    %swap3A_34 = tpu.vector_load %arg8[%swap3A_33] {strides = array<i32>} : memref<128xi32, #tpu.memory_space<vmem>>, vector<16xi32>,
    tpu.vector_store %arg8[%swap3A_33], %add3A_32 {strides = array<i32>} : memref<128xi32, #tpu.memory_space<vmem>>, vector<16xi32>,
    %add3A_35 = arith.constant 96 : i32
    %add3A_36 = vector.broadcast %add3A_35 : i32 to vector<16xi32>
    %add3A_37 = arith.addi %iota3A, %add3A_36 : vector<16xi32>
    %swap3A_38 = arith.constant 96 : index
    %swap3A_39 = tpu.vector_load %arg8[%swap3A_38] {strides = array<i32>} : memref<128xi32, #tpu.memory_space<vmem>>, vector<16xi32>,
    tpu.vector_store %arg8[%swap3A_38], %add3A_37 {strides = array<i32>} : memref<128xi32, #tpu.memory_space<vmem>>, vector<16xi32>,
    %add3A_40 = arith.constant 112 : i32
    %add3A_41 = vector.broadcast %add3A_40 : i32 to vector<16xi32>
    %add3A_42 = arith.addi %iota3A, %add3A_41 : vector<16xi32>
    %swap3A_43 = arith.constant 112 : index
    %swap3A_44 = tpu.vector_load %arg8[%swap3A_43] {strides = array<i32>} : memref<128xi32, #tpu.memory_space<vmem>>, vector<16xi32>,
    tpu.vector_store %arg8[%swap3A_43], %add3A_42 {strides = array<i32>} : memref<128xi32, #tpu.memory_space<vmem>>, vector<16xi32>,
    %parallel_loop3A = arith.constant 0 : i32
    %parallel_loop3A_45 = arith.constant 256 : i32
    %parallel_loop3A_46 = arith.constant 1 : i32
    scf.for %parallel_loop3A_418 = %parallel_loop3A to %parallel_loop3A_45 step %parallel_loop3A_46  : i32 {
      %parallel_loop3A_419 = arith.constant 5 : i32
      %parallel_loop3A_420 = arith.shrsi %parallel_loop3A_418, %parallel_loop3A_419 : i32
      %parallel_loop3A_421 = arith.constant 31 : i32
      %parallel_loop3A_422 = arith.andi %parallel_loop3A_418, %parallel_loop3A_421 : i32
      %parallel_loop3A_423 = arith.constant 16 : i32
      %parallel_loop3A_424 = arith.muli %parallel_loop3A_422, %parallel_loop3A_423 : i32
      %parallel_loop3A_425 = arith.index_cast %parallel_loop3A_420 : i32 to index
      %parallel_loop3A_426 = arith.index_cast %parallel_loop3A_424 : i32 to index
      %parallel_loop3A_427 = tpu.vector_load %arg7[%parallel_loop3A_425, %parallel_loop3A_426] {strides = array<i32>} : memref<8x512xi32, #tpu.memory_space<vmem>>, vector<16xi32>,
      tpu.vector_store %arg7[%parallel_loop3A_425, %parallel_loop3A_426], %broadcast_in_dim3A_1 {strides = array<i32>} : memref<8x512xi32, #tpu.memory_space<vmem>>, vector<16xi32>,
    } {sc.loop_unroll_factor = 8 : i64, sc.parallel_access}
    %mul3A_47 = arith.constant 8 : i32
    %mul3A_48 = arith.muli %arg1, %mul3A_47 : i32
    "tpu.region"() ({
      %run_scoped3A_418 = tpu.sem_alloc : memref<!tpu.dma_semaphore, #tpu.memory_space<semaphore_mem>>
      %dma_start3A_419 = arith.constant 0 : i32
      %dma_start3A_420 = tpu.memref_slice %arg19[%mul3A_48, %dma_start3A_419] : memref<128x512xi32, #tpu.memory_space<vmem_shared>> -> memref<8x512xi32, #tpu.memory_space<vmem_shared>>
      %dma_start3A_421 = arith.constant 0 : i32
      %dma_start3A_422 = tpu.memref_slice %arg19[%mul3A_48, %dma_start3A_421] : memref<128x512xi32, #tpu.memory_space<vmem_shared>> -> memref<8x512xi32, #tpu.memory_space<vmem_shared>>
      tpu.enqueue_dma source(%arg7 : memref<8x512xi32, #tpu.memory_space<vmem>>) target(%dma_start3A_422 : memref<8x512xi32, #tpu.memory_space<vmem_shared>>) target_semaphore(%run_scoped3A_418 : memref<!tpu.dma_semaphore, #tpu.memory_space<semaphore_mem>>)
      %dma_wait3A_423 = arith.constant 0 : i32
      %dma_wait3A_424 = tpu.memref_slice %arg19[%mul3A_48, %dma_wait3A_423] : memref<128x512xi32, #tpu.memory_space<vmem_shared>> -> memref<8x512xi32, #tpu.memory_space<vmem_shared>>
      %dma_wait3A_425 = arith.constant 0 : i32
      %dma_wait3A_426 = tpu.memref_slice %arg19[%mul3A_48, %dma_wait3A_425] : memref<128x512xi32, #tpu.memory_space<vmem_shared>> -> memref<8x512xi32, #tpu.memory_space<vmem_shared>>
      tpu.wait_dma2 semaphore(%run_scoped3A_418 : memref<!tpu.dma_semaphore, #tpu.memory_space<semaphore_mem>>) src(%arg7 : memref<8x512xi32, #tpu.memory_space<vmem>>) dst(%dma_wait3A_426 : memref<8x512xi32, #tpu.memory_space<vmem_shared>>)
      tpu.yield
    }) : () -> ()
    %mul3A_49 = arith.constant 8 : i32
    %mul3A_50 = arith.muli %arg1, %mul3A_49 : i32
    "tpu.region"() ({
      %run_scoped3A_418 = tpu.sem_alloc : memref<!tpu.dma_semaphore, #tpu.memory_space<semaphore_mem>>
      %dma_start3A_419 = arith.constant 0 : i32
      %dma_start3A_420 = tpu.memref_slice %arg20[%mul3A_50, %dma_start3A_419] : memref<128x512xi32, #tpu.memory_space<vmem_shared>> -> memref<8x512xi32, #tpu.memory_space<vmem_shared>>
      %dma_start3A_421 = arith.constant 0 : i32
      %dma_start3A_422 = tpu.memref_slice %arg20[%mul3A_50, %dma_start3A_421] : memref<128x512xi32, #tpu.memory_space<vmem_shared>> -> memref<8x512xi32, #tpu.memory_space<vmem_shared>>
      tpu.enqueue_dma source(%arg7 : memref<8x512xi32, #tpu.memory_space<vmem>>) target(%dma_start3A_422 : memref<8x512xi32, #tpu.memory_space<vmem_shared>>) target_semaphore(%run_scoped3A_418 : memref<!tpu.dma_semaphore, #tpu.memory_space<semaphore_mem>>)
      %dma_wait3A_423 = arith.constant 0 : i32
      %dma_wait3A_424 = tpu.memref_slice %arg20[%mul3A_50, %dma_wait3A_423] : memref<128x512xi32, #tpu.memory_space<vmem_shared>> -> memref<8x512xi32, #tpu.memory_space<vmem_shared>>
      %dma_wait3A_425 = arith.constant 0 : i32
      %dma_wait3A_426 = tpu.memref_slice %arg20[%mul3A_50, %dma_wait3A_425] : memref<128x512xi32, #tpu.memory_space<vmem_shared>> -> memref<8x512xi32, #tpu.memory_space<vmem_shared>>
      tpu.wait_dma2 semaphore(%run_scoped3A_418 : memref<!tpu.dma_semaphore, #tpu.memory_space<semaphore_mem>>) src(%arg7 : memref<8x512xi32, #tpu.memory_space<vmem>>) dst(%dma_wait3A_426 : memref<8x512xi32, #tpu.memory_space<vmem_shared>>)
      tpu.yield
    }) : () -> ()
    %barrier3A = arith.constant 0 : index
    tpu.barrier barrier_id(%barrier3A)
    %parallel_loop3A_51 = arith.constant 0 : i32
    %parallel_loop3A_52 = arith.constant 4096 : i32
    %parallel_loop3A_53 = arith.constant 1 : i32
    "tpu.trace_start"() <{level = 10 : i32, message = "ph_pass1"}> : () -> ()
    scf.for %parallel_loop3A_418 = %parallel_loop3A_51 to %parallel_loop3A_52 step %parallel_loop3A_53  : i32 {
      %parallel_loop3A_419 = arith.constant 5 : i32
      %parallel_loop3A_420 = arith.shrsi %parallel_loop3A_418, %parallel_loop3A_419 : i32
      %parallel_loop3A_421 = arith.constant 31 : i32
      %parallel_loop3A_422 = arith.andi %parallel_loop3A_418, %parallel_loop3A_421 : i32
      %parallel_loop3A_423 = arith.constant 16 : i32
      %parallel_loop3A_424 = arith.muli %parallel_loop3A_422, %parallel_loop3A_423 : i32
      %parallel_loop3A_425 = arith.index_cast %parallel_loop3A_420 : i32 to index
      %parallel_loop3A_426 = arith.index_cast %parallel_loop3A_424 : i32 to index
      %parallel_loop3A_427 = tpu.vector_load %arg6[%parallel_loop3A_425, %parallel_loop3A_426] {strides = array<i32>} : memref<128x512xi32, #tpu.memory_space<vmem>>, vector<16xi32>,
      tpu.vector_store %arg6[%parallel_loop3A_425, %parallel_loop3A_426], %broadcast_in_dim3A_1 {strides = array<i32>} : memref<128x512xi32, #tpu.memory_space<vmem>>, vector<16xi32>,
    } {sc.loop_unroll_factor = 8 : i64, sc.parallel_access}
    %add3A_54 = arith.constant 16384 : i32
    %add3A_55 = arith.addi %mul3A_0, %add3A_54 : i32
    %dma_start3A_56 = tpu.memref_slice %arg2[%add3A_55] : memref<2097152xi32, #tpu.memory_space<hbm>> -> memref<16384xi32, #tpu.memory_space<hbm>>
    %dma_start3A_57 = tpu.memref_slice %arg2[%add3A_55] : memref<2097152xi32, #tpu.memory_space<hbm>> -> memref<16384xi32, #tpu.memory_space<hbm>>
    tpu.enqueue_dma source(%dma_start3A_57 : memref<16384xi32, #tpu.memory_space<hbm>>) target(%arg5 : memref<16384xi32, #tpu.memory_space<vmem>>) target_semaphore(%arg18 : memref<!tpu.dma_semaphore, #tpu.memory_space<semaphore_mem>>)
    %dma_wait3A = tpu.memref_slice %arg2[%mul3A_0] : memref<2097152xi32, #tpu.memory_space<hbm>> -> memref<16384xi32, #tpu.memory_space<hbm>>
    %dma_wait3A_58 = tpu.memref_slice %arg2[%mul3A_0] : memref<2097152xi32, #tpu.memory_space<hbm>> -> memref<16384xi32, #tpu.memory_space<hbm>>
    tpu.wait_dma2 semaphore(%arg17 : memref<!tpu.dma_semaphore, #tpu.memory_space<semaphore_mem>>) src(%dma_wait3A_58 : memref<16384xi32, #tpu.memory_space<hbm>>) dst(%arg4 : memref<16384xi32, #tpu.memory_space<vmem>>)
    %parallel_loop3A_59 = arith.constant 0 : i32
    %parallel_loop3A_60 = arith.constant 1024 : i32
    %parallel_loop3A_61 = arith.constant 1 : i32
    scf.for %parallel_loop3A_418 = %parallel_loop3A_59 to %parallel_loop3A_60 step %parallel_loop3A_61  : i32 {
      %parallel_loop3A_419 = arith.constant 16 : i32
      %parallel_loop3A_420 = arith.muli %parallel_loop3A_418, %parallel_loop3A_419 : i32
      %parallel_loop3A_421 = arith.index_cast %parallel_loop3A_420 : i32 to index
      %parallel_loop3A_422 = tpu.vector_load %arg4[%parallel_loop3A_421] {strides = array<i32>} : memref<16384xi32, #tpu.memory_space<vmem>>, vector<16xi32>,
      %parallel_loop3A_423 = vector.bitcast %parallel_loop3A_422 : vector<16xi32> to vector<16xi32>
      %parallel_loop3A_424 = arith.constant 16 : i32
      %parallel_loop3A_425 = vector.broadcast %parallel_loop3A_424 : i32 to vector<16xi32>
      %parallel_loop3A_426 = arith.shrui %parallel_loop3A_423, %parallel_loop3A_425 : vector<16xi32>
      %parallel_loop3A_427 = arith.constant 9 : i32
      %parallel_loop3A_428 = vector.broadcast %parallel_loop3A_427 : i32 to vector<16xi32>
      %parallel_loop3A_429 = arith.shrsi %parallel_loop3A_426, %parallel_loop3A_428 : vector<16xi32>
      %parallel_loop3A_430 = arith.constant 511 : i32
      %parallel_loop3A_431 = vector.broadcast %parallel_loop3A_430 : i32 to vector<16xi32>
      %parallel_loop3A_432 = arith.andi %parallel_loop3A_426, %parallel_loop3A_431 : vector<16xi32>
      tpu.vector_store_idx %arg6[%parallel_loop3A_429, %parallel_loop3A_432], %broadcast_in_dim3A_3 {add = true} : memref<128x512xi32, #tpu.memory_space<vmem>>[vector<16xi32>, vector<16xi32>], vector<16xi32>,
    } {sc.loop_unroll_factor = 8 : i64, sc.parallel_access}
    %add3A_62 = arith.constant 32768 : i32
    %add3A_63 = arith.addi %mul3A_0, %add3A_62 : i32
    %dma_start3A_64 = tpu.memref_slice %arg2[%add3A_63] : memref<2097152xi32, #tpu.memory_space<hbm>> -> memref<16384xi32, #tpu.memory_space<hbm>>
    %dma_start3A_65 = tpu.memref_slice %arg2[%add3A_63] : memref<2097152xi32, #tpu.memory_space<hbm>> -> memref<16384xi32, #tpu.memory_space<hbm>>
    tpu.enqueue_dma source(%dma_start3A_65 : memref<16384xi32, #tpu.memory_space<hbm>>) target(%arg4 : memref<16384xi32, #tpu.memory_space<vmem>>) target_semaphore(%arg17 : memref<!tpu.dma_semaphore, #tpu.memory_space<semaphore_mem>>)
    %dma_wait3A_66 = tpu.memref_slice %arg2[%add3A_55] : memref<2097152xi32, #tpu.memory_space<hbm>> -> memref<16384xi32, #tpu.memory_space<hbm>>
    %dma_wait3A_67 = tpu.memref_slice %arg2[%add3A_55] : memref<2097152xi32, #tpu.memory_space<hbm>> -> memref<16384xi32, #tpu.memory_space<hbm>>
    tpu.wait_dma2 semaphore(%arg18 : memref<!tpu.dma_semaphore, #tpu.memory_space<semaphore_mem>>) src(%dma_wait3A_67 : memref<16384xi32, #tpu.memory_space<hbm>>) dst(%arg5 : memref<16384xi32, #tpu.memory_space<vmem>>)
    %parallel_loop3A_68 = arith.constant 0 : i32
    %parallel_loop3A_69 = arith.constant 1024 : i32
    %parallel_loop3A_70 = arith.constant 1 : i32
    scf.for %parallel_loop3A_418 = %parallel_loop3A_68 to %parallel_loop3A_69 step %parallel_loop3A_70  : i32 {
      %parallel_loop3A_419 = arith.constant 16 : i32
      %parallel_loop3A_420 = arith.muli %parallel_loop3A_418, %parallel_loop3A_419 : i32
      %parallel_loop3A_421 = arith.index_cast %parallel_loop3A_420 : i32 to index
      %parallel_loop3A_422 = tpu.vector_load %arg5[%parallel_loop3A_421] {strides = array<i32>} : memref<16384xi32, #tpu.memory_space<vmem>>, vector<16xi32>,
      %parallel_loop3A_423 = vector.bitcast %parallel_loop3A_422 : vector<16xi32> to vector<16xi32>
      %parallel_loop3A_424 = arith.constant 16 : i32
      %parallel_loop3A_425 = vector.broadcast %parallel_loop3A_424 : i32 to vector<16xi32>
      %parallel_loop3A_426 = arith.shrui %parallel_loop3A_423, %parallel_loop3A_425 : vector<16xi32>
      %parallel_loop3A_427 = arith.constant 9 : i32
      %parallel_loop3A_428 = vector.broadcast %parallel_loop3A_427 : i32 to vector<16xi32>
      %parallel_loop3A_429 = arith.shrsi %parallel_loop3A_426, %parallel_loop3A_428 : vector<16xi32>
      %parallel_loop3A_430 = arith.constant 511 : i32
      %parallel_loop3A_431 = vector.broadcast %parallel_loop3A_430 : i32 to vector<16xi32>
      %parallel_loop3A_432 = arith.andi %parallel_loop3A_426, %parallel_loop3A_431 : vector<16xi32>
      tpu.vector_store_idx %arg6[%parallel_loop3A_429, %parallel_loop3A_432], %broadcast_in_dim3A_3 {add = true} : memref<128x512xi32, #tpu.memory_space<vmem>>[vector<16xi32>, vector<16xi32>], vector<16xi32>,
    } {sc.loop_unroll_factor = 8 : i64, sc.parallel_access}
    %add3A_71 = arith.constant 49152 : i32
    %add3A_72 = arith.addi %mul3A_0, %add3A_71 : i32
    %dma_start3A_73 = tpu.memref_slice %arg2[%add3A_72] : memref<2097152xi32, #tpu.memory_space<hbm>> -> memref<16384xi32, #tpu.memory_space<hbm>>
    %dma_start3A_74 = tpu.memref_slice %arg2[%add3A_72] : memref<2097152xi32, #tpu.memory_space<hbm>> -> memref<16384xi32, #tpu.memory_space<hbm>>
    tpu.enqueue_dma source(%dma_start3A_74 : memref<16384xi32, #tpu.memory_space<hbm>>) target(%arg5 : memref<16384xi32, #tpu.memory_space<vmem>>) target_semaphore(%arg18 : memref<!tpu.dma_semaphore, #tpu.memory_space<semaphore_mem>>)
    %dma_wait3A_75 = tpu.memref_slice %arg2[%add3A_63] : memref<2097152xi32, #tpu.memory_space<hbm>> -> memref<16384xi32, #tpu.memory_space<hbm>>
    %dma_wait3A_76 = tpu.memref_slice %arg2[%add3A_63] : memref<2097152xi32, #tpu.memory_space<hbm>> -> memref<16384xi32, #tpu.memory_space<hbm>>
    tpu.wait_dma2 semaphore(%arg17 : memref<!tpu.dma_semaphore, #tpu.memory_space<semaphore_mem>>) src(%dma_wait3A_76 : memref<16384xi32, #tpu.memory_space<hbm>>) dst(%arg4 : memref<16384xi32, #tpu.memory_space<vmem>>)
    %parallel_loop3A_77 = arith.constant 0 : i32
    %parallel_loop3A_78 = arith.constant 1024 : i32
    %parallel_loop3A_79 = arith.constant 1 : i32
    scf.for %parallel_loop3A_418 = %parallel_loop3A_77 to %parallel_loop3A_78 step %parallel_loop3A_79  : i32 {
      %parallel_loop3A_419 = arith.constant 16 : i32
      %parallel_loop3A_420 = arith.muli %parallel_loop3A_418, %parallel_loop3A_419 : i32
      %parallel_loop3A_421 = arith.index_cast %parallel_loop3A_420 : i32 to index
      %parallel_loop3A_422 = tpu.vector_load %arg4[%parallel_loop3A_421] {strides = array<i32>} : memref<16384xi32, #tpu.memory_space<vmem>>, vector<16xi32>,
      %parallel_loop3A_423 = vector.bitcast %parallel_loop3A_422 : vector<16xi32> to vector<16xi32>
      %parallel_loop3A_424 = arith.constant 16 : i32
      %parallel_loop3A_425 = vector.broadcast %parallel_loop3A_424 : i32 to vector<16xi32>
      %parallel_loop3A_426 = arith.shrui %parallel_loop3A_423, %parallel_loop3A_425 : vector<16xi32>
      %parallel_loop3A_427 = arith.constant 9 : i32
      %parallel_loop3A_428 = vector.broadcast %parallel_loop3A_427 : i32 to vector<16xi32>
      %parallel_loop3A_429 = arith.shrsi %parallel_loop3A_426, %parallel_loop3A_428 : vector<16xi32>
      %parallel_loop3A_430 = arith.constant 511 : i32
      %parallel_loop3A_431 = vector.broadcast %parallel_loop3A_430 : i32 to vector<16xi32>
      %parallel_loop3A_432 = arith.andi %parallel_loop3A_426, %parallel_loop3A_431 : vector<16xi32>
      tpu.vector_store_idx %arg6[%parallel_loop3A_429, %parallel_loop3A_432], %broadcast_in_dim3A_3 {add = true} : memref<128x512xi32, #tpu.memory_space<vmem>>[vector<16xi32>, vector<16xi32>], vector<16xi32>,
    } {sc.loop_unroll_factor = 8 : i64, sc.parallel_access}
    %add3A_80 = arith.constant 65536 : i32
    %add3A_81 = arith.addi %mul3A_0, %add3A_80 : i32
    %dma_start3A_82 = tpu.memref_slice %arg2[%add3A_81] : memref<2097152xi32, #tpu.memory_space<hbm>> -> memref<16384xi32, #tpu.memory_space<hbm>>
    %dma_start3A_83 = tpu.memref_slice %arg2[%add3A_81] : memref<2097152xi32, #tpu.memory_space<hbm>> -> memref<16384xi32, #tpu.memory_space<hbm>>
    tpu.enqueue_dma source(%dma_start3A_83 : memref<16384xi32, #tpu.memory_space<hbm>>) target(%arg4 : memref<16384xi32, #tpu.memory_space<vmem>>) target_semaphore(%arg17 : memref<!tpu.dma_semaphore, #tpu.memory_space<semaphore_mem>>)
    %dma_wait3A_84 = tpu.memref_slice %arg2[%add3A_72] : memref<2097152xi32, #tpu.memory_space<hbm>> -> memref<16384xi32, #tpu.memory_space<hbm>>
    %dma_wait3A_85 = tpu.memref_slice %arg2[%add3A_72] : memref<2097152xi32, #tpu.memory_space<hbm>> -> memref<16384xi32, #tpu.memory_space<hbm>>
    tpu.wait_dma2 semaphore(%arg18 : memref<!tpu.dma_semaphore, #tpu.memory_space<semaphore_mem>>) src(%dma_wait3A_85 : memref<16384xi32, #tpu.memory_space<hbm>>) dst(%arg5 : memref<16384xi32, #tpu.memory_space<vmem>>)
    %parallel_loop3A_86 = arith.constant 0 : i32
    %parallel_loop3A_87 = arith.constant 1024 : i32
    %parallel_loop3A_88 = arith.constant 1 : i32
    scf.for %parallel_loop3A_418 = %parallel_loop3A_86 to %parallel_loop3A_87 step %parallel_loop3A_88  : i32 {
      %parallel_loop3A_419 = arith.constant 16 : i32
      %parallel_loop3A_420 = arith.muli %parallel_loop3A_418, %parallel_loop3A_419 : i32
      %parallel_loop3A_421 = arith.index_cast %parallel_loop3A_420 : i32 to index
      %parallel_loop3A_422 = tpu.vector_load %arg5[%parallel_loop3A_421] {strides = array<i32>} : memref<16384xi32, #tpu.memory_space<vmem>>, vector<16xi32>,
      %parallel_loop3A_423 = vector.bitcast %parallel_loop3A_422 : vector<16xi32> to vector<16xi32>
      %parallel_loop3A_424 = arith.constant 16 : i32
      %parallel_loop3A_425 = vector.broadcast %parallel_loop3A_424 : i32 to vector<16xi32>
      %parallel_loop3A_426 = arith.shrui %parallel_loop3A_423, %parallel_loop3A_425 : vector<16xi32>
      %parallel_loop3A_427 = arith.constant 9 : i32
      %parallel_loop3A_428 = vector.broadcast %parallel_loop3A_427 : i32 to vector<16xi32>
      %parallel_loop3A_429 = arith.shrsi %parallel_loop3A_426, %parallel_loop3A_428 : vector<16xi32>
      %parallel_loop3A_430 = arith.constant 511 : i32
      %parallel_loop3A_431 = vector.broadcast %parallel_loop3A_430 : i32 to vector<16xi32>
      %parallel_loop3A_432 = arith.andi %parallel_loop3A_426, %parallel_loop3A_431 : vector<16xi32>
      tpu.vector_store_idx %arg6[%parallel_loop3A_429, %parallel_loop3A_432], %broadcast_in_dim3A_3 {add = true} : memref<128x512xi32, #tpu.memory_space<vmem>>[vector<16xi32>, vector<16xi32>], vector<16xi32>,
    } {sc.loop_unroll_factor = 8 : i64, sc.parallel_access}
    %add3A_89 = arith.constant 81920 : i32
    %add3A_90 = arith.addi %mul3A_0, %add3A_89 : i32
    %dma_start3A_91 = tpu.memref_slice %arg2[%add3A_90] : memref<2097152xi32, #tpu.memory_space<hbm>> -> memref<16384xi32, #tpu.memory_space<hbm>>
    %dma_start3A_92 = tpu.memref_slice %arg2[%add3A_90] : memref<2097152xi32, #tpu.memory_space<hbm>> -> memref<16384xi32, #tpu.memory_space<hbm>>
    tpu.enqueue_dma source(%dma_start3A_92 : memref<16384xi32, #tpu.memory_space<hbm>>) target(%arg5 : memref<16384xi32, #tpu.memory_space<vmem>>) target_semaphore(%arg18 : memref<!tpu.dma_semaphore, #tpu.memory_space<semaphore_mem>>)
    %dma_wait3A_93 = tpu.memref_slice %arg2[%add3A_81] : memref<2097152xi32, #tpu.memory_space<hbm>> -> memref<16384xi32, #tpu.memory_space<hbm>>
    %dma_wait3A_94 = tpu.memref_slice %arg2[%add3A_81] : memref<2097152xi32, #tpu.memory_space<hbm>> -> memref<16384xi32, #tpu.memory_space<hbm>>
    tpu.wait_dma2 semaphore(%arg17 : memref<!tpu.dma_semaphore, #tpu.memory_space<semaphore_mem>>) src(%dma_wait3A_94 : memref<16384xi32, #tpu.memory_space<hbm>>) dst(%arg4 : memref<16384xi32, #tpu.memory_space<vmem>>)
    %parallel_loop3A_95 = arith.constant 0 : i32
    %parallel_loop3A_96 = arith.constant 1024 : i32
    %parallel_loop3A_97 = arith.constant 1 : i32
    scf.for %parallel_loop3A_418 = %parallel_loop3A_95 to %parallel_loop3A_96 step %parallel_loop3A_97  : i32 {
      %parallel_loop3A_419 = arith.constant 16 : i32
      %parallel_loop3A_420 = arith.muli %parallel_loop3A_418, %parallel_loop3A_419 : i32
      %parallel_loop3A_421 = arith.index_cast %parallel_loop3A_420 : i32 to index
      %parallel_loop3A_422 = tpu.vector_load %arg4[%parallel_loop3A_421] {strides = array<i32>} : memref<16384xi32, #tpu.memory_space<vmem>>, vector<16xi32>,
      %parallel_loop3A_423 = vector.bitcast %parallel_loop3A_422 : vector<16xi32> to vector<16xi32>
      %parallel_loop3A_424 = arith.constant 16 : i32
      %parallel_loop3A_425 = vector.broadcast %parallel_loop3A_424 : i32 to vector<16xi32>
      %parallel_loop3A_426 = arith.shrui %parallel_loop3A_423, %parallel_loop3A_425 : vector<16xi32>
      %parallel_loop3A_427 = arith.constant 9 : i32
      %parallel_loop3A_428 = vector.broadcast %parallel_loop3A_427 : i32 to vector<16xi32>
      %parallel_loop3A_429 = arith.shrsi %parallel_loop3A_426, %parallel_loop3A_428 : vector<16xi32>
      %parallel_loop3A_430 = arith.constant 511 : i32
      %parallel_loop3A_431 = vector.broadcast %parallel_loop3A_430 : i32 to vector<16xi32>
      %parallel_loop3A_432 = arith.andi %parallel_loop3A_426, %parallel_loop3A_431 : vector<16xi32>
      tpu.vector_store_idx %arg6[%parallel_loop3A_429, %parallel_loop3A_432], %broadcast_in_dim3A_3 {add = true} : memref<128x512xi32, #tpu.memory_space<vmem>>[vector<16xi32>, vector<16xi32>], vector<16xi32>,
    } {sc.loop_unroll_factor = 8 : i64, sc.parallel_access}
    %add3A_98 = arith.constant 98304 : i32
    %add3A_99 = arith.addi %mul3A_0, %add3A_98 : i32
    %dma_start3A_100 = tpu.memref_slice %arg2[%add3A_99] : memref<2097152xi32, #tpu.memory_space<hbm>> -> memref<16384xi32, #tpu.memory_space<hbm>>
    %dma_start3A_101 = tpu.memref_slice %arg2[%add3A_99] : memref<2097152xi32, #tpu.memory_space<hbm>> -> memref<16384xi32, #tpu.memory_space<hbm>>
    tpu.enqueue_dma source(%dma_start3A_101 : memref<16384xi32, #tpu.memory_space<hbm>>) target(%arg4 : memref<16384xi32, #tpu.memory_space<vmem>>) target_semaphore(%arg17 : memref<!tpu.dma_semaphore, #tpu.memory_space<semaphore_mem>>)
    %dma_wait3A_102 = tpu.memref_slice %arg2[%add3A_90] : memref<2097152xi32, #tpu.memory_space<hbm>> -> memref<16384xi32, #tpu.memory_space<hbm>>
    %dma_wait3A_103 = tpu.memref_slice %arg2[%add3A_90] : memref<2097152xi32, #tpu.memory_space<hbm>> -> memref<16384xi32, #tpu.memory_space<hbm>>
    tpu.wait_dma2 semaphore(%arg18 : memref<!tpu.dma_semaphore, #tpu.memory_space<semaphore_mem>>) src(%dma_wait3A_103 : memref<16384xi32, #tpu.memory_space<hbm>>) dst(%arg5 : memref<16384xi32, #tpu.memory_space<vmem>>)
    %parallel_loop3A_104 = arith.constant 0 : i32
    %parallel_loop3A_105 = arith.constant 1024 : i32
    %parallel_loop3A_106 = arith.constant 1 : i32
    scf.for %parallel_loop3A_418 = %parallel_loop3A_104 to %parallel_loop3A_105 step %parallel_loop3A_106  : i32 {
      %parallel_loop3A_419 = arith.constant 16 : i32
      %parallel_loop3A_420 = arith.muli %parallel_loop3A_418, %parallel_loop3A_419 : i32
      %parallel_loop3A_421 = arith.index_cast %parallel_loop3A_420 : i32 to index
      %parallel_loop3A_422 = tpu.vector_load %arg5[%parallel_loop3A_421] {strides = array<i32>} : memref<16384xi32, #tpu.memory_space<vmem>>, vector<16xi32>,
      %parallel_loop3A_423 = vector.bitcast %parallel_loop3A_422 : vector<16xi32> to vector<16xi32>
      %parallel_loop3A_424 = arith.constant 16 : i32
      %parallel_loop3A_425 = vector.broadcast %parallel_loop3A_424 : i32 to vector<16xi32>
      %parallel_loop3A_426 = arith.shrui %parallel_loop3A_423, %parallel_loop3A_425 : vector<16xi32>
      %parallel_loop3A_427 = arith.constant 9 : i32
      %parallel_loop3A_428 = vector.broadcast %parallel_loop3A_427 : i32 to vector<16xi32>
      %parallel_loop3A_429 = arith.shrsi %parallel_loop3A_426, %parallel_loop3A_428 : vector<16xi32>
      %parallel_loop3A_430 = arith.constant 511 : i32
      %parallel_loop3A_431 = vector.broadcast %parallel_loop3A_430 : i32 to vector<16xi32>
      %parallel_loop3A_432 = arith.andi %parallel_loop3A_426, %parallel_loop3A_431 : vector<16xi32>
      tpu.vector_store_idx %arg6[%parallel_loop3A_429, %parallel_loop3A_432], %broadcast_in_dim3A_3 {add = true} : memref<128x512xi32, #tpu.memory_space<vmem>>[vector<16xi32>, vector<16xi32>], vector<16xi32>,
    } {sc.loop_unroll_factor = 8 : i64, sc.parallel_access}
    %add3A_107 = arith.constant 114688 : i32
    %add3A_108 = arith.addi %mul3A_0, %add3A_107 : i32
    %dma_start3A_109 = tpu.memref_slice %arg2[%add3A_108] : memref<2097152xi32, #tpu.memory_space<hbm>> -> memref<16384xi32, #tpu.memory_space<hbm>>
    %dma_start3A_110 = tpu.memref_slice %arg2[%add3A_108] : memref<2097152xi32, #tpu.memory_space<hbm>> -> memref<16384xi32, #tpu.memory_space<hbm>>
    tpu.enqueue_dma source(%dma_start3A_110 : memref<16384xi32, #tpu.memory_space<hbm>>) target(%arg5 : memref<16384xi32, #tpu.memory_space<vmem>>) target_semaphore(%arg18 : memref<!tpu.dma_semaphore, #tpu.memory_space<semaphore_mem>>)
    %dma_wait3A_111 = tpu.memref_slice %arg2[%add3A_99] : memref<2097152xi32, #tpu.memory_space<hbm>> -> memref<16384xi32, #tpu.memory_space<hbm>>
    %dma_wait3A_112 = tpu.memref_slice %arg2[%add3A_99] : memref<2097152xi32, #tpu.memory_space<hbm>> -> memref<16384xi32, #tpu.memory_space<hbm>>
    tpu.wait_dma2 semaphore(%arg17 : memref<!tpu.dma_semaphore, #tpu.memory_space<semaphore_mem>>) src(%dma_wait3A_112 : memref<16384xi32, #tpu.memory_space<hbm>>) dst(%arg4 : memref<16384xi32, #tpu.memory_space<vmem>>)
    %parallel_loop3A_113 = arith.constant 0 : i32
    %parallel_loop3A_114 = arith.constant 1024 : i32
    %parallel_loop3A_115 = arith.constant 1 : i32
    scf.for %parallel_loop3A_418 = %parallel_loop3A_113 to %parallel_loop3A_114 step %parallel_loop3A_115  : i32 {
      %parallel_loop3A_419 = arith.constant 16 : i32
      %parallel_loop3A_420 = arith.muli %parallel_loop3A_418, %parallel_loop3A_419 : i32
      %parallel_loop3A_421 = arith.index_cast %parallel_loop3A_420 : i32 to index
      %parallel_loop3A_422 = tpu.vector_load %arg4[%parallel_loop3A_421] {strides = array<i32>} : memref<16384xi32, #tpu.memory_space<vmem>>, vector<16xi32>,
      %parallel_loop3A_423 = vector.bitcast %parallel_loop3A_422 : vector<16xi32> to vector<16xi32>
      %parallel_loop3A_424 = arith.constant 16 : i32
      %parallel_loop3A_425 = vector.broadcast %parallel_loop3A_424 : i32 to vector<16xi32>
      %parallel_loop3A_426 = arith.shrui %parallel_loop3A_423, %parallel_loop3A_425 : vector<16xi32>
      %parallel_loop3A_427 = arith.constant 9 : i32
      %parallel_loop3A_428 = vector.broadcast %parallel_loop3A_427 : i32 to vector<16xi32>
      %parallel_loop3A_429 = arith.shrsi %parallel_loop3A_426, %parallel_loop3A_428 : vector<16xi32>
      %parallel_loop3A_430 = arith.constant 511 : i32
      %parallel_loop3A_431 = vector.broadcast %parallel_loop3A_430 : i32 to vector<16xi32>
      %parallel_loop3A_432 = arith.andi %parallel_loop3A_426, %parallel_loop3A_431 : vector<16xi32>
      tpu.vector_store_idx %arg6[%parallel_loop3A_429, %parallel_loop3A_432], %broadcast_in_dim3A_3 {add = true} : memref<128x512xi32, #tpu.memory_space<vmem>>[vector<16xi32>, vector<16xi32>], vector<16xi32>,
    } {sc.loop_unroll_factor = 8 : i64, sc.parallel_access}
    %dma_wait3A_116 = tpu.memref_slice %arg2[%add3A_108] : memref<2097152xi32, #tpu.memory_space<hbm>> -> memref<16384xi32, #tpu.memory_space<hbm>>
    %dma_wait3A_117 = tpu.memref_slice %arg2[%add3A_108] : memref<2097152xi32, #tpu.memory_space<hbm>> -> memref<16384xi32, #tpu.memory_space<hbm>>
    tpu.wait_dma2 semaphore(%arg18 : memref<!tpu.dma_semaphore, #tpu.memory_space<semaphore_mem>>) src(%dma_wait3A_117 : memref<16384xi32, #tpu.memory_space<hbm>>) dst(%arg5 : memref<16384xi32, #tpu.memory_space<vmem>>)
    %parallel_loop3A_118 = arith.constant 0 : i32
    %parallel_loop3A_119 = arith.constant 1024 : i32
    %parallel_loop3A_120 = arith.constant 1 : i32
    scf.for %parallel_loop3A_418 = %parallel_loop3A_118 to %parallel_loop3A_119 step %parallel_loop3A_120  : i32 {
      %parallel_loop3A_419 = arith.constant 16 : i32
      %parallel_loop3A_420 = arith.muli %parallel_loop3A_418, %parallel_loop3A_419 : i32
      %parallel_loop3A_421 = arith.index_cast %parallel_loop3A_420 : i32 to index
      %parallel_loop3A_422 = tpu.vector_load %arg5[%parallel_loop3A_421] {strides = array<i32>} : memref<16384xi32, #tpu.memory_space<vmem>>, vector<16xi32>,
      %parallel_loop3A_423 = vector.bitcast %parallel_loop3A_422 : vector<16xi32> to vector<16xi32>
      %parallel_loop3A_424 = arith.constant 16 : i32
      %parallel_loop3A_425 = vector.broadcast %parallel_loop3A_424 : i32 to vector<16xi32>
      %parallel_loop3A_426 = arith.shrui %parallel_loop3A_423, %parallel_loop3A_425 : vector<16xi32>
      %parallel_loop3A_427 = arith.constant 9 : i32
      %parallel_loop3A_428 = vector.broadcast %parallel_loop3A_427 : i32 to vector<16xi32>
      %parallel_loop3A_429 = arith.shrsi %parallel_loop3A_426, %parallel_loop3A_428 : vector<16xi32>
      %parallel_loop3A_430 = arith.constant 511 : i32
      %parallel_loop3A_431 = vector.broadcast %parallel_loop3A_430 : i32 to vector<16xi32>
      %parallel_loop3A_432 = arith.andi %parallel_loop3A_426, %parallel_loop3A_431 : vector<16xi32>
      tpu.vector_store_idx %arg6[%parallel_loop3A_429, %parallel_loop3A_432], %broadcast_in_dim3A_3 {add = true} : memref<128x512xi32, #tpu.memory_space<vmem>>[vector<16xi32>, vector<16xi32>], vector<16xi32>,
    } {sc.loop_unroll_factor = 8 : i64, sc.parallel_access}
    %dma_start3A_121 = tpu.memref_slice %arg2[%mul3A_0] : memref<2097152xi32, #tpu.memory_space<hbm>> -> memref<16384xi32, #tpu.memory_space<hbm>>
    %dma_start3A_122 = tpu.memref_slice %arg2[%mul3A_0] : memref<2097152xi32, #tpu.memory_space<hbm>> -> memref<16384xi32, #tpu.memory_space<hbm>>
    tpu.enqueue_dma source(%dma_start3A_122 : memref<16384xi32, #tpu.memory_space<hbm>>) target(%arg4 : memref<16384xi32, #tpu.memory_space<vmem>>) target_semaphore(%arg17 : memref<!tpu.dma_semaphore, #tpu.memory_space<semaphore_mem>>)
    "tpu.trace_stop"() : () -> ()
    "tpu.trace_start"() <{level = 10 : i32, message = "ph_sel1"}> : () -> ()
    "tpu.trace_start"() <{level = 10 : i32, message = "sc_merge0"}> : () -> ()
    "tpu.region"() ({
      %run_scoped3A_418 = tpu.sem_alloc : memref<!tpu.dma_semaphore, #tpu.memory_space<semaphore_mem>>
      %dma_start3A_419 = arith.constant 0 : i32
      %dma_start3A_420 = arith.constant 0 : i32
      %dma_start3A_421 = tpu.memref_slice %arg19[%dma_start3A_419, %dma_start3A_420] : memref<128x512xi32, #tpu.memory_space<vmem_shared>> -> memref<128x512xi32, #tpu.memory_space<vmem_shared>>
      tpu.enqueue_indirect_dma source(%arg6 : memref<128x512xi32, #tpu.memory_space<vmem>>) target(%dma_start3A_421 : memref<128x512xi32, #tpu.memory_space<vmem_shared>>) offsets(%arg8 : memref<128xi32, #tpu.memory_space<vmem>>) semaphore(%run_scoped3A_418 : memref<!tpu.dma_semaphore, #tpu.memory_space<semaphore_mem>>) {add = true}
      %dma_wait3A_422 = arith.constant 0 : i32
      %dma_wait3A_423 = arith.constant 0 : i32
      %dma_wait3A_424 = tpu.memref_slice %arg19[%dma_wait3A_422, %dma_wait3A_423] : memref<128x512xi32, #tpu.memory_space<vmem_shared>> -> memref<128x512xi32, #tpu.memory_space<vmem_shared>>
      tpu.wait_indirect_dma semaphore(%run_scoped3A_418 : memref<!tpu.dma_semaphore, #tpu.memory_space<semaphore_mem>>) src(%arg6 : memref<128x512xi32, #tpu.memory_space<vmem>>) dst(%dma_wait3A_424 : memref<128x512xi32, #tpu.memory_space<vmem_shared>>)
      tpu.yield
    }) : () -> ()
    %barrier3A_123 = arith.constant 0 : index
    tpu.barrier barrier_id(%barrier3A_123)
    "tpu.trace_stop"() : () -> ()
    %mul3A_124 = arith.constant 8 : i32
    %mul3A_125 = arith.muli %arg1, %mul3A_124 : i32
    "tpu.region"() ({
      %run_scoped3A_418 = tpu.sem_alloc : memref<!tpu.dma_semaphore, #tpu.memory_space<semaphore_mem>>
      %dma_start3A_419 = arith.constant 0 : i32
      %dma_start3A_420 = tpu.memref_slice %arg19[%mul3A_125, %dma_start3A_419] : memref<128x512xi32, #tpu.memory_space<vmem_shared>> -> memref<8x512xi32, #tpu.memory_space<vmem_shared>>
      %dma_start3A_421 = arith.constant 0 : i32
      %dma_start3A_422 = tpu.memref_slice %arg19[%mul3A_125, %dma_start3A_421] : memref<128x512xi32, #tpu.memory_space<vmem_shared>> -> memref<8x512xi32, #tpu.memory_space<vmem_shared>>
      tpu.enqueue_dma source(%dma_start3A_422 : memref<8x512xi32, #tpu.memory_space<vmem_shared>>) target(%arg7 : memref<8x512xi32, #tpu.memory_space<vmem>>) target_semaphore(%run_scoped3A_418 : memref<!tpu.dma_semaphore, #tpu.memory_space<semaphore_mem>>)
      %dma_wait3A_423 = arith.constant 0 : i32
      %dma_wait3A_424 = tpu.memref_slice %arg19[%mul3A_125, %dma_wait3A_423] : memref<128x512xi32, #tpu.memory_space<vmem_shared>> -> memref<8x512xi32, #tpu.memory_space<vmem_shared>>
      %dma_wait3A_425 = arith.constant 0 : i32
      %dma_wait3A_426 = tpu.memref_slice %arg19[%mul3A_125, %dma_wait3A_425] : memref<128x512xi32, #tpu.memory_space<vmem_shared>> -> memref<8x512xi32, #tpu.memory_space<vmem_shared>>
      tpu.wait_dma2 semaphore(%run_scoped3A_418 : memref<!tpu.dma_semaphore, #tpu.memory_space<semaphore_mem>>) src(%dma_wait3A_426 : memref<8x512xi32, #tpu.memory_space<vmem_shared>>) dst(%arg7 : memref<8x512xi32, #tpu.memory_space<vmem>>)
      tpu.yield
    }) : () -> ()
    %scan3A = arith.constant 0 : i32
    %scan3A_126 = arith.constant 0 : i32
    %scan3A_127 = arith.constant 256 : i32
    %scan3A_128 = arith.addi %scan3A_126, %scan3A_127 : i32
    %scan3A_129 = arith.constant 1 : i32
    %scan3A_130:2 = scf.for %scan3A_418 = %scan3A_126 to %scan3A_128 step %scan3A_129 iter_args(%scan3A_419 = %scan3A, %scan3A_420 = %broadcast_in_dim3A_1) -> (i32, vector<16xi32>)  : i32 {
      %shift_right_arithmetic3A = arith.constant 5 : i32
      %shift_right_arithmetic3A_421 = arith.shrsi %scan3A_418, %shift_right_arithmetic3A : i32
      %and3A_422 = arith.constant 31 : i32
      %and3A_423 = arith.andi %scan3A_418, %and3A_422 : i32
      %mul3A_424 = arith.constant 16 : i32
      %mul3A_425 = arith.muli %and3A_423, %mul3A_424 : i32
      %get3A_426 = arith.index_cast %shift_right_arithmetic3A_421 : i32 to index
      %get3A_427 = arith.index_cast %mul3A_425 : i32 to index
      %get3A_428 = tpu.vector_load %arg7[%get3A_426, %get3A_427] {strides = array<i32>} : memref<8x512xi32, #tpu.memory_space<vmem>>, vector<16xi32>,
      %reduce_sum3A_429 = arith.constant true
      %reduce_sum3A_430 = vector.broadcast %reduce_sum3A_429 : i1 to vector<16xi1>
      %reduce_sum3A_431 = tpu.scan <sum>, %get3A_428 masked %reduce_sum3A_430 : vector<16xi32>, vector<16xi1> -> vector<16xi32>
      %reduce_sum3A_432 = vector.extract %reduce_sum3A_431[15] : i32 from vector<16xi32>
      %and3A_433 = arith.constant 15 : i32
      %and3A_434 = arith.andi %scan3A_418, %and3A_433 : i32
      %eq3A_435 = vector.broadcast %and3A_434 : i32 to vector<16xi32>
      %eq3A_436 = arith.cmpi eq, %iota3A, %eq3A_435 : vector<16xi32>
      %broadcast_in_dim3A_437 = vector.broadcast %reduce_sum3A_432 : i32 to vector<16xi32>
      %select_n3A_438 = arith.select %eq3A_436, %broadcast_in_dim3A_437, %scan3A_420 : vector<16xi1>, vector<16xi32>
      %shift_right_arithmetic3A_439 = arith.constant 4 : i32
      %shift_right_arithmetic3A_440 = arith.shrsi %scan3A_418, %shift_right_arithmetic3A_439 : i32
      %mul3A_441 = arith.constant 16 : i32
      %mul3A_442 = arith.muli %shift_right_arithmetic3A_440, %mul3A_441 : i32
      %swap3A_443 = arith.index_cast %mul3A_442 : i32 to index
      %swap3A_444 = tpu.vector_load %arg15[%swap3A_443] {strides = array<i32>} : memref<256xi32, #tpu.memory_space<vmem>>, vector<16xi32>,
      tpu.vector_store %arg15[%swap3A_443], %select_n3A_438 {strides = array<i32>} : memref<256xi32, #tpu.memory_space<vmem>>, vector<16xi32>,
      %add3A_445 = arith.addi %scan3A_419, %reduce_sum3A_432 : i32
      scf.yield %add3A_445, %select_n3A_438 : i32, vector<16xi32>
    }
    %scan3A_131 = arith.constant 256 : i32
    "tpu.trace_start"() <{level = 10 : i32, message = "sc_pub0"}> : () -> ()
    %add3A_132 = vector.broadcast %scan3A_130#0 : i32 to vector<16xi32>
    %add3A_133 = arith.addi %broadcast_in_dim3A_1, %add3A_132 : vector<16xi32>
    %swap3A_134 = arith.constant 0 : index
    %swap3A_135 = tpu.vector_load %arg12[%swap3A_134] {strides = array<i32>} : memref<16xi32, #tpu.memory_space<vmem>>, vector<16xi32>,
    tpu.vector_store %arg12[%swap3A_134], %add3A_133 {strides = array<i32>} : memref<16xi32, #tpu.memory_space<vmem>>, vector<16xi32>,
    %run_scoped3A = arith.constant 0 : i32
    "tpu.region"() ({
      %run_scoped3A_418 = tpu.sem_alloc : memref<!tpu.dma_semaphore, #tpu.memory_space<semaphore_mem>>
      %dma_start3A_419 = arith.constant 0 : i32
      %dma_start3A_420 = tpu.memref_slice %arg21[%run_scoped3A, %arg1, %dma_start3A_419] : memref<2x16x16xi32, #tpu.memory_space<vmem_shared>> -> memref<1x1x16xi32, #tpu.memory_space<vmem_shared>>
      %dma_start3A_421 = tpu.memref_squeeze %dma_start3A_420 : memref<1x1x16xi32, #tpu.memory_space<vmem_shared>> -> memref<16xi32, #tpu.memory_space<vmem_shared>>
      %dma_start3A_422 = arith.constant 0 : i32
      %dma_start3A_423 = tpu.memref_slice %arg21[%run_scoped3A, %arg1, %dma_start3A_422] : memref<2x16x16xi32, #tpu.memory_space<vmem_shared>> -> memref<1x1x16xi32, #tpu.memory_space<vmem_shared>>
      %dma_start3A_424 = tpu.memref_squeeze %dma_start3A_423 : memref<1x1x16xi32, #tpu.memory_space<vmem_shared>> -> memref<16xi32, #tpu.memory_space<vmem_shared>>
      tpu.enqueue_dma source(%arg12 : memref<16xi32, #tpu.memory_space<vmem>>) target(%dma_start3A_424 : memref<16xi32, #tpu.memory_space<vmem_shared>>) target_semaphore(%run_scoped3A_418 : memref<!tpu.dma_semaphore, #tpu.memory_space<semaphore_mem>>)
      %dma_wait3A_425 = arith.constant 0 : i32
      %dma_wait3A_426 = tpu.memref_slice %arg21[%run_scoped3A, %arg1, %dma_wait3A_425] : memref<2x16x16xi32, #tpu.memory_space<vmem_shared>> -> memref<1x1x16xi32, #tpu.memory_space<vmem_shared>>
      %dma_wait3A_427 = tpu.memref_squeeze %dma_wait3A_426 : memref<1x1x16xi32, #tpu.memory_space<vmem_shared>> -> memref<16xi32, #tpu.memory_space<vmem_shared>>
      %dma_wait3A_428 = arith.constant 0 : i32
      %dma_wait3A_429 = tpu.memref_slice %arg21[%run_scoped3A, %arg1, %dma_wait3A_428] : memref<2x16x16xi32, #tpu.memory_space<vmem_shared>> -> memref<1x1x16xi32, #tpu.memory_space<vmem_shared>>
      %dma_wait3A_430 = tpu.memref_squeeze %dma_wait3A_429 : memref<1x1x16xi32, #tpu.memory_space<vmem_shared>> -> memref<16xi32, #tpu.memory_space<vmem_shared>>
      tpu.wait_dma2 semaphore(%run_scoped3A_418 : memref<!tpu.dma_semaphore, #tpu.memory_space<semaphore_mem>>) src(%arg12 : memref<16xi32, #tpu.memory_space<vmem>>) dst(%dma_wait3A_430 : memref<16xi32, #tpu.memory_space<vmem_shared>>)
      tpu.yield
    }) : () -> ()
    %barrier3A_136 = arith.constant 0 : index
    tpu.barrier barrier_id(%barrier3A_136)
    %run_scoped3A_137 = arith.constant 0 : i32
    "tpu.trace_stop"() : () -> ()
    "tpu.region"() ({
      %run_scoped3A_418 = tpu.sem_alloc : memref<!tpu.dma_semaphore, #tpu.memory_space<semaphore_mem>>
      %dma_start3A_419 = arith.constant 0 : i32
      %dma_start3A_420 = arith.constant 0 : i32
      %dma_start3A_421 = tpu.memref_slice %arg21[%run_scoped3A_137, %dma_start3A_419, %dma_start3A_420] : memref<2x16x16xi32, #tpu.memory_space<vmem_shared>> -> memref<1x16x16xi32, #tpu.memory_space<vmem_shared>>
      %dma_start3A_422 = tpu.memref_squeeze %dma_start3A_421 : memref<1x16x16xi32, #tpu.memory_space<vmem_shared>> -> memref<16x16xi32, #tpu.memory_space<vmem_shared>>
      %dma_start3A_423 = arith.constant 0 : i32
      %dma_start3A_424 = arith.constant 0 : i32
      %dma_start3A_425 = tpu.memref_slice %arg21[%run_scoped3A_137, %dma_start3A_423, %dma_start3A_424] : memref<2x16x16xi32, #tpu.memory_space<vmem_shared>> -> memref<1x16x16xi32, #tpu.memory_space<vmem_shared>>
      %dma_start3A_426 = tpu.memref_squeeze %dma_start3A_425 : memref<1x16x16xi32, #tpu.memory_space<vmem_shared>> -> memref<16x16xi32, #tpu.memory_space<vmem_shared>>
      tpu.enqueue_dma source(%dma_start3A_426 : memref<16x16xi32, #tpu.memory_space<vmem_shared>>) target(%arg9 : memref<16x16xi32, #tpu.memory_space<vmem>>) target_semaphore(%run_scoped3A_418 : memref<!tpu.dma_semaphore, #tpu.memory_space<semaphore_mem>>)
      %dma_wait3A_427 = arith.constant 0 : i32
      %dma_wait3A_428 = arith.constant 0 : i32
      %dma_wait3A_429 = tpu.memref_slice %arg21[%run_scoped3A_137, %dma_wait3A_427, %dma_wait3A_428] : memref<2x16x16xi32, #tpu.memory_space<vmem_shared>> -> memref<1x16x16xi32, #tpu.memory_space<vmem_shared>>
      %dma_wait3A_430 = tpu.memref_squeeze %dma_wait3A_429 : memref<1x16x16xi32, #tpu.memory_space<vmem_shared>> -> memref<16x16xi32, #tpu.memory_space<vmem_shared>>
      %dma_wait3A_431 = arith.constant 0 : i32
      %dma_wait3A_432 = arith.constant 0 : i32
      %dma_wait3A_433 = tpu.memref_slice %arg21[%run_scoped3A_137, %dma_wait3A_431, %dma_wait3A_432] : memref<2x16x16xi32, #tpu.memory_space<vmem_shared>> -> memref<1x16x16xi32, #tpu.memory_space<vmem_shared>>
      %dma_wait3A_434 = tpu.memref_squeeze %dma_wait3A_433 : memref<1x16x16xi32, #tpu.memory_space<vmem_shared>> -> memref<16x16xi32, #tpu.memory_space<vmem_shared>>
      tpu.wait_dma2 semaphore(%run_scoped3A_418 : memref<!tpu.dma_semaphore, #tpu.memory_space<semaphore_mem>>) src(%dma_wait3A_434 : memref<16x16xi32, #tpu.memory_space<vmem_shared>>) dst(%arg9 : memref<16x16xi32, #tpu.memory_space<vmem>>)
      tpu.yield
    }) : () -> ()
    %gather3A = tpu.vector_load_idx %arg9[%iota3A, %broadcast_in_dim3A_1] : memref<16x16xi32, #tpu.memory_space<vmem>>[vector<16xi32>, vector<16xi32>], vector<16xi32>,
    %rev3A = arith.constant 15 : i32
    %rev3A_138 = vector.broadcast %rev3A : i32 to vector<16xi32>
    %rev3A_139 = tpu.iota {dimensions = array<i32: 0>} : vector<16xi32>
    %rev3A_140 = arith.subi %rev3A_138, %rev3A_139 : vector<16xi32>
    %rev3A_141 = tpu.dynamic_gather %gather3A[%rev3A_140] in [0] : vector<16xi32>, vector<16xi32> -> vector<16xi32>
    %cumsum3A = arith.constant true
    %cumsum3A_142 = vector.broadcast %cumsum3A : i1 to vector<16xi1>
    %cumsum3A_143 = tpu.scan <sum>, %rev3A_141 masked %cumsum3A_142 : vector<16xi32>, vector<16xi1> -> vector<16xi32>
    %rev3A_144 = arith.constant 15 : i32
    %rev3A_145 = vector.broadcast %rev3A_144 : i32 to vector<16xi32>
    %rev3A_146 = tpu.iota {dimensions = array<i32: 0>} : vector<16xi32>
    %rev3A_147 = arith.subi %rev3A_145, %rev3A_146 : vector<16xi32>
    %rev3A_148 = tpu.dynamic_gather %cumsum3A_143[%rev3A_147] in [0] : vector<16xi32>, vector<16xi32> -> vector<16xi32>
    %ge3A = arith.constant 100000 : i32
    %ge3A_149 = vector.broadcast %ge3A : i32 to vector<16xi32>
    %ge3A_150 = arith.cmpi sge, %rev3A_148, %ge3A_149 : vector<16xi32>
    %all_reduce_population_count3A = tpu.all_reduce %ge3A_150 {dim = 0 : i64, kind = #tpu.reduction_kind<sum>} : vector<16xi1> -> vector<16xi32>
    %reduce_max3A = arith.constant true
    %reduce_max3A_151 = vector.broadcast %reduce_max3A : i1 to vector<16xi1>
    %reduce_max3A_152 = arith.constant -2147483648 : i32
    %reduce_max3A_153 = vector.broadcast %reduce_max3A_152 : i32 to vector<16xi32>
    %reduce_max3A_154 = arith.xori %all_reduce_population_count3A, %reduce_max3A_153 : vector<16xi32>
    %reduce_max3A_155 = tpu.scan <max>, %reduce_max3A_154 masked %reduce_max3A_151 : vector<16xi32>, vector<16xi1> -> vector<16xi32>
    %reduce_max3A_156 = arith.xori %reduce_max3A_155, %reduce_max3A_153 : vector<16xi32>
    %reduce_max3A_157 = vector.extract %reduce_max3A_156[15] : i32 from vector<16xi32>
    %sub3A = arith.constant 1 : i32
    %sub3A_158 = arith.subi %reduce_max3A_157, %sub3A : i32
    %eq3A = vector.broadcast %sub3A_158 : i32 to vector<16xi32>
    %eq3A_159 = arith.cmpi eq, %iota3A, %eq3A : vector<16xi32>
    %jit3A = arith.constant 0 : i32
    %broadcast_in_dim3A_160 = vector.broadcast %jit3A : i32 to vector<16xi32>
    %select_n3A = arith.select %eq3A_159, %rev3A_148, %broadcast_in_dim3A_160 : vector<16xi1>, vector<16xi32>
    %reduce_sum3A = arith.constant true
    %reduce_sum3A_161 = vector.broadcast %reduce_sum3A : i1 to vector<16xi1>
    %reduce_sum3A_162 = tpu.scan <sum>, %select_n3A masked %reduce_sum3A_161 : vector<16xi32>, vector<16xi1> -> vector<16xi32>
    %reduce_sum3A_163 = vector.extract %reduce_sum3A_162[15] : i32 from vector<16xi32>
    %jit3A_164 = arith.constant 0 : i32
    %broadcast_in_dim3A_165 = vector.broadcast %jit3A_164 : i32 to vector<16xi32>
    %select_n3A_166 = arith.select %eq3A_159, %gather3A, %broadcast_in_dim3A_165 : vector<16xi1>, vector<16xi32>
    %reduce_sum3A_167 = arith.constant true
    %reduce_sum3A_168 = vector.broadcast %reduce_sum3A_167 : i1 to vector<16xi1>
    %reduce_sum3A_169 = tpu.scan <sum>, %select_n3A_166 masked %reduce_sum3A_168 : vector<16xi32>, vector<16xi1> -> vector<16xi32>
    %reduce_sum3A_170 = vector.extract %reduce_sum3A_169[15] : i32 from vector<16xi32>
    %sub3A_171 = arith.subi %reduce_sum3A_163, %reduce_sum3A_170 : i32
    %eq3A_172 = arith.cmpi eq, %arg1, %sub3A_158 : i32
    %convert_element_type3A = arith.extui %eq3A_172 : i1 to i32
    %cond3A = arith.constant 100000 : i32
    %cond3A_173 = arith.constant 0 : i32
    %cond3A_174 = arith.cmpi ne, %convert_element_type3A, %cond3A_173 : i32
    scf.if %cond3A_174 {
      "tpu.trace_start"() <{level = 10 : i32, message = "sc_scan0"}> : () -> ()
      %sub3A_418 = arith.subi %cond3A, %sub3A_171 : i32
      %scan3A_419 = arith.constant 0 : i32
      %scan3A_420 = arith.constant 16 : i32
      %scan3A_421 = arith.addi %scan3A_419, %scan3A_420 : i32
      %scan3A_422 = arith.constant 1 : i32
      %scan3A_423 = scf.for %scan3A_616 = %scan3A_419 to %scan3A_421 step %scan3A_422 iter_args(%scan3A_617 = %broadcast_in_dim3A_1) -> (vector<16xi32>)  : i32 {
        %eq3A_618 = vector.broadcast %scan3A_616 : i32 to vector<16xi32>
        %eq3A_619 = arith.cmpi eq, %iota3A, %eq3A_618 : vector<16xi32>
        %mul3A_620 = arith.constant 16 : i32
        %mul3A_621 = arith.muli %scan3A_616, %mul3A_620 : i32
        %get3A_622 = arith.index_cast %mul3A_621 : i32 to index
        %get3A_623 = tpu.vector_load %arg15[%get3A_622] {strides = array<i32>} : memref<256xi32, #tpu.memory_space<vmem>>, vector<16xi32>,
        %reduce_sum3A_624 = arith.constant true
        %reduce_sum3A_625 = vector.broadcast %reduce_sum3A_624 : i1 to vector<16xi1>
        %reduce_sum3A_626 = tpu.scan <sum>, %get3A_623 masked %reduce_sum3A_625 : vector<16xi32>, vector<16xi1> -> vector<16xi32>
        %reduce_sum3A_627 = vector.extract %reduce_sum3A_626[15] : i32 from vector<16xi32>
        %broadcast_in_dim3A_628 = vector.broadcast %reduce_sum3A_627 : i32 to vector<16xi32>
        %select_n3A_629 = arith.select %eq3A_619, %broadcast_in_dim3A_628, %scan3A_617 : vector<16xi1>, vector<16xi32>
        scf.yield %select_n3A_629 : vector<16xi32>
      }
      %scan3A_424 = arith.constant 16 : i32
      %rev3A_425 = arith.constant 15 : i32
      %rev3A_426 = vector.broadcast %rev3A_425 : i32 to vector<16xi32>
      %rev3A_427 = tpu.iota {dimensions = array<i32: 0>} : vector<16xi32>
      %rev3A_428 = arith.subi %rev3A_426, %rev3A_427 : vector<16xi32>
      %rev3A_429 = tpu.dynamic_gather %scan3A_423[%rev3A_428] in [0] : vector<16xi32>, vector<16xi32> -> vector<16xi32>
      %cumsum3A_430 = arith.constant true
      %cumsum3A_431 = vector.broadcast %cumsum3A_430 : i1 to vector<16xi1>
      %cumsum3A_432 = tpu.scan <sum>, %rev3A_429 masked %cumsum3A_431 : vector<16xi32>, vector<16xi1> -> vector<16xi32>
      %rev3A_433 = arith.constant 15 : i32
      %rev3A_434 = vector.broadcast %rev3A_433 : i32 to vector<16xi32>
      %rev3A_435 = tpu.iota {dimensions = array<i32: 0>} : vector<16xi32>
      %rev3A_436 = arith.subi %rev3A_434, %rev3A_435 : vector<16xi32>
      %rev3A_437 = tpu.dynamic_gather %cumsum3A_432[%rev3A_436] in [0] : vector<16xi32>, vector<16xi32> -> vector<16xi32>
      %ge3A_438 = vector.broadcast %sub3A_418 : i32 to vector<16xi32>
      %ge3A_439 = arith.cmpi sge, %rev3A_437, %ge3A_438 : vector<16xi32>
      %all_reduce_population_count3A_440 = tpu.all_reduce %ge3A_439 {dim = 0 : i64, kind = #tpu.reduction_kind<sum>} : vector<16xi1> -> vector<16xi32>
      %reduce_max3A_441 = arith.constant true
      %reduce_max3A_442 = vector.broadcast %reduce_max3A_441 : i1 to vector<16xi1>
      %reduce_max3A_443 = arith.constant -2147483648 : i32
      %reduce_max3A_444 = vector.broadcast %reduce_max3A_443 : i32 to vector<16xi32>
      %reduce_max3A_445 = arith.xori %all_reduce_population_count3A_440, %reduce_max3A_444 : vector<16xi32>
      %reduce_max3A_446 = tpu.scan <max>, %reduce_max3A_445 masked %reduce_max3A_442 : vector<16xi32>, vector<16xi1> -> vector<16xi32>
      %reduce_max3A_447 = arith.xori %reduce_max3A_446, %reduce_max3A_444 : vector<16xi32>
      %reduce_max3A_448 = vector.extract %reduce_max3A_447[15] : i32 from vector<16xi32>
      %sub3A_449 = arith.constant 1 : i32
      %sub3A_450 = arith.subi %reduce_max3A_448, %sub3A_449 : i32
      %eq3A_451 = vector.broadcast %sub3A_450 : i32 to vector<16xi32>
      %eq3A_452 = arith.cmpi eq, %iota3A, %eq3A_451 : vector<16xi32>
      %jit3A_453 = arith.constant 0 : i32
      %broadcast_in_dim3A_454 = vector.broadcast %jit3A_453 : i32 to vector<16xi32>
      %select_n3A_455 = arith.select %eq3A_452, %rev3A_437, %broadcast_in_dim3A_454 : vector<16xi1>, vector<16xi32>
      %reduce_sum3A_456 = arith.constant true
      %reduce_sum3A_457 = vector.broadcast %reduce_sum3A_456 : i1 to vector<16xi1>
      %reduce_sum3A_458 = tpu.scan <sum>, %select_n3A_455 masked %reduce_sum3A_457 : vector<16xi32>, vector<16xi1> -> vector<16xi32>
      %reduce_sum3A_459 = vector.extract %reduce_sum3A_458[15] : i32 from vector<16xi32>
      %eq3A_460 = vector.broadcast %sub3A_450 : i32 to vector<16xi32>
      %eq3A_461 = arith.cmpi eq, %iota3A, %eq3A_460 : vector<16xi32>
      %jit3A_462 = arith.constant 0 : i32
      %broadcast_in_dim3A_463 = vector.broadcast %jit3A_462 : i32 to vector<16xi32>
      %select_n3A_464 = arith.select %eq3A_461, %scan3A_423, %broadcast_in_dim3A_463 : vector<16xi1>, vector<16xi32>
      %reduce_sum3A_465 = arith.constant true
      %reduce_sum3A_466 = vector.broadcast %reduce_sum3A_465 : i1 to vector<16xi1>
      %reduce_sum3A_467 = tpu.scan <sum>, %select_n3A_464 masked %reduce_sum3A_466 : vector<16xi32>, vector<16xi1> -> vector<16xi32>
      %reduce_sum3A_468 = vector.extract %reduce_sum3A_467[15] : i32 from vector<16xi32>
      %sub3A_469 = arith.subi %reduce_sum3A_459, %reduce_sum3A_468 : i32
      %mul3A_470 = arith.constant 16 : i32
      %mul3A_471 = arith.muli %sub3A_450, %mul3A_470 : i32
      %get3A_472 = arith.index_cast %mul3A_471 : i32 to index
      %get3A_473 = tpu.vector_load %arg15[%get3A_472] {strides = array<i32>} : memref<256xi32, #tpu.memory_space<vmem>>, vector<16xi32>,
      %sub3A_474 = arith.subi %sub3A_418, %sub3A_469 : i32
      %rev3A_475 = arith.constant 15 : i32
      %rev3A_476 = vector.broadcast %rev3A_475 : i32 to vector<16xi32>
      %rev3A_477 = tpu.iota {dimensions = array<i32: 0>} : vector<16xi32>
      %rev3A_478 = arith.subi %rev3A_476, %rev3A_477 : vector<16xi32>
      %rev3A_479 = tpu.dynamic_gather %get3A_473[%rev3A_478] in [0] : vector<16xi32>, vector<16xi32> -> vector<16xi32>
      %cumsum3A_480 = arith.constant true
      %cumsum3A_481 = vector.broadcast %cumsum3A_480 : i1 to vector<16xi1>
      %cumsum3A_482 = tpu.scan <sum>, %rev3A_479 masked %cumsum3A_481 : vector<16xi32>, vector<16xi1> -> vector<16xi32>
      %rev3A_483 = arith.constant 15 : i32
      %rev3A_484 = vector.broadcast %rev3A_483 : i32 to vector<16xi32>
      %rev3A_485 = tpu.iota {dimensions = array<i32: 0>} : vector<16xi32>
      %rev3A_486 = arith.subi %rev3A_484, %rev3A_485 : vector<16xi32>
      %rev3A_487 = tpu.dynamic_gather %cumsum3A_482[%rev3A_486] in [0] : vector<16xi32>, vector<16xi32> -> vector<16xi32>
      %ge3A_488 = vector.broadcast %sub3A_474 : i32 to vector<16xi32>
      %ge3A_489 = arith.cmpi sge, %rev3A_487, %ge3A_488 : vector<16xi32>
      %all_reduce_population_count3A_490 = tpu.all_reduce %ge3A_489 {dim = 0 : i64, kind = #tpu.reduction_kind<sum>} : vector<16xi1> -> vector<16xi32>
      %reduce_max3A_491 = arith.constant true
      %reduce_max3A_492 = vector.broadcast %reduce_max3A_491 : i1 to vector<16xi1>
      %reduce_max3A_493 = arith.constant -2147483648 : i32
      %reduce_max3A_494 = vector.broadcast %reduce_max3A_493 : i32 to vector<16xi32>
      %reduce_max3A_495 = arith.xori %all_reduce_population_count3A_490, %reduce_max3A_494 : vector<16xi32>
      %reduce_max3A_496 = tpu.scan <max>, %reduce_max3A_495 masked %reduce_max3A_492 : vector<16xi32>, vector<16xi1> -> vector<16xi32>
      %reduce_max3A_497 = arith.xori %reduce_max3A_496, %reduce_max3A_494 : vector<16xi32>
      %reduce_max3A_498 = vector.extract %reduce_max3A_497[15] : i32 from vector<16xi32>
      %sub3A_499 = arith.constant 1 : i32
      %sub3A_500 = arith.subi %reduce_max3A_498, %sub3A_499 : i32
      %eq3A_501 = vector.broadcast %sub3A_500 : i32 to vector<16xi32>
      %eq3A_502 = arith.cmpi eq, %iota3A, %eq3A_501 : vector<16xi32>
      %jit3A_503 = arith.constant 0 : i32
      %broadcast_in_dim3A_504 = vector.broadcast %jit3A_503 : i32 to vector<16xi32>
      %select_n3A_505 = arith.select %eq3A_502, %rev3A_487, %broadcast_in_dim3A_504 : vector<16xi1>, vector<16xi32>
      %reduce_sum3A_506 = arith.constant true
      %reduce_sum3A_507 = vector.broadcast %reduce_sum3A_506 : i1 to vector<16xi1>
      %reduce_sum3A_508 = tpu.scan <sum>, %select_n3A_505 masked %reduce_sum3A_507 : vector<16xi32>, vector<16xi1> -> vector<16xi32>
      %reduce_sum3A_509 = vector.extract %reduce_sum3A_508[15] : i32 from vector<16xi32>
      %eq3A_510 = vector.broadcast %sub3A_500 : i32 to vector<16xi32>
      %eq3A_511 = arith.cmpi eq, %iota3A, %eq3A_510 : vector<16xi32>
      %jit3A_512 = arith.constant 0 : i32
      %broadcast_in_dim3A_513 = vector.broadcast %jit3A_512 : i32 to vector<16xi32>
      %select_n3A_514 = arith.select %eq3A_511, %get3A_473, %broadcast_in_dim3A_513 : vector<16xi1>, vector<16xi32>
      %reduce_sum3A_515 = arith.constant true
      %reduce_sum3A_516 = vector.broadcast %reduce_sum3A_515 : i1 to vector<16xi1>
      %reduce_sum3A_517 = tpu.scan <sum>, %select_n3A_514 masked %reduce_sum3A_516 : vector<16xi32>, vector<16xi1> -> vector<16xi32>
      %reduce_sum3A_518 = vector.extract %reduce_sum3A_517[15] : i32 from vector<16xi32>
      %sub3A_519 = arith.subi %reduce_sum3A_509, %reduce_sum3A_518 : i32
      %mul3A_520 = arith.constant 16 : i32
      %mul3A_521 = arith.muli %sub3A_450, %mul3A_520 : i32
      %add3A_522 = arith.addi %mul3A_521, %sub3A_500 : i32
      %shift_right_arithmetic3A = arith.constant 5 : i32
      %shift_right_arithmetic3A_523 = arith.shrsi %add3A_522, %shift_right_arithmetic3A : i32
      %and3A_524 = arith.constant 31 : i32
      %and3A_525 = arith.andi %add3A_522, %and3A_524 : i32
      %mul3A_526 = arith.constant 16 : i32
      %mul3A_527 = arith.muli %and3A_525, %mul3A_526 : i32
      %get3A_528 = arith.index_cast %shift_right_arithmetic3A_523 : i32 to index
      %get3A_529 = arith.index_cast %mul3A_527 : i32 to index
      %get3A_530 = tpu.vector_load %arg7[%get3A_528, %get3A_529] {strides = array<i32>} : memref<8x512xi32, #tpu.memory_space<vmem>>, vector<16xi32>,
      %sub3A_531 = arith.subi %sub3A_474, %sub3A_519 : i32
      %rev3A_532 = arith.constant 15 : i32
      %rev3A_533 = vector.broadcast %rev3A_532 : i32 to vector<16xi32>
      %rev3A_534 = tpu.iota {dimensions = array<i32: 0>} : vector<16xi32>
      %rev3A_535 = arith.subi %rev3A_533, %rev3A_534 : vector<16xi32>
      %rev3A_536 = tpu.dynamic_gather %get3A_530[%rev3A_535] in [0] : vector<16xi32>, vector<16xi32> -> vector<16xi32>
      %cumsum3A_537 = arith.constant true
      %cumsum3A_538 = vector.broadcast %cumsum3A_537 : i1 to vector<16xi1>
      %cumsum3A_539 = tpu.scan <sum>, %rev3A_536 masked %cumsum3A_538 : vector<16xi32>, vector<16xi1> -> vector<16xi32>
      %rev3A_540 = arith.constant 15 : i32
      %rev3A_541 = vector.broadcast %rev3A_540 : i32 to vector<16xi32>
      %rev3A_542 = tpu.iota {dimensions = array<i32: 0>} : vector<16xi32>
      %rev3A_543 = arith.subi %rev3A_541, %rev3A_542 : vector<16xi32>
      %rev3A_544 = tpu.dynamic_gather %cumsum3A_539[%rev3A_543] in [0] : vector<16xi32>, vector<16xi32> -> vector<16xi32>
      %ge3A_545 = vector.broadcast %sub3A_531 : i32 to vector<16xi32>
      %ge3A_546 = arith.cmpi sge, %rev3A_544, %ge3A_545 : vector<16xi32>
      %all_reduce_population_count3A_547 = tpu.all_reduce %ge3A_546 {dim = 0 : i64, kind = #tpu.reduction_kind<sum>} : vector<16xi1> -> vector<16xi32>
      %reduce_max3A_548 = arith.constant true
      %reduce_max3A_549 = vector.broadcast %reduce_max3A_548 : i1 to vector<16xi1>
      %reduce_max3A_550 = arith.constant -2147483648 : i32
      %reduce_max3A_551 = vector.broadcast %reduce_max3A_550 : i32 to vector<16xi32>
      %reduce_max3A_552 = arith.xori %all_reduce_population_count3A_547, %reduce_max3A_551 : vector<16xi32>
      %reduce_max3A_553 = tpu.scan <max>, %reduce_max3A_552 masked %reduce_max3A_549 : vector<16xi32>, vector<16xi1> -> vector<16xi32>
      %reduce_max3A_554 = arith.xori %reduce_max3A_553, %reduce_max3A_551 : vector<16xi32>
      %reduce_max3A_555 = vector.extract %reduce_max3A_554[15] : i32 from vector<16xi32>
      %sub3A_556 = arith.constant 1 : i32
      %sub3A_557 = arith.subi %reduce_max3A_555, %sub3A_556 : i32
      %eq3A_558 = vector.broadcast %sub3A_557 : i32 to vector<16xi32>
      %eq3A_559 = arith.cmpi eq, %iota3A, %eq3A_558 : vector<16xi32>
      %jit3A_560 = arith.constant 0 : i32
      %broadcast_in_dim3A_561 = vector.broadcast %jit3A_560 : i32 to vector<16xi32>
      %select_n3A_562 = arith.select %eq3A_559, %rev3A_544, %broadcast_in_dim3A_561 : vector<16xi1>, vector<16xi32>
      %reduce_sum3A_563 = arith.constant true
      %reduce_sum3A_564 = vector.broadcast %reduce_sum3A_563 : i1 to vector<16xi1>
      %reduce_sum3A_565 = tpu.scan <sum>, %select_n3A_562 masked %reduce_sum3A_564 : vector<16xi32>, vector<16xi1> -> vector<16xi32>
      %reduce_sum3A_566 = vector.extract %reduce_sum3A_565[15] : i32 from vector<16xi32>
      %eq3A_567 = vector.broadcast %sub3A_557 : i32 to vector<16xi32>
      %eq3A_568 = arith.cmpi eq, %iota3A, %eq3A_567 : vector<16xi32>
      %jit3A_569 = arith.constant 0 : i32
      %broadcast_in_dim3A_570 = vector.broadcast %jit3A_569 : i32 to vector<16xi32>
      %select_n3A_571 = arith.select %eq3A_568, %get3A_530, %broadcast_in_dim3A_570 : vector<16xi1>, vector<16xi32>
      %reduce_sum3A_572 = arith.constant true
      %reduce_sum3A_573 = vector.broadcast %reduce_sum3A_572 : i1 to vector<16xi1>
      %reduce_sum3A_574 = tpu.scan <sum>, %select_n3A_571 masked %reduce_sum3A_573 : vector<16xi32>, vector<16xi1> -> vector<16xi32>
      %reduce_sum3A_575 = vector.extract %reduce_sum3A_574[15] : i32 from vector<16xi32>
      %sub3A_576 = arith.subi %reduce_sum3A_566, %reduce_sum3A_575 : i32
      %mul3A_577 = arith.constant 16 : i32
      %mul3A_578 = arith.muli %add3A_522, %mul3A_577 : i32
      %add3A_579 = arith.addi %mul3A_578, %sub3A_557 : i32
      %add3A_580 = arith.addi %sub3A_171, %sub3A_469 : i32
      %add3A_581 = arith.addi %add3A_580, %sub3A_519 : i32
      %add3A_582 = arith.addi %add3A_581, %sub3A_576 : i32
      %mul3A_583 = arith.constant 4096 : i32
      %mul3A_584 = arith.muli %sub3A_158, %mul3A_583 : i32
      %add3A_585 = arith.addi %mul3A_584, %add3A_579 : i32
      %sub3A_586 = arith.subi %cond3A, %add3A_582 : i32
      %add3A_587 = arith.constant 0.000000e+00 : f32
      %add3A_588 = vector.broadcast %add3A_587 : f32 to vector<16xf32>
      %add3A_589 = arith.addf %broadcast_in_dim3A_5, %add3A_588 : vector<16xf32>
      %bitcast3A_590 = vector.bitcast %add3A_589 : vector<16xf32> to vector<16xi32>
      %eq3A_591 = arith.constant 0 : i32
      %eq3A_592 = vector.broadcast %eq3A_591 : i32 to vector<16xi32>
      %eq3A_593 = arith.cmpi eq, %iota3A, %eq3A_592 : vector<16xi32>
      %jit3A_594 = arith.constant 0 : i32
      %broadcast_in_dim3A_595 = vector.broadcast %add3A_585 : i32 to vector<16xi32>
      %broadcast_in_dim3A_596 = vector.broadcast %jit3A_594 : i32 to vector<16xi32>
      %select_n3A_597 = arith.select %eq3A_593, %broadcast_in_dim3A_595, %broadcast_in_dim3A_596 : vector<16xi1>, vector<16xi32>
      %eq3A_598 = arith.constant 1 : i32
      %eq3A_599 = vector.broadcast %eq3A_598 : i32 to vector<16xi32>
      %eq3A_600 = arith.cmpi eq, %iota3A, %eq3A_599 : vector<16xi32>
      %jit3A_601 = arith.constant 0 : i32
      %broadcast_in_dim3A_602 = vector.broadcast %sub3A_586 : i32 to vector<16xi32>
      %broadcast_in_dim3A_603 = vector.broadcast %jit3A_601 : i32 to vector<16xi32>
      %select_n3A_604 = arith.select %eq3A_600, %broadcast_in_dim3A_602, %broadcast_in_dim3A_603 : vector<16xi1>, vector<16xi32>
      %add3A_605 = arith.addi %select_n3A_597, %select_n3A_604 : vector<16xi32>
      %eq3A_606 = arith.constant 2 : i32
      %eq3A_607 = vector.broadcast %eq3A_606 : i32 to vector<16xi32>
      %eq3A_608 = arith.cmpi eq, %iota3A, %eq3A_607 : vector<16xi32>
      %jit3A_609 = arith.constant 0 : i32
      %broadcast_in_dim3A_610 = vector.broadcast %jit3A_609 : i32 to vector<16xi32>
      %select_n3A_611 = arith.select %eq3A_608, %bitcast3A_590, %broadcast_in_dim3A_610 : vector<16xi1>, vector<16xi32>
      %add3A_612 = arith.addi %add3A_605, %select_n3A_611 : vector<16xi32>
      %swap3A_613 = arith.constant 0 : index
      %swap3A_614 = tpu.vector_load %arg12[%swap3A_613] {strides = array<i32>} : memref<16xi32, #tpu.memory_space<vmem>>, vector<16xi32>,
      tpu.vector_store %arg12[%swap3A_613], %add3A_612 {strides = array<i32>} : memref<16xi32, #tpu.memory_space<vmem>>, vector<16xi32>,
      %run_scoped3A_615 = arith.constant 0 : i32
      "tpu.region"() ({
        %run_scoped3A_616 = tpu.sem_alloc : memref<!tpu.dma_semaphore, #tpu.memory_space<semaphore_mem>>
        %dma_start3A_617 = arith.constant 0 : i32
        %dma_start3A_618 = tpu.memref_slice %arg22[%run_scoped3A_615, %dma_start3A_617] : memref<2x16xi32, #tpu.memory_space<vmem_shared>> -> memref<1x16xi32, #tpu.memory_space<vmem_shared>>
        %dma_start3A_619 = tpu.memref_squeeze %dma_start3A_618 : memref<1x16xi32, #tpu.memory_space<vmem_shared>> -> memref<16xi32, #tpu.memory_space<vmem_shared>>
        %dma_start3A_620 = arith.constant 0 : i32
        %dma_start3A_621 = tpu.memref_slice %arg22[%run_scoped3A_615, %dma_start3A_620] : memref<2x16xi32, #tpu.memory_space<vmem_shared>> -> memref<1x16xi32, #tpu.memory_space<vmem_shared>>
        %dma_start3A_622 = tpu.memref_squeeze %dma_start3A_621 : memref<1x16xi32, #tpu.memory_space<vmem_shared>> -> memref<16xi32, #tpu.memory_space<vmem_shared>>
        tpu.enqueue_dma source(%arg12 : memref<16xi32, #tpu.memory_space<vmem>>) target(%dma_start3A_622 : memref<16xi32, #tpu.memory_space<vmem_shared>>) target_semaphore(%run_scoped3A_616 : memref<!tpu.dma_semaphore, #tpu.memory_space<semaphore_mem>>)
        %dma_wait3A_623 = arith.constant 0 : i32
        %dma_wait3A_624 = tpu.memref_slice %arg22[%run_scoped3A_615, %dma_wait3A_623] : memref<2x16xi32, #tpu.memory_space<vmem_shared>> -> memref<1x16xi32, #tpu.memory_space<vmem_shared>>
        %dma_wait3A_625 = tpu.memref_squeeze %dma_wait3A_624 : memref<1x16xi32, #tpu.memory_space<vmem_shared>> -> memref<16xi32, #tpu.memory_space<vmem_shared>>
        %dma_wait3A_626 = arith.constant 0 : i32
        %dma_wait3A_627 = tpu.memref_slice %arg22[%run_scoped3A_615, %dma_wait3A_626] : memref<2x16xi32, #tpu.memory_space<vmem_shared>> -> memref<1x16xi32, #tpu.memory_space<vmem_shared>>
        %dma_wait3A_628 = tpu.memref_squeeze %dma_wait3A_627 : memref<1x16xi32, #tpu.memory_space<vmem_shared>> -> memref<16xi32, #tpu.memory_space<vmem_shared>>
        tpu.wait_dma2 semaphore(%run_scoped3A_616 : memref<!tpu.dma_semaphore, #tpu.memory_space<semaphore_mem>>) src(%arg12 : memref<16xi32, #tpu.memory_space<vmem>>) dst(%dma_wait3A_628 : memref<16xi32, #tpu.memory_space<vmem_shared>>)
        tpu.yield
      }) : () -> ()
      "tpu.trace_stop"() : () -> ()
    } else {
    }
    "tpu.trace_start"() <{level = 10 : i32, message = "sc_dec0"}> : () -> ()
    %barrier3A_175 = arith.constant 0 : index
    tpu.barrier barrier_id(%barrier3A_175)
    %run_scoped3A_176 = arith.constant 0 : i32
    "tpu.trace_stop"() : () -> ()
    "tpu.region"() ({
      %run_scoped3A_418 = tpu.sem_alloc : memref<!tpu.dma_semaphore, #tpu.memory_space<semaphore_mem>>
      %dma_start3A_419 = arith.constant 0 : i32
      %dma_start3A_420 = tpu.memref_slice %arg22[%run_scoped3A_176, %dma_start3A_419] : memref<2x16xi32, #tpu.memory_space<vmem_shared>> -> memref<1x16xi32, #tpu.memory_space<vmem_shared>>
      %dma_start3A_421 = tpu.memref_squeeze %dma_start3A_420 : memref<1x16xi32, #tpu.memory_space<vmem_shared>> -> memref<16xi32, #tpu.memory_space<vmem_shared>>
      %dma_start3A_422 = arith.constant 0 : i32
      %dma_start3A_423 = tpu.memref_slice %arg22[%run_scoped3A_176, %dma_start3A_422] : memref<2x16xi32, #tpu.memory_space<vmem_shared>> -> memref<1x16xi32, #tpu.memory_space<vmem_shared>>
      %dma_start3A_424 = tpu.memref_squeeze %dma_start3A_423 : memref<1x16xi32, #tpu.memory_space<vmem_shared>> -> memref<16xi32, #tpu.memory_space<vmem_shared>>
      tpu.enqueue_dma source(%dma_start3A_424 : memref<16xi32, #tpu.memory_space<vmem_shared>>) target(%arg11 : memref<16xi32, #tpu.memory_space<vmem>>) target_semaphore(%run_scoped3A_418 : memref<!tpu.dma_semaphore, #tpu.memory_space<semaphore_mem>>)
      %dma_wait3A_425 = arith.constant 0 : i32
      %dma_wait3A_426 = tpu.memref_slice %arg22[%run_scoped3A_176, %dma_wait3A_425] : memref<2x16xi32, #tpu.memory_space<vmem_shared>> -> memref<1x16xi32, #tpu.memory_space<vmem_shared>>
      %dma_wait3A_427 = tpu.memref_squeeze %dma_wait3A_426 : memref<1x16xi32, #tpu.memory_space<vmem_shared>> -> memref<16xi32, #tpu.memory_space<vmem_shared>>
      %dma_wait3A_428 = arith.constant 0 : i32
      %dma_wait3A_429 = tpu.memref_slice %arg22[%run_scoped3A_176, %dma_wait3A_428] : memref<2x16xi32, #tpu.memory_space<vmem_shared>> -> memref<1x16xi32, #tpu.memory_space<vmem_shared>>
      %dma_wait3A_430 = tpu.memref_squeeze %dma_wait3A_429 : memref<1x16xi32, #tpu.memory_space<vmem_shared>> -> memref<16xi32, #tpu.memory_space<vmem_shared>>
      tpu.wait_dma2 semaphore(%run_scoped3A_418 : memref<!tpu.dma_semaphore, #tpu.memory_space<semaphore_mem>>) src(%dma_wait3A_430 : memref<16xi32, #tpu.memory_space<vmem_shared>>) dst(%arg11 : memref<16xi32, #tpu.memory_space<vmem>>)
      tpu.yield
    }) : () -> ()
    %get3A = arith.constant 0 : index
    %get3A_177 = tpu.vector_load %arg11[%get3A] {strides = array<i32>} : memref<16xi32, #tpu.memory_space<vmem>>, vector<16xi32>,
    %bitcast3A = vector.bitcast %get3A_177 : vector<16xi32> to vector<16xf32>
    %eq3A_178 = arith.constant 2 : i32
    %eq3A_179 = vector.broadcast %eq3A_178 : i32 to vector<16xi32>
    %eq3A_180 = arith.cmpi eq, %iota3A, %eq3A_179 : vector<16xi32>
    %jit3A_181 = arith.constant 0.000000e+00 : f32
    %broadcast_in_dim3A_182 = vector.broadcast %jit3A_181 : f32 to vector<16xf32>
    %select_n3A_183 = arith.select %eq3A_180, %bitcast3A, %broadcast_in_dim3A_182 : vector<16xi1>, vector<16xf32>
    %reduce_sum3A_184 = arith.constant true
    %reduce_sum3A_185 = vector.broadcast %reduce_sum3A_184 : i1 to vector<16xi1>
    %reduce_sum3A_186 = tpu.scan <sum>, %select_n3A_183 masked %reduce_sum3A_185 : vector<16xf32>, vector<16xi1> -> vector<16xf32>
    %reduce_sum3A_187 = vector.extract %reduce_sum3A_186[15] : f32 from vector<16xf32>
    %slice3A = vector.extract_strided_slice %get3A_177 {offsets = [0], sizes = [1], strides = [1]} : vector<16xi32> to vector<1xi32>
    %squeeze3A = vector.extract %slice3A[0] : i32 from vector<1xi32>
    %slice3A_188 = vector.extract_strided_slice %get3A_177 {offsets = [1], sizes = [1], strides = [1]} : vector<16xi32> to vector<1xi32>
    %squeeze3A_189 = vector.extract %slice3A_188[0] : i32 from vector<1xi32>
    "tpu.trace_stop"() : () -> ()
    %parallel_loop3A_190 = arith.constant 0 : i32
    %parallel_loop3A_191 = arith.constant 4096 : i32
    %parallel_loop3A_192 = arith.constant 1 : i32
    "tpu.trace_start"() <{level = 10 : i32, message = "ph_pass2"}> : () -> ()
    scf.for %parallel_loop3A_418 = %parallel_loop3A_190 to %parallel_loop3A_191 step %parallel_loop3A_192  : i32 {
      %parallel_loop3A_419 = arith.constant 5 : i32
      %parallel_loop3A_420 = arith.shrsi %parallel_loop3A_418, %parallel_loop3A_419 : i32
      %parallel_loop3A_421 = arith.constant 31 : i32
      %parallel_loop3A_422 = arith.andi %parallel_loop3A_418, %parallel_loop3A_421 : i32
      %parallel_loop3A_423 = arith.constant 16 : i32
      %parallel_loop3A_424 = arith.muli %parallel_loop3A_422, %parallel_loop3A_423 : i32
      %parallel_loop3A_425 = arith.index_cast %parallel_loop3A_420 : i32 to index
      %parallel_loop3A_426 = arith.index_cast %parallel_loop3A_424 : i32 to index
      %parallel_loop3A_427 = tpu.vector_load %arg6[%parallel_loop3A_425, %parallel_loop3A_426] {strides = array<i32>} : memref<128x512xi32, #tpu.memory_space<vmem>>, vector<16xi32>,
      tpu.vector_store %arg6[%parallel_loop3A_425, %parallel_loop3A_426], %broadcast_in_dim3A_1 {strides = array<i32>} : memref<128x512xi32, #tpu.memory_space<vmem>>, vector<16xi32>,
    } {sc.loop_unroll_factor = 8 : i64, sc.parallel_access}
    %add3A_193 = arith.constant 16384 : i32
    %add3A_194 = arith.addi %mul3A_0, %add3A_193 : i32
    %dma_start3A_195 = tpu.memref_slice %arg2[%add3A_194] : memref<2097152xi32, #tpu.memory_space<hbm>> -> memref<16384xi32, #tpu.memory_space<hbm>>
    %dma_start3A_196 = tpu.memref_slice %arg2[%add3A_194] : memref<2097152xi32, #tpu.memory_space<hbm>> -> memref<16384xi32, #tpu.memory_space<hbm>>
    tpu.enqueue_dma source(%dma_start3A_196 : memref<16384xi32, #tpu.memory_space<hbm>>) target(%arg5 : memref<16384xi32, #tpu.memory_space<vmem>>) target_semaphore(%arg18 : memref<!tpu.dma_semaphore, #tpu.memory_space<semaphore_mem>>)
    %dma_wait3A_197 = tpu.memref_slice %arg2[%mul3A_0] : memref<2097152xi32, #tpu.memory_space<hbm>> -> memref<16384xi32, #tpu.memory_space<hbm>>
    %dma_wait3A_198 = tpu.memref_slice %arg2[%mul3A_0] : memref<2097152xi32, #tpu.memory_space<hbm>> -> memref<16384xi32, #tpu.memory_space<hbm>>
    tpu.wait_dma2 semaphore(%arg17 : memref<!tpu.dma_semaphore, #tpu.memory_space<semaphore_mem>>) src(%dma_wait3A_198 : memref<16384xi32, #tpu.memory_space<hbm>>) dst(%arg4 : memref<16384xi32, #tpu.memory_space<vmem>>)
    %parallel_loop3A_199 = arith.constant 0 : i32
    %parallel_loop3A_200 = arith.constant 256 : i32
    %parallel_loop3A_201 = arith.constant 1 : i32
    %parallel_loop3A_202 = arith.constant -2147483648 : i32
    %parallel_loop3A_203:4 = scf.for %parallel_loop3A_418 = %parallel_loop3A_199 to %parallel_loop3A_200 step %parallel_loop3A_201 iter_args(%parallel_loop3A_419 = %broadcast_in_dim3A_5, %parallel_loop3A_420 = %broadcast_in_dim3A_5, %parallel_loop3A_421 = %broadcast_in_dim3A_5, %parallel_loop3A_422 = %broadcast_in_dim3A_5) -> (vector<16xf32>, vector<16xf32>, vector<16xf32>, vector<16xf32>)  : i32 {
      %parallel_loop3A_423 = arith.constant 4 : i32
      %parallel_loop3A_424 = arith.muli %parallel_loop3A_418, %parallel_loop3A_423 : i32
      %parallel_loop3A_425 = arith.constant 0 : i32
      %parallel_loop3A_426 = arith.addi %parallel_loop3A_424, %parallel_loop3A_425 : i32
      %parallel_loop3A_427 = arith.constant 16 : i32
      %parallel_loop3A_428 = arith.muli %parallel_loop3A_426, %parallel_loop3A_427 : i32
      %parallel_loop3A_429 = arith.index_cast %parallel_loop3A_428 : i32 to index
      %parallel_loop3A_430 = tpu.vector_load %arg4[%parallel_loop3A_429] {strides = array<i32>} : memref<16384xi32, #tpu.memory_space<vmem>>, vector<16xi32>,
      %parallel_loop3A_431 = vector.bitcast %parallel_loop3A_430 : vector<16xi32> to vector<16xi32>
      %parallel_loop3A_432 = arith.constant 16 : i32
      %parallel_loop3A_433 = vector.broadcast %parallel_loop3A_432 : i32 to vector<16xi32>
      %parallel_loop3A_434 = arith.shrui %parallel_loop3A_431, %parallel_loop3A_433 : vector<16xi32>
      %parallel_loop3A_435 = arith.constant 65535 : i32
      %parallel_loop3A_436 = vector.broadcast %parallel_loop3A_435 : i32 to vector<16xi32>
      %parallel_loop3A_437 = arith.andi %parallel_loop3A_431, %parallel_loop3A_436 : vector<16xi32>
      %parallel_loop3A_438 = arith.constant 9 : i32
      %parallel_loop3A_439 = vector.broadcast %parallel_loop3A_438 : i32 to vector<16xi32>
      %parallel_loop3A_440 = arith.shrsi %parallel_loop3A_437, %parallel_loop3A_439 : vector<16xi32>
      %parallel_loop3A_441 = arith.constant 511 : i32
      %parallel_loop3A_442 = vector.broadcast %parallel_loop3A_441 : i32 to vector<16xi32>
      %parallel_loop3A_443 = arith.andi %parallel_loop3A_437, %parallel_loop3A_442 : vector<16xi32>
      %parallel_loop3A_444 = vector.broadcast %squeeze3A : i32 to vector<16xi32>
      %parallel_loop3A_445 = arith.cmpi eq, %parallel_loop3A_434, %parallel_loop3A_444 : vector<16xi32>
      tpu.vector_store_idx %arg6[%parallel_loop3A_440, %parallel_loop3A_443], %broadcast_in_dim3A_3 masked %parallel_loop3A_445 {add = true} : memref<128x512xi32, #tpu.memory_space<vmem>>[vector<16xi32>, vector<16xi32>], vector<16xi32>, vector<16xi1>
      %parallel_loop3A_446 = vector.broadcast %squeeze3A : i32 to vector<16xi32>
      %parallel_loop3A_447 = arith.cmpi ugt, %parallel_loop3A_434, %parallel_loop3A_446 : vector<16xi32>
      %parallel_loop3A_448 = vector.broadcast %parallel_loop3A_202 : i32 to vector<16xi32>
      %parallel_loop3A_449 = arith.cmpi uge, %parallel_loop3A_431, %parallel_loop3A_448 : vector<16xi32>
      %parallel_loop3A_450 = vector.broadcast %parallel_loop3A_202 : i32 to vector<16xi32>
      %parallel_loop3A_451 = arith.xori %parallel_loop3A_431, %parallel_loop3A_450 : vector<16xi32>
      %parallel_loop3A_452 = arith.constant dense<-1> : vector<16xi32>
      %parallel_loop3A_453 = arith.xori %parallel_loop3A_431, %parallel_loop3A_452 : vector<16xi32>
      %parallel_loop3A_454 = arith.select %parallel_loop3A_449, %parallel_loop3A_451, %parallel_loop3A_453 : vector<16xi1>, vector<16xi32>
      %parallel_loop3A_455 = vector.bitcast %parallel_loop3A_454 : vector<16xi32> to vector<16xf32>
      %parallel_loop3A_456 = arith.constant 0.000000e+00 : f32
      %parallel_loop3A_457 = vector.broadcast %parallel_loop3A_456 : f32 to vector<16xf32>
      %parallel_loop3A_458 = arith.select %parallel_loop3A_447, %parallel_loop3A_455, %parallel_loop3A_457 : vector<16xi1>, vector<16xf32>
      %parallel_loop3A_459 = arith.addf %parallel_loop3A_419, %parallel_loop3A_458 : vector<16xf32>
      %parallel_loop3A_460 = arith.constant 4 : i32
      %parallel_loop3A_461 = arith.muli %parallel_loop3A_418, %parallel_loop3A_460 : i32
      %parallel_loop3A_462 = arith.constant 1 : i32
      %parallel_loop3A_463 = arith.addi %parallel_loop3A_461, %parallel_loop3A_462 : i32
      %parallel_loop3A_464 = arith.constant 16 : i32
      %parallel_loop3A_465 = arith.muli %parallel_loop3A_463, %parallel_loop3A_464 : i32
      %parallel_loop3A_466 = arith.index_cast %parallel_loop3A_465 : i32 to index
      %parallel_loop3A_467 = tpu.vector_load %arg4[%parallel_loop3A_466] {strides = array<i32>} : memref<16384xi32, #tpu.memory_space<vmem>>, vector<16xi32>,
      %parallel_loop3A_468 = vector.bitcast %parallel_loop3A_467 : vector<16xi32> to vector<16xi32>
      %parallel_loop3A_469 = arith.constant 16 : i32
      %parallel_loop3A_470 = vector.broadcast %parallel_loop3A_469 : i32 to vector<16xi32>
      %parallel_loop3A_471 = arith.shrui %parallel_loop3A_468, %parallel_loop3A_470 : vector<16xi32>
      %parallel_loop3A_472 = arith.constant 65535 : i32
      %parallel_loop3A_473 = vector.broadcast %parallel_loop3A_472 : i32 to vector<16xi32>
      %parallel_loop3A_474 = arith.andi %parallel_loop3A_468, %parallel_loop3A_473 : vector<16xi32>
      %parallel_loop3A_475 = arith.constant 9 : i32
      %parallel_loop3A_476 = vector.broadcast %parallel_loop3A_475 : i32 to vector<16xi32>
      %parallel_loop3A_477 = arith.shrsi %parallel_loop3A_474, %parallel_loop3A_476 : vector<16xi32>
      %parallel_loop3A_478 = arith.constant 511 : i32
      %parallel_loop3A_479 = vector.broadcast %parallel_loop3A_478 : i32 to vector<16xi32>
      %parallel_loop3A_480 = arith.andi %parallel_loop3A_474, %parallel_loop3A_479 : vector<16xi32>
      %parallel_loop3A_481 = vector.broadcast %squeeze3A : i32 to vector<16xi32>
      %parallel_loop3A_482 = arith.cmpi eq, %parallel_loop3A_471, %parallel_loop3A_481 : vector<16xi32>
      tpu.vector_store_idx %arg6[%parallel_loop3A_477, %parallel_loop3A_480], %broadcast_in_dim3A_3 masked %parallel_loop3A_482 {add = true} : memref<128x512xi32, #tpu.memory_space<vmem>>[vector<16xi32>, vector<16xi32>], vector<16xi32>, vector<16xi1>
      %parallel_loop3A_483 = vector.broadcast %squeeze3A : i32 to vector<16xi32>
      %parallel_loop3A_484 = arith.cmpi ugt, %parallel_loop3A_471, %parallel_loop3A_483 : vector<16xi32>
      %parallel_loop3A_485 = vector.broadcast %parallel_loop3A_202 : i32 to vector<16xi32>
      %parallel_loop3A_486 = arith.cmpi uge, %parallel_loop3A_468, %parallel_loop3A_485 : vector<16xi32>
      %parallel_loop3A_487 = vector.broadcast %parallel_loop3A_202 : i32 to vector<16xi32>
      %parallel_loop3A_488 = arith.xori %parallel_loop3A_468, %parallel_loop3A_487 : vector<16xi32>
      %parallel_loop3A_489 = arith.constant dense<-1> : vector<16xi32>
      %parallel_loop3A_490 = arith.xori %parallel_loop3A_468, %parallel_loop3A_489 : vector<16xi32>
      %parallel_loop3A_491 = arith.select %parallel_loop3A_486, %parallel_loop3A_488, %parallel_loop3A_490 : vector<16xi1>, vector<16xi32>
      %parallel_loop3A_492 = vector.bitcast %parallel_loop3A_491 : vector<16xi32> to vector<16xf32>
      %parallel_loop3A_493 = arith.constant 0.000000e+00 : f32
      %parallel_loop3A_494 = vector.broadcast %parallel_loop3A_493 : f32 to vector<16xf32>
      %parallel_loop3A_495 = arith.select %parallel_loop3A_484, %parallel_loop3A_492, %parallel_loop3A_494 : vector<16xi1>, vector<16xf32>
      %parallel_loop3A_496 = arith.addf %parallel_loop3A_420, %parallel_loop3A_495 : vector<16xf32>
      %parallel_loop3A_497 = arith.constant 4 : i32
      %parallel_loop3A_498 = arith.muli %parallel_loop3A_418, %parallel_loop3A_497 : i32
      %parallel_loop3A_499 = arith.constant 2 : i32
      %parallel_loop3A_500 = arith.addi %parallel_loop3A_498, %parallel_loop3A_499 : i32
      %parallel_loop3A_501 = arith.constant 16 : i32
      %parallel_loop3A_502 = arith.muli %parallel_loop3A_500, %parallel_loop3A_501 : i32
      %parallel_loop3A_503 = arith.index_cast %parallel_loop3A_502 : i32 to index
      %parallel_loop3A_504 = tpu.vector_load %arg4[%parallel_loop3A_503] {strides = array<i32>} : memref<16384xi32, #tpu.memory_space<vmem>>, vector<16xi32>,
      %parallel_loop3A_505 = vector.bitcast %parallel_loop3A_504 : vector<16xi32> to vector<16xi32>
      %parallel_loop3A_506 = arith.constant 16 : i32
      %parallel_loop3A_507 = vector.broadcast %parallel_loop3A_506 : i32 to vector<16xi32>
      %parallel_loop3A_508 = arith.shrui %parallel_loop3A_505, %parallel_loop3A_507 : vector<16xi32>
      %parallel_loop3A_509 = arith.constant 65535 : i32
      %parallel_loop3A_510 = vector.broadcast %parallel_loop3A_509 : i32 to vector<16xi32>
      %parallel_loop3A_511 = arith.andi %parallel_loop3A_505, %parallel_loop3A_510 : vector<16xi32>
      %parallel_loop3A_512 = arith.constant 9 : i32
      %parallel_loop3A_513 = vector.broadcast %parallel_loop3A_512 : i32 to vector<16xi32>
      %parallel_loop3A_514 = arith.shrsi %parallel_loop3A_511, %parallel_loop3A_513 : vector<16xi32>
      %parallel_loop3A_515 = arith.constant 511 : i32
      %parallel_loop3A_516 = vector.broadcast %parallel_loop3A_515 : i32 to vector<16xi32>
      %parallel_loop3A_517 = arith.andi %parallel_loop3A_511, %parallel_loop3A_516 : vector<16xi32>
      %parallel_loop3A_518 = vector.broadcast %squeeze3A : i32 to vector<16xi32>
      %parallel_loop3A_519 = arith.cmpi eq, %parallel_loop3A_508, %parallel_loop3A_518 : vector<16xi32>
      tpu.vector_store_idx %arg6[%parallel_loop3A_514, %parallel_loop3A_517], %broadcast_in_dim3A_3 masked %parallel_loop3A_519 {add = true} : memref<128x512xi32, #tpu.memory_space<vmem>>[vector<16xi32>, vector<16xi32>], vector<16xi32>, vector<16xi1>
      %parallel_loop3A_520 = vector.broadcast %squeeze3A : i32 to vector<16xi32>
      %parallel_loop3A_521 = arith.cmpi ugt, %parallel_loop3A_508, %parallel_loop3A_520 : vector<16xi32>
      %parallel_loop3A_522 = vector.broadcast %parallel_loop3A_202 : i32 to vector<16xi32>
      %parallel_loop3A_523 = arith.cmpi uge, %parallel_loop3A_505, %parallel_loop3A_522 : vector<16xi32>
      %parallel_loop3A_524 = vector.broadcast %parallel_loop3A_202 : i32 to vector<16xi32>
      %parallel_loop3A_525 = arith.xori %parallel_loop3A_505, %parallel_loop3A_524 : vector<16xi32>
      %parallel_loop3A_526 = arith.constant dense<-1> : vector<16xi32>
      %parallel_loop3A_527 = arith.xori %parallel_loop3A_505, %parallel_loop3A_526 : vector<16xi32>
      %parallel_loop3A_528 = arith.select %parallel_loop3A_523, %parallel_loop3A_525, %parallel_loop3A_527 : vector<16xi1>, vector<16xi32>
      %parallel_loop3A_529 = vector.bitcast %parallel_loop3A_528 : vector<16xi32> to vector<16xf32>
      %parallel_loop3A_530 = arith.constant 0.000000e+00 : f32
      %parallel_loop3A_531 = vector.broadcast %parallel_loop3A_530 : f32 to vector<16xf32>
      %parallel_loop3A_532 = arith.select %parallel_loop3A_521, %parallel_loop3A_529, %parallel_loop3A_531 : vector<16xi1>, vector<16xf32>
      %parallel_loop3A_533 = arith.addf %parallel_loop3A_421, %parallel_loop3A_532 : vector<16xf32>
      %parallel_loop3A_534 = arith.constant 4 : i32
      %parallel_loop3A_535 = arith.muli %parallel_loop3A_418, %parallel_loop3A_534 : i32
      %parallel_loop3A_536 = arith.constant 3 : i32
      %parallel_loop3A_537 = arith.addi %parallel_loop3A_535, %parallel_loop3A_536 : i32
      %parallel_loop3A_538 = arith.constant 16 : i32
      %parallel_loop3A_539 = arith.muli %parallel_loop3A_537, %parallel_loop3A_538 : i32
      %parallel_loop3A_540 = arith.index_cast %parallel_loop3A_539 : i32 to index
      %parallel_loop3A_541 = tpu.vector_load %arg4[%parallel_loop3A_540] {strides = array<i32>} : memref<16384xi32, #tpu.memory_space<vmem>>, vector<16xi32>,
      %parallel_loop3A_542 = vector.bitcast %parallel_loop3A_541 : vector<16xi32> to vector<16xi32>
      %parallel_loop3A_543 = arith.constant 16 : i32
      %parallel_loop3A_544 = vector.broadcast %parallel_loop3A_543 : i32 to vector<16xi32>
      %parallel_loop3A_545 = arith.shrui %parallel_loop3A_542, %parallel_loop3A_544 : vector<16xi32>
      %parallel_loop3A_546 = arith.constant 65535 : i32
      %parallel_loop3A_547 = vector.broadcast %parallel_loop3A_546 : i32 to vector<16xi32>
      %parallel_loop3A_548 = arith.andi %parallel_loop3A_542, %parallel_loop3A_547 : vector<16xi32>
      %parallel_loop3A_549 = arith.constant 9 : i32
      %parallel_loop3A_550 = vector.broadcast %parallel_loop3A_549 : i32 to vector<16xi32>
      %parallel_loop3A_551 = arith.shrsi %parallel_loop3A_548, %parallel_loop3A_550 : vector<16xi32>
      %parallel_loop3A_552 = arith.constant 511 : i32
      %parallel_loop3A_553 = vector.broadcast %parallel_loop3A_552 : i32 to vector<16xi32>
      %parallel_loop3A_554 = arith.andi %parallel_loop3A_548, %parallel_loop3A_553 : vector<16xi32>
      %parallel_loop3A_555 = vector.broadcast %squeeze3A : i32 to vector<16xi32>
      %parallel_loop3A_556 = arith.cmpi eq, %parallel_loop3A_545, %parallel_loop3A_555 : vector<16xi32>
      tpu.vector_store_idx %arg6[%parallel_loop3A_551, %parallel_loop3A_554], %broadcast_in_dim3A_3 masked %parallel_loop3A_556 {add = true} : memref<128x512xi32, #tpu.memory_space<vmem>>[vector<16xi32>, vector<16xi32>], vector<16xi32>, vector<16xi1>
      %parallel_loop3A_557 = vector.broadcast %squeeze3A : i32 to vector<16xi32>
      %parallel_loop3A_558 = arith.cmpi ugt, %parallel_loop3A_545, %parallel_loop3A_557 : vector<16xi32>
      %parallel_loop3A_559 = vector.broadcast %parallel_loop3A_202 : i32 to vector<16xi32>
      %parallel_loop3A_560 = arith.cmpi uge, %parallel_loop3A_542, %parallel_loop3A_559 : vector<16xi32>
      %parallel_loop3A_561 = vector.broadcast %parallel_loop3A_202 : i32 to vector<16xi32>
      %parallel_loop3A_562 = arith.xori %parallel_loop3A_542, %parallel_loop3A_561 : vector<16xi32>
      %parallel_loop3A_563 = arith.constant dense<-1> : vector<16xi32>
      %parallel_loop3A_564 = arith.xori %parallel_loop3A_542, %parallel_loop3A_563 : vector<16xi32>
      %parallel_loop3A_565 = arith.select %parallel_loop3A_560, %parallel_loop3A_562, %parallel_loop3A_564 : vector<16xi1>, vector<16xi32>
      %parallel_loop3A_566 = vector.bitcast %parallel_loop3A_565 : vector<16xi32> to vector<16xf32>
      %parallel_loop3A_567 = arith.constant 0.000000e+00 : f32
      %parallel_loop3A_568 = vector.broadcast %parallel_loop3A_567 : f32 to vector<16xf32>
      %parallel_loop3A_569 = arith.select %parallel_loop3A_558, %parallel_loop3A_566, %parallel_loop3A_568 : vector<16xi1>, vector<16xf32>
      %parallel_loop3A_570 = arith.addf %parallel_loop3A_422, %parallel_loop3A_569 : vector<16xf32>
      scf.yield %parallel_loop3A_459, %parallel_loop3A_496, %parallel_loop3A_533, %parallel_loop3A_570 : vector<16xf32>, vector<16xf32>, vector<16xf32>, vector<16xf32>
    } {sc.loop_unroll_factor = 2 : i64, sc.parallel_access}
    %add3A_204 = arith.constant 32768 : i32
    %add3A_205 = arith.addi %mul3A_0, %add3A_204 : i32
    %dma_start3A_206 = tpu.memref_slice %arg2[%add3A_205] : memref<2097152xi32, #tpu.memory_space<hbm>> -> memref<16384xi32, #tpu.memory_space<hbm>>
    %dma_start3A_207 = tpu.memref_slice %arg2[%add3A_205] : memref<2097152xi32, #tpu.memory_space<hbm>> -> memref<16384xi32, #tpu.memory_space<hbm>>
    tpu.enqueue_dma source(%dma_start3A_207 : memref<16384xi32, #tpu.memory_space<hbm>>) target(%arg4 : memref<16384xi32, #tpu.memory_space<vmem>>) target_semaphore(%arg17 : memref<!tpu.dma_semaphore, #tpu.memory_space<semaphore_mem>>)
    %dma_wait3A_208 = tpu.memref_slice %arg2[%add3A_194] : memref<2097152xi32, #tpu.memory_space<hbm>> -> memref<16384xi32, #tpu.memory_space<hbm>>
    %dma_wait3A_209 = tpu.memref_slice %arg2[%add3A_194] : memref<2097152xi32, #tpu.memory_space<hbm>> -> memref<16384xi32, #tpu.memory_space<hbm>>
    tpu.wait_dma2 semaphore(%arg18 : memref<!tpu.dma_semaphore, #tpu.memory_space<semaphore_mem>>) src(%dma_wait3A_209 : memref<16384xi32, #tpu.memory_space<hbm>>) dst(%arg5 : memref<16384xi32, #tpu.memory_space<vmem>>)
    %parallel_loop3A_210 = arith.constant 0 : i32
    %parallel_loop3A_211 = arith.constant 256 : i32
    %parallel_loop3A_212 = arith.constant 1 : i32
    %parallel_loop3A_213 = arith.constant -2147483648 : i32
    %parallel_loop3A_214:4 = scf.for %parallel_loop3A_418 = %parallel_loop3A_210 to %parallel_loop3A_211 step %parallel_loop3A_212 iter_args(%parallel_loop3A_419 = %parallel_loop3A_203#0, %parallel_loop3A_420 = %parallel_loop3A_203#1, %parallel_loop3A_421 = %parallel_loop3A_203#2, %parallel_loop3A_422 = %parallel_loop3A_203#3) -> (vector<16xf32>, vector<16xf32>, vector<16xf32>, vector<16xf32>)  : i32 {
      %parallel_loop3A_423 = arith.constant 4 : i32
      %parallel_loop3A_424 = arith.muli %parallel_loop3A_418, %parallel_loop3A_423 : i32
      %parallel_loop3A_425 = arith.constant 0 : i32
      %parallel_loop3A_426 = arith.addi %parallel_loop3A_424, %parallel_loop3A_425 : i32
      %parallel_loop3A_427 = arith.constant 16 : i32
      %parallel_loop3A_428 = arith.muli %parallel_loop3A_426, %parallel_loop3A_427 : i32
      %parallel_loop3A_429 = arith.index_cast %parallel_loop3A_428 : i32 to index
      %parallel_loop3A_430 = tpu.vector_load %arg5[%parallel_loop3A_429] {strides = array<i32>} : memref<16384xi32, #tpu.memory_space<vmem>>, vector<16xi32>,
      %parallel_loop3A_431 = vector.bitcast %parallel_loop3A_430 : vector<16xi32> to vector<16xi32>
      %parallel_loop3A_432 = arith.constant 16 : i32
      %parallel_loop3A_433 = vector.broadcast %parallel_loop3A_432 : i32 to vector<16xi32>
      %parallel_loop3A_434 = arith.shrui %parallel_loop3A_431, %parallel_loop3A_433 : vector<16xi32>
      %parallel_loop3A_435 = arith.constant 65535 : i32
      %parallel_loop3A_436 = vector.broadcast %parallel_loop3A_435 : i32 to vector<16xi32>
      %parallel_loop3A_437 = arith.andi %parallel_loop3A_431, %parallel_loop3A_436 : vector<16xi32>
      %parallel_loop3A_438 = arith.constant 9 : i32
      %parallel_loop3A_439 = vector.broadcast %parallel_loop3A_438 : i32 to vector<16xi32>
      %parallel_loop3A_440 = arith.shrsi %parallel_loop3A_437, %parallel_loop3A_439 : vector<16xi32>
      %parallel_loop3A_441 = arith.constant 511 : i32
      %parallel_loop3A_442 = vector.broadcast %parallel_loop3A_441 : i32 to vector<16xi32>
      %parallel_loop3A_443 = arith.andi %parallel_loop3A_437, %parallel_loop3A_442 : vector<16xi32>
      %parallel_loop3A_444 = vector.broadcast %squeeze3A : i32 to vector<16xi32>
      %parallel_loop3A_445 = arith.cmpi eq, %parallel_loop3A_434, %parallel_loop3A_444 : vector<16xi32>
      tpu.vector_store_idx %arg6[%parallel_loop3A_440, %parallel_loop3A_443], %broadcast_in_dim3A_3 masked %parallel_loop3A_445 {add = true} : memref<128x512xi32, #tpu.memory_space<vmem>>[vector<16xi32>, vector<16xi32>], vector<16xi32>, vector<16xi1>
      %parallel_loop3A_446 = vector.broadcast %squeeze3A : i32 to vector<16xi32>
      %parallel_loop3A_447 = arith.cmpi ugt, %parallel_loop3A_434, %parallel_loop3A_446 : vector<16xi32>
      %parallel_loop3A_448 = vector.broadcast %parallel_loop3A_213 : i32 to vector<16xi32>
      %parallel_loop3A_449 = arith.cmpi uge, %parallel_loop3A_431, %parallel_loop3A_448 : vector<16xi32>
      %parallel_loop3A_450 = vector.broadcast %parallel_loop3A_213 : i32 to vector<16xi32>
      %parallel_loop3A_451 = arith.xori %parallel_loop3A_431, %parallel_loop3A_450 : vector<16xi32>
      %parallel_loop3A_452 = arith.constant dense<-1> : vector<16xi32>
      %parallel_loop3A_453 = arith.xori %parallel_loop3A_431, %parallel_loop3A_452 : vector<16xi32>
      %parallel_loop3A_454 = arith.select %parallel_loop3A_449, %parallel_loop3A_451, %parallel_loop3A_453 : vector<16xi1>, vector<16xi32>
      %parallel_loop3A_455 = vector.bitcast %parallel_loop3A_454 : vector<16xi32> to vector<16xf32>
      %parallel_loop3A_456 = arith.constant 0.000000e+00 : f32
      %parallel_loop3A_457 = vector.broadcast %parallel_loop3A_456 : f32 to vector<16xf32>
      %parallel_loop3A_458 = arith.select %parallel_loop3A_447, %parallel_loop3A_455, %parallel_loop3A_457 : vector<16xi1>, vector<16xf32>
      %parallel_loop3A_459 = arith.addf %parallel_loop3A_419, %parallel_loop3A_458 : vector<16xf32>
      %parallel_loop3A_460 = arith.constant 4 : i32
      %parallel_loop3A_461 = arith.muli %parallel_loop3A_418, %parallel_loop3A_460 : i32
      %parallel_loop3A_462 = arith.constant 1 : i32
      %parallel_loop3A_463 = arith.addi %parallel_loop3A_461, %parallel_loop3A_462 : i32
      %parallel_loop3A_464 = arith.constant 16 : i32
      %parallel_loop3A_465 = arith.muli %parallel_loop3A_463, %parallel_loop3A_464 : i32
      %parallel_loop3A_466 = arith.index_cast %parallel_loop3A_465 : i32 to index
      %parallel_loop3A_467 = tpu.vector_load %arg5[%parallel_loop3A_466] {strides = array<i32>} : memref<16384xi32, #tpu.memory_space<vmem>>, vector<16xi32>,
      %parallel_loop3A_468 = vector.bitcast %parallel_loop3A_467 : vector<16xi32> to vector<16xi32>
      %parallel_loop3A_469 = arith.constant 16 : i32
      %parallel_loop3A_470 = vector.broadcast %parallel_loop3A_469 : i32 to vector<16xi32>
      %parallel_loop3A_471 = arith.shrui %parallel_loop3A_468, %parallel_loop3A_470 : vector<16xi32>
      %parallel_loop3A_472 = arith.constant 65535 : i32
      %parallel_loop3A_473 = vector.broadcast %parallel_loop3A_472 : i32 to vector<16xi32>
      %parallel_loop3A_474 = arith.andi %parallel_loop3A_468, %parallel_loop3A_473 : vector<16xi32>
      %parallel_loop3A_475 = arith.constant 9 : i32
      %parallel_loop3A_476 = vector.broadcast %parallel_loop3A_475 : i32 to vector<16xi32>
      %parallel_loop3A_477 = arith.shrsi %parallel_loop3A_474, %parallel_loop3A_476 : vector<16xi32>
      %parallel_loop3A_478 = arith.constant 511 : i32
      %parallel_loop3A_479 = vector.broadcast %parallel_loop3A_478 : i32 to vector<16xi32>
      %parallel_loop3A_480 = arith.andi %parallel_loop3A_474, %parallel_loop3A_479 : vector<16xi32>
      %parallel_loop3A_481 = vector.broadcast %squeeze3A : i32 to vector<16xi32>
      %parallel_loop3A_482 = arith.cmpi eq, %parallel_loop3A_471, %parallel_loop3A_481 : vector<16xi32>
      tpu.vector_store_idx %arg6[%parallel_loop3A_477, %parallel_loop3A_480], %broadcast_in_dim3A_3 masked %parallel_loop3A_482 {add = true} : memref<128x512xi32, #tpu.memory_space<vmem>>[vector<16xi32>, vector<16xi32>], vector<16xi32>, vector<16xi1>
      %parallel_loop3A_483 = vector.broadcast %squeeze3A : i32 to vector<16xi32>
      %parallel_loop3A_484 = arith.cmpi ugt, %parallel_loop3A_471, %parallel_loop3A_483 : vector<16xi32>
      %parallel_loop3A_485 = vector.broadcast %parallel_loop3A_213 : i32 to vector<16xi32>
      %parallel_loop3A_486 = arith.cmpi uge, %parallel_loop3A_468, %parallel_loop3A_485 : vector<16xi32>
      %parallel_loop3A_487 = vector.broadcast %parallel_loop3A_213 : i32 to vector<16xi32>
      %parallel_loop3A_488 = arith.xori %parallel_loop3A_468, %parallel_loop3A_487 : vector<16xi32>
      %parallel_loop3A_489 = arith.constant dense<-1> : vector<16xi32>
      %parallel_loop3A_490 = arith.xori %parallel_loop3A_468, %parallel_loop3A_489 : vector<16xi32>
      %parallel_loop3A_491 = arith.select %parallel_loop3A_486, %parallel_loop3A_488, %parallel_loop3A_490 : vector<16xi1>, vector<16xi32>
      %parallel_loop3A_492 = vector.bitcast %parallel_loop3A_491 : vector<16xi32> to vector<16xf32>
      %parallel_loop3A_493 = arith.constant 0.000000e+00 : f32
      %parallel_loop3A_494 = vector.broadcast %parallel_loop3A_493 : f32 to vector<16xf32>
      %parallel_loop3A_495 = arith.select %parallel_loop3A_484, %parallel_loop3A_492, %parallel_loop3A_494 : vector<16xi1>, vector<16xf32>
      %parallel_loop3A_496 = arith.addf %parallel_loop3A_420, %parallel_loop3A_495 : vector<16xf32>
      %parallel_loop3A_497 = arith.constant 4 : i32
      %parallel_loop3A_498 = arith.muli %parallel_loop3A_418, %parallel_loop3A_497 : i32
      %parallel_loop3A_499 = arith.constant 2 : i32
      %parallel_loop3A_500 = arith.addi %parallel_loop3A_498, %parallel_loop3A_499 : i32
      %parallel_loop3A_501 = arith.constant 16 : i32
      %parallel_loop3A_502 = arith.muli %parallel_loop3A_500, %parallel_loop3A_501 : i32
      %parallel_loop3A_503 = arith.index_cast %parallel_loop3A_502 : i32 to index
      %parallel_loop3A_504 = tpu.vector_load %arg5[%parallel_loop3A_503] {strides = array<i32>} : memref<16384xi32, #tpu.memory_space<vmem>>, vector<16xi32>,
      %parallel_loop3A_505 = vector.bitcast %parallel_loop3A_504 : vector<16xi32> to vector<16xi32>
      %parallel_loop3A_506 = arith.constant 16 : i32
      %parallel_loop3A_507 = vector.broadcast %parallel_loop3A_506 : i32 to vector<16xi32>
      %parallel_loop3A_508 = arith.shrui %parallel_loop3A_505, %parallel_loop3A_507 : vector<16xi32>
      %parallel_loop3A_509 = arith.constant 65535 : i32
      %parallel_loop3A_510 = vector.broadcast %parallel_loop3A_509 : i32 to vector<16xi32>
      %parallel_loop3A_511 = arith.andi %parallel_loop3A_505, %parallel_loop3A_510 : vector<16xi32>
      %parallel_loop3A_512 = arith.constant 9 : i32
      %parallel_loop3A_513 = vector.broadcast %parallel_loop3A_512 : i32 to vector<16xi32>
      %parallel_loop3A_514 = arith.shrsi %parallel_loop3A_511, %parallel_loop3A_513 : vector<16xi32>
      %parallel_loop3A_515 = arith.constant 511 : i32
      %parallel_loop3A_516 = vector.broadcast %parallel_loop3A_515 : i32 to vector<16xi32>
      %parallel_loop3A_517 = arith.andi %parallel_loop3A_511, %parallel_loop3A_516 : vector<16xi32>
      %parallel_loop3A_518 = vector.broadcast %squeeze3A : i32 to vector<16xi32>
      %parallel_loop3A_519 = arith.cmpi eq, %parallel_loop3A_508, %parallel_loop3A_518 : vector<16xi32>
      tpu.vector_store_idx %arg6[%parallel_loop3A_514, %parallel_loop3A_517], %broadcast_in_dim3A_3 masked %parallel_loop3A_519 {add = true} : memref<128x512xi32, #tpu.memory_space<vmem>>[vector<16xi32>, vector<16xi32>], vector<16xi32>, vector<16xi1>
      %parallel_loop3A_520 = vector.broadcast %squeeze3A : i32 to vector<16xi32>
      %parallel_loop3A_521 = arith.cmpi ugt, %parallel_loop3A_508, %parallel_loop3A_520 : vector<16xi32>
      %parallel_loop3A_522 = vector.broadcast %parallel_loop3A_213 : i32 to vector<16xi32>
      %parallel_loop3A_523 = arith.cmpi uge, %parallel_loop3A_505, %parallel_loop3A_522 : vector<16xi32>
      %parallel_loop3A_524 = vector.broadcast %parallel_loop3A_213 : i32 to vector<16xi32>
      %parallel_loop3A_525 = arith.xori %parallel_loop3A_505, %parallel_loop3A_524 : vector<16xi32>
      %parallel_loop3A_526 = arith.constant dense<-1> : vector<16xi32>
      %parallel_loop3A_527 = arith.xori %parallel_loop3A_505, %parallel_loop3A_526 : vector<16xi32>
      %parallel_loop3A_528 = arith.select %parallel_loop3A_523, %parallel_loop3A_525, %parallel_loop3A_527 : vector<16xi1>, vector<16xi32>
      %parallel_loop3A_529 = vector.bitcast %parallel_loop3A_528 : vector<16xi32> to vector<16xf32>
      %parallel_loop3A_530 = arith.constant 0.000000e+00 : f32
      %parallel_loop3A_531 = vector.broadcast %parallel_loop3A_530 : f32 to vector<16xf32>
      %parallel_loop3A_532 = arith.select %parallel_loop3A_521, %parallel_loop3A_529, %parallel_loop3A_531 : vector<16xi1>, vector<16xf32>
      %parallel_loop3A_533 = arith.addf %parallel_loop3A_421, %parallel_loop3A_532 : vector<16xf32>
      %parallel_loop3A_534 = arith.constant 4 : i32
      %parallel_loop3A_535 = arith.muli %parallel_loop3A_418, %parallel_loop3A_534 : i32
      %parallel_loop3A_536 = arith.constant 3 : i32
      %parallel_loop3A_537 = arith.addi %parallel_loop3A_535, %parallel_loop3A_536 : i32
      %parallel_loop3A_538 = arith.constant 16 : i32
      %parallel_loop3A_539 = arith.muli %parallel_loop3A_537, %parallel_loop3A_538 : i32
      %parallel_loop3A_540 = arith.index_cast %parallel_loop3A_539 : i32 to index
      %parallel_loop3A_541 = tpu.vector_load %arg5[%parallel_loop3A_540] {strides = array<i32>} : memref<16384xi32, #tpu.memory_space<vmem>>, vector<16xi32>,
      %parallel_loop3A_542 = vector.bitcast %parallel_loop3A_541 : vector<16xi32> to vector<16xi32>
      %parallel_loop3A_543 = arith.constant 16 : i32
      %parallel_loop3A_544 = vector.broadcast %parallel_loop3A_543 : i32 to vector<16xi32>
      %parallel_loop3A_545 = arith.shrui %parallel_loop3A_542, %parallel_loop3A_544 : vector<16xi32>
      %parallel_loop3A_546 = arith.constant 65535 : i32
      %parallel_loop3A_547 = vector.broadcast %parallel_loop3A_546 : i32 to vector<16xi32>
      %parallel_loop3A_548 = arith.andi %parallel_loop3A_542, %parallel_loop3A_547 : vector<16xi32>
      %parallel_loop3A_549 = arith.constant 9 : i32
      %parallel_loop3A_550 = vector.broadcast %parallel_loop3A_549 : i32 to vector<16xi32>
      %parallel_loop3A_551 = arith.shrsi %parallel_loop3A_548, %parallel_loop3A_550 : vector<16xi32>
      %parallel_loop3A_552 = arith.constant 511 : i32
      %parallel_loop3A_553 = vector.broadcast %parallel_loop3A_552 : i32 to vector<16xi32>
      %parallel_loop3A_554 = arith.andi %parallel_loop3A_548, %parallel_loop3A_553 : vector<16xi32>
      %parallel_loop3A_555 = vector.broadcast %squeeze3A : i32 to vector<16xi32>
      %parallel_loop3A_556 = arith.cmpi eq, %parallel_loop3A_545, %parallel_loop3A_555 : vector<16xi32>
      tpu.vector_store_idx %arg6[%parallel_loop3A_551, %parallel_loop3A_554], %broadcast_in_dim3A_3 masked %parallel_loop3A_556 {add = true} : memref<128x512xi32, #tpu.memory_space<vmem>>[vector<16xi32>, vector<16xi32>], vector<16xi32>, vector<16xi1>
      %parallel_loop3A_557 = vector.broadcast %squeeze3A : i32 to vector<16xi32>
      %parallel_loop3A_558 = arith.cmpi ugt, %parallel_loop3A_545, %parallel_loop3A_557 : vector<16xi32>
      %parallel_loop3A_559 = vector.broadcast %parallel_loop3A_213 : i32 to vector<16xi32>
      %parallel_loop3A_560 = arith.cmpi uge, %parallel_loop3A_542, %parallel_loop3A_559 : vector<16xi32>
      %parallel_loop3A_561 = vector.broadcast %parallel_loop3A_213 : i32 to vector<16xi32>
      %parallel_loop3A_562 = arith.xori %parallel_loop3A_542, %parallel_loop3A_561 : vector<16xi32>
      %parallel_loop3A_563 = arith.constant dense<-1> : vector<16xi32>
      %parallel_loop3A_564 = arith.xori %parallel_loop3A_542, %parallel_loop3A_563 : vector<16xi32>
      %parallel_loop3A_565 = arith.select %parallel_loop3A_560, %parallel_loop3A_562, %parallel_loop3A_564 : vector<16xi1>, vector<16xi32>
      %parallel_loop3A_566 = vector.bitcast %parallel_loop3A_565 : vector<16xi32> to vector<16xf32>
      %parallel_loop3A_567 = arith.constant 0.000000e+00 : f32
      %parallel_loop3A_568 = vector.broadcast %parallel_loop3A_567 : f32 to vector<16xf32>
      %parallel_loop3A_569 = arith.select %parallel_loop3A_558, %parallel_loop3A_566, %parallel_loop3A_568 : vector<16xi1>, vector<16xf32>
      %parallel_loop3A_570 = arith.addf %parallel_loop3A_422, %parallel_loop3A_569 : vector<16xf32>
      scf.yield %parallel_loop3A_459, %parallel_loop3A_496, %parallel_loop3A_533, %parallel_loop3A_570 : vector<16xf32>, vector<16xf32>, vector<16xf32>, vector<16xf32>
    } {sc.loop_unroll_factor = 2 : i64, sc.parallel_access}
    %add3A_215 = arith.constant 49152 : i32
    %add3A_216 = arith.addi %mul3A_0, %add3A_215 : i32
    %dma_start3A_217 = tpu.memref_slice %arg2[%add3A_216] : memref<2097152xi32, #tpu.memory_space<hbm>> -> memref<16384xi32, #tpu.memory_space<hbm>>
    %dma_start3A_218 = tpu.memref_slice %arg2[%add3A_216] : memref<2097152xi32, #tpu.memory_space<hbm>> -> memref<16384xi32, #tpu.memory_space<hbm>>
    tpu.enqueue_dma source(%dma_start3A_218 : memref<16384xi32, #tpu.memory_space<hbm>>) target(%arg5 : memref<16384xi32, #tpu.memory_space<vmem>>) target_semaphore(%arg18 : memref<!tpu.dma_semaphore, #tpu.memory_space<semaphore_mem>>)
    %dma_wait3A_219 = tpu.memref_slice %arg2[%add3A_205] : memref<2097152xi32, #tpu.memory_space<hbm>> -> memref<16384xi32, #tpu.memory_space<hbm>>
    %dma_wait3A_220 = tpu.memref_slice %arg2[%add3A_205] : memref<2097152xi32, #tpu.memory_space<hbm>> -> memref<16384xi32, #tpu.memory_space<hbm>>
    tpu.wait_dma2 semaphore(%arg17 : memref<!tpu.dma_semaphore, #tpu.memory_space<semaphore_mem>>) src(%dma_wait3A_220 : memref<16384xi32, #tpu.memory_space<hbm>>) dst(%arg4 : memref<16384xi32, #tpu.memory_space<vmem>>)
    %parallel_loop3A_221 = arith.constant 0 : i32
    %parallel_loop3A_222 = arith.constant 256 : i32
    %parallel_loop3A_223 = arith.constant 1 : i32
    %parallel_loop3A_224 = arith.constant -2147483648 : i32
    %parallel_loop3A_225:4 = scf.for %parallel_loop3A_418 = %parallel_loop3A_221 to %parallel_loop3A_222 step %parallel_loop3A_223 iter_args(%parallel_loop3A_419 = %parallel_loop3A_214#0, %parallel_loop3A_420 = %parallel_loop3A_214#1, %parallel_loop3A_421 = %parallel_loop3A_214#2, %parallel_loop3A_422 = %parallel_loop3A_214#3) -> (vector<16xf32>, vector<16xf32>, vector<16xf32>, vector<16xf32>)  : i32 {
      %parallel_loop3A_423 = arith.constant 4 : i32
      %parallel_loop3A_424 = arith.muli %parallel_loop3A_418, %parallel_loop3A_423 : i32
      %parallel_loop3A_425 = arith.constant 0 : i32
      %parallel_loop3A_426 = arith.addi %parallel_loop3A_424, %parallel_loop3A_425 : i32
      %parallel_loop3A_427 = arith.constant 16 : i32
      %parallel_loop3A_428 = arith.muli %parallel_loop3A_426, %parallel_loop3A_427 : i32
      %parallel_loop3A_429 = arith.index_cast %parallel_loop3A_428 : i32 to index
      %parallel_loop3A_430 = tpu.vector_load %arg4[%parallel_loop3A_429] {strides = array<i32>} : memref<16384xi32, #tpu.memory_space<vmem>>, vector<16xi32>,
      %parallel_loop3A_431 = vector.bitcast %parallel_loop3A_430 : vector<16xi32> to vector<16xi32>
      %parallel_loop3A_432 = arith.constant 16 : i32
      %parallel_loop3A_433 = vector.broadcast %parallel_loop3A_432 : i32 to vector<16xi32>
      %parallel_loop3A_434 = arith.shrui %parallel_loop3A_431, %parallel_loop3A_433 : vector<16xi32>
      %parallel_loop3A_435 = arith.constant 65535 : i32
      %parallel_loop3A_436 = vector.broadcast %parallel_loop3A_435 : i32 to vector<16xi32>
      %parallel_loop3A_437 = arith.andi %parallel_loop3A_431, %parallel_loop3A_436 : vector<16xi32>
      %parallel_loop3A_438 = arith.constant 9 : i32
      %parallel_loop3A_439 = vector.broadcast %parallel_loop3A_438 : i32 to vector<16xi32>
      %parallel_loop3A_440 = arith.shrsi %parallel_loop3A_437, %parallel_loop3A_439 : vector<16xi32>
      %parallel_loop3A_441 = arith.constant 511 : i32
      %parallel_loop3A_442 = vector.broadcast %parallel_loop3A_441 : i32 to vector<16xi32>
      %parallel_loop3A_443 = arith.andi %parallel_loop3A_437, %parallel_loop3A_442 : vector<16xi32>
      %parallel_loop3A_444 = vector.broadcast %squeeze3A : i32 to vector<16xi32>
      %parallel_loop3A_445 = arith.cmpi eq, %parallel_loop3A_434, %parallel_loop3A_444 : vector<16xi32>
      tpu.vector_store_idx %arg6[%parallel_loop3A_440, %parallel_loop3A_443], %broadcast_in_dim3A_3 masked %parallel_loop3A_445 {add = true} : memref<128x512xi32, #tpu.memory_space<vmem>>[vector<16xi32>, vector<16xi32>], vector<16xi32>, vector<16xi1>
      %parallel_loop3A_446 = vector.broadcast %squeeze3A : i32 to vector<16xi32>
      %parallel_loop3A_447 = arith.cmpi ugt, %parallel_loop3A_434, %parallel_loop3A_446 : vector<16xi32>
      %parallel_loop3A_448 = vector.broadcast %parallel_loop3A_224 : i32 to vector<16xi32>
      %parallel_loop3A_449 = arith.cmpi uge, %parallel_loop3A_431, %parallel_loop3A_448 : vector<16xi32>
      %parallel_loop3A_450 = vector.broadcast %parallel_loop3A_224 : i32 to vector<16xi32>
      %parallel_loop3A_451 = arith.xori %parallel_loop3A_431, %parallel_loop3A_450 : vector<16xi32>
      %parallel_loop3A_452 = arith.constant dense<-1> : vector<16xi32>
      %parallel_loop3A_453 = arith.xori %parallel_loop3A_431, %parallel_loop3A_452 : vector<16xi32>
      %parallel_loop3A_454 = arith.select %parallel_loop3A_449, %parallel_loop3A_451, %parallel_loop3A_453 : vector<16xi1>, vector<16xi32>
      %parallel_loop3A_455 = vector.bitcast %parallel_loop3A_454 : vector<16xi32> to vector<16xf32>
      %parallel_loop3A_456 = arith.constant 0.000000e+00 : f32
      %parallel_loop3A_457 = vector.broadcast %parallel_loop3A_456 : f32 to vector<16xf32>
      %parallel_loop3A_458 = arith.select %parallel_loop3A_447, %parallel_loop3A_455, %parallel_loop3A_457 : vector<16xi1>, vector<16xf32>
      %parallel_loop3A_459 = arith.addf %parallel_loop3A_419, %parallel_loop3A_458 : vector<16xf32>
      %parallel_loop3A_460 = arith.constant 4 : i32
      %parallel_loop3A_461 = arith.muli %parallel_loop3A_418, %parallel_loop3A_460 : i32
      %parallel_loop3A_462 = arith.constant 1 : i32
      %parallel_loop3A_463 = arith.addi %parallel_loop3A_461, %parallel_loop3A_462 : i32
      %parallel_loop3A_464 = arith.constant 16 : i32
      %parallel_loop3A_465 = arith.muli %parallel_loop3A_463, %parallel_loop3A_464 : i32
      %parallel_loop3A_466 = arith.index_cast %parallel_loop3A_465 : i32 to index
      %parallel_loop3A_467 = tpu.vector_load %arg4[%parallel_loop3A_466] {strides = array<i32>} : memref<16384xi32, #tpu.memory_space<vmem>>, vector<16xi32>,
      %parallel_loop3A_468 = vector.bitcast %parallel_loop3A_467 : vector<16xi32> to vector<16xi32>
      %parallel_loop3A_469 = arith.constant 16 : i32
      %parallel_loop3A_470 = vector.broadcast %parallel_loop3A_469 : i32 to vector<16xi32>
      %parallel_loop3A_471 = arith.shrui %parallel_loop3A_468, %parallel_loop3A_470 : vector<16xi32>
      %parallel_loop3A_472 = arith.constant 65535 : i32
      %parallel_loop3A_473 = vector.broadcast %parallel_loop3A_472 : i32 to vector<16xi32>
      %parallel_loop3A_474 = arith.andi %parallel_loop3A_468, %parallel_loop3A_473 : vector<16xi32>
      %parallel_loop3A_475 = arith.constant 9 : i32
      %parallel_loop3A_476 = vector.broadcast %parallel_loop3A_475 : i32 to vector<16xi32>
      %parallel_loop3A_477 = arith.shrsi %parallel_loop3A_474, %parallel_loop3A_476 : vector<16xi32>
      %parallel_loop3A_478 = arith.constant 511 : i32
      %parallel_loop3A_479 = vector.broadcast %parallel_loop3A_478 : i32 to vector<16xi32>
      %parallel_loop3A_480 = arith.andi %parallel_loop3A_474, %parallel_loop3A_479 : vector<16xi32>
      %parallel_loop3A_481 = vector.broadcast %squeeze3A : i32 to vector<16xi32>
      %parallel_loop3A_482 = arith.cmpi eq, %parallel_loop3A_471, %parallel_loop3A_481 : vector<16xi32>
      tpu.vector_store_idx %arg6[%parallel_loop3A_477, %parallel_loop3A_480], %broadcast_in_dim3A_3 masked %parallel_loop3A_482 {add = true} : memref<128x512xi32, #tpu.memory_space<vmem>>[vector<16xi32>, vector<16xi32>], vector<16xi32>, vector<16xi1>
      %parallel_loop3A_483 = vector.broadcast %squeeze3A : i32 to vector<16xi32>
      %parallel_loop3A_484 = arith.cmpi ugt, %parallel_loop3A_471, %parallel_loop3A_483 : vector<16xi32>
      %parallel_loop3A_485 = vector.broadcast %parallel_loop3A_224 : i32 to vector<16xi32>
      %parallel_loop3A_486 = arith.cmpi uge, %parallel_loop3A_468, %parallel_loop3A_485 : vector<16xi32>
      %parallel_loop3A_487 = vector.broadcast %parallel_loop3A_224 : i32 to vector<16xi32>
      %parallel_loop3A_488 = arith.xori %parallel_loop3A_468, %parallel_loop3A_487 : vector<16xi32>
      %parallel_loop3A_489 = arith.constant dense<-1> : vector<16xi32>
      %parallel_loop3A_490 = arith.xori %parallel_loop3A_468, %parallel_loop3A_489 : vector<16xi32>
      %parallel_loop3A_491 = arith.select %parallel_loop3A_486, %parallel_loop3A_488, %parallel_loop3A_490 : vector<16xi1>, vector<16xi32>
      %parallel_loop3A_492 = vector.bitcast %parallel_loop3A_491 : vector<16xi32> to vector<16xf32>
      %parallel_loop3A_493 = arith.constant 0.000000e+00 : f32
      %parallel_loop3A_494 = vector.broadcast %parallel_loop3A_493 : f32 to vector<16xf32>
      %parallel_loop3A_495 = arith.select %parallel_loop3A_484, %parallel_loop3A_492, %parallel_loop3A_494 : vector<16xi1>, vector<16xf32>
      %parallel_loop3A_496 = arith.addf %parallel_loop3A_420, %parallel_loop3A_495 : vector<16xf32>
      %parallel_loop3A_497 = arith.constant 4 : i32
      %parallel_loop3A_498 = arith.muli %parallel_loop3A_418, %parallel_loop3A_497 : i32
      %parallel_loop3A_499 = arith.constant 2 : i32
      %parallel_loop3A_500 = arith.addi %parallel_loop3A_498, %parallel_loop3A_499 : i32
      %parallel_loop3A_501 = arith.constant 16 : i32
      %parallel_loop3A_502 = arith.muli %parallel_loop3A_500, %parallel_loop3A_501 : i32
      %parallel_loop3A_503 = arith.index_cast %parallel_loop3A_502 : i32 to index
      %parallel_loop3A_504 = tpu.vector_load %arg4[%parallel_loop3A_503] {strides = array<i32>} : memref<16384xi32, #tpu.memory_space<vmem>>, vector<16xi32>,
      %parallel_loop3A_505 = vector.bitcast %parallel_loop3A_504 : vector<16xi32> to vector<16xi32>
      %parallel_loop3A_506 = arith.constant 16 : i32
      %parallel_loop3A_507 = vector.broadcast %parallel_loop3A_506 : i32 to vector<16xi32>
      %parallel_loop3A_508 = arith.shrui %parallel_loop3A_505, %parallel_loop3A_507 : vector<16xi32>
      %parallel_loop3A_509 = arith.constant 65535 : i32
      %parallel_loop3A_510 = vector.broadcast %parallel_loop3A_509 : i32 to vector<16xi32>
      %parallel_loop3A_511 = arith.andi %parallel_loop3A_505, %parallel_loop3A_510 : vector<16xi32>
      %parallel_loop3A_512 = arith.constant 9 : i32
      %parallel_loop3A_513 = vector.broadcast %parallel_loop3A_512 : i32 to vector<16xi32>
      %parallel_loop3A_514 = arith.shrsi %parallel_loop3A_511, %parallel_loop3A_513 : vector<16xi32>
      %parallel_loop3A_515 = arith.constant 511 : i32
      %parallel_loop3A_516 = vector.broadcast %parallel_loop3A_515 : i32 to vector<16xi32>
      %parallel_loop3A_517 = arith.andi %parallel_loop3A_511, %parallel_loop3A_516 : vector<16xi32>
      %parallel_loop3A_518 = vector.broadcast %squeeze3A : i32 to vector<16xi32>
      %parallel_loop3A_519 = arith.cmpi eq, %parallel_loop3A_508, %parallel_loop3A_518 : vector<16xi32>
      tpu.vector_store_idx %arg6[%parallel_loop3A_514, %parallel_loop3A_517], %broadcast_in_dim3A_3 masked %parallel_loop3A_519 {add = true} : memref<128x512xi32, #tpu.memory_space<vmem>>[vector<16xi32>, vector<16xi32>], vector<16xi32>, vector<16xi1>
      %parallel_loop3A_520 = vector.broadcast %squeeze3A : i32 to vector<16xi32>
      %parallel_loop3A_521 = arith.cmpi ugt, %parallel_loop3A_508, %parallel_loop3A_520 : vector<16xi32>
      %parallel_loop3A_522 = vector.broadcast %parallel_loop3A_224 : i32 to vector<16xi32>
      %parallel_loop3A_523 = arith.cmpi uge, %parallel_loop3A_505, %parallel_loop3A_522 : vector<16xi32>
      %parallel_loop3A_524 = vector.broadcast %parallel_loop3A_224 : i32 to vector<16xi32>
      %parallel_loop3A_525 = arith.xori %parallel_loop3A_505, %parallel_loop3A_524 : vector<16xi32>
      %parallel_loop3A_526 = arith.constant dense<-1> : vector<16xi32>
      %parallel_loop3A_527 = arith.xori %parallel_loop3A_505, %parallel_loop3A_526 : vector<16xi32>
      %parallel_loop3A_528 = arith.select %parallel_loop3A_523, %parallel_loop3A_525, %parallel_loop3A_527 : vector<16xi1>, vector<16xi32>
      %parallel_loop3A_529 = vector.bitcast %parallel_loop3A_528 : vector<16xi32> to vector<16xf32>
      %parallel_loop3A_530 = arith.constant 0.000000e+00 : f32
      %parallel_loop3A_531 = vector.broadcast %parallel_loop3A_530 : f32 to vector<16xf32>
      %parallel_loop3A_532 = arith.select %parallel_loop3A_521, %parallel_loop3A_529, %parallel_loop3A_531 : vector<16xi1>, vector<16xf32>
      %parallel_loop3A_533 = arith.addf %parallel_loop3A_421, %parallel_loop3A_532 : vector<16xf32>
      %parallel_loop3A_534 = arith.constant 4 : i32
      %parallel_loop3A_535 = arith.muli %parallel_loop3A_418, %parallel_loop3A_534 : i32
      %parallel_loop3A_536 = arith.constant 3 : i32
      %parallel_loop3A_537 = arith.addi %parallel_loop3A_535, %parallel_loop3A_536 : i32
      %parallel_loop3A_538 = arith.constant 16 : i32
      %parallel_loop3A_539 = arith.muli %parallel_loop3A_537, %parallel_loop3A_538 : i32
      %parallel_loop3A_540 = arith.index_cast %parallel_loop3A_539 : i32 to index
      %parallel_loop3A_541 = tpu.vector_load %arg4[%parallel_loop3A_540] {strides = array<i32>} : memref<16384xi32, #tpu.memory_space<vmem>>, vector<16xi32>,
      %parallel_loop3A_542 = vector.bitcast %parallel_loop3A_541 : vector<16xi32> to vector<16xi32>
      %parallel_loop3A_543 = arith.constant 16 : i32
      %parallel_loop3A_544 = vector.broadcast %parallel_loop3A_543 : i32 to vector<16xi32>
      %parallel_loop3A_545 = arith.shrui %parallel_loop3A_542, %parallel_loop3A_544 : vector<16xi32>
      %parallel_loop3A_546 = arith.constant 65535 : i32
      %parallel_loop3A_547 = vector.broadcast %parallel_loop3A_546 : i32 to vector<16xi32>
      %parallel_loop3A_548 = arith.andi %parallel_loop3A_542, %parallel_loop3A_547 : vector<16xi32>
      %parallel_loop3A_549 = arith.constant 9 : i32
      %parallel_loop3A_550 = vector.broadcast %parallel_loop3A_549 : i32 to vector<16xi32>
      %parallel_loop3A_551 = arith.shrsi %parallel_loop3A_548, %parallel_loop3A_550 : vector<16xi32>
      %parallel_loop3A_552 = arith.constant 511 : i32
      %parallel_loop3A_553 = vector.broadcast %parallel_loop3A_552 : i32 to vector<16xi32>
      %parallel_loop3A_554 = arith.andi %parallel_loop3A_548, %parallel_loop3A_553 : vector<16xi32>
      %parallel_loop3A_555 = vector.broadcast %squeeze3A : i32 to vector<16xi32>
      %parallel_loop3A_556 = arith.cmpi eq, %parallel_loop3A_545, %parallel_loop3A_555 : vector<16xi32>
      tpu.vector_store_idx %arg6[%parallel_loop3A_551, %parallel_loop3A_554], %broadcast_in_dim3A_3 masked %parallel_loop3A_556 {add = true} : memref<128x512xi32, #tpu.memory_space<vmem>>[vector<16xi32>, vector<16xi32>], vector<16xi32>, vector<16xi1>
      %parallel_loop3A_557 = vector.broadcast %squeeze3A : i32 to vector<16xi32>
      %parallel_loop3A_558 = arith.cmpi ugt, %parallel_loop3A_545, %parallel_loop3A_557 : vector<16xi32>
      %parallel_loop3A_559 = vector.broadcast %parallel_loop3A_224 : i32 to vector<16xi32>
      %parallel_loop3A_560 = arith.cmpi uge, %parallel_loop3A_542, %parallel_loop3A_559 : vector<16xi32>
      %parallel_loop3A_561 = vector.broadcast %parallel_loop3A_224 : i32 to vector<16xi32>
      %parallel_loop3A_562 = arith.xori %parallel_loop3A_542, %parallel_loop3A_561 : vector<16xi32>
      %parallel_loop3A_563 = arith.constant dense<-1> : vector<16xi32>
      %parallel_loop3A_564 = arith.xori %parallel_loop3A_542, %parallel_loop3A_563 : vector<16xi32>
      %parallel_loop3A_565 = arith.select %parallel_loop3A_560, %parallel_loop3A_562, %parallel_loop3A_564 : vector<16xi1>, vector<16xi32>
      %parallel_loop3A_566 = vector.bitcast %parallel_loop3A_565 : vector<16xi32> to vector<16xf32>
      %parallel_loop3A_567 = arith.constant 0.000000e+00 : f32
      %parallel_loop3A_568 = vector.broadcast %parallel_loop3A_567 : f32 to vector<16xf32>
      %parallel_loop3A_569 = arith.select %parallel_loop3A_558, %parallel_loop3A_566, %parallel_loop3A_568 : vector<16xi1>, vector<16xf32>
      %parallel_loop3A_570 = arith.addf %parallel_loop3A_422, %parallel_loop3A_569 : vector<16xf32>
      scf.yield %parallel_loop3A_459, %parallel_loop3A_496, %parallel_loop3A_533, %parallel_loop3A_570 : vector<16xf32>, vector<16xf32>, vector<16xf32>, vector<16xf32>
    } {sc.loop_unroll_factor = 2 : i64, sc.parallel_access}
    %add3A_226 = arith.constant 65536 : i32
    %add3A_227 = arith.addi %mul3A_0, %add3A_226 : i32
    %dma_start3A_228 = tpu.memref_slice %arg2[%add3A_227] : memref<2097152xi32, #tpu.memory_space<hbm>> -> memref<16384xi32, #tpu.memory_space<hbm>>
    %dma_start3A_229 = tpu.memref_slice %arg2[%add3A_227] : memref<2097152xi32, #tpu.memory_space<hbm>> -> memref<16384xi32, #tpu.memory_space<hbm>>
    tpu.enqueue_dma source(%dma_start3A_229 : memref<16384xi32, #tpu.memory_space<hbm>>) target(%arg4 : memref<16384xi32, #tpu.memory_space<vmem>>) target_semaphore(%arg17 : memref<!tpu.dma_semaphore, #tpu.memory_space<semaphore_mem>>)
    %dma_wait3A_230 = tpu.memref_slice %arg2[%add3A_216] : memref<2097152xi32, #tpu.memory_space<hbm>> -> memref<16384xi32, #tpu.memory_space<hbm>>
    %dma_wait3A_231 = tpu.memref_slice %arg2[%add3A_216] : memref<2097152xi32, #tpu.memory_space<hbm>> -> memref<16384xi32, #tpu.memory_space<hbm>>
    tpu.wait_dma2 semaphore(%arg18 : memref<!tpu.dma_semaphore, #tpu.memory_space<semaphore_mem>>) src(%dma_wait3A_231 : memref<16384xi32, #tpu.memory_space<hbm>>) dst(%arg5 : memref<16384xi32, #tpu.memory_space<vmem>>)
    %parallel_loop3A_232 = arith.constant 0 : i32
    %parallel_loop3A_233 = arith.constant 256 : i32
    %parallel_loop3A_234 = arith.constant 1 : i32
    %parallel_loop3A_235 = arith.constant -2147483648 : i32
    %parallel_loop3A_236:4 = scf.for %parallel_loop3A_418 = %parallel_loop3A_232 to %parallel_loop3A_233 step %parallel_loop3A_234 iter_args(%parallel_loop3A_419 = %parallel_loop3A_225#0, %parallel_loop3A_420 = %parallel_loop3A_225#1, %parallel_loop3A_421 = %parallel_loop3A_225#2, %parallel_loop3A_422 = %parallel_loop3A_225#3) -> (vector<16xf32>, vector<16xf32>, vector<16xf32>, vector<16xf32>)  : i32 {
      %parallel_loop3A_423 = arith.constant 4 : i32
      %parallel_loop3A_424 = arith.muli %parallel_loop3A_418, %parallel_loop3A_423 : i32
      %parallel_loop3A_425 = arith.constant 0 : i32
      %parallel_loop3A_426 = arith.addi %parallel_loop3A_424, %parallel_loop3A_425 : i32
      %parallel_loop3A_427 = arith.constant 16 : i32
      %parallel_loop3A_428 = arith.muli %parallel_loop3A_426, %parallel_loop3A_427 : i32
      %parallel_loop3A_429 = arith.index_cast %parallel_loop3A_428 : i32 to index
      %parallel_loop3A_430 = tpu.vector_load %arg5[%parallel_loop3A_429] {strides = array<i32>} : memref<16384xi32, #tpu.memory_space<vmem>>, vector<16xi32>,
      %parallel_loop3A_431 = vector.bitcast %parallel_loop3A_430 : vector<16xi32> to vector<16xi32>
      %parallel_loop3A_432 = arith.constant 16 : i32
      %parallel_loop3A_433 = vector.broadcast %parallel_loop3A_432 : i32 to vector<16xi32>
      %parallel_loop3A_434 = arith.shrui %parallel_loop3A_431, %parallel_loop3A_433 : vector<16xi32>
      %parallel_loop3A_435 = arith.constant 65535 : i32
      %parallel_loop3A_436 = vector.broadcast %parallel_loop3A_435 : i32 to vector<16xi32>
      %parallel_loop3A_437 = arith.andi %parallel_loop3A_431, %parallel_loop3A_436 : vector<16xi32>
      %parallel_loop3A_438 = arith.constant 9 : i32
      %parallel_loop3A_439 = vector.broadcast %parallel_loop3A_438 : i32 to vector<16xi32>
      %parallel_loop3A_440 = arith.shrsi %parallel_loop3A_437, %parallel_loop3A_439 : vector<16xi32>
      %parallel_loop3A_441 = arith.constant 511 : i32
      %parallel_loop3A_442 = vector.broadcast %parallel_loop3A_441 : i32 to vector<16xi32>
      %parallel_loop3A_443 = arith.andi %parallel_loop3A_437, %parallel_loop3A_442 : vector<16xi32>
      %parallel_loop3A_444 = vector.broadcast %squeeze3A : i32 to vector<16xi32>
      %parallel_loop3A_445 = arith.cmpi eq, %parallel_loop3A_434, %parallel_loop3A_444 : vector<16xi32>
      tpu.vector_store_idx %arg6[%parallel_loop3A_440, %parallel_loop3A_443], %broadcast_in_dim3A_3 masked %parallel_loop3A_445 {add = true} : memref<128x512xi32, #tpu.memory_space<vmem>>[vector<16xi32>, vector<16xi32>], vector<16xi32>, vector<16xi1>
      %parallel_loop3A_446 = vector.broadcast %squeeze3A : i32 to vector<16xi32>
      %parallel_loop3A_447 = arith.cmpi ugt, %parallel_loop3A_434, %parallel_loop3A_446 : vector<16xi32>
      %parallel_loop3A_448 = vector.broadcast %parallel_loop3A_235 : i32 to vector<16xi32>
      %parallel_loop3A_449 = arith.cmpi uge, %parallel_loop3A_431, %parallel_loop3A_448 : vector<16xi32>
      %parallel_loop3A_450 = vector.broadcast %parallel_loop3A_235 : i32 to vector<16xi32>
      %parallel_loop3A_451 = arith.xori %parallel_loop3A_431, %parallel_loop3A_450 : vector<16xi32>
      %parallel_loop3A_452 = arith.constant dense<-1> : vector<16xi32>
      %parallel_loop3A_453 = arith.xori %parallel_loop3A_431, %parallel_loop3A_452 : vector<16xi32>
      %parallel_loop3A_454 = arith.select %parallel_loop3A_449, %parallel_loop3A_451, %parallel_loop3A_453 : vector<16xi1>, vector<16xi32>
      %parallel_loop3A_455 = vector.bitcast %parallel_loop3A_454 : vector<16xi32> to vector<16xf32>
      %parallel_loop3A_456 = arith.constant 0.000000e+00 : f32
      %parallel_loop3A_457 = vector.broadcast %parallel_loop3A_456 : f32 to vector<16xf32>
      %parallel_loop3A_458 = arith.select %parallel_loop3A_447, %parallel_loop3A_455, %parallel_loop3A_457 : vector<16xi1>, vector<16xf32>
      %parallel_loop3A_459 = arith.addf %parallel_loop3A_419, %parallel_loop3A_458 : vector<16xf32>
      %parallel_loop3A_460 = arith.constant 4 : i32
      %parallel_loop3A_461 = arith.muli %parallel_loop3A_418, %parallel_loop3A_460 : i32
      %parallel_loop3A_462 = arith.constant 1 : i32
      %parallel_loop3A_463 = arith.addi %parallel_loop3A_461, %parallel_loop3A_462 : i32
      %parallel_loop3A_464 = arith.constant 16 : i32
      %parallel_loop3A_465 = arith.muli %parallel_loop3A_463, %parallel_loop3A_464 : i32
      %parallel_loop3A_466 = arith.index_cast %parallel_loop3A_465 : i32 to index
      %parallel_loop3A_467 = tpu.vector_load %arg5[%parallel_loop3A_466] {strides = array<i32>} : memref<16384xi32, #tpu.memory_space<vmem>>, vector<16xi32>,
      %parallel_loop3A_468 = vector.bitcast %parallel_loop3A_467 : vector<16xi32> to vector<16xi32>
      %parallel_loop3A_469 = arith.constant 16 : i32
      %parallel_loop3A_470 = vector.broadcast %parallel_loop3A_469 : i32 to vector<16xi32>
      %parallel_loop3A_471 = arith.shrui %parallel_loop3A_468, %parallel_loop3A_470 : vector<16xi32>
      %parallel_loop3A_472 = arith.constant 65535 : i32
      %parallel_loop3A_473 = vector.broadcast %parallel_loop3A_472 : i32 to vector<16xi32>
      %parallel_loop3A_474 = arith.andi %parallel_loop3A_468, %parallel_loop3A_473 : vector<16xi32>
      %parallel_loop3A_475 = arith.constant 9 : i32
      %parallel_loop3A_476 = vector.broadcast %parallel_loop3A_475 : i32 to vector<16xi32>
      %parallel_loop3A_477 = arith.shrsi %parallel_loop3A_474, %parallel_loop3A_476 : vector<16xi32>
      %parallel_loop3A_478 = arith.constant 511 : i32
      %parallel_loop3A_479 = vector.broadcast %parallel_loop3A_478 : i32 to vector<16xi32>
      %parallel_loop3A_480 = arith.andi %parallel_loop3A_474, %parallel_loop3A_479 : vector<16xi32>
      %parallel_loop3A_481 = vector.broadcast %squeeze3A : i32 to vector<16xi32>
      %parallel_loop3A_482 = arith.cmpi eq, %parallel_loop3A_471, %parallel_loop3A_481 : vector<16xi32>
      tpu.vector_store_idx %arg6[%parallel_loop3A_477, %parallel_loop3A_480], %broadcast_in_dim3A_3 masked %parallel_loop3A_482 {add = true} : memref<128x512xi32, #tpu.memory_space<vmem>>[vector<16xi32>, vector<16xi32>], vector<16xi32>, vector<16xi1>
      %parallel_loop3A_483 = vector.broadcast %squeeze3A : i32 to vector<16xi32>
      %parallel_loop3A_484 = arith.cmpi ugt, %parallel_loop3A_471, %parallel_loop3A_483 : vector<16xi32>
      %parallel_loop3A_485 = vector.broadcast %parallel_loop3A_235 : i32 to vector<16xi32>
      %parallel_loop3A_486 = arith.cmpi uge, %parallel_loop3A_468, %parallel_loop3A_485 : vector<16xi32>
      %parallel_loop3A_487 = vector.broadcast %parallel_loop3A_235 : i32 to vector<16xi32>
      %parallel_loop3A_488 = arith.xori %parallel_loop3A_468, %parallel_loop3A_487 : vector<16xi32>
      %parallel_loop3A_489 = arith.constant dense<-1> : vector<16xi32>
      %parallel_loop3A_490 = arith.xori %parallel_loop3A_468, %parallel_loop3A_489 : vector<16xi32>
      %parallel_loop3A_491 = arith.select %parallel_loop3A_486, %parallel_loop3A_488, %parallel_loop3A_490 : vector<16xi1>, vector<16xi32>
      %parallel_loop3A_492 = vector.bitcast %parallel_loop3A_491 : vector<16xi32> to vector<16xf32>
      %parallel_loop3A_493 = arith.constant 0.000000e+00 : f32
      %parallel_loop3A_494 = vector.broadcast %parallel_loop3A_493 : f32 to vector<16xf32>
      %parallel_loop3A_495 = arith.select %parallel_loop3A_484, %parallel_loop3A_492, %parallel_loop3A_494 : vector<16xi1>, vector<16xf32>
      %parallel_loop3A_496 = arith.addf %parallel_loop3A_420, %parallel_loop3A_495 : vector<16xf32>
      %parallel_loop3A_497 = arith.constant 4 : i32
      %parallel_loop3A_498 = arith.muli %parallel_loop3A_418, %parallel_loop3A_497 : i32
      %parallel_loop3A_499 = arith.constant 2 : i32
      %parallel_loop3A_500 = arith.addi %parallel_loop3A_498, %parallel_loop3A_499 : i32
      %parallel_loop3A_501 = arith.constant 16 : i32
      %parallel_loop3A_502 = arith.muli %parallel_loop3A_500, %parallel_loop3A_501 : i32
      %parallel_loop3A_503 = arith.index_cast %parallel_loop3A_502 : i32 to index
      %parallel_loop3A_504 = tpu.vector_load %arg5[%parallel_loop3A_503] {strides = array<i32>} : memref<16384xi32, #tpu.memory_space<vmem>>, vector<16xi32>,
      %parallel_loop3A_505 = vector.bitcast %parallel_loop3A_504 : vector<16xi32> to vector<16xi32>
      %parallel_loop3A_506 = arith.constant 16 : i32
      %parallel_loop3A_507 = vector.broadcast %parallel_loop3A_506 : i32 to vector<16xi32>
      %parallel_loop3A_508 = arith.shrui %parallel_loop3A_505, %parallel_loop3A_507 : vector<16xi32>
      %parallel_loop3A_509 = arith.constant 65535 : i32
      %parallel_loop3A_510 = vector.broadcast %parallel_loop3A_509 : i32 to vector<16xi32>
      %parallel_loop3A_511 = arith.andi %parallel_loop3A_505, %parallel_loop3A_510 : vector<16xi32>
      %parallel_loop3A_512 = arith.constant 9 : i32
      %parallel_loop3A_513 = vector.broadcast %parallel_loop3A_512 : i32 to vector<16xi32>
      %parallel_loop3A_514 = arith.shrsi %parallel_loop3A_511, %parallel_loop3A_513 : vector<16xi32>
      %parallel_loop3A_515 = arith.constant 511 : i32
      %parallel_loop3A_516 = vector.broadcast %parallel_loop3A_515 : i32 to vector<16xi32>
      %parallel_loop3A_517 = arith.andi %parallel_loop3A_511, %parallel_loop3A_516 : vector<16xi32>
      %parallel_loop3A_518 = vector.broadcast %squeeze3A : i32 to vector<16xi32>
      %parallel_loop3A_519 = arith.cmpi eq, %parallel_loop3A_508, %parallel_loop3A_518 : vector<16xi32>
      tpu.vector_store_idx %arg6[%parallel_loop3A_514, %parallel_loop3A_517], %broadcast_in_dim3A_3 masked %parallel_loop3A_519 {add = true} : memref<128x512xi32, #tpu.memory_space<vmem>>[vector<16xi32>, vector<16xi32>], vector<16xi32>, vector<16xi1>
      %parallel_loop3A_520 = vector.broadcast %squeeze3A : i32 to vector<16xi32>
      %parallel_loop3A_521 = arith.cmpi ugt, %parallel_loop3A_508, %parallel_loop3A_520 : vector<16xi32>
      %parallel_loop3A_522 = vector.broadcast %parallel_loop3A_235 : i32 to vector<16xi32>
      %parallel_loop3A_523 = arith.cmpi uge, %parallel_loop3A_505, %parallel_loop3A_522 : vector<16xi32>
      %parallel_loop3A_524 = vector.broadcast %parallel_loop3A_235 : i32 to vector<16xi32>
      %parallel_loop3A_525 = arith.xori %parallel_loop3A_505, %parallel_loop3A_524 : vector<16xi32>
      %parallel_loop3A_526 = arith.constant dense<-1> : vector<16xi32>
      %parallel_loop3A_527 = arith.xori %parallel_loop3A_505, %parallel_loop3A_526 : vector<16xi32>
      %parallel_loop3A_528 = arith.select %parallel_loop3A_523, %parallel_loop3A_525, %parallel_loop3A_527 : vector<16xi1>, vector<16xi32>
      %parallel_loop3A_529 = vector.bitcast %parallel_loop3A_528 : vector<16xi32> to vector<16xf32>
      %parallel_loop3A_530 = arith.constant 0.000000e+00 : f32
      %parallel_loop3A_531 = vector.broadcast %parallel_loop3A_530 : f32 to vector<16xf32>
      %parallel_loop3A_532 = arith.select %parallel_loop3A_521, %parallel_loop3A_529, %parallel_loop3A_531 : vector<16xi1>, vector<16xf32>
      %parallel_loop3A_533 = arith.addf %parallel_loop3A_421, %parallel_loop3A_532 : vector<16xf32>
      %parallel_loop3A_534 = arith.constant 4 : i32
      %parallel_loop3A_535 = arith.muli %parallel_loop3A_418, %parallel_loop3A_534 : i32
      %parallel_loop3A_536 = arith.constant 3 : i32
      %parallel_loop3A_537 = arith.addi %parallel_loop3A_535, %parallel_loop3A_536 : i32
      %parallel_loop3A_538 = arith.constant 16 : i32
      %parallel_loop3A_539 = arith.muli %parallel_loop3A_537, %parallel_loop3A_538 : i32
      %parallel_loop3A_540 = arith.index_cast %parallel_loop3A_539 : i32 to index
      %parallel_loop3A_541 = tpu.vector_load %arg5[%parallel_loop3A_540] {strides = array<i32>} : memref<16384xi32, #tpu.memory_space<vmem>>, vector<16xi32>,
      %parallel_loop3A_542 = vector.bitcast %parallel_loop3A_541 : vector<16xi32> to vector<16xi32>
      %parallel_loop3A_543 = arith.constant 16 : i32
      %parallel_loop3A_544 = vector.broadcast %parallel_loop3A_543 : i32 to vector<16xi32>
      %parallel_loop3A_545 = arith.shrui %parallel_loop3A_542, %parallel_loop3A_544 : vector<16xi32>
      %parallel_loop3A_546 = arith.constant 65535 : i32
      %parallel_loop3A_547 = vector.broadcast %parallel_loop3A_546 : i32 to vector<16xi32>
      %parallel_loop3A_548 = arith.andi %parallel_loop3A_542, %parallel_loop3A_547 : vector<16xi32>
      %parallel_loop3A_549 = arith.constant 9 : i32
      %parallel_loop3A_550 = vector.broadcast %parallel_loop3A_549 : i32 to vector<16xi32>
      %parallel_loop3A_551 = arith.shrsi %parallel_loop3A_548, %parallel_loop3A_550 : vector<16xi32>
      %parallel_loop3A_552 = arith.constant 511 : i32
      %parallel_loop3A_553 = vector.broadcast %parallel_loop3A_552 : i32 to vector<16xi32>
      %parallel_loop3A_554 = arith.andi %parallel_loop3A_548, %parallel_loop3A_553 : vector<16xi32>
      %parallel_loop3A_555 = vector.broadcast %squeeze3A : i32 to vector<16xi32>
      %parallel_loop3A_556 = arith.cmpi eq, %parallel_loop3A_545, %parallel_loop3A_555 : vector<16xi32>
      tpu.vector_store_idx %arg6[%parallel_loop3A_551, %parallel_loop3A_554], %broadcast_in_dim3A_3 masked %parallel_loop3A_556 {add = true} : memref<128x512xi32, #tpu.memory_space<vmem>>[vector<16xi32>, vector<16xi32>], vector<16xi32>, vector<16xi1>
      %parallel_loop3A_557 = vector.broadcast %squeeze3A : i32 to vector<16xi32>
      %parallel_loop3A_558 = arith.cmpi ugt, %parallel_loop3A_545, %parallel_loop3A_557 : vector<16xi32>
      %parallel_loop3A_559 = vector.broadcast %parallel_loop3A_235 : i32 to vector<16xi32>
      %parallel_loop3A_560 = arith.cmpi uge, %parallel_loop3A_542, %parallel_loop3A_559 : vector<16xi32>
      %parallel_loop3A_561 = vector.broadcast %parallel_loop3A_235 : i32 to vector<16xi32>
      %parallel_loop3A_562 = arith.xori %parallel_loop3A_542, %parallel_loop3A_561 : vector<16xi32>
      %parallel_loop3A_563 = arith.constant dense<-1> : vector<16xi32>
      %parallel_loop3A_564 = arith.xori %parallel_loop3A_542, %parallel_loop3A_563 : vector<16xi32>
      %parallel_loop3A_565 = arith.select %parallel_loop3A_560, %parallel_loop3A_562, %parallel_loop3A_564 : vector<16xi1>, vector<16xi32>
      %parallel_loop3A_566 = vector.bitcast %parallel_loop3A_565 : vector<16xi32> to vector<16xf32>
      %parallel_loop3A_567 = arith.constant 0.000000e+00 : f32
      %parallel_loop3A_568 = vector.broadcast %parallel_loop3A_567 : f32 to vector<16xf32>
      %parallel_loop3A_569 = arith.select %parallel_loop3A_558, %parallel_loop3A_566, %parallel_loop3A_568 : vector<16xi1>, vector<16xf32>
      %parallel_loop3A_570 = arith.addf %parallel_loop3A_422, %parallel_loop3A_569 : vector<16xf32>
      scf.yield %parallel_loop3A_459, %parallel_loop3A_496, %parallel_loop3A_533, %parallel_loop3A_570 : vector<16xf32>, vector<16xf32>, vector<16xf32>, vector<16xf32>
    } {sc.loop_unroll_factor = 2 : i64, sc.parallel_access}
    %add3A_237 = arith.constant 81920 : i32
    %add3A_238 = arith.addi %mul3A_0, %add3A_237 : i32
    %dma_start3A_239 = tpu.memref_slice %arg2[%add3A_238] : memref<2097152xi32, #tpu.memory_space<hbm>> -> memref<16384xi32, #tpu.memory_space<hbm>>
    %dma_start3A_240 = tpu.memref_slice %arg2[%add3A_238] : memref<2097152xi32, #tpu.memory_space<hbm>> -> memref<16384xi32, #tpu.memory_space<hbm>>
    tpu.enqueue_dma source(%dma_start3A_240 : memref<16384xi32, #tpu.memory_space<hbm>>) target(%arg5 : memref<16384xi32, #tpu.memory_space<vmem>>) target_semaphore(%arg18 : memref<!tpu.dma_semaphore, #tpu.memory_space<semaphore_mem>>)
    %dma_wait3A_241 = tpu.memref_slice %arg2[%add3A_227] : memref<2097152xi32, #tpu.memory_space<hbm>> -> memref<16384xi32, #tpu.memory_space<hbm>>
    %dma_wait3A_242 = tpu.memref_slice %arg2[%add3A_227] : memref<2097152xi32, #tpu.memory_space<hbm>> -> memref<16384xi32, #tpu.memory_space<hbm>>
    tpu.wait_dma2 semaphore(%arg17 : memref<!tpu.dma_semaphore, #tpu.memory_space<semaphore_mem>>) src(%dma_wait3A_242 : memref<16384xi32, #tpu.memory_space<hbm>>) dst(%arg4 : memref<16384xi32, #tpu.memory_space<vmem>>)
    %parallel_loop3A_243 = arith.constant 0 : i32
    %parallel_loop3A_244 = arith.constant 256 : i32
    %parallel_loop3A_245 = arith.constant 1 : i32
    %parallel_loop3A_246 = arith.constant -2147483648 : i32
    %parallel_loop3A_247:4 = scf.for %parallel_loop3A_418 = %parallel_loop3A_243 to %parallel_loop3A_244 step %parallel_loop3A_245 iter_args(%parallel_loop3A_419 = %parallel_loop3A_236#0, %parallel_loop3A_420 = %parallel_loop3A_236#1, %parallel_loop3A_421 = %parallel_loop3A_236#2, %parallel_loop3A_422 = %parallel_loop3A_236#3) -> (vector<16xf32>, vector<16xf32>, vector<16xf32>, vector<16xf32>)  : i32 {
      %parallel_loop3A_423 = arith.constant 4 : i32
      %parallel_loop3A_424 = arith.muli %parallel_loop3A_418, %parallel_loop3A_423 : i32
      %parallel_loop3A_425 = arith.constant 0 : i32
      %parallel_loop3A_426 = arith.addi %parallel_loop3A_424, %parallel_loop3A_425 : i32
      %parallel_loop3A_427 = arith.constant 16 : i32
      %parallel_loop3A_428 = arith.muli %parallel_loop3A_426, %parallel_loop3A_427 : i32
      %parallel_loop3A_429 = arith.index_cast %parallel_loop3A_428 : i32 to index
      %parallel_loop3A_430 = tpu.vector_load %arg4[%parallel_loop3A_429] {strides = array<i32>} : memref<16384xi32, #tpu.memory_space<vmem>>, vector<16xi32>,
      %parallel_loop3A_431 = vector.bitcast %parallel_loop3A_430 : vector<16xi32> to vector<16xi32>
      %parallel_loop3A_432 = arith.constant 16 : i32
      %parallel_loop3A_433 = vector.broadcast %parallel_loop3A_432 : i32 to vector<16xi32>
      %parallel_loop3A_434 = arith.shrui %parallel_loop3A_431, %parallel_loop3A_433 : vector<16xi32>
      %parallel_loop3A_435 = arith.constant 65535 : i32
      %parallel_loop3A_436 = vector.broadcast %parallel_loop3A_435 : i32 to vector<16xi32>
      %parallel_loop3A_437 = arith.andi %parallel_loop3A_431, %parallel_loop3A_436 : vector<16xi32>
      %parallel_loop3A_438 = arith.constant 9 : i32
      %parallel_loop3A_439 = vector.broadcast %parallel_loop3A_438 : i32 to vector<16xi32>
      %parallel_loop3A_440 = arith.shrsi %parallel_loop3A_437, %parallel_loop3A_439 : vector<16xi32>
      %parallel_loop3A_441 = arith.constant 511 : i32
      %parallel_loop3A_442 = vector.broadcast %parallel_loop3A_441 : i32 to vector<16xi32>
      %parallel_loop3A_443 = arith.andi %parallel_loop3A_437, %parallel_loop3A_442 : vector<16xi32>
      %parallel_loop3A_444 = vector.broadcast %squeeze3A : i32 to vector<16xi32>
      %parallel_loop3A_445 = arith.cmpi eq, %parallel_loop3A_434, %parallel_loop3A_444 : vector<16xi32>
      tpu.vector_store_idx %arg6[%parallel_loop3A_440, %parallel_loop3A_443], %broadcast_in_dim3A_3 masked %parallel_loop3A_445 {add = true} : memref<128x512xi32, #tpu.memory_space<vmem>>[vector<16xi32>, vector<16xi32>], vector<16xi32>, vector<16xi1>
      %parallel_loop3A_446 = vector.broadcast %squeeze3A : i32 to vector<16xi32>
      %parallel_loop3A_447 = arith.cmpi ugt, %parallel_loop3A_434, %parallel_loop3A_446 : vector<16xi32>
      %parallel_loop3A_448 = vector.broadcast %parallel_loop3A_246 : i32 to vector<16xi32>
      %parallel_loop3A_449 = arith.cmpi uge, %parallel_loop3A_431, %parallel_loop3A_448 : vector<16xi32>
      %parallel_loop3A_450 = vector.broadcast %parallel_loop3A_246 : i32 to vector<16xi32>
      %parallel_loop3A_451 = arith.xori %parallel_loop3A_431, %parallel_loop3A_450 : vector<16xi32>
      %parallel_loop3A_452 = arith.constant dense<-1> : vector<16xi32>
      %parallel_loop3A_453 = arith.xori %parallel_loop3A_431, %parallel_loop3A_452 : vector<16xi32>
      %parallel_loop3A_454 = arith.select %parallel_loop3A_449, %parallel_loop3A_451, %parallel_loop3A_453 : vector<16xi1>, vector<16xi32>
      %parallel_loop3A_455 = vector.bitcast %parallel_loop3A_454 : vector<16xi32> to vector<16xf32>
      %parallel_loop3A_456 = arith.constant 0.000000e+00 : f32
      %parallel_loop3A_457 = vector.broadcast %parallel_loop3A_456 : f32 to vector<16xf32>
      %parallel_loop3A_458 = arith.select %parallel_loop3A_447, %parallel_loop3A_455, %parallel_loop3A_457 : vector<16xi1>, vector<16xf32>
      %parallel_loop3A_459 = arith.addf %parallel_loop3A_419, %parallel_loop3A_458 : vector<16xf32>
      %parallel_loop3A_460 = arith.constant 4 : i32
      %parallel_loop3A_461 = arith.muli %parallel_loop3A_418, %parallel_loop3A_460 : i32
      %parallel_loop3A_462 = arith.constant 1 : i32
      %parallel_loop3A_463 = arith.addi %parallel_loop3A_461, %parallel_loop3A_462 : i32
      %parallel_loop3A_464 = arith.constant 16 : i32
      %parallel_loop3A_465 = arith.muli %parallel_loop3A_463, %parallel_loop3A_464 : i32
      %parallel_loop3A_466 = arith.index_cast %parallel_loop3A_465 : i32 to index
      %parallel_loop3A_467 = tpu.vector_load %arg4[%parallel_loop3A_466] {strides = array<i32>} : memref<16384xi32, #tpu.memory_space<vmem>>, vector<16xi32>,
      %parallel_loop3A_468 = vector.bitcast %parallel_loop3A_467 : vector<16xi32> to vector<16xi32>
      %parallel_loop3A_469 = arith.constant 16 : i32
      %parallel_loop3A_470 = vector.broadcast %parallel_loop3A_469 : i32 to vector<16xi32>
      %parallel_loop3A_471 = arith.shrui %parallel_loop3A_468, %parallel_loop3A_470 : vector<16xi32>
      %parallel_loop3A_472 = arith.constant 65535 : i32
      %parallel_loop3A_473 = vector.broadcast %parallel_loop3A_472 : i32 to vector<16xi32>
      %parallel_loop3A_474 = arith.andi %parallel_loop3A_468, %parallel_loop3A_473 : vector<16xi32>
      %parallel_loop3A_475 = arith.constant 9 : i32
      %parallel_loop3A_476 = vector.broadcast %parallel_loop3A_475 : i32 to vector<16xi32>
      %parallel_loop3A_477 = arith.shrsi %parallel_loop3A_474, %parallel_loop3A_476 : vector<16xi32>
      %parallel_loop3A_478 = arith.constant 511 : i32
      %parallel_loop3A_479 = vector.broadcast %parallel_loop3A_478 : i32 to vector<16xi32>
      %parallel_loop3A_480 = arith.andi %parallel_loop3A_474, %parallel_loop3A_479 : vector<16xi32>
      %parallel_loop3A_481 = vector.broadcast %squeeze3A : i32 to vector<16xi32>
      %parallel_loop3A_482 = arith.cmpi eq, %parallel_loop3A_471, %parallel_loop3A_481 : vector<16xi32>
      tpu.vector_store_idx %arg6[%parallel_loop3A_477, %parallel_loop3A_480], %broadcast_in_dim3A_3 masked %parallel_loop3A_482 {add = true} : memref<128x512xi32, #tpu.memory_space<vmem>>[vector<16xi32>, vector<16xi32>], vector<16xi32>, vector<16xi1>
      %parallel_loop3A_483 = vector.broadcast %squeeze3A : i32 to vector<16xi32>
      %parallel_loop3A_484 = arith.cmpi ugt, %parallel_loop3A_471, %parallel_loop3A_483 : vector<16xi32>
      %parallel_loop3A_485 = vector.broadcast %parallel_loop3A_246 : i32 to vector<16xi32>
      %parallel_loop3A_486 = arith.cmpi uge, %parallel_loop3A_468, %parallel_loop3A_485 : vector<16xi32>
      %parallel_loop3A_487 = vector.broadcast %parallel_loop3A_246 : i32 to vector<16xi32>
      %parallel_loop3A_488 = arith.xori %parallel_loop3A_468, %parallel_loop3A_487 : vector<16xi32>
      %parallel_loop3A_489 = arith.constant dense<-1> : vector<16xi32>
      %parallel_loop3A_490 = arith.xori %parallel_loop3A_468, %parallel_loop3A_489 : vector<16xi32>
      %parallel_loop3A_491 = arith.select %parallel_loop3A_486, %parallel_loop3A_488, %parallel_loop3A_490 : vector<16xi1>, vector<16xi32>
      %parallel_loop3A_492 = vector.bitcast %parallel_loop3A_491 : vector<16xi32> to vector<16xf32>
      %parallel_loop3A_493 = arith.constant 0.000000e+00 : f32
      %parallel_loop3A_494 = vector.broadcast %parallel_loop3A_493 : f32 to vector<16xf32>
      %parallel_loop3A_495 = arith.select %parallel_loop3A_484, %parallel_loop3A_492, %parallel_loop3A_494 : vector<16xi1>, vector<16xf32>
      %parallel_loop3A_496 = arith.addf %parallel_loop3A_420, %parallel_loop3A_495 : vector<16xf32>
      %parallel_loop3A_497 = arith.constant 4 : i32
      %parallel_loop3A_498 = arith.muli %parallel_loop3A_418, %parallel_loop3A_497 : i32
      %parallel_loop3A_499 = arith.constant 2 : i32
      %parallel_loop3A_500 = arith.addi %parallel_loop3A_498, %parallel_loop3A_499 : i32
      %parallel_loop3A_501 = arith.constant 16 : i32
      %parallel_loop3A_502 = arith.muli %parallel_loop3A_500, %parallel_loop3A_501 : i32
      %parallel_loop3A_503 = arith.index_cast %parallel_loop3A_502 : i32 to index
      %parallel_loop3A_504 = tpu.vector_load %arg4[%parallel_loop3A_503] {strides = array<i32>} : memref<16384xi32, #tpu.memory_space<vmem>>, vector<16xi32>,
      %parallel_loop3A_505 = vector.bitcast %parallel_loop3A_504 : vector<16xi32> to vector<16xi32>
      %parallel_loop3A_506 = arith.constant 16 : i32
      %parallel_loop3A_507 = vector.broadcast %parallel_loop3A_506 : i32 to vector<16xi32>
      %parallel_loop3A_508 = arith.shrui %parallel_loop3A_505, %parallel_loop3A_507 : vector<16xi32>
      %parallel_loop3A_509 = arith.constant 65535 : i32
      %parallel_loop3A_510 = vector.broadcast %parallel_loop3A_509 : i32 to vector<16xi32>
      %parallel_loop3A_511 = arith.andi %parallel_loop3A_505, %parallel_loop3A_510 : vector<16xi32>
      %parallel_loop3A_512 = arith.constant 9 : i32
      %parallel_loop3A_513 = vector.broadcast %parallel_loop3A_512 : i32 to vector<16xi32>
      %parallel_loop3A_514 = arith.shrsi %parallel_loop3A_511, %parallel_loop3A_513 : vector<16xi32>
      %parallel_loop3A_515 = arith.constant 511 : i32
      %parallel_loop3A_516 = vector.broadcast %parallel_loop3A_515 : i32 to vector<16xi32>
      %parallel_loop3A_517 = arith.andi %parallel_loop3A_511, %parallel_loop3A_516 : vector<16xi32>
      %parallel_loop3A_518 = vector.broadcast %squeeze3A : i32 to vector<16xi32>
      %parallel_loop3A_519 = arith.cmpi eq, %parallel_loop3A_508, %parallel_loop3A_518 : vector<16xi32>
      tpu.vector_store_idx %arg6[%parallel_loop3A_514, %parallel_loop3A_517], %broadcast_in_dim3A_3 masked %parallel_loop3A_519 {add = true} : memref<128x512xi32, #tpu.memory_space<vmem>>[vector<16xi32>, vector<16xi32>], vector<16xi32>, vector<16xi1>
      %parallel_loop3A_520 = vector.broadcast %squeeze3A : i32 to vector<16xi32>
      %parallel_loop3A_521 = arith.cmpi ugt, %parallel_loop3A_508, %parallel_loop3A_520 : vector<16xi32>
      %parallel_loop3A_522 = vector.broadcast %parallel_loop3A_246 : i32 to vector<16xi32>
      %parallel_loop3A_523 = arith.cmpi uge, %parallel_loop3A_505, %parallel_loop3A_522 : vector<16xi32>
      %parallel_loop3A_524 = vector.broadcast %parallel_loop3A_246 : i32 to vector<16xi32>
      %parallel_loop3A_525 = arith.xori %parallel_loop3A_505, %parallel_loop3A_524 : vector<16xi32>
      %parallel_loop3A_526 = arith.constant dense<-1> : vector<16xi32>
      %parallel_loop3A_527 = arith.xori %parallel_loop3A_505, %parallel_loop3A_526 : vector<16xi32>
      %parallel_loop3A_528 = arith.select %parallel_loop3A_523, %parallel_loop3A_525, %parallel_loop3A_527 : vector<16xi1>, vector<16xi32>
      %parallel_loop3A_529 = vector.bitcast %parallel_loop3A_528 : vector<16xi32> to vector<16xf32>
      %parallel_loop3A_530 = arith.constant 0.000000e+00 : f32
      %parallel_loop3A_531 = vector.broadcast %parallel_loop3A_530 : f32 to vector<16xf32>
      %parallel_loop3A_532 = arith.select %parallel_loop3A_521, %parallel_loop3A_529, %parallel_loop3A_531 : vector<16xi1>, vector<16xf32>
      %parallel_loop3A_533 = arith.addf %parallel_loop3A_421, %parallel_loop3A_532 : vector<16xf32>
      %parallel_loop3A_534 = arith.constant 4 : i32
      %parallel_loop3A_535 = arith.muli %parallel_loop3A_418, %parallel_loop3A_534 : i32
      %parallel_loop3A_536 = arith.constant 3 : i32
      %parallel_loop3A_537 = arith.addi %parallel_loop3A_535, %parallel_loop3A_536 : i32
      %parallel_loop3A_538 = arith.constant 16 : i32
      %parallel_loop3A_539 = arith.muli %parallel_loop3A_537, %parallel_loop3A_538 : i32
      %parallel_loop3A_540 = arith.index_cast %parallel_loop3A_539 : i32 to index
      %parallel_loop3A_541 = tpu.vector_load %arg4[%parallel_loop3A_540] {strides = array<i32>} : memref<16384xi32, #tpu.memory_space<vmem>>, vector<16xi32>,
      %parallel_loop3A_542 = vector.bitcast %parallel_loop3A_541 : vector<16xi32> to vector<16xi32>
      %parallel_loop3A_543 = arith.constant 16 : i32
      %parallel_loop3A_544 = vector.broadcast %parallel_loop3A_543 : i32 to vector<16xi32>
      %parallel_loop3A_545 = arith.shrui %parallel_loop3A_542, %parallel_loop3A_544 : vector<16xi32>
      %parallel_loop3A_546 = arith.constant 65535 : i32
      %parallel_loop3A_547 = vector.broadcast %parallel_loop3A_546 : i32 to vector<16xi32>
      %parallel_loop3A_548 = arith.andi %parallel_loop3A_542, %parallel_loop3A_547 : vector<16xi32>
      %parallel_loop3A_549 = arith.constant 9 : i32
      %parallel_loop3A_550 = vector.broadcast %parallel_loop3A_549 : i32 to vector<16xi32>
      %parallel_loop3A_551 = arith.shrsi %parallel_loop3A_548, %parallel_loop3A_550 : vector<16xi32>
      %parallel_loop3A_552 = arith.constant 511 : i32
      %parallel_loop3A_553 = vector.broadcast %parallel_loop3A_552 : i32 to vector<16xi32>
      %parallel_loop3A_554 = arith.andi %parallel_loop3A_548, %parallel_loop3A_553 : vector<16xi32>
      %parallel_loop3A_555 = vector.broadcast %squeeze3A : i32 to vector<16xi32>
      %parallel_loop3A_556 = arith.cmpi eq, %parallel_loop3A_545, %parallel_loop3A_555 : vector<16xi32>
      tpu.vector_store_idx %arg6[%parallel_loop3A_551, %parallel_loop3A_554], %broadcast_in_dim3A_3 masked %parallel_loop3A_556 {add = true} : memref<128x512xi32, #tpu.memory_space<vmem>>[vector<16xi32>, vector<16xi32>], vector<16xi32>, vector<16xi1>
      %parallel_loop3A_557 = vector.broadcast %squeeze3A : i32 to vector<16xi32>
      %parallel_loop3A_558 = arith.cmpi ugt, %parallel_loop3A_545, %parallel_loop3A_557 : vector<16xi32>
      %parallel_loop3A_559 = vector.broadcast %parallel_loop3A_246 : i32 to vector<16xi32>
      %parallel_loop3A_560 = arith.cmpi uge, %parallel_loop3A_542, %parallel_loop3A_559 : vector<16xi32>
      %parallel_loop3A_561 = vector.broadcast %parallel_loop3A_246 : i32 to vector<16xi32>
      %parallel_loop3A_562 = arith.xori %parallel_loop3A_542, %parallel_loop3A_561 : vector<16xi32>
      %parallel_loop3A_563 = arith.constant dense<-1> : vector<16xi32>
      %parallel_loop3A_564 = arith.xori %parallel_loop3A_542, %parallel_loop3A_563 : vector<16xi32>
      %parallel_loop3A_565 = arith.select %parallel_loop3A_560, %parallel_loop3A_562, %parallel_loop3A_564 : vector<16xi1>, vector<16xi32>
      %parallel_loop3A_566 = vector.bitcast %parallel_loop3A_565 : vector<16xi32> to vector<16xf32>
      %parallel_loop3A_567 = arith.constant 0.000000e+00 : f32
      %parallel_loop3A_568 = vector.broadcast %parallel_loop3A_567 : f32 to vector<16xf32>
      %parallel_loop3A_569 = arith.select %parallel_loop3A_558, %parallel_loop3A_566, %parallel_loop3A_568 : vector<16xi1>, vector<16xf32>
      %parallel_loop3A_570 = arith.addf %parallel_loop3A_422, %parallel_loop3A_569 : vector<16xf32>
      scf.yield %parallel_loop3A_459, %parallel_loop3A_496, %parallel_loop3A_533, %parallel_loop3A_570 : vector<16xf32>, vector<16xf32>, vector<16xf32>, vector<16xf32>
    } {sc.loop_unroll_factor = 2 : i64, sc.parallel_access}
    %add3A_248 = arith.constant 98304 : i32
    %add3A_249 = arith.addi %mul3A_0, %add3A_248 : i32
    %dma_start3A_250 = tpu.memref_slice %arg2[%add3A_249] : memref<2097152xi32, #tpu.memory_space<hbm>> -> memref<16384xi32, #tpu.memory_space<hbm>>
    %dma_start3A_251 = tpu.memref_slice %arg2[%add3A_249] : memref<2097152xi32, #tpu.memory_space<hbm>> -> memref<16384xi32, #tpu.memory_space<hbm>>
    tpu.enqueue_dma source(%dma_start3A_251 : memref<16384xi32, #tpu.memory_space<hbm>>) target(%arg4 : memref<16384xi32, #tpu.memory_space<vmem>>) target_semaphore(%arg17 : memref<!tpu.dma_semaphore, #tpu.memory_space<semaphore_mem>>)
    %dma_wait3A_252 = tpu.memref_slice %arg2[%add3A_238] : memref<2097152xi32, #tpu.memory_space<hbm>> -> memref<16384xi32, #tpu.memory_space<hbm>>
    %dma_wait3A_253 = tpu.memref_slice %arg2[%add3A_238] : memref<2097152xi32, #tpu.memory_space<hbm>> -> memref<16384xi32, #tpu.memory_space<hbm>>
    tpu.wait_dma2 semaphore(%arg18 : memref<!tpu.dma_semaphore, #tpu.memory_space<semaphore_mem>>) src(%dma_wait3A_253 : memref<16384xi32, #tpu.memory_space<hbm>>) dst(%arg5 : memref<16384xi32, #tpu.memory_space<vmem>>)
    %parallel_loop3A_254 = arith.constant 0 : i32
    %parallel_loop3A_255 = arith.constant 256 : i32
    %parallel_loop3A_256 = arith.constant 1 : i32
    %parallel_loop3A_257 = arith.constant -2147483648 : i32
    %parallel_loop3A_258:4 = scf.for %parallel_loop3A_418 = %parallel_loop3A_254 to %parallel_loop3A_255 step %parallel_loop3A_256 iter_args(%parallel_loop3A_419 = %parallel_loop3A_247#0, %parallel_loop3A_420 = %parallel_loop3A_247#1, %parallel_loop3A_421 = %parallel_loop3A_247#2, %parallel_loop3A_422 = %parallel_loop3A_247#3) -> (vector<16xf32>, vector<16xf32>, vector<16xf32>, vector<16xf32>)  : i32 {
      %parallel_loop3A_423 = arith.constant 4 : i32
      %parallel_loop3A_424 = arith.muli %parallel_loop3A_418, %parallel_loop3A_423 : i32
      %parallel_loop3A_425 = arith.constant 0 : i32
      %parallel_loop3A_426 = arith.addi %parallel_loop3A_424, %parallel_loop3A_425 : i32
      %parallel_loop3A_427 = arith.constant 16 : i32
      %parallel_loop3A_428 = arith.muli %parallel_loop3A_426, %parallel_loop3A_427 : i32
      %parallel_loop3A_429 = arith.index_cast %parallel_loop3A_428 : i32 to index
      %parallel_loop3A_430 = tpu.vector_load %arg5[%parallel_loop3A_429] {strides = array<i32>} : memref<16384xi32, #tpu.memory_space<vmem>>, vector<16xi32>,
      %parallel_loop3A_431 = vector.bitcast %parallel_loop3A_430 : vector<16xi32> to vector<16xi32>
      %parallel_loop3A_432 = arith.constant 16 : i32
      %parallel_loop3A_433 = vector.broadcast %parallel_loop3A_432 : i32 to vector<16xi32>
      %parallel_loop3A_434 = arith.shrui %parallel_loop3A_431, %parallel_loop3A_433 : vector<16xi32>
      %parallel_loop3A_435 = arith.constant 65535 : i32
      %parallel_loop3A_436 = vector.broadcast %parallel_loop3A_435 : i32 to vector<16xi32>
      %parallel_loop3A_437 = arith.andi %parallel_loop3A_431, %parallel_loop3A_436 : vector<16xi32>
      %parallel_loop3A_438 = arith.constant 9 : i32
      %parallel_loop3A_439 = vector.broadcast %parallel_loop3A_438 : i32 to vector<16xi32>
      %parallel_loop3A_440 = arith.shrsi %parallel_loop3A_437, %parallel_loop3A_439 : vector<16xi32>
      %parallel_loop3A_441 = arith.constant 511 : i32
      %parallel_loop3A_442 = vector.broadcast %parallel_loop3A_441 : i32 to vector<16xi32>
      %parallel_loop3A_443 = arith.andi %parallel_loop3A_437, %parallel_loop3A_442 : vector<16xi32>
      %parallel_loop3A_444 = vector.broadcast %squeeze3A : i32 to vector<16xi32>
      %parallel_loop3A_445 = arith.cmpi eq, %parallel_loop3A_434, %parallel_loop3A_444 : vector<16xi32>
      tpu.vector_store_idx %arg6[%parallel_loop3A_440, %parallel_loop3A_443], %broadcast_in_dim3A_3 masked %parallel_loop3A_445 {add = true} : memref<128x512xi32, #tpu.memory_space<vmem>>[vector<16xi32>, vector<16xi32>], vector<16xi32>, vector<16xi1>
      %parallel_loop3A_446 = vector.broadcast %squeeze3A : i32 to vector<16xi32>
      %parallel_loop3A_447 = arith.cmpi ugt, %parallel_loop3A_434, %parallel_loop3A_446 : vector<16xi32>
      %parallel_loop3A_448 = vector.broadcast %parallel_loop3A_257 : i32 to vector<16xi32>
      %parallel_loop3A_449 = arith.cmpi uge, %parallel_loop3A_431, %parallel_loop3A_448 : vector<16xi32>
      %parallel_loop3A_450 = vector.broadcast %parallel_loop3A_257 : i32 to vector<16xi32>
      %parallel_loop3A_451 = arith.xori %parallel_loop3A_431, %parallel_loop3A_450 : vector<16xi32>
      %parallel_loop3A_452 = arith.constant dense<-1> : vector<16xi32>
      %parallel_loop3A_453 = arith.xori %parallel_loop3A_431, %parallel_loop3A_452 : vector<16xi32>
      %parallel_loop3A_454 = arith.select %parallel_loop3A_449, %parallel_loop3A_451, %parallel_loop3A_453 : vector<16xi1>, vector<16xi32>
      %parallel_loop3A_455 = vector.bitcast %parallel_loop3A_454 : vector<16xi32> to vector<16xf32>
      %parallel_loop3A_456 = arith.constant 0.000000e+00 : f32
      %parallel_loop3A_457 = vector.broadcast %parallel_loop3A_456 : f32 to vector<16xf32>
      %parallel_loop3A_458 = arith.select %parallel_loop3A_447, %parallel_loop3A_455, %parallel_loop3A_457 : vector<16xi1>, vector<16xf32>
      %parallel_loop3A_459 = arith.addf %parallel_loop3A_419, %parallel_loop3A_458 : vector<16xf32>
      %parallel_loop3A_460 = arith.constant 4 : i32
      %parallel_loop3A_461 = arith.muli %parallel_loop3A_418, %parallel_loop3A_460 : i32
      %parallel_loop3A_462 = arith.constant 1 : i32
      %parallel_loop3A_463 = arith.addi %parallel_loop3A_461, %parallel_loop3A_462 : i32
      %parallel_loop3A_464 = arith.constant 16 : i32
      %parallel_loop3A_465 = arith.muli %parallel_loop3A_463, %parallel_loop3A_464 : i32
      %parallel_loop3A_466 = arith.index_cast %parallel_loop3A_465 : i32 to index
      %parallel_loop3A_467 = tpu.vector_load %arg5[%parallel_loop3A_466] {strides = array<i32>} : memref<16384xi32, #tpu.memory_space<vmem>>, vector<16xi32>,
      %parallel_loop3A_468 = vector.bitcast %parallel_loop3A_467 : vector<16xi32> to vector<16xi32>
      %parallel_loop3A_469 = arith.constant 16 : i32
      %parallel_loop3A_470 = vector.broadcast %parallel_loop3A_469 : i32 to vector<16xi32>
      %parallel_loop3A_471 = arith.shrui %parallel_loop3A_468, %parallel_loop3A_470 : vector<16xi32>
      %parallel_loop3A_472 = arith.constant 65535 : i32
      %parallel_loop3A_473 = vector.broadcast %parallel_loop3A_472 : i32 to vector<16xi32>
      %parallel_loop3A_474 = arith.andi %parallel_loop3A_468, %parallel_loop3A_473 : vector<16xi32>
      %parallel_loop3A_475 = arith.constant 9 : i32
      %parallel_loop3A_476 = vector.broadcast %parallel_loop3A_475 : i32 to vector<16xi32>
      %parallel_loop3A_477 = arith.shrsi %parallel_loop3A_474, %parallel_loop3A_476 : vector<16xi32>
      %parallel_loop3A_478 = arith.constant 511 : i32
      %parallel_loop3A_479 = vector.broadcast %parallel_loop3A_478 : i32 to vector<16xi32>
      %parallel_loop3A_480 = arith.andi %parallel_loop3A_474, %parallel_loop3A_479 : vector<16xi32>
      %parallel_loop3A_481 = vector.broadcast %squeeze3A : i32 to vector<16xi32>
      %parallel_loop3A_482 = arith.cmpi eq, %parallel_loop3A_471, %parallel_loop3A_481 : vector<16xi32>
      tpu.vector_store_idx %arg6[%parallel_loop3A_477, %parallel_loop3A_480], %broadcast_in_dim3A_3 masked %parallel_loop3A_482 {add = true} : memref<128x512xi32, #tpu.memory_space<vmem>>[vector<16xi32>, vector<16xi32>], vector<16xi32>, vector<16xi1>
      %parallel_loop3A_483 = vector.broadcast %squeeze3A : i32 to vector<16xi32>
      %parallel_loop3A_484 = arith.cmpi ugt, %parallel_loop3A_471, %parallel_loop3A_483 : vector<16xi32>
      %parallel_loop3A_485 = vector.broadcast %parallel_loop3A_257 : i32 to vector<16xi32>
      %parallel_loop3A_486 = arith.cmpi uge, %parallel_loop3A_468, %parallel_loop3A_485 : vector<16xi32>
      %parallel_loop3A_487 = vector.broadcast %parallel_loop3A_257 : i32 to vector<16xi32>
      %parallel_loop3A_488 = arith.xori %parallel_loop3A_468, %parallel_loop3A_487 : vector<16xi32>
      %parallel_loop3A_489 = arith.constant dense<-1> : vector<16xi32>
      %parallel_loop3A_490 = arith.xori %parallel_loop3A_468, %parallel_loop3A_489 : vector<16xi32>
      %parallel_loop3A_491 = arith.select %parallel_loop3A_486, %parallel_loop3A_488, %parallel_loop3A_490 : vector<16xi1>, vector<16xi32>
      %parallel_loop3A_492 = vector.bitcast %parallel_loop3A_491 : vector<16xi32> to vector<16xf32>
      %parallel_loop3A_493 = arith.constant 0.000000e+00 : f32
      %parallel_loop3A_494 = vector.broadcast %parallel_loop3A_493 : f32 to vector<16xf32>
      %parallel_loop3A_495 = arith.select %parallel_loop3A_484, %parallel_loop3A_492, %parallel_loop3A_494 : vector<16xi1>, vector<16xf32>
      %parallel_loop3A_496 = arith.addf %parallel_loop3A_420, %parallel_loop3A_495 : vector<16xf32>
      %parallel_loop3A_497 = arith.constant 4 : i32
      %parallel_loop3A_498 = arith.muli %parallel_loop3A_418, %parallel_loop3A_497 : i32
      %parallel_loop3A_499 = arith.constant 2 : i32
      %parallel_loop3A_500 = arith.addi %parallel_loop3A_498, %parallel_loop3A_499 : i32
      %parallel_loop3A_501 = arith.constant 16 : i32
      %parallel_loop3A_502 = arith.muli %parallel_loop3A_500, %parallel_loop3A_501 : i32
      %parallel_loop3A_503 = arith.index_cast %parallel_loop3A_502 : i32 to index
      %parallel_loop3A_504 = tpu.vector_load %arg5[%parallel_loop3A_503] {strides = array<i32>} : memref<16384xi32, #tpu.memory_space<vmem>>, vector<16xi32>,
      %parallel_loop3A_505 = vector.bitcast %parallel_loop3A_504 : vector<16xi32> to vector<16xi32>
      %parallel_loop3A_506 = arith.constant 16 : i32
      %parallel_loop3A_507 = vector.broadcast %parallel_loop3A_506 : i32 to vector<16xi32>
      %parallel_loop3A_508 = arith.shrui %parallel_loop3A_505, %parallel_loop3A_507 : vector<16xi32>
      %parallel_loop3A_509 = arith.constant 65535 : i32
      %parallel_loop3A_510 = vector.broadcast %parallel_loop3A_509 : i32 to vector<16xi32>
      %parallel_loop3A_511 = arith.andi %parallel_loop3A_505, %parallel_loop3A_510 : vector<16xi32>
      %parallel_loop3A_512 = arith.constant 9 : i32
      %parallel_loop3A_513 = vector.broadcast %parallel_loop3A_512 : i32 to vector<16xi32>
      %parallel_loop3A_514 = arith.shrsi %parallel_loop3A_511, %parallel_loop3A_513 : vector<16xi32>
      %parallel_loop3A_515 = arith.constant 511 : i32
      %parallel_loop3A_516 = vector.broadcast %parallel_loop3A_515 : i32 to vector<16xi32>
      %parallel_loop3A_517 = arith.andi %parallel_loop3A_511, %parallel_loop3A_516 : vector<16xi32>
      %parallel_loop3A_518 = vector.broadcast %squeeze3A : i32 to vector<16xi32>
      %parallel_loop3A_519 = arith.cmpi eq, %parallel_loop3A_508, %parallel_loop3A_518 : vector<16xi32>
      tpu.vector_store_idx %arg6[%parallel_loop3A_514, %parallel_loop3A_517], %broadcast_in_dim3A_3 masked %parallel_loop3A_519 {add = true} : memref<128x512xi32, #tpu.memory_space<vmem>>[vector<16xi32>, vector<16xi32>], vector<16xi32>, vector<16xi1>
      %parallel_loop3A_520 = vector.broadcast %squeeze3A : i32 to vector<16xi32>
      %parallel_loop3A_521 = arith.cmpi ugt, %parallel_loop3A_508, %parallel_loop3A_520 : vector<16xi32>
      %parallel_loop3A_522 = vector.broadcast %parallel_loop3A_257 : i32 to vector<16xi32>
      %parallel_loop3A_523 = arith.cmpi uge, %parallel_loop3A_505, %parallel_loop3A_522 : vector<16xi32>
      %parallel_loop3A_524 = vector.broadcast %parallel_loop3A_257 : i32 to vector<16xi32>
      %parallel_loop3A_525 = arith.xori %parallel_loop3A_505, %parallel_loop3A_524 : vector<16xi32>
      %parallel_loop3A_526 = arith.constant dense<-1> : vector<16xi32>
      %parallel_loop3A_527 = arith.xori %parallel_loop3A_505, %parallel_loop3A_526 : vector<16xi32>
      %parallel_loop3A_528 = arith.select %parallel_loop3A_523, %parallel_loop3A_525, %parallel_loop3A_527 : vector<16xi1>, vector<16xi32>
      %parallel_loop3A_529 = vector.bitcast %parallel_loop3A_528 : vector<16xi32> to vector<16xf32>
      %parallel_loop3A_530 = arith.constant 0.000000e+00 : f32
      %parallel_loop3A_531 = vector.broadcast %parallel_loop3A_530 : f32 to vector<16xf32>
      %parallel_loop3A_532 = arith.select %parallel_loop3A_521, %parallel_loop3A_529, %parallel_loop3A_531 : vector<16xi1>, vector<16xf32>
      %parallel_loop3A_533 = arith.addf %parallel_loop3A_421, %parallel_loop3A_532 : vector<16xf32>
      %parallel_loop3A_534 = arith.constant 4 : i32
      %parallel_loop3A_535 = arith.muli %parallel_loop3A_418, %parallel_loop3A_534 : i32
      %parallel_loop3A_536 = arith.constant 3 : i32
      %parallel_loop3A_537 = arith.addi %parallel_loop3A_535, %parallel_loop3A_536 : i32
      %parallel_loop3A_538 = arith.constant 16 : i32
      %parallel_loop3A_539 = arith.muli %parallel_loop3A_537, %parallel_loop3A_538 : i32
      %parallel_loop3A_540 = arith.index_cast %parallel_loop3A_539 : i32 to index
      %parallel_loop3A_541 = tpu.vector_load %arg5[%parallel_loop3A_540] {strides = array<i32>} : memref<16384xi32, #tpu.memory_space<vmem>>, vector<16xi32>,
      %parallel_loop3A_542 = vector.bitcast %parallel_loop3A_541 : vector<16xi32> to vector<16xi32>
      %parallel_loop3A_543 = arith.constant 16 : i32
      %parallel_loop3A_544 = vector.broadcast %parallel_loop3A_543 : i32 to vector<16xi32>
      %parallel_loop3A_545 = arith.shrui %parallel_loop3A_542, %parallel_loop3A_544 : vector<16xi32>
      %parallel_loop3A_546 = arith.constant 65535 : i32
      %parallel_loop3A_547 = vector.broadcast %parallel_loop3A_546 : i32 to vector<16xi32>
      %parallel_loop3A_548 = arith.andi %parallel_loop3A_542, %parallel_loop3A_547 : vector<16xi32>
      %parallel_loop3A_549 = arith.constant 9 : i32
      %parallel_loop3A_550 = vector.broadcast %parallel_loop3A_549 : i32 to vector<16xi32>
      %parallel_loop3A_551 = arith.shrsi %parallel_loop3A_548, %parallel_loop3A_550 : vector<16xi32>
      %parallel_loop3A_552 = arith.constant 511 : i32
      %parallel_loop3A_553 = vector.broadcast %parallel_loop3A_552 : i32 to vector<16xi32>
      %parallel_loop3A_554 = arith.andi %parallel_loop3A_548, %parallel_loop3A_553 : vector<16xi32>
      %parallel_loop3A_555 = vector.broadcast %squeeze3A : i32 to vector<16xi32>
      %parallel_loop3A_556 = arith.cmpi eq, %parallel_loop3A_545, %parallel_loop3A_555 : vector<16xi32>
      tpu.vector_store_idx %arg6[%parallel_loop3A_551, %parallel_loop3A_554], %broadcast_in_dim3A_3 masked %parallel_loop3A_556 {add = true} : memref<128x512xi32, #tpu.memory_space<vmem>>[vector<16xi32>, vector<16xi32>], vector<16xi32>, vector<16xi1>
      %parallel_loop3A_557 = vector.broadcast %squeeze3A : i32 to vector<16xi32>
      %parallel_loop3A_558 = arith.cmpi ugt, %parallel_loop3A_545, %parallel_loop3A_557 : vector<16xi32>
      %parallel_loop3A_559 = vector.broadcast %parallel_loop3A_257 : i32 to vector<16xi32>
      %parallel_loop3A_560 = arith.cmpi uge, %parallel_loop3A_542, %parallel_loop3A_559 : vector<16xi32>
      %parallel_loop3A_561 = vector.broadcast %parallel_loop3A_257 : i32 to vector<16xi32>
      %parallel_loop3A_562 = arith.xori %parallel_loop3A_542, %parallel_loop3A_561 : vector<16xi32>
      %parallel_loop3A_563 = arith.constant dense<-1> : vector<16xi32>
      %parallel_loop3A_564 = arith.xori %parallel_loop3A_542, %parallel_loop3A_563 : vector<16xi32>
      %parallel_loop3A_565 = arith.select %parallel_loop3A_560, %parallel_loop3A_562, %parallel_loop3A_564 : vector<16xi1>, vector<16xi32>
      %parallel_loop3A_566 = vector.bitcast %parallel_loop3A_565 : vector<16xi32> to vector<16xf32>
      %parallel_loop3A_567 = arith.constant 0.000000e+00 : f32
      %parallel_loop3A_568 = vector.broadcast %parallel_loop3A_567 : f32 to vector<16xf32>
      %parallel_loop3A_569 = arith.select %parallel_loop3A_558, %parallel_loop3A_566, %parallel_loop3A_568 : vector<16xi1>, vector<16xf32>
      %parallel_loop3A_570 = arith.addf %parallel_loop3A_422, %parallel_loop3A_569 : vector<16xf32>
      scf.yield %parallel_loop3A_459, %parallel_loop3A_496, %parallel_loop3A_533, %parallel_loop3A_570 : vector<16xf32>, vector<16xf32>, vector<16xf32>, vector<16xf32>
    } {sc.loop_unroll_factor = 2 : i64, sc.parallel_access}
    %add3A_259 = arith.constant 114688 : i32
    %add3A_260 = arith.addi %mul3A_0, %add3A_259 : i32
    %dma_start3A_261 = tpu.memref_slice %arg2[%add3A_260] : memref<2097152xi32, #tpu.memory_space<hbm>> -> memref<16384xi32, #tpu.memory_space<hbm>>
    %dma_start3A_262 = tpu.memref_slice %arg2[%add3A_260] : memref<2097152xi32, #tpu.memory_space<hbm>> -> memref<16384xi32, #tpu.memory_space<hbm>>
    tpu.enqueue_dma source(%dma_start3A_262 : memref<16384xi32, #tpu.memory_space<hbm>>) target(%arg5 : memref<16384xi32, #tpu.memory_space<vmem>>) target_semaphore(%arg18 : memref<!tpu.dma_semaphore, #tpu.memory_space<semaphore_mem>>)
    %dma_wait3A_263 = tpu.memref_slice %arg2[%add3A_249] : memref<2097152xi32, #tpu.memory_space<hbm>> -> memref<16384xi32, #tpu.memory_space<hbm>>
    %dma_wait3A_264 = tpu.memref_slice %arg2[%add3A_249] : memref<2097152xi32, #tpu.memory_space<hbm>> -> memref<16384xi32, #tpu.memory_space<hbm>>
    tpu.wait_dma2 semaphore(%arg17 : memref<!tpu.dma_semaphore, #tpu.memory_space<semaphore_mem>>) src(%dma_wait3A_264 : memref<16384xi32, #tpu.memory_space<hbm>>) dst(%arg4 : memref<16384xi32, #tpu.memory_space<vmem>>)
    %parallel_loop3A_265 = arith.constant 0 : i32
    %parallel_loop3A_266 = arith.constant 256 : i32
    %parallel_loop3A_267 = arith.constant 1 : i32
    %parallel_loop3A_268 = arith.constant -2147483648 : i32
    %parallel_loop3A_269:4 = scf.for %parallel_loop3A_418 = %parallel_loop3A_265 to %parallel_loop3A_266 step %parallel_loop3A_267 iter_args(%parallel_loop3A_419 = %parallel_loop3A_258#0, %parallel_loop3A_420 = %parallel_loop3A_258#1, %parallel_loop3A_421 = %parallel_loop3A_258#2, %parallel_loop3A_422 = %parallel_loop3A_258#3) -> (vector<16xf32>, vector<16xf32>, vector<16xf32>, vector<16xf32>)  : i32 {
      %parallel_loop3A_423 = arith.constant 4 : i32
      %parallel_loop3A_424 = arith.muli %parallel_loop3A_418, %parallel_loop3A_423 : i32
      %parallel_loop3A_425 = arith.constant 0 : i32
      %parallel_loop3A_426 = arith.addi %parallel_loop3A_424, %parallel_loop3A_425 : i32
      %parallel_loop3A_427 = arith.constant 16 : i32
      %parallel_loop3A_428 = arith.muli %parallel_loop3A_426, %parallel_loop3A_427 : i32
      %parallel_loop3A_429 = arith.index_cast %parallel_loop3A_428 : i32 to index
      %parallel_loop3A_430 = tpu.vector_load %arg4[%parallel_loop3A_429] {strides = array<i32>} : memref<16384xi32, #tpu.memory_space<vmem>>, vector<16xi32>,
      %parallel_loop3A_431 = vector.bitcast %parallel_loop3A_430 : vector<16xi32> to vector<16xi32>
      %parallel_loop3A_432 = arith.constant 16 : i32
      %parallel_loop3A_433 = vector.broadcast %parallel_loop3A_432 : i32 to vector<16xi32>
      %parallel_loop3A_434 = arith.shrui %parallel_loop3A_431, %parallel_loop3A_433 : vector<16xi32>
      %parallel_loop3A_435 = arith.constant 65535 : i32
      %parallel_loop3A_436 = vector.broadcast %parallel_loop3A_435 : i32 to vector<16xi32>
      %parallel_loop3A_437 = arith.andi %parallel_loop3A_431, %parallel_loop3A_436 : vector<16xi32>
      %parallel_loop3A_438 = arith.constant 9 : i32
      %parallel_loop3A_439 = vector.broadcast %parallel_loop3A_438 : i32 to vector<16xi32>
      %parallel_loop3A_440 = arith.shrsi %parallel_loop3A_437, %parallel_loop3A_439 : vector<16xi32>
      %parallel_loop3A_441 = arith.constant 511 : i32
      %parallel_loop3A_442 = vector.broadcast %parallel_loop3A_441 : i32 to vector<16xi32>
      %parallel_loop3A_443 = arith.andi %parallel_loop3A_437, %parallel_loop3A_442 : vector<16xi32>
      %parallel_loop3A_444 = vector.broadcast %squeeze3A : i32 to vector<16xi32>
      %parallel_loop3A_445 = arith.cmpi eq, %parallel_loop3A_434, %parallel_loop3A_444 : vector<16xi32>
      tpu.vector_store_idx %arg6[%parallel_loop3A_440, %parallel_loop3A_443], %broadcast_in_dim3A_3 masked %parallel_loop3A_445 {add = true} : memref<128x512xi32, #tpu.memory_space<vmem>>[vector<16xi32>, vector<16xi32>], vector<16xi32>, vector<16xi1>
      %parallel_loop3A_446 = vector.broadcast %squeeze3A : i32 to vector<16xi32>
      %parallel_loop3A_447 = arith.cmpi ugt, %parallel_loop3A_434, %parallel_loop3A_446 : vector<16xi32>
      %parallel_loop3A_448 = vector.broadcast %parallel_loop3A_268 : i32 to vector<16xi32>
      %parallel_loop3A_449 = arith.cmpi uge, %parallel_loop3A_431, %parallel_loop3A_448 : vector<16xi32>
      %parallel_loop3A_450 = vector.broadcast %parallel_loop3A_268 : i32 to vector<16xi32>
      %parallel_loop3A_451 = arith.xori %parallel_loop3A_431, %parallel_loop3A_450 : vector<16xi32>
      %parallel_loop3A_452 = arith.constant dense<-1> : vector<16xi32>
      %parallel_loop3A_453 = arith.xori %parallel_loop3A_431, %parallel_loop3A_452 : vector<16xi32>
      %parallel_loop3A_454 = arith.select %parallel_loop3A_449, %parallel_loop3A_451, %parallel_loop3A_453 : vector<16xi1>, vector<16xi32>
      %parallel_loop3A_455 = vector.bitcast %parallel_loop3A_454 : vector<16xi32> to vector<16xf32>
      %parallel_loop3A_456 = arith.constant 0.000000e+00 : f32
      %parallel_loop3A_457 = vector.broadcast %parallel_loop3A_456 : f32 to vector<16xf32>
      %parallel_loop3A_458 = arith.select %parallel_loop3A_447, %parallel_loop3A_455, %parallel_loop3A_457 : vector<16xi1>, vector<16xf32>
      %parallel_loop3A_459 = arith.addf %parallel_loop3A_419, %parallel_loop3A_458 : vector<16xf32>
      %parallel_loop3A_460 = arith.constant 4 : i32
      %parallel_loop3A_461 = arith.muli %parallel_loop3A_418, %parallel_loop3A_460 : i32
      %parallel_loop3A_462 = arith.constant 1 : i32
      %parallel_loop3A_463 = arith.addi %parallel_loop3A_461, %parallel_loop3A_462 : i32
      %parallel_loop3A_464 = arith.constant 16 : i32
      %parallel_loop3A_465 = arith.muli %parallel_loop3A_463, %parallel_loop3A_464 : i32
      %parallel_loop3A_466 = arith.index_cast %parallel_loop3A_465 : i32 to index
      %parallel_loop3A_467 = tpu.vector_load %arg4[%parallel_loop3A_466] {strides = array<i32>} : memref<16384xi32, #tpu.memory_space<vmem>>, vector<16xi32>,
      %parallel_loop3A_468 = vector.bitcast %parallel_loop3A_467 : vector<16xi32> to vector<16xi32>
      %parallel_loop3A_469 = arith.constant 16 : i32
      %parallel_loop3A_470 = vector.broadcast %parallel_loop3A_469 : i32 to vector<16xi32>
      %parallel_loop3A_471 = arith.shrui %parallel_loop3A_468, %parallel_loop3A_470 : vector<16xi32>
      %parallel_loop3A_472 = arith.constant 65535 : i32
      %parallel_loop3A_473 = vector.broadcast %parallel_loop3A_472 : i32 to vector<16xi32>
      %parallel_loop3A_474 = arith.andi %parallel_loop3A_468, %parallel_loop3A_473 : vector<16xi32>
      %parallel_loop3A_475 = arith.constant 9 : i32
      %parallel_loop3A_476 = vector.broadcast %parallel_loop3A_475 : i32 to vector<16xi32>
      %parallel_loop3A_477 = arith.shrsi %parallel_loop3A_474, %parallel_loop3A_476 : vector<16xi32>
      %parallel_loop3A_478 = arith.constant 511 : i32
      %parallel_loop3A_479 = vector.broadcast %parallel_loop3A_478 : i32 to vector<16xi32>
      %parallel_loop3A_480 = arith.andi %parallel_loop3A_474, %parallel_loop3A_479 : vector<16xi32>
      %parallel_loop3A_481 = vector.broadcast %squeeze3A : i32 to vector<16xi32>
      %parallel_loop3A_482 = arith.cmpi eq, %parallel_loop3A_471, %parallel_loop3A_481 : vector<16xi32>
      tpu.vector_store_idx %arg6[%parallel_loop3A_477, %parallel_loop3A_480], %broadcast_in_dim3A_3 masked %parallel_loop3A_482 {add = true} : memref<128x512xi32, #tpu.memory_space<vmem>>[vector<16xi32>, vector<16xi32>], vector<16xi32>, vector<16xi1>
      %parallel_loop3A_483 = vector.broadcast %squeeze3A : i32 to vector<16xi32>
      %parallel_loop3A_484 = arith.cmpi ugt, %parallel_loop3A_471, %parallel_loop3A_483 : vector<16xi32>
      %parallel_loop3A_485 = vector.broadcast %parallel_loop3A_268 : i32 to vector<16xi32>
      %parallel_loop3A_486 = arith.cmpi uge, %parallel_loop3A_468, %parallel_loop3A_485 : vector<16xi32>
      %parallel_loop3A_487 = vector.broadcast %parallel_loop3A_268 : i32 to vector<16xi32>
      %parallel_loop3A_488 = arith.xori %parallel_loop3A_468, %parallel_loop3A_487 : vector<16xi32>
      %parallel_loop3A_489 = arith.constant dense<-1> : vector<16xi32>
      %parallel_loop3A_490 = arith.xori %parallel_loop3A_468, %parallel_loop3A_489 : vector<16xi32>
      %parallel_loop3A_491 = arith.select %parallel_loop3A_486, %parallel_loop3A_488, %parallel_loop3A_490 : vector<16xi1>, vector<16xi32>
      %parallel_loop3A_492 = vector.bitcast %parallel_loop3A_491 : vector<16xi32> to vector<16xf32>
      %parallel_loop3A_493 = arith.constant 0.000000e+00 : f32
      %parallel_loop3A_494 = vector.broadcast %parallel_loop3A_493 : f32 to vector<16xf32>
      %parallel_loop3A_495 = arith.select %parallel_loop3A_484, %parallel_loop3A_492, %parallel_loop3A_494 : vector<16xi1>, vector<16xf32>
      %parallel_loop3A_496 = arith.addf %parallel_loop3A_420, %parallel_loop3A_495 : vector<16xf32>
      %parallel_loop3A_497 = arith.constant 4 : i32
      %parallel_loop3A_498 = arith.muli %parallel_loop3A_418, %parallel_loop3A_497 : i32
      %parallel_loop3A_499 = arith.constant 2 : i32
      %parallel_loop3A_500 = arith.addi %parallel_loop3A_498, %parallel_loop3A_499 : i32
      %parallel_loop3A_501 = arith.constant 16 : i32
      %parallel_loop3A_502 = arith.muli %parallel_loop3A_500, %parallel_loop3A_501 : i32
      %parallel_loop3A_503 = arith.index_cast %parallel_loop3A_502 : i32 to index
      %parallel_loop3A_504 = tpu.vector_load %arg4[%parallel_loop3A_503] {strides = array<i32>} : memref<16384xi32, #tpu.memory_space<vmem>>, vector<16xi32>,
      %parallel_loop3A_505 = vector.bitcast %parallel_loop3A_504 : vector<16xi32> to vector<16xi32>
      %parallel_loop3A_506 = arith.constant 16 : i32
      %parallel_loop3A_507 = vector.broadcast %parallel_loop3A_506 : i32 to vector<16xi32>
      %parallel_loop3A_508 = arith.shrui %parallel_loop3A_505, %parallel_loop3A_507 : vector<16xi32>
      %parallel_loop3A_509 = arith.constant 65535 : i32
      %parallel_loop3A_510 = vector.broadcast %parallel_loop3A_509 : i32 to vector<16xi32>
      %parallel_loop3A_511 = arith.andi %parallel_loop3A_505, %parallel_loop3A_510 : vector<16xi32>
      %parallel_loop3A_512 = arith.constant 9 : i32
      %parallel_loop3A_513 = vector.broadcast %parallel_loop3A_512 : i32 to vector<16xi32>
      %parallel_loop3A_514 = arith.shrsi %parallel_loop3A_511, %parallel_loop3A_513 : vector<16xi32>
      %parallel_loop3A_515 = arith.constant 511 : i32
      %parallel_loop3A_516 = vector.broadcast %parallel_loop3A_515 : i32 to vector<16xi32>
      %parallel_loop3A_517 = arith.andi %parallel_loop3A_511, %parallel_loop3A_516 : vector<16xi32>
      %parallel_loop3A_518 = vector.broadcast %squeeze3A : i32 to vector<16xi32>
      %parallel_loop3A_519 = arith.cmpi eq, %parallel_loop3A_508, %parallel_loop3A_518 : vector<16xi32>
      tpu.vector_store_idx %arg6[%parallel_loop3A_514, %parallel_loop3A_517], %broadcast_in_dim3A_3 masked %parallel_loop3A_519 {add = true} : memref<128x512xi32, #tpu.memory_space<vmem>>[vector<16xi32>, vector<16xi32>], vector<16xi32>, vector<16xi1>
      %parallel_loop3A_520 = vector.broadcast %squeeze3A : i32 to vector<16xi32>
      %parallel_loop3A_521 = arith.cmpi ugt, %parallel_loop3A_508, %parallel_loop3A_520 : vector<16xi32>
      %parallel_loop3A_522 = vector.broadcast %parallel_loop3A_268 : i32 to vector<16xi32>
      %parallel_loop3A_523 = arith.cmpi uge, %parallel_loop3A_505, %parallel_loop3A_522 : vector<16xi32>
      %parallel_loop3A_524 = vector.broadcast %parallel_loop3A_268 : i32 to vector<16xi32>
      %parallel_loop3A_525 = arith.xori %parallel_loop3A_505, %parallel_loop3A_524 : vector<16xi32>
      %parallel_loop3A_526 = arith.constant dense<-1> : vector<16xi32>
      %parallel_loop3A_527 = arith.xori %parallel_loop3A_505, %parallel_loop3A_526 : vector<16xi32>
      %parallel_loop3A_528 = arith.select %parallel_loop3A_523, %parallel_loop3A_525, %parallel_loop3A_527 : vector<16xi1>, vector<16xi32>
      %parallel_loop3A_529 = vector.bitcast %parallel_loop3A_528 : vector<16xi32> to vector<16xf32>
      %parallel_loop3A_530 = arith.constant 0.000000e+00 : f32
      %parallel_loop3A_531 = vector.broadcast %parallel_loop3A_530 : f32 to vector<16xf32>
      %parallel_loop3A_532 = arith.select %parallel_loop3A_521, %parallel_loop3A_529, %parallel_loop3A_531 : vector<16xi1>, vector<16xf32>
      %parallel_loop3A_533 = arith.addf %parallel_loop3A_421, %parallel_loop3A_532 : vector<16xf32>
      %parallel_loop3A_534 = arith.constant 4 : i32
      %parallel_loop3A_535 = arith.muli %parallel_loop3A_418, %parallel_loop3A_534 : i32
      %parallel_loop3A_536 = arith.constant 3 : i32
      %parallel_loop3A_537 = arith.addi %parallel_loop3A_535, %parallel_loop3A_536 : i32
      %parallel_loop3A_538 = arith.constant 16 : i32
      %parallel_loop3A_539 = arith.muli %parallel_loop3A_537, %parallel_loop3A_538 : i32
      %parallel_loop3A_540 = arith.index_cast %parallel_loop3A_539 : i32 to index
      %parallel_loop3A_541 = tpu.vector_load %arg4[%parallel_loop3A_540] {strides = array<i32>} : memref<16384xi32, #tpu.memory_space<vmem>>, vector<16xi32>,
      %parallel_loop3A_542 = vector.bitcast %parallel_loop3A_541 : vector<16xi32> to vector<16xi32>
      %parallel_loop3A_543 = arith.constant 16 : i32
      %parallel_loop3A_544 = vector.broadcast %parallel_loop3A_543 : i32 to vector<16xi32>
      %parallel_loop3A_545 = arith.shrui %parallel_loop3A_542, %parallel_loop3A_544 : vector<16xi32>
      %parallel_loop3A_546 = arith.constant 65535 : i32
      %parallel_loop3A_547 = vector.broadcast %parallel_loop3A_546 : i32 to vector<16xi32>
      %parallel_loop3A_548 = arith.andi %parallel_loop3A_542, %parallel_loop3A_547 : vector<16xi32>
      %parallel_loop3A_549 = arith.constant 9 : i32
      %parallel_loop3A_550 = vector.broadcast %parallel_loop3A_549 : i32 to vector<16xi32>
      %parallel_loop3A_551 = arith.shrsi %parallel_loop3A_548, %parallel_loop3A_550 : vector<16xi32>
      %parallel_loop3A_552 = arith.constant 511 : i32
      %parallel_loop3A_553 = vector.broadcast %parallel_loop3A_552 : i32 to vector<16xi32>
      %parallel_loop3A_554 = arith.andi %parallel_loop3A_548, %parallel_loop3A_553 : vector<16xi32>
      %parallel_loop3A_555 = vector.broadcast %squeeze3A : i32 to vector<16xi32>
      %parallel_loop3A_556 = arith.cmpi eq, %parallel_loop3A_545, %parallel_loop3A_555 : vector<16xi32>
      tpu.vector_store_idx %arg6[%parallel_loop3A_551, %parallel_loop3A_554], %broadcast_in_dim3A_3 masked %parallel_loop3A_556 {add = true} : memref<128x512xi32, #tpu.memory_space<vmem>>[vector<16xi32>, vector<16xi32>], vector<16xi32>, vector<16xi1>
      %parallel_loop3A_557 = vector.broadcast %squeeze3A : i32 to vector<16xi32>
      %parallel_loop3A_558 = arith.cmpi ugt, %parallel_loop3A_545, %parallel_loop3A_557 : vector<16xi32>
      %parallel_loop3A_559 = vector.broadcast %parallel_loop3A_268 : i32 to vector<16xi32>
      %parallel_loop3A_560 = arith.cmpi uge, %parallel_loop3A_542, %parallel_loop3A_559 : vector<16xi32>
      %parallel_loop3A_561 = vector.broadcast %parallel_loop3A_268 : i32 to vector<16xi32>
      %parallel_loop3A_562 = arith.xori %parallel_loop3A_542, %parallel_loop3A_561 : vector<16xi32>
      %parallel_loop3A_563 = arith.constant dense<-1> : vector<16xi32>
      %parallel_loop3A_564 = arith.xori %parallel_loop3A_542, %parallel_loop3A_563 : vector<16xi32>
      %parallel_loop3A_565 = arith.select %parallel_loop3A_560, %parallel_loop3A_562, %parallel_loop3A_564 : vector<16xi1>, vector<16xi32>
      %parallel_loop3A_566 = vector.bitcast %parallel_loop3A_565 : vector<16xi32> to vector<16xf32>
      %parallel_loop3A_567 = arith.constant 0.000000e+00 : f32
      %parallel_loop3A_568 = vector.broadcast %parallel_loop3A_567 : f32 to vector<16xf32>
      %parallel_loop3A_569 = arith.select %parallel_loop3A_558, %parallel_loop3A_566, %parallel_loop3A_568 : vector<16xi1>, vector<16xf32>
      %parallel_loop3A_570 = arith.addf %parallel_loop3A_422, %parallel_loop3A_569 : vector<16xf32>
      scf.yield %parallel_loop3A_459, %parallel_loop3A_496, %parallel_loop3A_533, %parallel_loop3A_570 : vector<16xf32>, vector<16xf32>, vector<16xf32>, vector<16xf32>
    } {sc.loop_unroll_factor = 2 : i64, sc.parallel_access}
    %dma_wait3A_270 = tpu.memref_slice %arg2[%add3A_260] : memref<2097152xi32, #tpu.memory_space<hbm>> -> memref<16384xi32, #tpu.memory_space<hbm>>
    %dma_wait3A_271 = tpu.memref_slice %arg2[%add3A_260] : memref<2097152xi32, #tpu.memory_space<hbm>> -> memref<16384xi32, #tpu.memory_space<hbm>>
    tpu.wait_dma2 semaphore(%arg18 : memref<!tpu.dma_semaphore, #tpu.memory_space<semaphore_mem>>) src(%dma_wait3A_271 : memref<16384xi32, #tpu.memory_space<hbm>>) dst(%arg5 : memref<16384xi32, #tpu.memory_space<vmem>>)
    %parallel_loop3A_272 = arith.constant 0 : i32
    %parallel_loop3A_273 = arith.constant 256 : i32
    %parallel_loop3A_274 = arith.constant 1 : i32
    %parallel_loop3A_275 = arith.constant -2147483648 : i32
    %parallel_loop3A_276:4 = scf.for %parallel_loop3A_418 = %parallel_loop3A_272 to %parallel_loop3A_273 step %parallel_loop3A_274 iter_args(%parallel_loop3A_419 = %parallel_loop3A_269#0, %parallel_loop3A_420 = %parallel_loop3A_269#1, %parallel_loop3A_421 = %parallel_loop3A_269#2, %parallel_loop3A_422 = %parallel_loop3A_269#3) -> (vector<16xf32>, vector<16xf32>, vector<16xf32>, vector<16xf32>)  : i32 {
      %parallel_loop3A_423 = arith.constant 4 : i32
      %parallel_loop3A_424 = arith.muli %parallel_loop3A_418, %parallel_loop3A_423 : i32
      %parallel_loop3A_425 = arith.constant 0 : i32
      %parallel_loop3A_426 = arith.addi %parallel_loop3A_424, %parallel_loop3A_425 : i32
      %parallel_loop3A_427 = arith.constant 16 : i32
      %parallel_loop3A_428 = arith.muli %parallel_loop3A_426, %parallel_loop3A_427 : i32
      %parallel_loop3A_429 = arith.index_cast %parallel_loop3A_428 : i32 to index
      %parallel_loop3A_430 = tpu.vector_load %arg5[%parallel_loop3A_429] {strides = array<i32>} : memref<16384xi32, #tpu.memory_space<vmem>>, vector<16xi32>,
      %parallel_loop3A_431 = vector.bitcast %parallel_loop3A_430 : vector<16xi32> to vector<16xi32>
      %parallel_loop3A_432 = arith.constant 16 : i32
      %parallel_loop3A_433 = vector.broadcast %parallel_loop3A_432 : i32 to vector<16xi32>
      %parallel_loop3A_434 = arith.shrui %parallel_loop3A_431, %parallel_loop3A_433 : vector<16xi32>
      %parallel_loop3A_435 = arith.constant 65535 : i32
      %parallel_loop3A_436 = vector.broadcast %parallel_loop3A_435 : i32 to vector<16xi32>
      %parallel_loop3A_437 = arith.andi %parallel_loop3A_431, %parallel_loop3A_436 : vector<16xi32>
      %parallel_loop3A_438 = arith.constant 9 : i32
      %parallel_loop3A_439 = vector.broadcast %parallel_loop3A_438 : i32 to vector<16xi32>
      %parallel_loop3A_440 = arith.shrsi %parallel_loop3A_437, %parallel_loop3A_439 : vector<16xi32>
      %parallel_loop3A_441 = arith.constant 511 : i32
      %parallel_loop3A_442 = vector.broadcast %parallel_loop3A_441 : i32 to vector<16xi32>
      %parallel_loop3A_443 = arith.andi %parallel_loop3A_437, %parallel_loop3A_442 : vector<16xi32>
      %parallel_loop3A_444 = vector.broadcast %squeeze3A : i32 to vector<16xi32>
      %parallel_loop3A_445 = arith.cmpi eq, %parallel_loop3A_434, %parallel_loop3A_444 : vector<16xi32>
      tpu.vector_store_idx %arg6[%parallel_loop3A_440, %parallel_loop3A_443], %broadcast_in_dim3A_3 masked %parallel_loop3A_445 {add = true} : memref<128x512xi32, #tpu.memory_space<vmem>>[vector<16xi32>, vector<16xi32>], vector<16xi32>, vector<16xi1>
      %parallel_loop3A_446 = vector.broadcast %squeeze3A : i32 to vector<16xi32>
      %parallel_loop3A_447 = arith.cmpi ugt, %parallel_loop3A_434, %parallel_loop3A_446 : vector<16xi32>
      %parallel_loop3A_448 = vector.broadcast %parallel_loop3A_275 : i32 to vector<16xi32>
      %parallel_loop3A_449 = arith.cmpi uge, %parallel_loop3A_431, %parallel_loop3A_448 : vector<16xi32>
      %parallel_loop3A_450 = vector.broadcast %parallel_loop3A_275 : i32 to vector<16xi32>
      %parallel_loop3A_451 = arith.xori %parallel_loop3A_431, %parallel_loop3A_450 : vector<16xi32>
      %parallel_loop3A_452 = arith.constant dense<-1> : vector<16xi32>
      %parallel_loop3A_453 = arith.xori %parallel_loop3A_431, %parallel_loop3A_452 : vector<16xi32>
      %parallel_loop3A_454 = arith.select %parallel_loop3A_449, %parallel_loop3A_451, %parallel_loop3A_453 : vector<16xi1>, vector<16xi32>
      %parallel_loop3A_455 = vector.bitcast %parallel_loop3A_454 : vector<16xi32> to vector<16xf32>
      %parallel_loop3A_456 = arith.constant 0.000000e+00 : f32
      %parallel_loop3A_457 = vector.broadcast %parallel_loop3A_456 : f32 to vector<16xf32>
      %parallel_loop3A_458 = arith.select %parallel_loop3A_447, %parallel_loop3A_455, %parallel_loop3A_457 : vector<16xi1>, vector<16xf32>
      %parallel_loop3A_459 = arith.addf %parallel_loop3A_419, %parallel_loop3A_458 : vector<16xf32>
      %parallel_loop3A_460 = arith.constant 4 : i32
      %parallel_loop3A_461 = arith.muli %parallel_loop3A_418, %parallel_loop3A_460 : i32
      %parallel_loop3A_462 = arith.constant 1 : i32
      %parallel_loop3A_463 = arith.addi %parallel_loop3A_461, %parallel_loop3A_462 : i32
      %parallel_loop3A_464 = arith.constant 16 : i32
      %parallel_loop3A_465 = arith.muli %parallel_loop3A_463, %parallel_loop3A_464 : i32
      %parallel_loop3A_466 = arith.index_cast %parallel_loop3A_465 : i32 to index
      %parallel_loop3A_467 = tpu.vector_load %arg5[%parallel_loop3A_466] {strides = array<i32>} : memref<16384xi32, #tpu.memory_space<vmem>>, vector<16xi32>,
      %parallel_loop3A_468 = vector.bitcast %parallel_loop3A_467 : vector<16xi32> to vector<16xi32>
      %parallel_loop3A_469 = arith.constant 16 : i32
      %parallel_loop3A_470 = vector.broadcast %parallel_loop3A_469 : i32 to vector<16xi32>
      %parallel_loop3A_471 = arith.shrui %parallel_loop3A_468, %parallel_loop3A_470 : vector<16xi32>
      %parallel_loop3A_472 = arith.constant 65535 : i32
      %parallel_loop3A_473 = vector.broadcast %parallel_loop3A_472 : i32 to vector<16xi32>
      %parallel_loop3A_474 = arith.andi %parallel_loop3A_468, %parallel_loop3A_473 : vector<16xi32>
      %parallel_loop3A_475 = arith.constant 9 : i32
      %parallel_loop3A_476 = vector.broadcast %parallel_loop3A_475 : i32 to vector<16xi32>
      %parallel_loop3A_477 = arith.shrsi %parallel_loop3A_474, %parallel_loop3A_476 : vector<16xi32>
      %parallel_loop3A_478 = arith.constant 511 : i32
      %parallel_loop3A_479 = vector.broadcast %parallel_loop3A_478 : i32 to vector<16xi32>
      %parallel_loop3A_480 = arith.andi %parallel_loop3A_474, %parallel_loop3A_479 : vector<16xi32>
      %parallel_loop3A_481 = vector.broadcast %squeeze3A : i32 to vector<16xi32>
      %parallel_loop3A_482 = arith.cmpi eq, %parallel_loop3A_471, %parallel_loop3A_481 : vector<16xi32>
      tpu.vector_store_idx %arg6[%parallel_loop3A_477, %parallel_loop3A_480], %broadcast_in_dim3A_3 masked %parallel_loop3A_482 {add = true} : memref<128x512xi32, #tpu.memory_space<vmem>>[vector<16xi32>, vector<16xi32>], vector<16xi32>, vector<16xi1>
      %parallel_loop3A_483 = vector.broadcast %squeeze3A : i32 to vector<16xi32>
      %parallel_loop3A_484 = arith.cmpi ugt, %parallel_loop3A_471, %parallel_loop3A_483 : vector<16xi32>
      %parallel_loop3A_485 = vector.broadcast %parallel_loop3A_275 : i32 to vector<16xi32>
      %parallel_loop3A_486 = arith.cmpi uge, %parallel_loop3A_468, %parallel_loop3A_485 : vector<16xi32>
      %parallel_loop3A_487 = vector.broadcast %parallel_loop3A_275 : i32 to vector<16xi32>
      %parallel_loop3A_488 = arith.xori %parallel_loop3A_468, %parallel_loop3A_487 : vector<16xi32>
      %parallel_loop3A_489 = arith.constant dense<-1> : vector<16xi32>
      %parallel_loop3A_490 = arith.xori %parallel_loop3A_468, %parallel_loop3A_489 : vector<16xi32>
      %parallel_loop3A_491 = arith.select %parallel_loop3A_486, %parallel_loop3A_488, %parallel_loop3A_490 : vector<16xi1>, vector<16xi32>
      %parallel_loop3A_492 = vector.bitcast %parallel_loop3A_491 : vector<16xi32> to vector<16xf32>
      %parallel_loop3A_493 = arith.constant 0.000000e+00 : f32
      %parallel_loop3A_494 = vector.broadcast %parallel_loop3A_493 : f32 to vector<16xf32>
      %parallel_loop3A_495 = arith.select %parallel_loop3A_484, %parallel_loop3A_492, %parallel_loop3A_494 : vector<16xi1>, vector<16xf32>
      %parallel_loop3A_496 = arith.addf %parallel_loop3A_420, %parallel_loop3A_495 : vector<16xf32>
      %parallel_loop3A_497 = arith.constant 4 : i32
      %parallel_loop3A_498 = arith.muli %parallel_loop3A_418, %parallel_loop3A_497 : i32
      %parallel_loop3A_499 = arith.constant 2 : i32
      %parallel_loop3A_500 = arith.addi %parallel_loop3A_498, %parallel_loop3A_499 : i32
      %parallel_loop3A_501 = arith.constant 16 : i32
      %parallel_loop3A_502 = arith.muli %parallel_loop3A_500, %parallel_loop3A_501 : i32
      %parallel_loop3A_503 = arith.index_cast %parallel_loop3A_502 : i32 to index
      %parallel_loop3A_504 = tpu.vector_load %arg5[%parallel_loop3A_503] {strides = array<i32>} : memref<16384xi32, #tpu.memory_space<vmem>>, vector<16xi32>,
      %parallel_loop3A_505 = vector.bitcast %parallel_loop3A_504 : vector<16xi32> to vector<16xi32>
      %parallel_loop3A_506 = arith.constant 16 : i32
      %parallel_loop3A_507 = vector.broadcast %parallel_loop3A_506 : i32 to vector<16xi32>
      %parallel_loop3A_508 = arith.shrui %parallel_loop3A_505, %parallel_loop3A_507 : vector<16xi32>
      %parallel_loop3A_509 = arith.constant 65535 : i32
      %parallel_loop3A_510 = vector.broadcast %parallel_loop3A_509 : i32 to vector<16xi32>
      %parallel_loop3A_511 = arith.andi %parallel_loop3A_505, %parallel_loop3A_510 : vector<16xi32>
      %parallel_loop3A_512 = arith.constant 9 : i32
      %parallel_loop3A_513 = vector.broadcast %parallel_loop3A_512 : i32 to vector<16xi32>
      %parallel_loop3A_514 = arith.shrsi %parallel_loop3A_511, %parallel_loop3A_513 : vector<16xi32>
      %parallel_loop3A_515 = arith.constant 511 : i32
      %parallel_loop3A_516 = vector.broadcast %parallel_loop3A_515 : i32 to vector<16xi32>
      %parallel_loop3A_517 = arith.andi %parallel_loop3A_511, %parallel_loop3A_516 : vector<16xi32>
      %parallel_loop3A_518 = vector.broadcast %squeeze3A : i32 to vector<16xi32>
      %parallel_loop3A_519 = arith.cmpi eq, %parallel_loop3A_508, %parallel_loop3A_518 : vector<16xi32>
      tpu.vector_store_idx %arg6[%parallel_loop3A_514, %parallel_loop3A_517], %broadcast_in_dim3A_3 masked %parallel_loop3A_519 {add = true} : memref<128x512xi32, #tpu.memory_space<vmem>>[vector<16xi32>, vector<16xi32>], vector<16xi32>, vector<16xi1>
      %parallel_loop3A_520 = vector.broadcast %squeeze3A : i32 to vector<16xi32>
      %parallel_loop3A_521 = arith.cmpi ugt, %parallel_loop3A_508, %parallel_loop3A_520 : vector<16xi32>
      %parallel_loop3A_522 = vector.broadcast %parallel_loop3A_275 : i32 to vector<16xi32>
      %parallel_loop3A_523 = arith.cmpi uge, %parallel_loop3A_505, %parallel_loop3A_522 : vector<16xi32>
      %parallel_loop3A_524 = vector.broadcast %parallel_loop3A_275 : i32 to vector<16xi32>
      %parallel_loop3A_525 = arith.xori %parallel_loop3A_505, %parallel_loop3A_524 : vector<16xi32>
      %parallel_loop3A_526 = arith.constant dense<-1> : vector<16xi32>
      %parallel_loop3A_527 = arith.xori %parallel_loop3A_505, %parallel_loop3A_526 : vector<16xi32>
      %parallel_loop3A_528 = arith.select %parallel_loop3A_523, %parallel_loop3A_525, %parallel_loop3A_527 : vector<16xi1>, vector<16xi32>
      %parallel_loop3A_529 = vector.bitcast %parallel_loop3A_528 : vector<16xi32> to vector<16xf32>
      %parallel_loop3A_530 = arith.constant 0.000000e+00 : f32
      %parallel_loop3A_531 = vector.broadcast %parallel_loop3A_530 : f32 to vector<16xf32>
      %parallel_loop3A_532 = arith.select %parallel_loop3A_521, %parallel_loop3A_529, %parallel_loop3A_531 : vector<16xi1>, vector<16xf32>
      %parallel_loop3A_533 = arith.addf %parallel_loop3A_421, %parallel_loop3A_532 : vector<16xf32>
      %parallel_loop3A_534 = arith.constant 4 : i32
      %parallel_loop3A_535 = arith.muli %parallel_loop3A_418, %parallel_loop3A_534 : i32
      %parallel_loop3A_536 = arith.constant 3 : i32
      %parallel_loop3A_537 = arith.addi %parallel_loop3A_535, %parallel_loop3A_536 : i32
      %parallel_loop3A_538 = arith.constant 16 : i32
      %parallel_loop3A_539 = arith.muli %parallel_loop3A_537, %parallel_loop3A_538 : i32
      %parallel_loop3A_540 = arith.index_cast %parallel_loop3A_539 : i32 to index
      %parallel_loop3A_541 = tpu.vector_load %arg5[%parallel_loop3A_540] {strides = array<i32>} : memref<16384xi32, #tpu.memory_space<vmem>>, vector<16xi32>,
      %parallel_loop3A_542 = vector.bitcast %parallel_loop3A_541 : vector<16xi32> to vector<16xi32>
      %parallel_loop3A_543 = arith.constant 16 : i32
      %parallel_loop3A_544 = vector.broadcast %parallel_loop3A_543 : i32 to vector<16xi32>
      %parallel_loop3A_545 = arith.shrui %parallel_loop3A_542, %parallel_loop3A_544 : vector<16xi32>
      %parallel_loop3A_546 = arith.constant 65535 : i32
      %parallel_loop3A_547 = vector.broadcast %parallel_loop3A_546 : i32 to vector<16xi32>
      %parallel_loop3A_548 = arith.andi %parallel_loop3A_542, %parallel_loop3A_547 : vector<16xi32>
      %parallel_loop3A_549 = arith.constant 9 : i32
      %parallel_loop3A_550 = vector.broadcast %parallel_loop3A_549 : i32 to vector<16xi32>
      %parallel_loop3A_551 = arith.shrsi %parallel_loop3A_548, %parallel_loop3A_550 : vector<16xi32>
      %parallel_loop3A_552 = arith.constant 511 : i32
      %parallel_loop3A_553 = vector.broadcast %parallel_loop3A_552 : i32 to vector<16xi32>
      %parallel_loop3A_554 = arith.andi %parallel_loop3A_548, %parallel_loop3A_553 : vector<16xi32>
      %parallel_loop3A_555 = vector.broadcast %squeeze3A : i32 to vector<16xi32>
      %parallel_loop3A_556 = arith.cmpi eq, %parallel_loop3A_545, %parallel_loop3A_555 : vector<16xi32>
      tpu.vector_store_idx %arg6[%parallel_loop3A_551, %parallel_loop3A_554], %broadcast_in_dim3A_3 masked %parallel_loop3A_556 {add = true} : memref<128x512xi32, #tpu.memory_space<vmem>>[vector<16xi32>, vector<16xi32>], vector<16xi32>, vector<16xi1>
      %parallel_loop3A_557 = vector.broadcast %squeeze3A : i32 to vector<16xi32>
      %parallel_loop3A_558 = arith.cmpi ugt, %parallel_loop3A_545, %parallel_loop3A_557 : vector<16xi32>
      %parallel_loop3A_559 = vector.broadcast %parallel_loop3A_275 : i32 to vector<16xi32>
      %parallel_loop3A_560 = arith.cmpi uge, %parallel_loop3A_542, %parallel_loop3A_559 : vector<16xi32>
      %parallel_loop3A_561 = vector.broadcast %parallel_loop3A_275 : i32 to vector<16xi32>
      %parallel_loop3A_562 = arith.xori %parallel_loop3A_542, %parallel_loop3A_561 : vector<16xi32>
      %parallel_loop3A_563 = arith.constant dense<-1> : vector<16xi32>
      %parallel_loop3A_564 = arith.xori %parallel_loop3A_542, %parallel_loop3A_563 : vector<16xi32>
      %parallel_loop3A_565 = arith.select %parallel_loop3A_560, %parallel_loop3A_562, %parallel_loop3A_564 : vector<16xi1>, vector<16xi32>
      %parallel_loop3A_566 = vector.bitcast %parallel_loop3A_565 : vector<16xi32> to vector<16xf32>
      %parallel_loop3A_567 = arith.constant 0.000000e+00 : f32
      %parallel_loop3A_568 = vector.broadcast %parallel_loop3A_567 : f32 to vector<16xf32>
      %parallel_loop3A_569 = arith.select %parallel_loop3A_558, %parallel_loop3A_566, %parallel_loop3A_568 : vector<16xi1>, vector<16xf32>
      %parallel_loop3A_570 = arith.addf %parallel_loop3A_422, %parallel_loop3A_569 : vector<16xf32>
      scf.yield %parallel_loop3A_459, %parallel_loop3A_496, %parallel_loop3A_533, %parallel_loop3A_570 : vector<16xf32>, vector<16xf32>, vector<16xf32>, vector<16xf32>
    } {sc.loop_unroll_factor = 2 : i64, sc.parallel_access}
    %add3A_277 = arith.addf %parallel_loop3A_276#0, %parallel_loop3A_276#1 : vector<16xf32>
    %add3A_278 = arith.addf %add3A_277, %parallel_loop3A_276#2 : vector<16xf32>
    %add3A_279 = arith.addf %add3A_278, %parallel_loop3A_276#3 : vector<16xf32>
    "tpu.trace_stop"() : () -> ()
    "tpu.trace_start"() <{level = 10 : i32, message = "ph_sel2"}> : () -> ()
    "tpu.trace_start"() <{level = 10 : i32, message = "sc_merge1"}> : () -> ()
    "tpu.region"() ({
      %run_scoped3A_418 = tpu.sem_alloc : memref<!tpu.dma_semaphore, #tpu.memory_space<semaphore_mem>>
      %dma_start3A_419 = arith.constant 0 : i32
      %dma_start3A_420 = arith.constant 0 : i32
      %dma_start3A_421 = tpu.memref_slice %arg20[%dma_start3A_419, %dma_start3A_420] : memref<128x512xi32, #tpu.memory_space<vmem_shared>> -> memref<128x512xi32, #tpu.memory_space<vmem_shared>>
      tpu.enqueue_indirect_dma source(%arg6 : memref<128x512xi32, #tpu.memory_space<vmem>>) target(%dma_start3A_421 : memref<128x512xi32, #tpu.memory_space<vmem_shared>>) offsets(%arg8 : memref<128xi32, #tpu.memory_space<vmem>>) semaphore(%run_scoped3A_418 : memref<!tpu.dma_semaphore, #tpu.memory_space<semaphore_mem>>) {add = true}
      %dma_wait3A_422 = arith.constant 0 : i32
      %dma_wait3A_423 = arith.constant 0 : i32
      %dma_wait3A_424 = tpu.memref_slice %arg20[%dma_wait3A_422, %dma_wait3A_423] : memref<128x512xi32, #tpu.memory_space<vmem_shared>> -> memref<128x512xi32, #tpu.memory_space<vmem_shared>>
      tpu.wait_indirect_dma semaphore(%run_scoped3A_418 : memref<!tpu.dma_semaphore, #tpu.memory_space<semaphore_mem>>) src(%arg6 : memref<128x512xi32, #tpu.memory_space<vmem>>) dst(%dma_wait3A_424 : memref<128x512xi32, #tpu.memory_space<vmem_shared>>)
      tpu.yield
    }) : () -> ()
    %barrier3A_280 = arith.constant 0 : index
    tpu.barrier barrier_id(%barrier3A_280)
    "tpu.trace_stop"() : () -> ()
    %mul3A_281 = arith.constant 8 : i32
    %mul3A_282 = arith.muli %arg1, %mul3A_281 : i32
    "tpu.region"() ({
      %run_scoped3A_418 = tpu.sem_alloc : memref<!tpu.dma_semaphore, #tpu.memory_space<semaphore_mem>>
      %dma_start3A_419 = arith.constant 0 : i32
      %dma_start3A_420 = tpu.memref_slice %arg20[%mul3A_282, %dma_start3A_419] : memref<128x512xi32, #tpu.memory_space<vmem_shared>> -> memref<8x512xi32, #tpu.memory_space<vmem_shared>>
      %dma_start3A_421 = arith.constant 0 : i32
      %dma_start3A_422 = tpu.memref_slice %arg20[%mul3A_282, %dma_start3A_421] : memref<128x512xi32, #tpu.memory_space<vmem_shared>> -> memref<8x512xi32, #tpu.memory_space<vmem_shared>>
      tpu.enqueue_dma source(%dma_start3A_422 : memref<8x512xi32, #tpu.memory_space<vmem_shared>>) target(%arg7 : memref<8x512xi32, #tpu.memory_space<vmem>>) target_semaphore(%run_scoped3A_418 : memref<!tpu.dma_semaphore, #tpu.memory_space<semaphore_mem>>)
      %dma_wait3A_423 = arith.constant 0 : i32
      %dma_wait3A_424 = tpu.memref_slice %arg20[%mul3A_282, %dma_wait3A_423] : memref<128x512xi32, #tpu.memory_space<vmem_shared>> -> memref<8x512xi32, #tpu.memory_space<vmem_shared>>
      %dma_wait3A_425 = arith.constant 0 : i32
      %dma_wait3A_426 = tpu.memref_slice %arg20[%mul3A_282, %dma_wait3A_425] : memref<128x512xi32, #tpu.memory_space<vmem_shared>> -> memref<8x512xi32, #tpu.memory_space<vmem_shared>>
      tpu.wait_dma2 semaphore(%run_scoped3A_418 : memref<!tpu.dma_semaphore, #tpu.memory_space<semaphore_mem>>) src(%dma_wait3A_426 : memref<8x512xi32, #tpu.memory_space<vmem_shared>>) dst(%arg7 : memref<8x512xi32, #tpu.memory_space<vmem>>)
      tpu.yield
    }) : () -> ()
    %scan3A_283 = arith.constant -2147483648 : i32
    %scan3A_284 = arith.constant 0 : i32
    %scan3A_285 = arith.constant 0.000000e+00 : f32
    %scan3A_286 = arith.constant 0 : i32
    %scan3A_287 = arith.constant 256 : i32
    %scan3A_288 = arith.addi %scan3A_286, %scan3A_287 : i32
    %scan3A_289 = arith.constant 1 : i32
    %scan3A_290:4 = scf.for %scan3A_418 = %scan3A_286 to %scan3A_288 step %scan3A_289 iter_args(%scan3A_419 = %scan3A_284, %scan3A_420 = %scan3A_285, %scan3A_421 = %broadcast_in_dim3A_1, %scan3A_422 = %broadcast_in_dim3A_5) -> (i32, f32, vector<16xi32>, vector<16xf32>)  : i32 {
      %shift_right_arithmetic3A = arith.constant 5 : i32
      %shift_right_arithmetic3A_423 = arith.shrsi %scan3A_418, %shift_right_arithmetic3A : i32
      %and3A_424 = arith.constant 31 : i32
      %and3A_425 = arith.andi %scan3A_418, %and3A_424 : i32
      %mul3A_426 = arith.constant 16 : i32
      %mul3A_427 = arith.muli %and3A_425, %mul3A_426 : i32
      %get3A_428 = arith.index_cast %shift_right_arithmetic3A_423 : i32 to index
      %get3A_429 = arith.index_cast %mul3A_427 : i32 to index
      %get3A_430 = tpu.vector_load %arg7[%get3A_428, %get3A_429] {strides = array<i32>} : memref<8x512xi32, #tpu.memory_space<vmem>>, vector<16xi32>,
      %reduce_sum3A_431 = arith.constant true
      %reduce_sum3A_432 = vector.broadcast %reduce_sum3A_431 : i1 to vector<16xi1>
      %reduce_sum3A_433 = tpu.scan <sum>, %get3A_430 masked %reduce_sum3A_432 : vector<16xi32>, vector<16xi1> -> vector<16xi32>
      %reduce_sum3A_434 = vector.extract %reduce_sum3A_433[15] : i32 from vector<16xi32>
      %and3A_435 = arith.constant 15 : i32
      %and3A_436 = arith.andi %scan3A_418, %and3A_435 : i32
      %eq3A_437 = vector.broadcast %and3A_436 : i32 to vector<16xi32>
      %eq3A_438 = arith.cmpi eq, %iota3A, %eq3A_437 : vector<16xi32>
      %convert_element_type3A_439 = arith.sitofp %get3A_430 : vector<16xi32> to vector<16xf32>
      %mul3A_440 = arith.constant 4096 : i32
      %mul3A_441 = arith.muli %arg1, %mul3A_440 : i32
      %mul3A_442 = arith.constant 16 : i32
      %mul3A_443 = arith.muli %scan3A_418, %mul3A_442 : i32
      %add3A_444 = arith.addi %mul3A_441, %mul3A_443 : i32
      %add3A_445 = vector.broadcast %add3A_444 : i32 to vector<16xi32>
      %add3A_446 = arith.addi %add3A_445, %iota3A : vector<16xi32>
      %shift_left3A_447 = arith.constant 16 : i32
      %shift_left3A_448 = arith.shli %squeeze3A, %shift_left3A_447 : i32
      %or3A_449 = vector.broadcast %shift_left3A_448 : i32 to vector<16xi32>
      %or3A_450 = arith.ori %or3A_449, %add3A_446 : vector<16xi32>
      %ge3A_451 = vector.broadcast %scan3A_283 : i32 to vector<16xi32>
      %ge3A_452 = arith.cmpi uge, %or3A_450, %ge3A_451 : vector<16xi32>
      %xor3A = vector.broadcast %scan3A_283 : i32 to vector<16xi32>
      %xor3A_453 = arith.xori %or3A_450, %xor3A : vector<16xi32>
      %not3A = arith.constant dense<-1> : vector<16xi32>
      %not3A_454 = arith.xori %or3A_450, %not3A : vector<16xi32>
      %select_n3A_455 = arith.select %ge3A_452, %xor3A_453, %not3A_454 : vector<16xi1>, vector<16xi32>
      %bitcast3A_456 = vector.bitcast %select_n3A_455 : vector<16xi32> to vector<16xf32>
      %mul3A_457 = arith.mulf %convert_element_type3A_439, %bitcast3A_456 : vector<16xf32>
      %reduce_sum3A_458 = arith.constant true
      %reduce_sum3A_459 = vector.broadcast %reduce_sum3A_458 : i1 to vector<16xi1>
      %reduce_sum3A_460 = tpu.scan <sum>, %mul3A_457 masked %reduce_sum3A_459 : vector<16xf32>, vector<16xi1> -> vector<16xf32>
      %reduce_sum3A_461 = vector.extract %reduce_sum3A_460[15] : f32 from vector<16xf32>
      %broadcast_in_dim3A_462 = vector.broadcast %reduce_sum3A_461 : f32 to vector<16xf32>
      %select_n3A_463 = arith.select %eq3A_438, %broadcast_in_dim3A_462, %scan3A_422 : vector<16xi1>, vector<16xf32>
      %shift_right_arithmetic3A_464 = arith.constant 4 : i32
      %shift_right_arithmetic3A_465 = arith.shrsi %scan3A_418, %shift_right_arithmetic3A_464 : i32
      %mul3A_466 = arith.constant 16 : i32
      %mul3A_467 = arith.muli %shift_right_arithmetic3A_465, %mul3A_466 : i32
      %swap3A_468 = arith.index_cast %mul3A_467 : i32 to index
      %swap3A_469 = tpu.vector_load %arg16[%swap3A_468] {strides = array<i32>} : memref<256xf32, #tpu.memory_space<vmem>>, vector<16xf32>,
      tpu.vector_store %arg16[%swap3A_468], %select_n3A_463 {strides = array<i32>} : memref<256xf32, #tpu.memory_space<vmem>>, vector<16xf32>,
      %broadcast_in_dim3A_470 = vector.broadcast %reduce_sum3A_434 : i32 to vector<16xi32>
      %select_n3A_471 = arith.select %eq3A_438, %broadcast_in_dim3A_470, %scan3A_421 : vector<16xi1>, vector<16xi32>
      %shift_right_arithmetic3A_472 = arith.constant 4 : i32
      %shift_right_arithmetic3A_473 = arith.shrsi %scan3A_418, %shift_right_arithmetic3A_472 : i32
      %mul3A_474 = arith.constant 16 : i32
      %mul3A_475 = arith.muli %shift_right_arithmetic3A_473, %mul3A_474 : i32
      %swap3A_476 = arith.index_cast %mul3A_475 : i32 to index
      %swap3A_477 = tpu.vector_load %arg15[%swap3A_476] {strides = array<i32>} : memref<256xi32, #tpu.memory_space<vmem>>, vector<16xi32>,
      tpu.vector_store %arg15[%swap3A_476], %select_n3A_471 {strides = array<i32>} : memref<256xi32, #tpu.memory_space<vmem>>, vector<16xi32>,
      %add3A_478 = arith.addi %scan3A_419, %reduce_sum3A_434 : i32
      %add3A_479 = arith.addf %scan3A_420, %reduce_sum3A_461 : f32
      scf.yield %add3A_478, %add3A_479, %select_n3A_471, %select_n3A_463 : i32, f32, vector<16xi32>, vector<16xf32>
    }
    %scan3A_291 = arith.constant 256 : i32
    %add3A_292 = vector.broadcast %scan3A_290#1 : f32 to vector<16xf32>
    %add3A_293 = arith.addf %broadcast_in_dim3A_5, %add3A_292 : vector<16xf32>
    %swap3A_294 = arith.constant 0 : index
    %swap3A_295 = tpu.vector_load %arg13[%swap3A_294] {strides = array<i32>} : memref<16xf32, #tpu.memory_space<vmem>>, vector<16xf32>,
    tpu.vector_store %arg13[%swap3A_294], %add3A_293 {strides = array<i32>} : memref<16xf32, #tpu.memory_space<vmem>>, vector<16xf32>,
    "tpu.region"() ({
      %run_scoped3A_418 = tpu.sem_alloc : memref<!tpu.dma_semaphore, #tpu.memory_space<semaphore_mem>>
      %dma_start3A_419 = arith.constant 0 : i32
      %dma_start3A_420 = tpu.memref_slice %arg23[%arg1, %dma_start3A_419] : memref<16x16xf32, #tpu.memory_space<vmem_shared>> -> memref<1x16xf32, #tpu.memory_space<vmem_shared>>
      %dma_start3A_421 = tpu.memref_squeeze %dma_start3A_420 : memref<1x16xf32, #tpu.memory_space<vmem_shared>> -> memref<16xf32, #tpu.memory_space<vmem_shared>>
      %dma_start3A_422 = arith.constant 0 : i32
      %dma_start3A_423 = tpu.memref_slice %arg23[%arg1, %dma_start3A_422] : memref<16x16xf32, #tpu.memory_space<vmem_shared>> -> memref<1x16xf32, #tpu.memory_space<vmem_shared>>
      %dma_start3A_424 = tpu.memref_squeeze %dma_start3A_423 : memref<1x16xf32, #tpu.memory_space<vmem_shared>> -> memref<16xf32, #tpu.memory_space<vmem_shared>>
      tpu.enqueue_dma source(%arg13 : memref<16xf32, #tpu.memory_space<vmem>>) target(%dma_start3A_424 : memref<16xf32, #tpu.memory_space<vmem_shared>>) target_semaphore(%run_scoped3A_418 : memref<!tpu.dma_semaphore, #tpu.memory_space<semaphore_mem>>)
      %dma_wait3A_425 = arith.constant 0 : i32
      %dma_wait3A_426 = tpu.memref_slice %arg23[%arg1, %dma_wait3A_425] : memref<16x16xf32, #tpu.memory_space<vmem_shared>> -> memref<1x16xf32, #tpu.memory_space<vmem_shared>>
      %dma_wait3A_427 = tpu.memref_squeeze %dma_wait3A_426 : memref<1x16xf32, #tpu.memory_space<vmem_shared>> -> memref<16xf32, #tpu.memory_space<vmem_shared>>
      %dma_wait3A_428 = arith.constant 0 : i32
      %dma_wait3A_429 = tpu.memref_slice %arg23[%arg1, %dma_wait3A_428] : memref<16x16xf32, #tpu.memory_space<vmem_shared>> -> memref<1x16xf32, #tpu.memory_space<vmem_shared>>
      %dma_wait3A_430 = tpu.memref_squeeze %dma_wait3A_429 : memref<1x16xf32, #tpu.memory_space<vmem_shared>> -> memref<16xf32, #tpu.memory_space<vmem_shared>>
      tpu.wait_dma2 semaphore(%run_scoped3A_418 : memref<!tpu.dma_semaphore, #tpu.memory_space<semaphore_mem>>) src(%arg13 : memref<16xf32, #tpu.memory_space<vmem>>) dst(%dma_wait3A_430 : memref<16xf32, #tpu.memory_space<vmem_shared>>)
      tpu.yield
    }) : () -> ()
    "tpu.trace_start"() <{level = 10 : i32, message = "sc_pub1"}> : () -> ()
    %add3A_296 = vector.broadcast %scan3A_290#0 : i32 to vector<16xi32>
    %add3A_297 = arith.addi %broadcast_in_dim3A_1, %add3A_296 : vector<16xi32>
    %swap3A_298 = arith.constant 0 : index
    %swap3A_299 = tpu.vector_load %arg12[%swap3A_298] {strides = array<i32>} : memref<16xi32, #tpu.memory_space<vmem>>, vector<16xi32>,
    tpu.vector_store %arg12[%swap3A_298], %add3A_297 {strides = array<i32>} : memref<16xi32, #tpu.memory_space<vmem>>, vector<16xi32>,
    %run_scoped3A_300 = arith.constant 1 : i32
    "tpu.region"() ({
      %run_scoped3A_418 = tpu.sem_alloc : memref<!tpu.dma_semaphore, #tpu.memory_space<semaphore_mem>>
      %dma_start3A_419 = arith.constant 0 : i32
      %dma_start3A_420 = tpu.memref_slice %arg21[%run_scoped3A_300, %arg1, %dma_start3A_419] : memref<2x16x16xi32, #tpu.memory_space<vmem_shared>> -> memref<1x1x16xi32, #tpu.memory_space<vmem_shared>>
      %dma_start3A_421 = tpu.memref_squeeze %dma_start3A_420 : memref<1x1x16xi32, #tpu.memory_space<vmem_shared>> -> memref<16xi32, #tpu.memory_space<vmem_shared>>
      %dma_start3A_422 = arith.constant 0 : i32
      %dma_start3A_423 = tpu.memref_slice %arg21[%run_scoped3A_300, %arg1, %dma_start3A_422] : memref<2x16x16xi32, #tpu.memory_space<vmem_shared>> -> memref<1x1x16xi32, #tpu.memory_space<vmem_shared>>
      %dma_start3A_424 = tpu.memref_squeeze %dma_start3A_423 : memref<1x1x16xi32, #tpu.memory_space<vmem_shared>> -> memref<16xi32, #tpu.memory_space<vmem_shared>>
      tpu.enqueue_dma source(%arg12 : memref<16xi32, #tpu.memory_space<vmem>>) target(%dma_start3A_424 : memref<16xi32, #tpu.memory_space<vmem_shared>>) target_semaphore(%run_scoped3A_418 : memref<!tpu.dma_semaphore, #tpu.memory_space<semaphore_mem>>)
      %dma_wait3A_425 = arith.constant 0 : i32
      %dma_wait3A_426 = tpu.memref_slice %arg21[%run_scoped3A_300, %arg1, %dma_wait3A_425] : memref<2x16x16xi32, #tpu.memory_space<vmem_shared>> -> memref<1x1x16xi32, #tpu.memory_space<vmem_shared>>
      %dma_wait3A_427 = tpu.memref_squeeze %dma_wait3A_426 : memref<1x1x16xi32, #tpu.memory_space<vmem_shared>> -> memref<16xi32, #tpu.memory_space<vmem_shared>>
      %dma_wait3A_428 = arith.constant 0 : i32
      %dma_wait3A_429 = tpu.memref_slice %arg21[%run_scoped3A_300, %arg1, %dma_wait3A_428] : memref<2x16x16xi32, #tpu.memory_space<vmem_shared>> -> memref<1x1x16xi32, #tpu.memory_space<vmem_shared>>
      %dma_wait3A_430 = tpu.memref_squeeze %dma_wait3A_429 : memref<1x1x16xi32, #tpu.memory_space<vmem_shared>> -> memref<16xi32, #tpu.memory_space<vmem_shared>>
      tpu.wait_dma2 semaphore(%run_scoped3A_418 : memref<!tpu.dma_semaphore, #tpu.memory_space<semaphore_mem>>) src(%arg12 : memref<16xi32, #tpu.memory_space<vmem>>) dst(%dma_wait3A_430 : memref<16xi32, #tpu.memory_space<vmem_shared>>)
      tpu.yield
    }) : () -> ()
    %barrier3A_301 = arith.constant 0 : index
    tpu.barrier barrier_id(%barrier3A_301)
    %run_scoped3A_302 = arith.constant 1 : i32
    "tpu.trace_stop"() : () -> ()
    "tpu.region"() ({
      %run_scoped3A_418 = tpu.sem_alloc : memref<!tpu.dma_semaphore, #tpu.memory_space<semaphore_mem>>
      %dma_start3A_419 = arith.constant 0 : i32
      %dma_start3A_420 = arith.constant 0 : i32
      %dma_start3A_421 = tpu.memref_slice %arg21[%run_scoped3A_302, %dma_start3A_419, %dma_start3A_420] : memref<2x16x16xi32, #tpu.memory_space<vmem_shared>> -> memref<1x16x16xi32, #tpu.memory_space<vmem_shared>>
      %dma_start3A_422 = tpu.memref_squeeze %dma_start3A_421 : memref<1x16x16xi32, #tpu.memory_space<vmem_shared>> -> memref<16x16xi32, #tpu.memory_space<vmem_shared>>
      %dma_start3A_423 = arith.constant 0 : i32
      %dma_start3A_424 = arith.constant 0 : i32
      %dma_start3A_425 = tpu.memref_slice %arg21[%run_scoped3A_302, %dma_start3A_423, %dma_start3A_424] : memref<2x16x16xi32, #tpu.memory_space<vmem_shared>> -> memref<1x16x16xi32, #tpu.memory_space<vmem_shared>>
      %dma_start3A_426 = tpu.memref_squeeze %dma_start3A_425 : memref<1x16x16xi32, #tpu.memory_space<vmem_shared>> -> memref<16x16xi32, #tpu.memory_space<vmem_shared>>
      tpu.enqueue_dma source(%dma_start3A_426 : memref<16x16xi32, #tpu.memory_space<vmem_shared>>) target(%arg9 : memref<16x16xi32, #tpu.memory_space<vmem>>) target_semaphore(%run_scoped3A_418 : memref<!tpu.dma_semaphore, #tpu.memory_space<semaphore_mem>>)
      %dma_wait3A_427 = arith.constant 0 : i32
      %dma_wait3A_428 = arith.constant 0 : i32
      %dma_wait3A_429 = tpu.memref_slice %arg21[%run_scoped3A_302, %dma_wait3A_427, %dma_wait3A_428] : memref<2x16x16xi32, #tpu.memory_space<vmem_shared>> -> memref<1x16x16xi32, #tpu.memory_space<vmem_shared>>
      %dma_wait3A_430 = tpu.memref_squeeze %dma_wait3A_429 : memref<1x16x16xi32, #tpu.memory_space<vmem_shared>> -> memref<16x16xi32, #tpu.memory_space<vmem_shared>>
      %dma_wait3A_431 = arith.constant 0 : i32
      %dma_wait3A_432 = arith.constant 0 : i32
      %dma_wait3A_433 = tpu.memref_slice %arg21[%run_scoped3A_302, %dma_wait3A_431, %dma_wait3A_432] : memref<2x16x16xi32, #tpu.memory_space<vmem_shared>> -> memref<1x16x16xi32, #tpu.memory_space<vmem_shared>>
      %dma_wait3A_434 = tpu.memref_squeeze %dma_wait3A_433 : memref<1x16x16xi32, #tpu.memory_space<vmem_shared>> -> memref<16x16xi32, #tpu.memory_space<vmem_shared>>
      tpu.wait_dma2 semaphore(%run_scoped3A_418 : memref<!tpu.dma_semaphore, #tpu.memory_space<semaphore_mem>>) src(%dma_wait3A_434 : memref<16x16xi32, #tpu.memory_space<vmem_shared>>) dst(%arg9 : memref<16x16xi32, #tpu.memory_space<vmem>>)
      tpu.yield
    }) : () -> ()
    %gather3A_303 = tpu.vector_load_idx %arg9[%iota3A, %broadcast_in_dim3A_1] : memref<16x16xi32, #tpu.memory_space<vmem>>[vector<16xi32>, vector<16xi32>], vector<16xi32>,
    %rev3A_304 = arith.constant 15 : i32
    %rev3A_305 = vector.broadcast %rev3A_304 : i32 to vector<16xi32>
    %rev3A_306 = tpu.iota {dimensions = array<i32: 0>} : vector<16xi32>
    %rev3A_307 = arith.subi %rev3A_305, %rev3A_306 : vector<16xi32>
    %rev3A_308 = tpu.dynamic_gather %gather3A_303[%rev3A_307] in [0] : vector<16xi32>, vector<16xi32> -> vector<16xi32>
    %cumsum3A_309 = arith.constant true
    %cumsum3A_310 = vector.broadcast %cumsum3A_309 : i1 to vector<16xi1>
    %cumsum3A_311 = tpu.scan <sum>, %rev3A_308 masked %cumsum3A_310 : vector<16xi32>, vector<16xi1> -> vector<16xi32>
    %rev3A_312 = arith.constant 15 : i32
    %rev3A_313 = vector.broadcast %rev3A_312 : i32 to vector<16xi32>
    %rev3A_314 = tpu.iota {dimensions = array<i32: 0>} : vector<16xi32>
    %rev3A_315 = arith.subi %rev3A_313, %rev3A_314 : vector<16xi32>
    %rev3A_316 = tpu.dynamic_gather %cumsum3A_311[%rev3A_315] in [0] : vector<16xi32>, vector<16xi32> -> vector<16xi32>
    %ge3A_317 = vector.broadcast %squeeze3A_189 : i32 to vector<16xi32>
    %ge3A_318 = arith.cmpi sge, %rev3A_316, %ge3A_317 : vector<16xi32>
    %all_reduce_population_count3A_319 = tpu.all_reduce %ge3A_318 {dim = 0 : i64, kind = #tpu.reduction_kind<sum>} : vector<16xi1> -> vector<16xi32>
    %reduce_max3A_320 = arith.constant true
    %reduce_max3A_321 = vector.broadcast %reduce_max3A_320 : i1 to vector<16xi1>
    %reduce_max3A_322 = arith.constant -2147483648 : i32
    %reduce_max3A_323 = vector.broadcast %reduce_max3A_322 : i32 to vector<16xi32>
    %reduce_max3A_324 = arith.xori %all_reduce_population_count3A_319, %reduce_max3A_323 : vector<16xi32>
    %reduce_max3A_325 = tpu.scan <max>, %reduce_max3A_324 masked %reduce_max3A_321 : vector<16xi32>, vector<16xi1> -> vector<16xi32>
    %reduce_max3A_326 = arith.xori %reduce_max3A_325, %reduce_max3A_323 : vector<16xi32>
    %reduce_max3A_327 = vector.extract %reduce_max3A_326[15] : i32 from vector<16xi32>
    %sub3A_328 = arith.constant 1 : i32
    %sub3A_329 = arith.subi %reduce_max3A_327, %sub3A_328 : i32
    %eq3A_330 = vector.broadcast %sub3A_329 : i32 to vector<16xi32>
    %eq3A_331 = arith.cmpi eq, %iota3A, %eq3A_330 : vector<16xi32>
    %jit3A_332 = arith.constant 0 : i32
    %broadcast_in_dim3A_333 = vector.broadcast %jit3A_332 : i32 to vector<16xi32>
    %select_n3A_334 = arith.select %eq3A_331, %rev3A_316, %broadcast_in_dim3A_333 : vector<16xi1>, vector<16xi32>
    %reduce_sum3A_335 = arith.constant true
    %reduce_sum3A_336 = vector.broadcast %reduce_sum3A_335 : i1 to vector<16xi1>
    %reduce_sum3A_337 = tpu.scan <sum>, %select_n3A_334 masked %reduce_sum3A_336 : vector<16xi32>, vector<16xi1> -> vector<16xi32>
    %reduce_sum3A_338 = vector.extract %reduce_sum3A_337[15] : i32 from vector<16xi32>
    %jit3A_339 = arith.constant 0 : i32
    %broadcast_in_dim3A_340 = vector.broadcast %jit3A_339 : i32 to vector<16xi32>
    %select_n3A_341 = arith.select %eq3A_331, %gather3A_303, %broadcast_in_dim3A_340 : vector<16xi1>, vector<16xi32>
    %reduce_sum3A_342 = arith.constant true
    %reduce_sum3A_343 = vector.broadcast %reduce_sum3A_342 : i1 to vector<16xi1>
    %reduce_sum3A_344 = tpu.scan <sum>, %select_n3A_341 masked %reduce_sum3A_343 : vector<16xi32>, vector<16xi1> -> vector<16xi32>
    %reduce_sum3A_345 = vector.extract %reduce_sum3A_344[15] : i32 from vector<16xi32>
    %sub3A_346 = arith.subi %reduce_sum3A_338, %reduce_sum3A_345 : i32
    "tpu.region"() ({
      %run_scoped3A_418 = tpu.sem_alloc : memref<!tpu.dma_semaphore, #tpu.memory_space<semaphore_mem>>
      tpu.enqueue_dma source(%arg23 : memref<16x16xf32, #tpu.memory_space<vmem_shared>>) target(%arg10 : memref<16x16xf32, #tpu.memory_space<vmem>>) target_semaphore(%run_scoped3A_418 : memref<!tpu.dma_semaphore, #tpu.memory_space<semaphore_mem>>)
      tpu.wait_dma2 semaphore(%run_scoped3A_418 : memref<!tpu.dma_semaphore, #tpu.memory_space<semaphore_mem>>) src(%arg23 : memref<16x16xf32, #tpu.memory_space<vmem_shared>>) dst(%arg10 : memref<16x16xf32, #tpu.memory_space<vmem>>)
      tpu.yield
    }) : () -> ()
    %gather3A_347 = tpu.vector_load_idx %arg10[%iota3A, %broadcast_in_dim3A_1] : memref<16x16xf32, #tpu.memory_space<vmem>>[vector<16xi32>, vector<16xi32>], vector<16xf32>,
    %rev3A_348 = arith.constant 15 : i32
    %rev3A_349 = vector.broadcast %rev3A_348 : i32 to vector<16xi32>
    %rev3A_350 = tpu.iota {dimensions = array<i32: 0>} : vector<16xi32>
    %rev3A_351 = arith.subi %rev3A_349, %rev3A_350 : vector<16xi32>
    %rev3A_352 = tpu.dynamic_gather %gather3A_347[%rev3A_351] in [0] : vector<16xf32>, vector<16xi32> -> vector<16xf32>
    %cumsum3A_353 = arith.constant true
    %cumsum3A_354 = vector.broadcast %cumsum3A_353 : i1 to vector<16xi1>
    %cumsum3A_355 = tpu.scan <sum>, %rev3A_352 masked %cumsum3A_354 : vector<16xf32>, vector<16xi1> -> vector<16xf32>
    %rev3A_356 = arith.constant 15 : i32
    %rev3A_357 = vector.broadcast %rev3A_356 : i32 to vector<16xi32>
    %rev3A_358 = tpu.iota {dimensions = array<i32: 0>} : vector<16xi32>
    %rev3A_359 = arith.subi %rev3A_357, %rev3A_358 : vector<16xi32>
    %rev3A_360 = tpu.dynamic_gather %cumsum3A_355[%rev3A_359] in [0] : vector<16xf32>, vector<16xi32> -> vector<16xf32>
    %jit3A_361 = arith.constant 0.000000e+00 : f32
    %broadcast_in_dim3A_362 = vector.broadcast %jit3A_361 : f32 to vector<16xf32>
    %select_n3A_363 = arith.select %eq3A_331, %rev3A_360, %broadcast_in_dim3A_362 : vector<16xi1>, vector<16xf32>
    %reduce_sum3A_364 = arith.constant true
    %reduce_sum3A_365 = vector.broadcast %reduce_sum3A_364 : i1 to vector<16xi1>
    %reduce_sum3A_366 = tpu.scan <sum>, %select_n3A_363 masked %reduce_sum3A_365 : vector<16xf32>, vector<16xi1> -> vector<16xf32>
    %reduce_sum3A_367 = vector.extract %reduce_sum3A_366[15] : f32 from vector<16xf32>
    %jit3A_368 = arith.constant 0.000000e+00 : f32
    %broadcast_in_dim3A_369 = vector.broadcast %jit3A_368 : f32 to vector<16xf32>
    %select_n3A_370 = arith.select %eq3A_331, %gather3A_347, %broadcast_in_dim3A_369 : vector<16xi1>, vector<16xf32>
    %reduce_sum3A_371 = arith.constant true
    %reduce_sum3A_372 = vector.broadcast %reduce_sum3A_371 : i1 to vector<16xi1>
    %reduce_sum3A_373 = tpu.scan <sum>, %select_n3A_370 masked %reduce_sum3A_372 : vector<16xf32>, vector<16xi1> -> vector<16xf32>
    %reduce_sum3A_374 = vector.extract %reduce_sum3A_373[15] : f32 from vector<16xf32>
    %sub3A_375 = arith.subf %reduce_sum3A_367, %reduce_sum3A_374 : f32
    %eq3A_376 = arith.cmpi eq, %arg1, %sub3A_329 : i32
    %convert_element_type3A_377 = arith.extui %eq3A_376 : i1 to i32
    %cond3A_378 = arith.constant -2147483648 : i32
    %cond3A_379 = arith.constant 0 : i32
    %cond3A_380 = arith.cmpi ne, %convert_element_type3A_377, %cond3A_379 : i32
    scf.if %cond3A_380 {
      "tpu.trace_start"() <{level = 10 : i32, message = "sc_scan1"}> : () -> ()
      %sub3A_418 = arith.subi %squeeze3A_189, %sub3A_346 : i32
      %scan3A_419 = arith.constant 0 : i32
      %scan3A_420 = arith.constant 16 : i32
      %scan3A_421 = arith.addi %scan3A_419, %scan3A_420 : i32
      %scan3A_422 = arith.constant 1 : i32
      %scan3A_423 = scf.for %scan3A_743 = %scan3A_419 to %scan3A_421 step %scan3A_422 iter_args(%scan3A_744 = %broadcast_in_dim3A_1) -> (vector<16xi32>)  : i32 {
        %eq3A_745 = vector.broadcast %scan3A_743 : i32 to vector<16xi32>
        %eq3A_746 = arith.cmpi eq, %iota3A, %eq3A_745 : vector<16xi32>
        %mul3A_747 = arith.constant 16 : i32
        %mul3A_748 = arith.muli %scan3A_743, %mul3A_747 : i32
        %get3A_749 = arith.index_cast %mul3A_748 : i32 to index
        %get3A_750 = tpu.vector_load %arg15[%get3A_749] {strides = array<i32>} : memref<256xi32, #tpu.memory_space<vmem>>, vector<16xi32>,
        %reduce_sum3A_751 = arith.constant true
        %reduce_sum3A_752 = vector.broadcast %reduce_sum3A_751 : i1 to vector<16xi1>
        %reduce_sum3A_753 = tpu.scan <sum>, %get3A_750 masked %reduce_sum3A_752 : vector<16xi32>, vector<16xi1> -> vector<16xi32>
        %reduce_sum3A_754 = vector.extract %reduce_sum3A_753[15] : i32 from vector<16xi32>
        %broadcast_in_dim3A_755 = vector.broadcast %reduce_sum3A_754 : i32 to vector<16xi32>
        %select_n3A_756 = arith.select %eq3A_746, %broadcast_in_dim3A_755, %scan3A_744 : vector<16xi1>, vector<16xi32>
        scf.yield %select_n3A_756 : vector<16xi32>
      }
      %scan3A_424 = arith.constant 16 : i32
      %rev3A_425 = arith.constant 15 : i32
      %rev3A_426 = vector.broadcast %rev3A_425 : i32 to vector<16xi32>
      %rev3A_427 = tpu.iota {dimensions = array<i32: 0>} : vector<16xi32>
      %rev3A_428 = arith.subi %rev3A_426, %rev3A_427 : vector<16xi32>
      %rev3A_429 = tpu.dynamic_gather %scan3A_423[%rev3A_428] in [0] : vector<16xi32>, vector<16xi32> -> vector<16xi32>
      %cumsum3A_430 = arith.constant true
      %cumsum3A_431 = vector.broadcast %cumsum3A_430 : i1 to vector<16xi1>
      %cumsum3A_432 = tpu.scan <sum>, %rev3A_429 masked %cumsum3A_431 : vector<16xi32>, vector<16xi1> -> vector<16xi32>
      %rev3A_433 = arith.constant 15 : i32
      %rev3A_434 = vector.broadcast %rev3A_433 : i32 to vector<16xi32>
      %rev3A_435 = tpu.iota {dimensions = array<i32: 0>} : vector<16xi32>
      %rev3A_436 = arith.subi %rev3A_434, %rev3A_435 : vector<16xi32>
      %rev3A_437 = tpu.dynamic_gather %cumsum3A_432[%rev3A_436] in [0] : vector<16xi32>, vector<16xi32> -> vector<16xi32>
      %ge3A_438 = vector.broadcast %sub3A_418 : i32 to vector<16xi32>
      %ge3A_439 = arith.cmpi sge, %rev3A_437, %ge3A_438 : vector<16xi32>
      %all_reduce_population_count3A_440 = tpu.all_reduce %ge3A_439 {dim = 0 : i64, kind = #tpu.reduction_kind<sum>} : vector<16xi1> -> vector<16xi32>
      %reduce_max3A_441 = arith.constant true
      %reduce_max3A_442 = vector.broadcast %reduce_max3A_441 : i1 to vector<16xi1>
      %reduce_max3A_443 = arith.constant -2147483648 : i32
      %reduce_max3A_444 = vector.broadcast %reduce_max3A_443 : i32 to vector<16xi32>
      %reduce_max3A_445 = arith.xori %all_reduce_population_count3A_440, %reduce_max3A_444 : vector<16xi32>
      %reduce_max3A_446 = tpu.scan <max>, %reduce_max3A_445 masked %reduce_max3A_442 : vector<16xi32>, vector<16xi1> -> vector<16xi32>
      %reduce_max3A_447 = arith.xori %reduce_max3A_446, %reduce_max3A_444 : vector<16xi32>
      %reduce_max3A_448 = vector.extract %reduce_max3A_447[15] : i32 from vector<16xi32>
      %sub3A_449 = arith.constant 1 : i32
      %sub3A_450 = arith.subi %reduce_max3A_448, %sub3A_449 : i32
      %eq3A_451 = vector.broadcast %sub3A_450 : i32 to vector<16xi32>
      %eq3A_452 = arith.cmpi eq, %iota3A, %eq3A_451 : vector<16xi32>
      %jit3A_453 = arith.constant 0 : i32
      %broadcast_in_dim3A_454 = vector.broadcast %jit3A_453 : i32 to vector<16xi32>
      %select_n3A_455 = arith.select %eq3A_452, %rev3A_437, %broadcast_in_dim3A_454 : vector<16xi1>, vector<16xi32>
      %reduce_sum3A_456 = arith.constant true
      %reduce_sum3A_457 = vector.broadcast %reduce_sum3A_456 : i1 to vector<16xi1>
      %reduce_sum3A_458 = tpu.scan <sum>, %select_n3A_455 masked %reduce_sum3A_457 : vector<16xi32>, vector<16xi1> -> vector<16xi32>
      %reduce_sum3A_459 = vector.extract %reduce_sum3A_458[15] : i32 from vector<16xi32>
      %eq3A_460 = vector.broadcast %sub3A_450 : i32 to vector<16xi32>
      %eq3A_461 = arith.cmpi eq, %iota3A, %eq3A_460 : vector<16xi32>
      %jit3A_462 = arith.constant 0 : i32
      %broadcast_in_dim3A_463 = vector.broadcast %jit3A_462 : i32 to vector<16xi32>
      %select_n3A_464 = arith.select %eq3A_461, %scan3A_423, %broadcast_in_dim3A_463 : vector<16xi1>, vector<16xi32>
      %reduce_sum3A_465 = arith.constant true
      %reduce_sum3A_466 = vector.broadcast %reduce_sum3A_465 : i1 to vector<16xi1>
      %reduce_sum3A_467 = tpu.scan <sum>, %select_n3A_464 masked %reduce_sum3A_466 : vector<16xi32>, vector<16xi1> -> vector<16xi32>
      %reduce_sum3A_468 = vector.extract %reduce_sum3A_467[15] : i32 from vector<16xi32>
      %sub3A_469 = arith.subi %reduce_sum3A_459, %reduce_sum3A_468 : i32
      %mul3A_470 = arith.constant 16 : i32
      %mul3A_471 = arith.muli %sub3A_450, %mul3A_470 : i32
      %get3A_472 = arith.index_cast %mul3A_471 : i32 to index
      %get3A_473 = tpu.vector_load %arg15[%get3A_472] {strides = array<i32>} : memref<256xi32, #tpu.memory_space<vmem>>, vector<16xi32>,
      %sub3A_474 = arith.subi %sub3A_418, %sub3A_469 : i32
      %rev3A_475 = arith.constant 15 : i32
      %rev3A_476 = vector.broadcast %rev3A_475 : i32 to vector<16xi32>
      %rev3A_477 = tpu.iota {dimensions = array<i32: 0>} : vector<16xi32>
      %rev3A_478 = arith.subi %rev3A_476, %rev3A_477 : vector<16xi32>
      %rev3A_479 = tpu.dynamic_gather %get3A_473[%rev3A_478] in [0] : vector<16xi32>, vector<16xi32> -> vector<16xi32>
      %cumsum3A_480 = arith.constant true
      %cumsum3A_481 = vector.broadcast %cumsum3A_480 : i1 to vector<16xi1>
      %cumsum3A_482 = tpu.scan <sum>, %rev3A_479 masked %cumsum3A_481 : vector<16xi32>, vector<16xi1> -> vector<16xi32>
      %rev3A_483 = arith.constant 15 : i32
      %rev3A_484 = vector.broadcast %rev3A_483 : i32 to vector<16xi32>
      %rev3A_485 = tpu.iota {dimensions = array<i32: 0>} : vector<16xi32>
      %rev3A_486 = arith.subi %rev3A_484, %rev3A_485 : vector<16xi32>
      %rev3A_487 = tpu.dynamic_gather %cumsum3A_482[%rev3A_486] in [0] : vector<16xi32>, vector<16xi32> -> vector<16xi32>
      %ge3A_488 = vector.broadcast %sub3A_474 : i32 to vector<16xi32>
      %ge3A_489 = arith.cmpi sge, %rev3A_487, %ge3A_488 : vector<16xi32>
      %all_reduce_population_count3A_490 = tpu.all_reduce %ge3A_489 {dim = 0 : i64, kind = #tpu.reduction_kind<sum>} : vector<16xi1> -> vector<16xi32>
      %reduce_max3A_491 = arith.constant true
      %reduce_max3A_492 = vector.broadcast %reduce_max3A_491 : i1 to vector<16xi1>
      %reduce_max3A_493 = arith.constant -2147483648 : i32
      %reduce_max3A_494 = vector.broadcast %reduce_max3A_493 : i32 to vector<16xi32>
      %reduce_max3A_495 = arith.xori %all_reduce_population_count3A_490, %reduce_max3A_494 : vector<16xi32>
      %reduce_max3A_496 = tpu.scan <max>, %reduce_max3A_495 masked %reduce_max3A_492 : vector<16xi32>, vector<16xi1> -> vector<16xi32>
      %reduce_max3A_497 = arith.xori %reduce_max3A_496, %reduce_max3A_494 : vector<16xi32>
      %reduce_max3A_498 = vector.extract %reduce_max3A_497[15] : i32 from vector<16xi32>
      %sub3A_499 = arith.constant 1 : i32
      %sub3A_500 = arith.subi %reduce_max3A_498, %sub3A_499 : i32
      %eq3A_501 = vector.broadcast %sub3A_500 : i32 to vector<16xi32>
      %eq3A_502 = arith.cmpi eq, %iota3A, %eq3A_501 : vector<16xi32>
      %jit3A_503 = arith.constant 0 : i32
      %broadcast_in_dim3A_504 = vector.broadcast %jit3A_503 : i32 to vector<16xi32>
      %select_n3A_505 = arith.select %eq3A_502, %rev3A_487, %broadcast_in_dim3A_504 : vector<16xi1>, vector<16xi32>
      %reduce_sum3A_506 = arith.constant true
      %reduce_sum3A_507 = vector.broadcast %reduce_sum3A_506 : i1 to vector<16xi1>
      %reduce_sum3A_508 = tpu.scan <sum>, %select_n3A_505 masked %reduce_sum3A_507 : vector<16xi32>, vector<16xi1> -> vector<16xi32>
      %reduce_sum3A_509 = vector.extract %reduce_sum3A_508[15] : i32 from vector<16xi32>
      %eq3A_510 = vector.broadcast %sub3A_500 : i32 to vector<16xi32>
      %eq3A_511 = arith.cmpi eq, %iota3A, %eq3A_510 : vector<16xi32>
      %jit3A_512 = arith.constant 0 : i32
      %broadcast_in_dim3A_513 = vector.broadcast %jit3A_512 : i32 to vector<16xi32>
      %select_n3A_514 = arith.select %eq3A_511, %get3A_473, %broadcast_in_dim3A_513 : vector<16xi1>, vector<16xi32>
      %reduce_sum3A_515 = arith.constant true
      %reduce_sum3A_516 = vector.broadcast %reduce_sum3A_515 : i1 to vector<16xi1>
      %reduce_sum3A_517 = tpu.scan <sum>, %select_n3A_514 masked %reduce_sum3A_516 : vector<16xi32>, vector<16xi1> -> vector<16xi32>
      %reduce_sum3A_518 = vector.extract %reduce_sum3A_517[15] : i32 from vector<16xi32>
      %sub3A_519 = arith.subi %reduce_sum3A_509, %reduce_sum3A_518 : i32
      %mul3A_520 = arith.constant 16 : i32
      %mul3A_521 = arith.muli %sub3A_450, %mul3A_520 : i32
      %add3A_522 = arith.addi %mul3A_521, %sub3A_500 : i32
      %shift_right_arithmetic3A = arith.constant 5 : i32
      %shift_right_arithmetic3A_523 = arith.shrsi %add3A_522, %shift_right_arithmetic3A : i32
      %and3A_524 = arith.constant 31 : i32
      %and3A_525 = arith.andi %add3A_522, %and3A_524 : i32
      %mul3A_526 = arith.constant 16 : i32
      %mul3A_527 = arith.muli %and3A_525, %mul3A_526 : i32
      %get3A_528 = arith.index_cast %shift_right_arithmetic3A_523 : i32 to index
      %get3A_529 = arith.index_cast %mul3A_527 : i32 to index
      %get3A_530 = tpu.vector_load %arg7[%get3A_528, %get3A_529] {strides = array<i32>} : memref<8x512xi32, #tpu.memory_space<vmem>>, vector<16xi32>,
      %sub3A_531 = arith.subi %sub3A_474, %sub3A_519 : i32
      %rev3A_532 = arith.constant 15 : i32
      %rev3A_533 = vector.broadcast %rev3A_532 : i32 to vector<16xi32>
      %rev3A_534 = tpu.iota {dimensions = array<i32: 0>} : vector<16xi32>
      %rev3A_535 = arith.subi %rev3A_533, %rev3A_534 : vector<16xi32>
      %rev3A_536 = tpu.dynamic_gather %get3A_530[%rev3A_535] in [0] : vector<16xi32>, vector<16xi32> -> vector<16xi32>
      %cumsum3A_537 = arith.constant true
      %cumsum3A_538 = vector.broadcast %cumsum3A_537 : i1 to vector<16xi1>
      %cumsum3A_539 = tpu.scan <sum>, %rev3A_536 masked %cumsum3A_538 : vector<16xi32>, vector<16xi1> -> vector<16xi32>
      %rev3A_540 = arith.constant 15 : i32
      %rev3A_541 = vector.broadcast %rev3A_540 : i32 to vector<16xi32>
      %rev3A_542 = tpu.iota {dimensions = array<i32: 0>} : vector<16xi32>
      %rev3A_543 = arith.subi %rev3A_541, %rev3A_542 : vector<16xi32>
      %rev3A_544 = tpu.dynamic_gather %cumsum3A_539[%rev3A_543] in [0] : vector<16xi32>, vector<16xi32> -> vector<16xi32>
      %ge3A_545 = vector.broadcast %sub3A_531 : i32 to vector<16xi32>
      %ge3A_546 = arith.cmpi sge, %rev3A_544, %ge3A_545 : vector<16xi32>
      %all_reduce_population_count3A_547 = tpu.all_reduce %ge3A_546 {dim = 0 : i64, kind = #tpu.reduction_kind<sum>} : vector<16xi1> -> vector<16xi32>
      %reduce_max3A_548 = arith.constant true
      %reduce_max3A_549 = vector.broadcast %reduce_max3A_548 : i1 to vector<16xi1>
      %reduce_max3A_550 = arith.constant -2147483648 : i32
      %reduce_max3A_551 = vector.broadcast %reduce_max3A_550 : i32 to vector<16xi32>
      %reduce_max3A_552 = arith.xori %all_reduce_population_count3A_547, %reduce_max3A_551 : vector<16xi32>
      %reduce_max3A_553 = tpu.scan <max>, %reduce_max3A_552 masked %reduce_max3A_549 : vector<16xi32>, vector<16xi1> -> vector<16xi32>
      %reduce_max3A_554 = arith.xori %reduce_max3A_553, %reduce_max3A_551 : vector<16xi32>
      %reduce_max3A_555 = vector.extract %reduce_max3A_554[15] : i32 from vector<16xi32>
      %sub3A_556 = arith.constant 1 : i32
      %sub3A_557 = arith.subi %reduce_max3A_555, %sub3A_556 : i32
      %eq3A_558 = vector.broadcast %sub3A_557 : i32 to vector<16xi32>
      %eq3A_559 = arith.cmpi eq, %iota3A, %eq3A_558 : vector<16xi32>
      %jit3A_560 = arith.constant 0 : i32
      %broadcast_in_dim3A_561 = vector.broadcast %jit3A_560 : i32 to vector<16xi32>
      %select_n3A_562 = arith.select %eq3A_559, %rev3A_544, %broadcast_in_dim3A_561 : vector<16xi1>, vector<16xi32>
      %reduce_sum3A_563 = arith.constant true
      %reduce_sum3A_564 = vector.broadcast %reduce_sum3A_563 : i1 to vector<16xi1>
      %reduce_sum3A_565 = tpu.scan <sum>, %select_n3A_562 masked %reduce_sum3A_564 : vector<16xi32>, vector<16xi1> -> vector<16xi32>
      %reduce_sum3A_566 = vector.extract %reduce_sum3A_565[15] : i32 from vector<16xi32>
      %eq3A_567 = vector.broadcast %sub3A_557 : i32 to vector<16xi32>
      %eq3A_568 = arith.cmpi eq, %iota3A, %eq3A_567 : vector<16xi32>
      %jit3A_569 = arith.constant 0 : i32
      %broadcast_in_dim3A_570 = vector.broadcast %jit3A_569 : i32 to vector<16xi32>
      %select_n3A_571 = arith.select %eq3A_568, %get3A_530, %broadcast_in_dim3A_570 : vector<16xi1>, vector<16xi32>
      %reduce_sum3A_572 = arith.constant true
      %reduce_sum3A_573 = vector.broadcast %reduce_sum3A_572 : i1 to vector<16xi1>
      %reduce_sum3A_574 = tpu.scan <sum>, %select_n3A_571 masked %reduce_sum3A_573 : vector<16xi32>, vector<16xi1> -> vector<16xi32>
      %reduce_sum3A_575 = vector.extract %reduce_sum3A_574[15] : i32 from vector<16xi32>
      %sub3A_576 = arith.subi %reduce_sum3A_566, %reduce_sum3A_575 : i32
      %mul3A_577 = arith.constant 16 : i32
      %mul3A_578 = arith.muli %add3A_522, %mul3A_577 : i32
      %add3A_579 = arith.addi %mul3A_578, %sub3A_557 : i32
      %add3A_580 = arith.addi %sub3A_346, %sub3A_469 : i32
      %add3A_581 = arith.addi %add3A_580, %sub3A_519 : i32
      %add3A_582 = arith.addi %add3A_581, %sub3A_576 : i32
      %scan3A_583 = arith.constant 0 : i32
      %scan3A_584 = arith.constant 16 : i32
      %scan3A_585 = arith.addi %scan3A_583, %scan3A_584 : i32
      %scan3A_586 = arith.constant 1 : i32
      %scan3A_587 = scf.for %scan3A_743 = %scan3A_583 to %scan3A_585 step %scan3A_586 iter_args(%scan3A_744 = %broadcast_in_dim3A_5) -> (vector<16xf32>)  : i32 {
        %eq3A_745 = vector.broadcast %scan3A_743 : i32 to vector<16xi32>
        %eq3A_746 = arith.cmpi eq, %iota3A, %eq3A_745 : vector<16xi32>
        %mul3A_747 = arith.constant 16 : i32
        %mul3A_748 = arith.muli %scan3A_743, %mul3A_747 : i32
        %get3A_749 = arith.index_cast %mul3A_748 : i32 to index
        %get3A_750 = tpu.vector_load %arg16[%get3A_749] {strides = array<i32>} : memref<256xf32, #tpu.memory_space<vmem>>, vector<16xf32>,
        %reduce_sum3A_751 = arith.constant true
        %reduce_sum3A_752 = vector.broadcast %reduce_sum3A_751 : i1 to vector<16xi1>
        %reduce_sum3A_753 = tpu.scan <sum>, %get3A_750 masked %reduce_sum3A_752 : vector<16xf32>, vector<16xi1> -> vector<16xf32>
        %reduce_sum3A_754 = vector.extract %reduce_sum3A_753[15] : f32 from vector<16xf32>
        %broadcast_in_dim3A_755 = vector.broadcast %reduce_sum3A_754 : f32 to vector<16xf32>
        %select_n3A_756 = arith.select %eq3A_746, %broadcast_in_dim3A_755, %scan3A_744 : vector<16xi1>, vector<16xf32>
        scf.yield %select_n3A_756 : vector<16xf32>
      }
      %scan3A_588 = arith.constant 16 : i32
      %mul3A_589 = arith.constant 4096 : i32
      %mul3A_590 = arith.muli %sub3A_329, %mul3A_589 : i32
      %mul3A_591 = arith.constant 16 : i32
      %mul3A_592 = arith.muli %add3A_522, %mul3A_591 : i32
      %add3A_593 = arith.addi %mul3A_590, %mul3A_592 : i32
      %add3A_594 = vector.broadcast %add3A_593 : i32 to vector<16xi32>
      %add3A_595 = arith.addi %add3A_594, %iota3A : vector<16xi32>
      %shift_left3A_596 = arith.constant 16 : i32
      %shift_left3A_597 = arith.shli %squeeze3A, %shift_left3A_596 : i32
      %or3A_598 = vector.broadcast %shift_left3A_597 : i32 to vector<16xi32>
      %or3A_599 = arith.ori %or3A_598, %add3A_595 : vector<16xi32>
      %convert_element_type3A_600 = arith.sitofp %get3A_530 : vector<16xi32> to vector<16xf32>
      %ge3A_601 = vector.broadcast %cond3A_378 : i32 to vector<16xi32>
      %ge3A_602 = arith.cmpi uge, %or3A_599, %ge3A_601 : vector<16xi32>
      %xor3A = vector.broadcast %cond3A_378 : i32 to vector<16xi32>
      %xor3A_603 = arith.xori %or3A_599, %xor3A : vector<16xi32>
      %not3A = arith.constant dense<-1> : vector<16xi32>
      %not3A_604 = arith.xori %or3A_599, %not3A : vector<16xi32>
      %select_n3A_605 = arith.select %ge3A_602, %xor3A_603, %not3A_604 : vector<16xi1>, vector<16xi32>
      %bitcast3A_606 = vector.bitcast %select_n3A_605 : vector<16xi32> to vector<16xf32>
      %mul3A_607 = arith.mulf %convert_element_type3A_600, %bitcast3A_606 : vector<16xf32>
      %rev3A_608 = arith.constant 15 : i32
      %rev3A_609 = vector.broadcast %rev3A_608 : i32 to vector<16xi32>
      %rev3A_610 = tpu.iota {dimensions = array<i32: 0>} : vector<16xi32>
      %rev3A_611 = arith.subi %rev3A_609, %rev3A_610 : vector<16xi32>
      %rev3A_612 = tpu.dynamic_gather %scan3A_587[%rev3A_611] in [0] : vector<16xf32>, vector<16xi32> -> vector<16xf32>
      %cumsum3A_613 = arith.constant true
      %cumsum3A_614 = vector.broadcast %cumsum3A_613 : i1 to vector<16xi1>
      %cumsum3A_615 = tpu.scan <sum>, %rev3A_612 masked %cumsum3A_614 : vector<16xf32>, vector<16xi1> -> vector<16xf32>
      %rev3A_616 = arith.constant 15 : i32
      %rev3A_617 = vector.broadcast %rev3A_616 : i32 to vector<16xi32>
      %rev3A_618 = tpu.iota {dimensions = array<i32: 0>} : vector<16xi32>
      %rev3A_619 = arith.subi %rev3A_617, %rev3A_618 : vector<16xi32>
      %rev3A_620 = tpu.dynamic_gather %cumsum3A_615[%rev3A_619] in [0] : vector<16xf32>, vector<16xi32> -> vector<16xf32>
      %eq3A_621 = vector.broadcast %sub3A_450 : i32 to vector<16xi32>
      %eq3A_622 = arith.cmpi eq, %iota3A, %eq3A_621 : vector<16xi32>
      %jit3A_623 = arith.constant 0.000000e+00 : f32
      %broadcast_in_dim3A_624 = vector.broadcast %jit3A_623 : f32 to vector<16xf32>
      %select_n3A_625 = arith.select %eq3A_622, %rev3A_620, %broadcast_in_dim3A_624 : vector<16xi1>, vector<16xf32>
      %reduce_sum3A_626 = arith.constant true
      %reduce_sum3A_627 = vector.broadcast %reduce_sum3A_626 : i1 to vector<16xi1>
      %reduce_sum3A_628 = tpu.scan <sum>, %select_n3A_625 masked %reduce_sum3A_627 : vector<16xf32>, vector<16xi1> -> vector<16xf32>
      %reduce_sum3A_629 = vector.extract %reduce_sum3A_628[15] : f32 from vector<16xf32>
      %eq3A_630 = vector.broadcast %sub3A_450 : i32 to vector<16xi32>
      %eq3A_631 = arith.cmpi eq, %iota3A, %eq3A_630 : vector<16xi32>
      %jit3A_632 = arith.constant 0.000000e+00 : f32
      %broadcast_in_dim3A_633 = vector.broadcast %jit3A_632 : f32 to vector<16xf32>
      %select_n3A_634 = arith.select %eq3A_631, %scan3A_587, %broadcast_in_dim3A_633 : vector<16xi1>, vector<16xf32>
      %reduce_sum3A_635 = arith.constant true
      %reduce_sum3A_636 = vector.broadcast %reduce_sum3A_635 : i1 to vector<16xi1>
      %reduce_sum3A_637 = tpu.scan <sum>, %select_n3A_634 masked %reduce_sum3A_636 : vector<16xf32>, vector<16xi1> -> vector<16xf32>
      %reduce_sum3A_638 = vector.extract %reduce_sum3A_637[15] : f32 from vector<16xf32>
      %sub3A_639 = arith.subf %reduce_sum3A_629, %reduce_sum3A_638 : f32
      %add3A_640 = arith.addf %sub3A_375, %sub3A_639 : f32
      %mul3A_641 = arith.constant 16 : i32
      %mul3A_642 = arith.muli %sub3A_450, %mul3A_641 : i32
      %get3A_643 = arith.index_cast %mul3A_642 : i32 to index
      %get3A_644 = tpu.vector_load %arg16[%get3A_643] {strides = array<i32>} : memref<256xf32, #tpu.memory_space<vmem>>, vector<16xf32>,
      %rev3A_645 = arith.constant 15 : i32
      %rev3A_646 = vector.broadcast %rev3A_645 : i32 to vector<16xi32>
      %rev3A_647 = tpu.iota {dimensions = array<i32: 0>} : vector<16xi32>
      %rev3A_648 = arith.subi %rev3A_646, %rev3A_647 : vector<16xi32>
      %rev3A_649 = tpu.dynamic_gather %get3A_644[%rev3A_648] in [0] : vector<16xf32>, vector<16xi32> -> vector<16xf32>
      %cumsum3A_650 = arith.constant true
      %cumsum3A_651 = vector.broadcast %cumsum3A_650 : i1 to vector<16xi1>
      %cumsum3A_652 = tpu.scan <sum>, %rev3A_649 masked %cumsum3A_651 : vector<16xf32>, vector<16xi1> -> vector<16xf32>
      %rev3A_653 = arith.constant 15 : i32
      %rev3A_654 = vector.broadcast %rev3A_653 : i32 to vector<16xi32>
      %rev3A_655 = tpu.iota {dimensions = array<i32: 0>} : vector<16xi32>
      %rev3A_656 = arith.subi %rev3A_654, %rev3A_655 : vector<16xi32>
      %rev3A_657 = tpu.dynamic_gather %cumsum3A_652[%rev3A_656] in [0] : vector<16xf32>, vector<16xi32> -> vector<16xf32>
      %eq3A_658 = vector.broadcast %sub3A_500 : i32 to vector<16xi32>
      %eq3A_659 = arith.cmpi eq, %iota3A, %eq3A_658 : vector<16xi32>
      %jit3A_660 = arith.constant 0.000000e+00 : f32
      %broadcast_in_dim3A_661 = vector.broadcast %jit3A_660 : f32 to vector<16xf32>
      %select_n3A_662 = arith.select %eq3A_659, %rev3A_657, %broadcast_in_dim3A_661 : vector<16xi1>, vector<16xf32>
      %reduce_sum3A_663 = arith.constant true
      %reduce_sum3A_664 = vector.broadcast %reduce_sum3A_663 : i1 to vector<16xi1>
      %reduce_sum3A_665 = tpu.scan <sum>, %select_n3A_662 masked %reduce_sum3A_664 : vector<16xf32>, vector<16xi1> -> vector<16xf32>
      %reduce_sum3A_666 = vector.extract %reduce_sum3A_665[15] : f32 from vector<16xf32>
      %eq3A_667 = vector.broadcast %sub3A_500 : i32 to vector<16xi32>
      %eq3A_668 = arith.cmpi eq, %iota3A, %eq3A_667 : vector<16xi32>
      %jit3A_669 = arith.constant 0.000000e+00 : f32
      %broadcast_in_dim3A_670 = vector.broadcast %jit3A_669 : f32 to vector<16xf32>
      %select_n3A_671 = arith.select %eq3A_668, %get3A_644, %broadcast_in_dim3A_670 : vector<16xi1>, vector<16xf32>
      %reduce_sum3A_672 = arith.constant true
      %reduce_sum3A_673 = vector.broadcast %reduce_sum3A_672 : i1 to vector<16xi1>
      %reduce_sum3A_674 = tpu.scan <sum>, %select_n3A_671 masked %reduce_sum3A_673 : vector<16xf32>, vector<16xi1> -> vector<16xf32>
      %reduce_sum3A_675 = vector.extract %reduce_sum3A_674[15] : f32 from vector<16xf32>
      %sub3A_676 = arith.subf %reduce_sum3A_666, %reduce_sum3A_675 : f32
      %add3A_677 = arith.addf %add3A_640, %sub3A_676 : f32
      %rev3A_678 = arith.constant 15 : i32
      %rev3A_679 = vector.broadcast %rev3A_678 : i32 to vector<16xi32>
      %rev3A_680 = tpu.iota {dimensions = array<i32: 0>} : vector<16xi32>
      %rev3A_681 = arith.subi %rev3A_679, %rev3A_680 : vector<16xi32>
      %rev3A_682 = tpu.dynamic_gather %mul3A_607[%rev3A_681] in [0] : vector<16xf32>, vector<16xi32> -> vector<16xf32>
      %cumsum3A_683 = arith.constant true
      %cumsum3A_684 = vector.broadcast %cumsum3A_683 : i1 to vector<16xi1>
      %cumsum3A_685 = tpu.scan <sum>, %rev3A_682 masked %cumsum3A_684 : vector<16xf32>, vector<16xi1> -> vector<16xf32>
      %rev3A_686 = arith.constant 15 : i32
      %rev3A_687 = vector.broadcast %rev3A_686 : i32 to vector<16xi32>
      %rev3A_688 = tpu.iota {dimensions = array<i32: 0>} : vector<16xi32>
      %rev3A_689 = arith.subi %rev3A_687, %rev3A_688 : vector<16xi32>
      %rev3A_690 = tpu.dynamic_gather %cumsum3A_685[%rev3A_689] in [0] : vector<16xf32>, vector<16xi32> -> vector<16xf32>
      %eq3A_691 = vector.broadcast %sub3A_557 : i32 to vector<16xi32>
      %eq3A_692 = arith.cmpi eq, %iota3A, %eq3A_691 : vector<16xi32>
      %jit3A_693 = arith.constant 0.000000e+00 : f32
      %broadcast_in_dim3A_694 = vector.broadcast %jit3A_693 : f32 to vector<16xf32>
      %select_n3A_695 = arith.select %eq3A_692, %rev3A_690, %broadcast_in_dim3A_694 : vector<16xi1>, vector<16xf32>
      %reduce_sum3A_696 = arith.constant true
      %reduce_sum3A_697 = vector.broadcast %reduce_sum3A_696 : i1 to vector<16xi1>
      %reduce_sum3A_698 = tpu.scan <sum>, %select_n3A_695 masked %reduce_sum3A_697 : vector<16xf32>, vector<16xi1> -> vector<16xf32>
      %reduce_sum3A_699 = vector.extract %reduce_sum3A_698[15] : f32 from vector<16xf32>
      %eq3A_700 = vector.broadcast %sub3A_557 : i32 to vector<16xi32>
      %eq3A_701 = arith.cmpi eq, %iota3A, %eq3A_700 : vector<16xi32>
      %jit3A_702 = arith.constant 0.000000e+00 : f32
      %broadcast_in_dim3A_703 = vector.broadcast %jit3A_702 : f32 to vector<16xf32>
      %select_n3A_704 = arith.select %eq3A_701, %mul3A_607, %broadcast_in_dim3A_703 : vector<16xi1>, vector<16xf32>
      %reduce_sum3A_705 = arith.constant true
      %reduce_sum3A_706 = vector.broadcast %reduce_sum3A_705 : i1 to vector<16xi1>
      %reduce_sum3A_707 = tpu.scan <sum>, %select_n3A_704 masked %reduce_sum3A_706 : vector<16xf32>, vector<16xi1> -> vector<16xf32>
      %reduce_sum3A_708 = vector.extract %reduce_sum3A_707[15] : f32 from vector<16xf32>
      %sub3A_709 = arith.subf %reduce_sum3A_699, %reduce_sum3A_708 : f32
      %add3A_710 = arith.addf %add3A_677, %sub3A_709 : f32
      %mul3A_711 = arith.constant 4096 : i32
      %mul3A_712 = arith.muli %sub3A_329, %mul3A_711 : i32
      %add3A_713 = arith.addi %mul3A_712, %add3A_579 : i32
      %sub3A_714 = arith.subi %squeeze3A_189, %add3A_582 : i32
      %add3A_715 = vector.broadcast %add3A_710 : f32 to vector<16xf32>
      %add3A_716 = arith.addf %broadcast_in_dim3A_5, %add3A_715 : vector<16xf32>
      %bitcast3A_717 = vector.bitcast %add3A_716 : vector<16xf32> to vector<16xi32>
      %eq3A_718 = arith.constant 0 : i32
      %eq3A_719 = vector.broadcast %eq3A_718 : i32 to vector<16xi32>
      %eq3A_720 = arith.cmpi eq, %iota3A, %eq3A_719 : vector<16xi32>
      %jit3A_721 = arith.constant 0 : i32
      %broadcast_in_dim3A_722 = vector.broadcast %add3A_713 : i32 to vector<16xi32>
      %broadcast_in_dim3A_723 = vector.broadcast %jit3A_721 : i32 to vector<16xi32>
      %select_n3A_724 = arith.select %eq3A_720, %broadcast_in_dim3A_722, %broadcast_in_dim3A_723 : vector<16xi1>, vector<16xi32>
      %eq3A_725 = arith.constant 1 : i32
      %eq3A_726 = vector.broadcast %eq3A_725 : i32 to vector<16xi32>
      %eq3A_727 = arith.cmpi eq, %iota3A, %eq3A_726 : vector<16xi32>
      %jit3A_728 = arith.constant 0 : i32
      %broadcast_in_dim3A_729 = vector.broadcast %sub3A_714 : i32 to vector<16xi32>
      %broadcast_in_dim3A_730 = vector.broadcast %jit3A_728 : i32 to vector<16xi32>
      %select_n3A_731 = arith.select %eq3A_727, %broadcast_in_dim3A_729, %broadcast_in_dim3A_730 : vector<16xi1>, vector<16xi32>
      %add3A_732 = arith.addi %select_n3A_724, %select_n3A_731 : vector<16xi32>
      %eq3A_733 = arith.constant 2 : i32
      %eq3A_734 = vector.broadcast %eq3A_733 : i32 to vector<16xi32>
      %eq3A_735 = arith.cmpi eq, %iota3A, %eq3A_734 : vector<16xi32>
      %jit3A_736 = arith.constant 0 : i32
      %broadcast_in_dim3A_737 = vector.broadcast %jit3A_736 : i32 to vector<16xi32>
      %select_n3A_738 = arith.select %eq3A_735, %bitcast3A_717, %broadcast_in_dim3A_737 : vector<16xi1>, vector<16xi32>
      %add3A_739 = arith.addi %add3A_732, %select_n3A_738 : vector<16xi32>
      %swap3A_740 = arith.constant 0 : index
      %swap3A_741 = tpu.vector_load %arg12[%swap3A_740] {strides = array<i32>} : memref<16xi32, #tpu.memory_space<vmem>>, vector<16xi32>,
      tpu.vector_store %arg12[%swap3A_740], %add3A_739 {strides = array<i32>} : memref<16xi32, #tpu.memory_space<vmem>>, vector<16xi32>,
      %run_scoped3A_742 = arith.constant 1 : i32
      "tpu.region"() ({
        %run_scoped3A_743 = tpu.sem_alloc : memref<!tpu.dma_semaphore, #tpu.memory_space<semaphore_mem>>
        %dma_start3A_744 = arith.constant 0 : i32
        %dma_start3A_745 = tpu.memref_slice %arg22[%run_scoped3A_742, %dma_start3A_744] : memref<2x16xi32, #tpu.memory_space<vmem_shared>> -> memref<1x16xi32, #tpu.memory_space<vmem_shared>>
        %dma_start3A_746 = tpu.memref_squeeze %dma_start3A_745 : memref<1x16xi32, #tpu.memory_space<vmem_shared>> -> memref<16xi32, #tpu.memory_space<vmem_shared>>
        %dma_start3A_747 = arith.constant 0 : i32
        %dma_start3A_748 = tpu.memref_slice %arg22[%run_scoped3A_742, %dma_start3A_747] : memref<2x16xi32, #tpu.memory_space<vmem_shared>> -> memref<1x16xi32, #tpu.memory_space<vmem_shared>>
        %dma_start3A_749 = tpu.memref_squeeze %dma_start3A_748 : memref<1x16xi32, #tpu.memory_space<vmem_shared>> -> memref<16xi32, #tpu.memory_space<vmem_shared>>
        tpu.enqueue_dma source(%arg12 : memref<16xi32, #tpu.memory_space<vmem>>) target(%dma_start3A_749 : memref<16xi32, #tpu.memory_space<vmem_shared>>) target_semaphore(%run_scoped3A_743 : memref<!tpu.dma_semaphore, #tpu.memory_space<semaphore_mem>>)
        %dma_wait3A_750 = arith.constant 0 : i32
        %dma_wait3A_751 = tpu.memref_slice %arg22[%run_scoped3A_742, %dma_wait3A_750] : memref<2x16xi32, #tpu.memory_space<vmem_shared>> -> memref<1x16xi32, #tpu.memory_space<vmem_shared>>
        %dma_wait3A_752 = tpu.memref_squeeze %dma_wait3A_751 : memref<1x16xi32, #tpu.memory_space<vmem_shared>> -> memref<16xi32, #tpu.memory_space<vmem_shared>>
        %dma_wait3A_753 = arith.constant 0 : i32
        %dma_wait3A_754 = tpu.memref_slice %arg22[%run_scoped3A_742, %dma_wait3A_753] : memref<2x16xi32, #tpu.memory_space<vmem_shared>> -> memref<1x16xi32, #tpu.memory_space<vmem_shared>>
        %dma_wait3A_755 = tpu.memref_squeeze %dma_wait3A_754 : memref<1x16xi32, #tpu.memory_space<vmem_shared>> -> memref<16xi32, #tpu.memory_space<vmem_shared>>
        tpu.wait_dma2 semaphore(%run_scoped3A_743 : memref<!tpu.dma_semaphore, #tpu.memory_space<semaphore_mem>>) src(%arg12 : memref<16xi32, #tpu.memory_space<vmem>>) dst(%dma_wait3A_755 : memref<16xi32, #tpu.memory_space<vmem_shared>>)
        tpu.yield
      }) : () -> ()
      "tpu.trace_stop"() : () -> ()
    } else {
    }
    "tpu.trace_start"() <{level = 10 : i32, message = "sc_dec1"}> : () -> ()
    %barrier3A_381 = arith.constant 0 : index
    tpu.barrier barrier_id(%barrier3A_381)
    %run_scoped3A_382 = arith.constant 1 : i32
    "tpu.trace_stop"() : () -> ()
    "tpu.region"() ({
      %run_scoped3A_418 = tpu.sem_alloc : memref<!tpu.dma_semaphore, #tpu.memory_space<semaphore_mem>>
      %dma_start3A_419 = arith.constant 0 : i32
      %dma_start3A_420 = tpu.memref_slice %arg22[%run_scoped3A_382, %dma_start3A_419] : memref<2x16xi32, #tpu.memory_space<vmem_shared>> -> memref<1x16xi32, #tpu.memory_space<vmem_shared>>
      %dma_start3A_421 = tpu.memref_squeeze %dma_start3A_420 : memref<1x16xi32, #tpu.memory_space<vmem_shared>> -> memref<16xi32, #tpu.memory_space<vmem_shared>>
      %dma_start3A_422 = arith.constant 0 : i32
      %dma_start3A_423 = tpu.memref_slice %arg22[%run_scoped3A_382, %dma_start3A_422] : memref<2x16xi32, #tpu.memory_space<vmem_shared>> -> memref<1x16xi32, #tpu.memory_space<vmem_shared>>
      %dma_start3A_424 = tpu.memref_squeeze %dma_start3A_423 : memref<1x16xi32, #tpu.memory_space<vmem_shared>> -> memref<16xi32, #tpu.memory_space<vmem_shared>>
      tpu.enqueue_dma source(%dma_start3A_424 : memref<16xi32, #tpu.memory_space<vmem_shared>>) target(%arg11 : memref<16xi32, #tpu.memory_space<vmem>>) target_semaphore(%run_scoped3A_418 : memref<!tpu.dma_semaphore, #tpu.memory_space<semaphore_mem>>)
      %dma_wait3A_425 = arith.constant 0 : i32
      %dma_wait3A_426 = tpu.memref_slice %arg22[%run_scoped3A_382, %dma_wait3A_425] : memref<2x16xi32, #tpu.memory_space<vmem_shared>> -> memref<1x16xi32, #tpu.memory_space<vmem_shared>>
      %dma_wait3A_427 = tpu.memref_squeeze %dma_wait3A_426 : memref<1x16xi32, #tpu.memory_space<vmem_shared>> -> memref<16xi32, #tpu.memory_space<vmem_shared>>
      %dma_wait3A_428 = arith.constant 0 : i32
      %dma_wait3A_429 = tpu.memref_slice %arg22[%run_scoped3A_382, %dma_wait3A_428] : memref<2x16xi32, #tpu.memory_space<vmem_shared>> -> memref<1x16xi32, #tpu.memory_space<vmem_shared>>
      %dma_wait3A_430 = tpu.memref_squeeze %dma_wait3A_429 : memref<1x16xi32, #tpu.memory_space<vmem_shared>> -> memref<16xi32, #tpu.memory_space<vmem_shared>>
      tpu.wait_dma2 semaphore(%run_scoped3A_418 : memref<!tpu.dma_semaphore, #tpu.memory_space<semaphore_mem>>) src(%dma_wait3A_430 : memref<16xi32, #tpu.memory_space<vmem_shared>>) dst(%arg11 : memref<16xi32, #tpu.memory_space<vmem>>)
      tpu.yield
    }) : () -> ()
    %get3A_383 = arith.constant 0 : index
    %get3A_384 = tpu.vector_load %arg11[%get3A_383] {strides = array<i32>} : memref<16xi32, #tpu.memory_space<vmem>>, vector<16xi32>,
    %bitcast3A_385 = vector.bitcast %get3A_384 : vector<16xi32> to vector<16xf32>
    %eq3A_386 = arith.constant 2 : i32
    %eq3A_387 = vector.broadcast %eq3A_386 : i32 to vector<16xi32>
    %eq3A_388 = arith.cmpi eq, %iota3A, %eq3A_387 : vector<16xi32>
    %jit3A_389 = arith.constant 0.000000e+00 : f32
    %broadcast_in_dim3A_390 = vector.broadcast %jit3A_389 : f32 to vector<16xf32>
    %select_n3A_391 = arith.select %eq3A_388, %bitcast3A_385, %broadcast_in_dim3A_390 : vector<16xi1>, vector<16xf32>
    %reduce_sum3A_392 = arith.constant true
    %reduce_sum3A_393 = vector.broadcast %reduce_sum3A_392 : i1 to vector<16xi1>
    %reduce_sum3A_394 = tpu.scan <sum>, %select_n3A_391 masked %reduce_sum3A_393 : vector<16xf32>, vector<16xi1> -> vector<16xf32>
    %reduce_sum3A_395 = vector.extract %reduce_sum3A_394[15] : f32 from vector<16xf32>
    %slice3A_396 = vector.extract_strided_slice %get3A_384 {offsets = [0], sizes = [1], strides = [1]} : vector<16xi32> to vector<1xi32>
    %squeeze3A_397 = vector.extract %slice3A_396[0] : i32 from vector<1xi32>
    %slice3A_398 = vector.extract_strided_slice %get3A_384 {offsets = [1], sizes = [1], strides = [1]} : vector<16xi32> to vector<1xi32>
    %squeeze3A_399 = vector.extract %slice3A_398[0] : i32 from vector<1xi32>
    "tpu.trace_stop"() : () -> ()
    %shift_left3A = arith.constant 16 : i32
    %shift_left3A_400 = arith.shli %squeeze3A, %shift_left3A : i32
    %or3A = arith.ori %shift_left3A_400, %squeeze3A_397 : i32
    %reduce_sum3A_401 = arith.constant true
    %reduce_sum3A_402 = vector.broadcast %reduce_sum3A_401 : i1 to vector<16xi1>
    %reduce_sum3A_403 = tpu.scan <sum>, %add3A_279 masked %reduce_sum3A_402 : vector<16xf32>, vector<16xi1> -> vector<16xf32>
    %reduce_sum3A_404 = vector.extract %reduce_sum3A_403[15] : f32 from vector<16xf32>
    %add3A_405 = vector.broadcast %reduce_sum3A_404 : f32 to vector<16xf32>
    %add3A_406 = arith.addf %broadcast_in_dim3A_5, %add3A_405 : vector<16xf32>
    %swap3A_407 = arith.constant 0 : index
    %swap3A_408 = tpu.vector_load %arg13[%swap3A_407] {strides = array<i32>} : memref<16xf32, #tpu.memory_space<vmem>>, vector<16xf32>,
    tpu.vector_store %arg13[%swap3A_407], %add3A_406 {strides = array<i32>} : memref<16xf32, #tpu.memory_space<vmem>>, vector<16xf32>,
    "tpu.region"() ({
      %run_scoped3A_418 = tpu.sem_alloc : memref<!tpu.dma_semaphore, #tpu.memory_space<semaphore_mem>>
      %dma_start3A_419 = arith.constant 0 : i32
      %dma_start3A_420 = tpu.memref_slice %arg23[%arg1, %dma_start3A_419] : memref<16x16xf32, #tpu.memory_space<vmem_shared>> -> memref<1x16xf32, #tpu.memory_space<vmem_shared>>
      %dma_start3A_421 = tpu.memref_squeeze %dma_start3A_420 : memref<1x16xf32, #tpu.memory_space<vmem_shared>> -> memref<16xf32, #tpu.memory_space<vmem_shared>>
      %dma_start3A_422 = arith.constant 0 : i32
      %dma_start3A_423 = tpu.memref_slice %arg23[%arg1, %dma_start3A_422] : memref<16x16xf32, #tpu.memory_space<vmem_shared>> -> memref<1x16xf32, #tpu.memory_space<vmem_shared>>
      %dma_start3A_424 = tpu.memref_squeeze %dma_start3A_423 : memref<1x16xf32, #tpu.memory_space<vmem_shared>> -> memref<16xf32, #tpu.memory_space<vmem_shared>>
      tpu.enqueue_dma source(%arg13 : memref<16xf32, #tpu.memory_space<vmem>>) target(%dma_start3A_424 : memref<16xf32, #tpu.memory_space<vmem_shared>>) target_semaphore(%run_scoped3A_418 : memref<!tpu.dma_semaphore, #tpu.memory_space<semaphore_mem>>)
      %dma_wait3A_425 = arith.constant 0 : i32
      %dma_wait3A_426 = tpu.memref_slice %arg23[%arg1, %dma_wait3A_425] : memref<16x16xf32, #tpu.memory_space<vmem_shared>> -> memref<1x16xf32, #tpu.memory_space<vmem_shared>>
      %dma_wait3A_427 = tpu.memref_squeeze %dma_wait3A_426 : memref<1x16xf32, #tpu.memory_space<vmem_shared>> -> memref<16xf32, #tpu.memory_space<vmem_shared>>
      %dma_wait3A_428 = arith.constant 0 : i32
      %dma_wait3A_429 = tpu.memref_slice %arg23[%arg1, %dma_wait3A_428] : memref<16x16xf32, #tpu.memory_space<vmem_shared>> -> memref<1x16xf32, #tpu.memory_space<vmem_shared>>
      %dma_wait3A_430 = tpu.memref_squeeze %dma_wait3A_429 : memref<1x16xf32, #tpu.memory_space<vmem_shared>> -> memref<16xf32, #tpu.memory_space<vmem_shared>>
      tpu.wait_dma2 semaphore(%run_scoped3A_418 : memref<!tpu.dma_semaphore, #tpu.memory_space<semaphore_mem>>) src(%arg13 : memref<16xf32, #tpu.memory_space<vmem>>) dst(%dma_wait3A_430 : memref<16xf32, #tpu.memory_space<vmem_shared>>)
      tpu.yield
    }) : () -> ()
    %barrier3A_409 = arith.constant 0 : index
    tpu.barrier barrier_id(%barrier3A_409)
    %eq3A_410 = arith.constant 0 : i32
    %eq3A_411 = arith.cmpi eq, %arg1, %eq3A_410 : i32
    %eq3A_412 = arith.constant 0 : i32
    %eq3A_413 = arith.cmpi eq, %arg0, %eq3A_412 : i32
    %and3A = arith.andi %eq3A_411, %eq3A_413 : i1
    %convert_element_type3A_414 = arith.extui %and3A : i1 to i32
    %cond3A_415 = arith.constant -2147483648 : i32
    %cond3A_416 = arith.constant 0 : i32
    %cond3A_417 = arith.cmpi ne, %convert_element_type3A_414, %cond3A_416 : i32
    scf.if %cond3A_417 {
      "tpu.region"() ({
        %run_scoped3A_444 = tpu.sem_alloc : memref<!tpu.dma_semaphore, #tpu.memory_space<semaphore_mem>>
        tpu.enqueue_dma source(%arg23 : memref<16x16xf32, #tpu.memory_space<vmem_shared>>) target(%arg10 : memref<16x16xf32, #tpu.memory_space<vmem>>) target_semaphore(%run_scoped3A_444 : memref<!tpu.dma_semaphore, #tpu.memory_space<semaphore_mem>>)
        tpu.wait_dma2 semaphore(%run_scoped3A_444 : memref<!tpu.dma_semaphore, #tpu.memory_space<semaphore_mem>>) src(%arg23 : memref<16x16xf32, #tpu.memory_space<vmem_shared>>) dst(%arg10 : memref<16x16xf32, #tpu.memory_space<vmem>>)
        tpu.yield
      }) : () -> ()
      %gather3A_418 = tpu.vector_load_idx %arg10[%iota3A, %broadcast_in_dim3A_1] : memref<16x16xf32, #tpu.memory_space<vmem>>[vector<16xi32>, vector<16xi32>], vector<16xf32>,
      %reduce_sum3A_419 = arith.constant true
      %reduce_sum3A_420 = vector.broadcast %reduce_sum3A_419 : i1 to vector<16xi1>
      %reduce_sum3A_421 = tpu.scan <sum>, %gather3A_418 masked %reduce_sum3A_420 : vector<16xf32>, vector<16xi1> -> vector<16xf32>
      %reduce_sum3A_422 = vector.extract %reduce_sum3A_421[15] : f32 from vector<16xf32>
      %add3A_423 = arith.addf %reduce_sum3A_422, %reduce_sum3A_395 : f32
      %broadcast_in_dim3A_424 = arith.constant 0 : i32
      %broadcast_in_dim3A_425 = vector.broadcast %broadcast_in_dim3A_424 : i32 to vector<16xi32>
      %add3A_426 = vector.broadcast %or3A : i32 to vector<16xi32>
      %add3A_427 = arith.addi %broadcast_in_dim3A_425, %add3A_426 : vector<16xi32>
      %ge3A_428 = vector.broadcast %cond3A_415 : i32 to vector<16xi32>
      %ge3A_429 = arith.cmpi uge, %add3A_427, %ge3A_428 : vector<16xi32>
      %xor3A = vector.broadcast %cond3A_415 : i32 to vector<16xi32>
      %xor3A_430 = arith.xori %add3A_427, %xor3A : vector<16xi32>
      %not3A = arith.constant dense<-1> : vector<16xi32>
      %not3A_431 = arith.xori %add3A_427, %not3A : vector<16xi32>
      %select_n3A_432 = arith.select %ge3A_429, %xor3A_430, %not3A_431 : vector<16xi1>, vector<16xi32>
      %bitcast3A_433 = vector.bitcast %select_n3A_432 : vector<16xi32> to vector<16xf32>
      %convert_element_type3A_434 = arith.sitofp %squeeze3A_399 : i32 to f32
      %add3A_435 = vector.broadcast %add3A_423 : f32 to vector<16xf32>
      %add3A_436 = arith.addf %broadcast_in_dim3A_5, %add3A_435 : vector<16xf32>
      %mul3A_437 = vector.broadcast %convert_element_type3A_434 : f32 to vector<16xf32>
      %mul3A_438 = arith.mulf %mul3A_437, %bitcast3A_433 : vector<16xf32>
      %add3A_439 = arith.addf %add3A_436, %mul3A_438 : vector<16xf32>
      %div3A = arith.constant 1.000000e+05 : f32
      %div3A_440 = vector.broadcast %div3A : f32 to vector<16xf32>
      %div3A_441 = arith.divf %add3A_439, %div3A_440 : vector<16xf32>
      %swap3A_442 = arith.constant 0 : index
      %swap3A_443 = tpu.vector_load %arg14[%swap3A_442] {strides = array<i32>} : memref<16xf32, #tpu.memory_space<vmem>>, vector<16xf32>,
      tpu.vector_store %arg14[%swap3A_442], %div3A_441 {strides = array<i32>} : memref<16xf32, #tpu.memory_space<vmem>>, vector<16xf32>,
      "tpu.region"() ({
        %run_scoped3A_444 = tpu.sem_alloc : memref<!tpu.dma_semaphore, #tpu.memory_space<semaphore_mem>>
        tpu.enqueue_dma source(%arg14 : memref<16xf32, #tpu.memory_space<vmem>>) target(%arg3 : memref<16xf32, #tpu.memory_space<hbm>>) target_semaphore(%run_scoped3A_444 : memref<!tpu.dma_semaphore, #tpu.memory_space<semaphore_mem>>)
        tpu.wait_dma2 semaphore(%run_scoped3A_444 : memref<!tpu.dma_semaphore, #tpu.memory_space<semaphore_mem>>) src(%arg14 : memref<16xf32, #tpu.memory_space<vmem>>) dst(%arg3 : memref<16xf32, #tpu.memory_space<hbm>>)
        tpu.yield
      }) : () -> ()
    } else {
    }
    return
  }
}

module attributes {stable_mosaic.version = 14 : i64} {
  func.func @_ce_body(%arg0: i32, %arg1: i32, %arg2: memref<1x19x64x512xf32, #tpu.memory_space<vmem>>, %arg3: memref<1x64x512xi32, #tpu.memory_space<vmem>>, %arg4: memref<32768xi32, #tpu.memory_space<vmem>>) attributes {dimension_semantics = [#tpu.dimension_semantics<arbitrary>, #tpu.dimension_semantics<arbitrary>], iteration_bounds = array<i64: 8, 8>, scalar_prefetch = 0 : i64, scratch_operands = 0 : i64, tpu.core_type = #tpu.core_type<tc>, window_params = [{transform_indices = @transform_0, window_bounds = array<i64: 1, 19, 64, 512>}, {transform_indices = @transform_1, window_bounds = array<i64: 1, 64, 512>}, {transform_indices = @transform_2, window_bounds = array<i64: 32768>}]} {
    %get3A = arith.constant 0 : index
    %get3A_0 = arith.constant 0 : index
    %get3A_1 = arith.constant 0 : index
    %get3A_2 = arith.constant 0 : index
    %get3A_3 = vector.load %arg2[%get3A, %get3A_0, %get3A_1, %get3A_2] : memref<1x19x64x512xf32, #tpu.memory_space<vmem>>, vector<1x19x64x512xf32>
    %get3A_4 = vector.shape_cast %get3A_3 : vector<1x19x64x512xf32> to vector<19x64x512xf32>
    %get3A_5 = arith.constant 0 : index
    %get3A_6 = arith.constant 0 : index
    %get3A_7 = arith.constant 0 : index
    %get3A_8 = vector.load %arg3[%get3A_5, %get3A_6, %get3A_7] : memref<1x64x512xi32, #tpu.memory_space<vmem>>, vector<1x64x512xi32>
    %get3A_9 = vector.shape_cast %get3A_8 : vector<1x64x512xi32> to vector<64x512xi32>
    %reduce_max3A = arith.constant dense<0xFF800000> : vector<64x512xf32>
    %reduce_max3A_10 = vector.multi_reduction <maximumf>, %get3A_4, %reduce_max3A [0] : vector<19x64x512xf32> to vector<64x512xf32>
    %broadcast_in_dim3A = vector.shape_cast %reduce_max3A_10 : vector<64x512xf32> to vector<1x64x512xf32>
    %sub3A = vector.broadcast %broadcast_in_dim3A : vector<1x64x512xf32> to vector<19x64x512xf32>
    %sub3A_11 = arith.subf %get3A_4, %sub3A : vector<19x64x512xf32>
    %exp3A = math.exp %sub3A_11 : vector<19x64x512xf32>
    %reduce_sum3A = arith.constant dense<0.000000e+00> : vector<64x512xf32>
    %reduce_sum3A_12 = vector.multi_reduction <add>, %exp3A, %reduce_sum3A [0] : vector<19x64x512xf32> to vector<64x512xf32>
    %iota3A = tpu.iota {dimensions = array<i32: 0>} : vector<19x64x512xi32>
    %broadcast_in_dim3A_13 = vector.shape_cast %get3A_9 : vector<64x512xi32> to vector<1x64x512xi32>
    %eq3A = vector.broadcast %broadcast_in_dim3A_13 : vector<1x64x512xi32> to vector<19x64x512xi32>
    %eq3A_14 = arith.cmpi eq, %iota3A, %eq3A : vector<19x64x512xi32>
    %jit3A = arith.constant 0.000000e+00 : f32
    %broadcast_in_dim3A_15 = vector.broadcast %jit3A : f32 to vector<19x64x512xf32>
    %select_n3A = arith.select %eq3A_14, %get3A_4, %broadcast_in_dim3A_15 : vector<19x64x512xi1>, vector<19x64x512xf32>
    %reduce_sum3A_16 = arith.constant dense<0.000000e+00> : vector<64x512xf32>
    %reduce_sum3A_17 = vector.multi_reduction <add>, %select_n3A, %reduce_sum3A_16 [0] : vector<19x64x512xf32> to vector<64x512xf32>
    %log3A = math.log %reduce_sum3A_12 : vector<64x512xf32>
    %add3A = arith.addf %log3A, %reduce_max3A_10 : vector<64x512xf32>
    %sub3A_18 = arith.subf %add3A, %reduce_sum3A_17 : vector<64x512xf32>
    %bitcast_convert_type3A = tpu.bitcast %sub3A_18 : vector<64x512xf32> -> vector<64x512xi32>
    %lt3A = arith.constant 0 : i32
    %lt3A_19 = vector.broadcast %lt3A : i32 to vector<64x512xi32>
    %lt3A_20 = arith.cmpi slt, %bitcast_convert_type3A, %lt3A_19 : vector<64x512xi32>
    %jit3A_21 = arith.constant -1 : i32
    %jit3A_22 = arith.constant -2147483648 : i32
    %broadcast_in_dim3A_23 = vector.broadcast %jit3A_21 : i32 to vector<64x512xi32>
    %broadcast_in_dim3A_24 = vector.broadcast %jit3A_22 : i32 to vector<64x512xi32>
    %select_n3A_25 = arith.select %lt3A_20, %broadcast_in_dim3A_23, %broadcast_in_dim3A_24 : vector<64x512xi1>, vector<64x512xi32>
    %xor3A = arith.xori %bitcast_convert_type3A, %select_n3A_25 : vector<64x512xi32>
    %reshape3A = vector.shape_cast %xor3A : vector<64x512xi32> to vector<32768xi32>
    %swap3A = arith.constant 0 : index
    %swap3A_26 = vector.load %arg4[%swap3A] : memref<32768xi32, #tpu.memory_space<vmem>>, vector<32768xi32>
    tpu.vector_store %arg4[%swap3A], %reshape3A {strides = array<i32>} : memref<32768xi32, #tpu.memory_space<vmem>>, vector<32768xi32>,
    return
  }
  func.func @transform_0(%arg0: i32, %arg1: i32) -> (i32, i32, i32, i32) {
    %c0_i32 = arith.constant 0 : i32
    %c0_i32_0 = arith.constant 0 : i32
    %c0_i32_1 = arith.constant 0 : i32
    return %arg0, %c0_i32, %arg1, %c0_i32_0 : i32, i32, i32, i32
  }
  func.func @transform_1(%arg0: i32, %arg1: i32) -> (i32, i32, i32) {
    %c0_i32 = arith.constant 0 : i32
    %c0_i32_0 = arith.constant 0 : i32
    return %arg0, %arg1, %c0_i32 : i32, i32, i32
  }
  func.func @transform_2(%arg0: i32, %arg1: i32) -> i32 {
    %mul3A = arith.constant 8 : i32
    %mul3A_0 = arith.muli %arg0, %mul3A : i32
    %add3A = arith.addi %mul3A_0, %arg1 : i32
    %c0_i32 = arith.constant 0 : i32
    return %add3A : i32
  }
}

</mosaic_0001>

<sc_bundles>
// kernel: kernel.4.cloned.1.call-start
scs
__scs_entry_jumppad:
0x0: {  	(pc) =	sbr.rel $0x88, $3  }
0x1: {  	(tag) =	ssettag $0x0;
	lr =	simm.s32 $0x1  }
0x2: {  	[smem:$0x3F9F] =	sst lr;
	_ =	strace $0xD0000000  }
0x3: {  	_ = 	snop  }
0x4: {  	_ = 	snop  }
0x5: {  	_ = 	snop  }
0x6: {  	_ = 	snop  }
0x7: {  	_ = 	snop  }
__scs_overlays_trampoline_lowered:
0x8: {  	[smem:$0x3FAE] =	sst s0  }
0x9: {  	[smem:$0x3FAF] =	sst s1  }
0xa: {  	[smem:$0x3FB0] =	sst s2  }
0xb: {  	[smem:$0x3FB1] =	sst s3  }
0xc: {  	[smem:$0x3FB2] =	sst s4  }
0xd: {  	[smem:$0x3FB3] =	sst s5  }
0xe: {  	[smem:$0x3FB4] =	sst s6  }
0xf: {  	[smem:$0x3FB5] =	sst s7  }
0x10: {  	[smem:$0x3FB6] =	sst s8  }
0x11: {  	[smem:$0x3FB7] =	sst s9;
	s0 =	simm.s32 @!p0 $0x0  }
0x12: {  	s1 =	sld [smem:$0x3F9D];
	s0 =	simm.s32 @p0 $0x1  }
0x13: {  	[smem:$0x3FB8] =	sst s0;
	s0 =	simm.s32 @!p1 $0x0  }
0x14: {  	s2 =	sld [smem:$0x3F9C];
	s0 =	simm.s32 @p1 $0x1  }
0x15: {  	[smem:$0x3FB9] =	sst s0;
	s0 =	simm.s32 @!p2 $0x0  }
0x16: {  	s3 =	sld [smem:$0x3FDB];
	s0 =	simm.s32 @p2 $0x1  }
0x17: {  	s4 =	simm.s32 $0x1BF5;
	[smem:$0x3FBB] =	sst s0  }
0x18: {  	s0 =	sld [smem:$0x3F9E];
	_ =	swait.ge [sflag:s4], $0x0  }
0x19: {  	s7 =	sld [smem:$0x3F9F]  }
0x1a: {  	s8 =	sadd.s32 $0xFFFFE003, lr  }
0x1b: {  	s9 =	sadd.s32 $0xFFFFFEF7, lr;
	s5 =	simm.s32 $0xFFFFFFFF;
	p2 =	slt.u32 s8, $0xFFFFF086  }
0x1c: {  	p1 =	slt.u32 s9, $0xF7A;
	s5 =	simm.s32 @!p2 $0x0  }
0x1d: {  	s5 =	simm.s32 @p1 $0x1;
	p0 =	seq.s32 s7, s2  }
0x1e: {  	s7 =	smul.u32 @!p0 $0xF7A, s2;
	p2 =	seq.s32 @!p0 s5, $0x0  }
0x1f: {  	s9 =	smul.u32 $0xF7A, s1;
	s8 =	simm.s32 @!p0 $0x1BF5;
	p2 =	por !p2, p0  }
0x20: {  	[sflag:s8] =	ssyncset.s32 @!p0 $0xFFFFF086;
	s6 =	sadd.s32 @!p0 s3, s7;
	s7 =	simm.s32 @!p0 $0x108  }
0x21: {  	s3 =	sadd.s32 s3, s9;
	s6 =	sadd.s32 @!p0 $0x88, s6;
	s7 =	simm.s32 @p2 $0x1082  }
0x22: {  	[simem:s7], [sflag:s8] =	dma.local @!p0 [hbm:s6], $0xF7A  }
0x23: {  	s9 =	sor.u32 $0xD0000000, s2;
	s6 =	simm.s32 $0x108;
	_ =	swait.ge @!p0 [sflag:s8], $0x0  }
0x24: {  	s3 =	sadd.s32 $0x88, s3;
	s6 =	simm.s32 @!p1 $0x1082;
	[sflag:s4] =	ssyncset.s32 $0xFFFFF086  }
0x25: {  	[simem:s6], [sflag:s4] =	dma.local [hbm:s3], $0xF7A  }
0x26: {  	[smem:$0x3F9F] =	sst s1;
	(tag) =	ssettag s2;
	_ =	strace s9  }
0x27: {  	s1 =	sld [smem:$0x3FAF]  }
0x28: {  	s2 =	sld [smem:$0x3FB0]  }
0x29: {  	s4 =	sld [smem:$0x3FB2]  }
0x2a: {  	p0 =	seq.s32 s5, $0x0;
	s5 =	sld [smem:$0x3FB3]  }
0x2b: {  	s6 =	sld [smem:$0x3FB4]  }
0x2c: {  	s7 =	sld [smem:$0x3FB5]  }
0x2d: {  	s3 =	simm.s32 $0x108;
	s8 =	sld [smem:$0x3FB6]  }
0x2e: {  	s3 =	simm.s32 @!p0 $0x1082;
	s9 =	sld [smem:$0x3FB7]  }
0x2f: {  	lr =	sadd.s32 s0, s3;
	s0 =	sld [smem:$0x3FAE]  }
0x30: {  	s3 =	sld [smem:$0x3FB1]  }
0x31: {  	[smem:$0x3FBA] =	sst s10  }
0x32: {  	s10 =	sld [smem:$0x3FB8];
	_ =	sdelay $0x3  }
0x33: {  	p0 =	seq.s32 s10, $0x1;
	s10 =	sld [smem:$0x3FBA];
	_ =	sdelay $0x3  }
0x34: {  	[smem:$0x3FBA] =	sst s10  }
0x35: {  	s10 =	sld [smem:$0x3FB9];
	_ =	sdelay $0x3  }
0x36: {  	p1 =	seq.s32 s10, $0x1;
	s10 =	sld [smem:$0x3FBA];
	_ =	sdelay $0x3  }
0x37: {  	[smem:$0x3FBA] =	sst s10  }
0x38: {  	s10 =	sld [smem:$0x3FBB]  }
0x39: {  	_ = 	snop;
	(pc) =	sbr.ind lr, $3  }
0x3a: {  	_ = 	snop  }
0x3b: {  	_ = 	snop  }
0x3c: {  	p2 =	seq.s32 s10, $0x1;
	s10 =	sld [smem:$0x3FBA]  }
0x3d: {  	_ =	shalt  }
0x3e: {  	_ =	shalt  }
0x3f: {  	_ =	shalt  }
0x40: {  	_ =	shalt  }
0x41: {  	_ =	shalt  }
0x42: {  	_ =	shalt  }
0x43: {  	_ =	shalt  }
0x44: {  	_ =	shalt  }
0x45: {  	_ =	shalt  }
0x46: {  	_ =	shalt  }
0x47: {  	_ =	shalt  }
0x48: {  	_ =	shalt  }
0x49: {  	_ =	shalt  }
0x4a: {  	_ =	shalt  }
0x4b: {  	_ =	shalt  }
0x4c: {  	_ =	shalt  }
0x4d: {  	_ =	shalt  }
0x4e: {  	_ =	shalt  }
0x4f: {  	_ =	shalt  }
0x50: {  	_ =	shalt  }
0x51: {  	_ =	shalt  }
0x52: {  	_ =	shalt  }
0x53: {  	_ =	shalt  }
0x54: {  	_ =	shalt  }
0x55: {  	_ =	shalt  }
0x56: {  	_ =	shalt  }
0x57: {  	_ =	shalt  }
0x58: {  	_ =	shalt  }
0x59: {  	_ =	shalt  }
0x5a: {  	_ =	shalt  }
0x5b: {  	_ =	shalt  }
0x5c: {  	_ =	shalt  }
0x5d: {  	_ =	shalt  }
0x5e: {  	_ =	shalt  }
0x5f: {  	_ =	shalt  }
0x60: {  	_ =	shalt  }
0x61: {  	_ =	shalt  }
0x62: {  	_ =	shalt  }
0x63: {  	_ =	shalt  }
0x64: {  	_ =	shalt  }
0x65: {  	_ =	shalt  }
0x66: {  	_ =	shalt  }
0x67: {  	_ =	shalt  }
0x68: {  	_ =	shalt  }
0x69: {  	_ =	shalt  }
0x6a: {  	_ =	shalt  }
0x6b: {  	_ =	shalt  }
0x6c: {  	_ =	shalt  }
0x6d: {  	_ =	shalt  }
0x6e: {  	_ =	shalt  }
0x6f: {  	_ =	shalt  }
0x70: {  	_ =	shalt  }
0x71: {  	_ =	shalt  }
0x72: {  	_ =	shalt  }
0x73: {  	_ =	shalt  }
0x74: {  	_ =	shalt  }
0x75: {  	_ =	shalt  }
0x76: {  	_ =	shalt  }
0x77: {  	_ =	shalt  }
0x78: {  	_ =	shalt  }
0x79: {  	_ =	shalt  }
0x7a: {  	_ =	shalt  }
0x7b: {  	_ =	shalt  }
0x7c: {  	_ =	shalt  }
0x7d: {  	_ =	shalt  }
0x7e: {  	_ =	shalt  }
0x7f: {  	_ =	shalt  }
0x80: {  	_ =	shalt  }
0x81: {  	_ =	shalt  }
0x82: {  	_ =	shalt  }
0x83: {  	_ =	shalt  }
0x84: {  	_ =	shalt  }
0x85: {  	_ =	shalt  }
0x86: {  	_ =	shalt  }
0x87: {  	_ =	shalt  }
.Lfunc_end0:
.L_simem_size_0:
called_computation_lowered:
.L_overlay_start_0:
0x88: {  	s2 =	sld [smem:$0x3FD9]  }
0x89: {  	s3 =	sld [smem:$0x3FFE];
	_ =	sdelay $0x1  }
0x8a: {  	s1 =	srdreg.scid  }
0x8b: {  	s0 =	sand.u32 $0x1, s1  }
0x8c: {  	s17 =	sshll.u32 s0, $0xA;
	s2 =	sadd.s32 s3, s2  }
0x8d: {  	s2 =	sadd.s32 s2, s17  }
0x8e: {  	[smem:$0x3FC6] =	sst s2  }
0x8f: {  	_ = 	snop  }
0x90: {  	s2 =	sld [smem:$0x3FD0];
	(tm) =	ssettm $0x1  }
0x91: {  	s18 =	sld [smem:$0x3FFB];
	_ =	sdelay $0x3  }
0x92: {  	_ =	strace s18  }
0x93: {  	s3 =	sld [smem:$0x3FFC];
	_ =	sdelay $0x3  }
0x94: {  	_ =	strace s3  }
0x95: {  	s3 =	sld [smem:$0x3FFD];
	_ =	sdelay $0x3  }
0x96: {  	_ =	strace s3  }
0x97: {  	_ =	strace $0x8FFFFFFF  }
0x98: {  	s19 =	sld [smem:$0x3FDB];
	_ =	sdelay $0x1  }
0x99: {  	s4 =	simm.s32 $_scs_section_size  }
0x9a: {  	s5 =	simm.s32 $_size__tile_overlayer_lowered;
	s6 =	simm.s32 $_tile_overlayer_lowered  }
0x9b: {  	s22 =	simm.s32 $0x1BFF;
	s21 =	sshll.u32 s6, $0x1;
	s3 =	sadd.s32 s4, s19  }
0x9c: {  	s7 =	simm.s32 $0x0;
	s20 =	sshll.u32 s5, $0x1;
	s5 =	sadd.s32 s21, s3  }
0x9d: {  	[timem:s7], [sflag:s22] =	dma.local [hbm:s5], s20  }
0x9e: {  	_ =	swait.ge [sflag:s22], s20  }
0x9f: {  	s4 =	ssub.s32 $0x0, s20;
	[sflag:s22] =	ssyncset.done $0x0  }
0xa0: {  	[sflag:s22] =	ssyncadd.s32 s4;
	_ =	sdelay $0x1  }
0xa1: {  	s23 =	simm.s32 $0x1B8B  }
0xa2: {  	_ =	swait.ge [sflag:s23], $0x1  }
0xa3: {  	[sflag:s23] =	ssyncset.done $0x0  }
0xa4: {  	s25 =	simm.s32 $0x1B8E;
	s24 =	sld [smem:$0x3FFE];
	[sflag:s23] =	ssyncadd.s32 $0xFFFFFFFF  }
0xa5: {  	s26 =	simm.s32 $execute0_lowered;
	[smem:$0x3FD2] =	sst s25  }
0xa6: {  	s5 =	sshll.u32 s26, $0x1;
	_ =	strace $0x80000046;
	[dreg:$0x1] =	wrdreg $0xFFFFFFFF  }
0xa7: {  	s28 =	simm.s32 $_size_execute0_lowered;
	s3 =	sadd.s32 s3, s5;
	[dreg:$0x0] =	wrdreg $0x0  }
0xa8: {  	s5 =	sshll.u32 s28, $0x1;
	[dreg:$0x2] =	wrdreg s3  }
0xa9: {  	[dreg:$0x3] =	wrdreg s5  }
0xaa: {  	[dreg:$0x4] =	wrdreg $0xC0  }
0xab: {  	_ =	task [dreg:s7], $0x5FFFF  }
0xac: {  	[dreg:$0x1] =	wrdreg $0xFFFFFFFF  }
0xad: {  	[dreg:$0x0] =	wrdreg $0x60  }
0xae: {  	[dreg:$0x2] =	wrdreg s24  }
0xaf: {  	[dreg:$0x3] =	wrdreg s2  }
0xb0: {  	[dreg:$0x4] =	wrdreg $0x194C00  }
0xb1: {  	[dreg:$0x5] =	wrdreg $0x1A4C00  }
0xb2: {  	[dreg:$0x6] =	wrdreg $0x1B4C00  }
0xb3: {  	[dreg:$0x7] =	wrdreg $0x1B4E00  }
0xb4: {  	[dreg:$0x8] =	wrdreg $0x1B4E80  }
0xb5: {  	[dreg:$0x9] =	wrdreg $0x9  }
0xb6: {  	_ =	task.clear_ibuf [dreg:s7], $0xAFFFF;
	_ =	strace $0x90000046  }
0xb7: {  	s29 =	simm.s32 $0x9;
	_ =	strace $0x80000054  }
0xb8: {  	_ =	swait.ge [sflag:s29], $0x1  }
0xb9: {  	[sflag:s29] =	ssyncadd.s32 $0xFFFFFFFF  }
0xba: {  	_ =	strace $0x90000054  }
0xbb: {  	_ =	sfence  }
0xbc: {  	s30 =	sld [smem:$0x0];
	_ =	sdelay $0x2  }
0xbd: {  	s31 =	sshll.u32 s1, $0xD;
	s1 =	sshrl.u32 s1, $0x2  }
0xbe: {  	s3 =	sand.u32 $0x4000, s31;
	s1 =	sadd.s32 s1, s30  }
0xbf: {  	s0 =	sor.u32 s3, s0;
	s1 =	sshll.u32 s1, $0x11  }
0xc0: {  	s0 =	sor.u32 s1, s0  }
0xc1: {  	s0 =	sadd.s32 $0x8F2B, s0  }
0xc2: {  	[sflag:s0] =	ssyncadd.remote.s32 $0x1  }
0xc3: {  	_ =	sfence.sel $0xFFFF  }
0xc4: {  	[dreg:$0x0] =	wrdreg $0xFFFFFFFF;
	(pc) =	sbr.abs _section_cstart, $3  }
0xc5: {  	[dreg:$0x1] =	wrdreg $0xFFFFFFFF  }
0xc6: {  	_ =	task.clear_ibuf [dreg:s7], $0x2FFFF;
	_ =	strace $0x9FFFFFFF  }
0xc7: {  	(tm) =	ssettm $0x7FFFFFFF  }
tec
execute0_lowered:
.L_overlay_start_1:
0x0: {  	(tag) =	ssettag $0x1  }
0x1: {  	s0 =	rddreg [dreg:$0x0]  }
0x2: {  	s11 =	rddreg [dreg:$0x1]  }
0x3: {  	s12 =	rddreg [dreg:$0x2]  }
0x4: {  	s13 =	rddreg [dreg:$0x3]  }
0x5: {  	s14 =	rddreg [dreg:$0x4]  }
0x6: {  	s15 =	rddreg [dreg:$0x5]  }
0x7: {  	s24 =	rddreg [dreg:$0x6]  }
0x8: {  	s1 =	srdreg.scid;
	s8 =	simm.s32 $0x0;
	s16 =	stileid.u32  }
0x9: {  	s28 =	simm.s32 $0x3;
	s31 =	simm.s32 $0x8000;
	s1 =	sand.u32 $0x1, s1  }
0xa: {  	[smem:$0x7FF] =	sst s8;
	s3 =	sshll.u32 s16, $0xE;
	s9 =	sshll.u32 s16, $0xC  }
0xb: {  	s6 =	sshll.u32 s16, $0x4;
	s20 =	sadd.s32 $0x100, s14;
	s22 =	sadd.s32 $0x10, s15  }
0xc: {  	s2 =	ssub.s32 $0x2, s1;
	_ =	strace $0x80000047;
	s0 =	sadd.s32 s3, s0  }
0xd: {  	v0 =	vimm.f32 $1.000000000e+05;
	s17 =	sadd.s32 s9, s12;
	s18 =	sadd.s32 s9, s13;
	s7 =	sadd.s32 s6, s14  }
0xe: {  	s3 =	sadd.s32 s6, s24;
	s10 =	sor.u32 s1, s16;
	[dreg:$0xc] =	wrdreg s20;
	(erf) = vrcp.f32 v0  }
0xf: {  	[dreg:$0xd] =	wrdreg s22;
	s6 =	simm.s32 $0x4000;
	s22 =	simm.s32 $0x19290  }
0x10: {  	s20 =	simm.s32 $0x0;
	s4 =	sshrl.u32 s2, $0x1;
	s19 =	sadd.s32 $0x1000, s0  }
0x11: {  	s21 =	sadd.s32 $0x1800, s0;
	s25 =	sadd.s32 $0x2000, s0;
	s5 =	sadd.s32 $0x2800, s0  }
0x12: {  	v8 =	vimm.s32 $0x0;
	v9 =	vimm.s32 $0x1;
	s26 =	sadd.s32 $0x3000, s0;
	s29 =	sadd.s32 $0x3800, s0;
	s30 =	sadd.s32 $0x4000, s0  }
.Ltmp0:
0x13: {  	vm0 =	vcmask $0x300;
	vm1 =	vcmask $0x704;
	[dreg:$0x9] =	wrdreg s7;
	s1 =	smov.u32 s3;
	v0 =	vlaneseq.u32;
	(pc) =	sbr.rel .LBB2_1-.Ltmp0, $4  }
0x14: {  	v13 =	vimm.s32 $0x80000000;
	vm2 =	vcmask $0xB08;
	p0 =	sne.s32 s10, $0x0;
	s2 =	ssub.s32 s2, s4;
	v1 =	vor.u32 $0x10, v0;
	[dreg:$0x8] =	wrdreg s30  }
0x15: {  	s4 =	sadd.s32 $0x800, s0;
	s0 =	sadd.s32 $0x100, s7;
	v2 =	vor.u32 $0x20, v0;
	v3 =	vor.u32 $0x30, v0;
	v11 =	vmul.u32 $0xFFFFFFFF, v0;
	[dreg:$0xa] =	wrdreg s1  }
0x16: {  	s10 =	simm.s32 $0x2;
	v4 =	vor.u32 $0x40, v0;
	v5 =	vor.u32 $0x50, v0;
	v6 =	vor.u32 $0x60, v0;
	[dreg:$0xb] =	wrdreg s0;
	s23 =	smax.u32 s2, $0x1  }
0x17: {  	s7 =	simm.s32 $0x1;
	v7 =	vor.u32 $0x70, v0;
	v10 =	vmul.u32 $0x10, v0;
	[dreg:$0xe] =	wrdreg s23;
	s23 =	simm.s32 $0x18000;
	v11 =	vadd.s32 $0xF, v11;
	v12 =	vpop (erf)  }
.LBB2_52:
0x18: {  	_ =	sdelay $0x2  }
0x19: {  	v23, _, _ =	vpop (xrf2)  }
0x1a: {  	v21 =	vsel vm5, v22, v21;
	v49 =	vmov s3;
	v23 =	vbroadcast v23, $0xF;
	v24, _, _ =	vpop (xrf2)  }
0x1b: {  	v50 =	vmov s24;
	vm14 =	veq.s32 v49, v0;
	v24 =	vbroadcast v24, $0xF  }
0x1c: {  	vm15 =	veq.s32 v50, v0;
	v21 =	vsel vm14, v23, v21  }
0x1d: {  	v21 =	vsel vm15, v24, v21  }
0x1e: {  	v51 =	vperm.xlane v21, v11;
	_ =	sdelay $0x1  }
0x1f: {  	(xrf2) =	vadd.scan.msk.f32 $0xffff, v51;
	_ =	sdelay $0x8  }
0x20: {  	v52 =	vld [tilespmem:s20+$0x193C0]  }
0x21: {  	v53, _, _ =	vpop (xrf2)  }
0x22: {  	v23 =	vperm.xlane v53, v11  }
0x23: {  	v20 =	vxor.u32 $0x80000000, v20  }
0x24: {  	(xrf0) =	vmax.scan.msk.u32 $0xffff, v20;
	v20 =	vnsel vm3, $0x0, v23  }
0x25: {  	v54 =	vperm.xlane v52, v11;
	(xrf2) =	vadd.scan.msk.f32 $0xffff, v20;
	v20 =	vnsel vm3, $0x0, v21  }
0x26: {  	(xrf2) =	vadd.scan.msk.f32 $0xffff, v20  }
0x27: {  	(xrf2) =	vadd.scan.msk.f32 $0xffff, v54;
	_ =	sdelay $0x2  }
0x28: {  	v20, _, _ =	vpop (xrf0)  }
0x29: {  	s7 =	sadd.s32 s9, s7;
	(v2sf) =	vpush v20, $0xF  }
0x2a: {  	s11 =	sor.u32 s0, s7  }
0x2b: {  	v20 =	vmov s11;
	_ =	sdelay $0x1  }
0x2c: {  	v55, _, _ =	vpop (xrf2)  }
0x2d: {  	vm3 =	vgt.s32 v20, $0xFFFFFFFF;
	v20, _, _ =	vpop (xrf2)  }
0x2e: {  	v57 =	vcvt.s32.f32 v14;
	v56 =	vor.u32 s11, v0;
	v25 =	vsel vm3, $0xFFFFFFFF, v13;
	v26, _, _ =	vpop (xrf2)  }
0x2f: {  	v23 =	vxor.u32 v56, v25;
	v58 =	vperm.xlane v26, v11  }
0x30: {  	v23 =	vmul.f32 v23, v57  }
0x31: {  	v59 =	vnsel vm4, $0x0, v58  }
0x32: {  	v22 =	vnsel vm4, $0x0, v52;
	v60 =	vperm.xlane v23, v11;
	(xrf2) =	vadd.scan.msk.f32 $0xffff, v59  }
0x33: {  	(xrf2) =	vadd.scan.msk.f32 $0xffff, v22  }
0x34: {  	(xrf2) =	vadd.scan.msk.f32 $0xffff, v60;
	_ =	sdelay $0x2  }
0x35: {  	s20 =	spop (v2sf)  }
0x36: {  	s3 =	sadd.s32 $0x7FFFFFFF, s20  }
0x37: {  	v61 =	vmov s3  }
0x38: {  	vm3 =	veq.s32 v61, v0  }
0x39: {  	v19 =	vnsel vm3, $0x0, v19  }
0x3a: {  	v62, _, _ =	vpop (xrf2)  }
0x3b: {  	v63, _, _ =	vpop (xrf2)  }
0x3c: {  	v14 =	vnsel vm3, $0x0, v14;
	(xrf0) =	vadd.scan.msk.s32 $0xffff, v19;
	v19, _, _ =	vpop (xrf2)  }
0x3d: {  	(xrf0) =	vadd.scan.msk.s32 $0xffff, v14;
	v14 =	vperm.xlane v19, v11;
	_ =	sdelay $0x1  }
0x3e: {  	v14 =	vnsel vm3, $0x0, v14  }
0x3f: {  	(xrf2) =	vadd.scan.msk.f32 $0xffff, v14;
	v14 =	vnsel vm3, $0x0, v23;
	_ =	sdelay $0x1  }
0x40: {  	(xrf2) =	vadd.scan.msk.f32 $0xffff, v14  }
0x41: {  	v14, _, _ =	vpop (xrf0)  }
0x42: {  	(v2sf) =	vpush v14, $0xF;
	v14, _, _ =	vpop (xrf0)  }
0x43: {  	(v2sf) =	vpush v14, $0xF  }
0x44: {  	(v2sf) =	vpush v55, $0xF  }
0x45: {  	(v2sf) =	vpush v20, $0xF;
	_ =	sdelay $0x1  }
0x46: {  	(v2sf) =	vpush v62, $0xF  }
0x47: {  	(v2sf) =	vpush v63, $0xF  }
0x48: {  	v14, _, _ =	vpop (xrf2)  }
0x49: {  	(v2sf) =	vpush v14, $0xF;
	v14, _, _ =	vpop (xrf2)  }
0x4a: {  	(v2sf) =	vpush v14, $0xF;
	_ =	sdelay $0x5  }
0x4b: {  	s10 =	spop (v2sf)  }
0x4c: {  	s11 =	spop (v2sf)  }
0x4d: {  	s24 =	spop (v2sf)  }
0x4e: {  	s26 =	spop (v2sf)  }
0x4f: {  	s20 =	ssub.f32 s24, s26  }
0x50: {  	s24 =	spop (v2sf)  }
0x51: {  	s26 =	spop (v2sf);
	s20 =	sadd.f32 s20, s22  }
0x52: {  	s26 =	ssub.f32 s24, s26  }
0x53: {  	s24 =	spop (v2sf)  }
0x54: {  	s20 =	sadd.f32 s26, s20;
	s26 =	spop (v2sf)  }
0x55: {  	s22 =	ssub.f32 s24, s26;
	_ =	sdelay $0x1  }
0x56: {  	s20 =	sadd.f32 s22, s20  }
0x57: {  	s6 =	sadd.s32 s23, s6  }
0x58: {  	s6 =	sadd.s32 s25, s6;
	v14 =	vmov s20  }
0x59: {  	s6 =	sadd.s32 s10, s6;
	s2 =	sadd.s32 s11, s2;
	v14 =	vadd.f32 $0.0e+00, v14  }
0x5a: {  	s3 =	sadd.s32 s3, s7;
	s2 =	ssub.s32 s2, s6  }
0x5b: {  	v19 =	vmov s3;
	v20 =	vmov s2;
	v14 =	vbroadcast v14, $0x0  }
0x5c: {  	v19 =	vnsel vm0, $0x0, v19;
	v20 =	vnsel vm1, $0x0, v20  }
0x5d: {  	v19 =	vadd.s32 v19, v20;
	v14 =	vnsel vm2, $0x0, v14  }
0x5e: {  	s25 =	smov.u32 s5;
	s5 =	smov.u32 s8;
	v14 =	vadd.s32 v14, v19  }
0x5f: {  	s8 =	simm.s32 $0x0;
	s26 =	rddreg [dreg:$0xd];
	s22 =	simm.s32 $0x19290;
	[tilespmem:$0x19290] =	vst v14  }
0x60: {  	[spmem:s26] =	stream.linear.scatter [tilespmem:s22], [sflag:$0x3], $0x10, $0x200038;
	[tilespmem:$0x1B4F8] =	vst v63  }
0x61: {  	s11 =	smov.u32 s12;
	s12 =	smov.u32 s13;
	_ =	swait.ge [sflag:s28], $0x10  }
0x62: {  	s13 =	smov.u32 s14;
	s14 =	smov.u32 s15;
	[sflag:s28] =	ssyncset.done $0x0  }
0x63: {  	s15 =	smov.u32 s4;
	s4 =	smov.u32 s17;
	[sflag:s28] =	ssyncadd.s32 $0xFFFFFFF0  }
0x64: {  	s17 =	smov.u32 s18;
	s18 =	smov.u32 s19;
	_ =	strace $0x90000052  }
0x65: {  	s19 =	smov.u32 s21;
	s26 =	smov.u32 s30;
	s30 =	rddreg [dreg:$0x8]  }
0x66: {  	s21 =	smov.u32 s29;
	s29 =	smov.u32 s1;
	s1 =	rddreg [dreg:$0xa]  }
0x67: {  	s24 =	smov.u32 s16;
	s16 =	stileid.u32;
	s20 =	rddreg [dreg:$0xf]  }
.LBB2_53:
0x68: {  	_ =	strace $0x80000053  }
0x69: {  	[bflag:$0x0] =	sbarrier.arrive $0xFFFF  }
0x6a: {  	_ =	strace $0x90000053  }
0x6b: {  	v14 =	vadd.f32 v16, v17;
	s3 =	simm.s32 $0x19280;
	s2 =	rddreg [dreg:$0xd]  }
0x6c: {  	[tilespmem:s3], [sflag:$0x3] =	stream.linear.gather [spmem:s2], $0x10, $0x200038;
	[tilespmem:$0x1B4F8] =	vst v63  }
0x6d: {  	v14 =	vadd.f32 v15, v14;
	_ =	swait.ge [sflag:s28], $0x10  }
0x6e: {  	[sflag:s28] =	ssyncset.done $0x0  }
0x6f: {  	v14 =	vadd.f32 v18, v14;
	[sflag:s28] =	ssyncadd.s32 $0xFFFFFFF0  }
0x70: {  	v15 =	vld [tilespmem:$0x19280];
	_ =	strace $0x9000004F  }
0x71: {  	(xrf2) =	vadd.scan.msk.f32 $0xffff, v14;
	_ =	sdelay $0x9  }
0x72: {  	v14, _, _ =	vpop (xrf2)  }
0x73: {  	v14 =	vadd.f32 $0.0e+00, v14;
	_ =	sdelay $0x1  }
0x74: {  	v14 =	vbroadcast v14, $0xF;
	_ =	sdelay $0x1  }
0x75: {  	s10 =	simm.s32 $0x192A0;
	[tilespmem:$0x192A0] =	vst v14  }
0x76: {  	[spmem:s1] =	stream.linear.scatter [tilespmem:s10], [sflag:$0x3], $0x10, $0x38;
	[tilespmem:$0x1B4F8] =	vst v63  }
0x77: {  	_ =	swait.ge [sflag:s28], $0x10  }
0x78: {  	[sflag:s28] =	ssyncset.done $0x0  }
0x79: {  	vm3 =	vcmask @!p0 $0x70C;
	[sflag:s28] =	ssyncadd.s32 $0xFFFFFFF0  }
0x7a: {  	v14 =	vsel @!p0 vm3, $0x0, v15;
	[bflag:$0x0] =	sbarrier.arrive $0xFFFF  }
0x7b: {  	(xrf2) =	vadd.scan.msk.f32 @!p0 $0xffff, v14;
	_ =	sdelay $0x8  }
0x7c: {  	(v2sf) =	vpush @!p0 v15, $0x0  }
0x7d: {  	(v2sf) =	vpush @!p0 v15, $0x1;
	v14, _, _ =	vpop @!p0 (xrf2)  }
0x7e: {  	(v2sf) =	vpush @!p0 v14, $0xF;
	_ =	sdelay $0xa  }
0x7f: {  	s6 =	simm.s32 @!p0 $0x19180  }
0x80: {  	[tilespmem:s6], [sflag:$0x3] =	stream.linear.gather @!p0 [spmem:s24], $0x100, $0x38;
	v14 =	vlaneseq.u32 @!p0;
	[tilespmem:$0x1B4F8] =	vst v63  }
0x81: {  	v14 =	vmul.u32 @!p0 $0x10, v14;
	s2 =	spop @!p0 (v2sf)  }
0x82: {  	s3 =	spop @!p0 (v2sf)  }
0x83: {  	s10 =	simm.s32 @!p0 $0x3;
	s7 =	spop @!p0 (v2sf)  }
0x84: {  	_ =	swait.ge @!p0 [sflag:s10], $0x100  }
0x85: {  	[sflag:s10] =	ssyncset.done @!p0 $0x0  }
0x86: {  	[sflag:s10] =	ssyncadd.s32 @!p0 $0xFFFFFF00  }
0x87: {  	v14 =	vld.idx.msk @!p0 [tilespmem:v14+s6+$0x0], $0xffff;
	_ =	sdelay $0x4  }
0x88: {  	(xrf2) =	vadd.scan.msk.f32 @!p0 $0xffff, v14;
	_ =	sdelay $0x9  }
0x89: {  	v14, _, _ =	vpop @!p0 (xrf2)  }
0x8a: {  	(v2sf) =	vpush @!p0 v14, $0xF;
	_ =	sdelay $0xe  }
0x8b: {  	s6 =	spop @!p0 (v2sf)  }
0x8c: {  	s0 =	sor.u32 @!p0 s0, s2;
	s2 =	sadd.f32 @!p0 s6, s7  }
0x8d: {  	v14 =	vmov @!p0 s0  }
0x8e: {  	vm3 =	vgt.s32 @!p0 v14, $0xFFFFFFFF;
	v14 =	vimm.s32 @!p0 $0x80000000;
	v15 =	vmov @!p0 s2  }
0x8f: {  	v14 =	vsel @!p0 vm3, $0xFFFFFFFF, v14;
	s2 =	scvt.s32.f32 @!p0 s3;
	v15 =	vadd.f32 @!p0 $0.0e+00, v15  }
0x90: {  	v14 =	vxor.u32 @!p0 s0, v14  }
0x91: {  	v14 =	vmul.f32 @!p0 s2, v14;
	v15 =	vbroadcast @!p0 v15, $0x0;
	_ =	sdelay $0x1  }
0x92: {  	v14 =	vadd.f32 @!p0 v15, v14;
	_ =	sdelay $0x1  }
0x93: {  	v14 =	vmul.f32 @!p0 v14, v12;
	_ =	sdelay $0x1  }
0x94: {  	s0 =	simm.s32 @!p0 $0x0;
	s2 =	simm.s32 @!p0 $0x192B0;
	[tilespmem:$0x192B0] =	vst @!p0 v14  }
0x95: {  	[hbm4b:s11+s0] =	stream.linear.scatter @!p0 [tilespmem:s2], [sflag:$0x3], $0x10, $0x38;
	[tilespmem:$0x1B4F8] =	vst v63  }
0x96: {  	_ =	swait.ge @!p0 [sflag:s10], $0x10  }
0x97: {  	s20 =	sadd.s32 $0x1, s20;
	s23 =	rddreg [dreg:$0xe]  }
0x98: {  	p1 =	sne.s32 s20, s23  }
.Ltmp1:
0x99: {  	_ = 	snop;
	(pc) =	sbr.rel @!p1 .LBB2_54-.Ltmp1, $3  }
0x9a: {  	_ =	sdelay $0x1  }
0x9b: {  	s6 =	simm.s32 $0x4000;
	s7 =	simm.s32 $0x1;
	[sflag:s10] =	ssyncset.done @!p0 $0x0  }
0x9c: {  	[sflag:s10] =	ssyncadd.s32 @!p0 $0xFFFFFFF0;
	s23 =	simm.s32 $0x18000;
	s10 =	simm.s32 $0x2  }
.LBB2_1:
0x9d: {  	[tilespmem:s8], [sflag:$0x1] =	stream.linear.gather [hbm4b:s4+s8], $0x4000, $0x38;
	[tilespmem:$0x1B4F8] =	vst v63  }
0x9e: {  	[tilespmem:$0x19000] =	vst v0  }
0x9f: {  	[tilespmem:$0x19010] =	vst v1  }
0xa0: {  	[tilespmem:$0x19020] =	vst v2  }
0xa1: {  	[tilespmem:$0x19030] =	vst v3  }
0xa2: {  	[tilespmem:$0x19040] =	vst v4  }
0xa3: {  	[tilespmem:$0x19050] =	vst v5  }
0xa4: {  	[tilespmem:$0x19060] =	vst v6  }
0xa5: {  	[dreg:$0xf] =	wrdreg s20;
	s0 =	sand.u32 $0xF80, s8;
	[tilespmem:$0x19070] =	vst v7  }
0xa6: {  	[tilespmem:s0+$0x18070] =	vst v8  }
0xa7: {  	[tilespmem:s0+$0x18000] =	vst v8  }
0xa8: {  	[tilespmem:s0+$0x18010] =	vst v8  }
0xa9: {  	[tilespmem:s0+$0x18020] =	vst v8  }
0xaa: {  	[tilespmem:s0+$0x18030] =	vst v8  }
0xab: {  	[tilespmem:s0+$0x18040] =	vst v8  }
0xac: {  	s2 =	simm.s32 $0x0;
	s3 =	simm.s32 $0x80;
	[tilespmem:s0+$0x18050] =	vst v8  }
.LBB2_2:
0xad: {  	s2 =	sadd.s32 $0x8, s2;
	[tilespmem:s0+$0x18060] =	vst v8;
	s0 =	sand.u32 $0xF80, s3  }
0xae: {  	[tilespmem:s0+$0x18070] =	vst v8;
	p1 =	slt.u32 s2, $0xF8  }
0xaf: {  	[tilespmem:s0+$0x18000] =	vst v8  }
.Ltmp2:
0xb0: {  	[tilespmem:s0+$0x18010] =	vst v8;
	(pc) =	sbr.rel @p1 .LBB2_2-.Ltmp2, $4  }
0xb1: {  	[tilespmem:s0+$0x18020] =	vst v8  }
0xb2: {  	[tilespmem:s0+$0x18030] =	vst v8  }
0xb3: {  	[tilespmem:s0+$0x18040] =	vst v8  }
0xb4: {  	s3 =	sadd.s32 $0x80, s3;
	[tilespmem:s0+$0x18050] =	vst v8  }
0xb5: {  	[tilespmem:s0+$0x18060] =	vst v8  }
0xb6: {  	[spmem:s17] =	stream.linear.scatter [tilespmem:s23], [sflag:$0x3], $0x1000, $0x38;
	[tilespmem:$0x1B4F8] =	vst v63  }
0xb7: {  	_ =	swait.ge [sflag:s28], $0x1000  }
0xb8: {  	[sflag:s28] =	ssyncset.done $0x0  }
0xb9: {  	[sflag:s28] =	ssyncadd.s32 $0xFFFFF000  }
0xba: {  	[spmem:s18] =	stream.linear.scatter [tilespmem:s23], [sflag:$0x3], $0x1000, $0x38;
	[tilespmem:$0x1B4F8] =	vst v63  }
0xbb: {  	_ =	swait.ge [sflag:s28], $0x1000  }
0xbc: {  	[sflag:s28] =	ssyncset.done $0x0  }
0xbd: {  	s20 =	simm.s32 $0x0;
	[sflag:s28] =	ssyncadd.s32 $0xFFFFF000  }
0xbe: {  	s0 =	sand.u32 $0xFF80, s20;
	[bflag:$0x0] =	sbarrier.arrive $0xFFFF  }
0xbf: {  	_ =	strace $0x80000048;
	[tilespmem:s0+$0x8070] =	vst v8  }
0xc0: {  	[tilespmem:s0+$0x8000] =	vst v8  }
0xc1: {  	[tilespmem:s0+$0x8010] =	vst v8  }
0xc2: {  	[tilespmem:s0+$0x8020] =	vst v8  }
0xc3: {  	[tilespmem:s0+$0x8030] =	vst v8  }
0xc4: {  	[tilespmem:s0+$0x8040] =	vst v8  }
0xc5: {  	s2 =	simm.s32 $0x0;
	s3 =	simm.s32 $0x80;
	[tilespmem:s0+$0x8050] =	vst v8  }
.LBB2_4:
0xc6: {  	s2 =	sadd.s32 $0x8, s2;
	[tilespmem:s0+$0x8060] =	vst v8;
	s0 =	sand.u32 $0xFF80, s3  }
0xc7: {  	[tilespmem:s0+$0x8070] =	vst v8;
	p1 =	slt.u32 s2, $0xFF8  }
0xc8: {  	[tilespmem:s0+$0x8000] =	vst v8  }
.Ltmp3:
0xc9: {  	[tilespmem:s0+$0x8010] =	vst v8;
	(pc) =	sbr.rel @p1 .LBB2_4-.Ltmp3, $4  }
0xca: {  	[tilespmem:s0+$0x8020] =	vst v8  }
0xcb: {  	[tilespmem:s0+$0x8030] =	vst v8  }
0xcc: {  	[tilespmem:s0+$0x8040] =	vst v8  }
0xcd: {  	s3 =	sadd.s32 $0x80, s3;
	[tilespmem:s0+$0x8050] =	vst v8  }
0xce: {  	[tilespmem:s0+$0x8060] =	vst v8  }
0xcf: {  	[tilespmem:s6], [sflag:$0x2] =	stream.linear.gather [hbm4b:s19+s8], $0x4000, $0x200038;
	[tilespmem:$0x1B4F8] =	vst v63  }
0xd0: {  	_ =	swait.ge [sflag:s7], $0x4000  }
0xd1: {  	[sflag:s7] =	ssyncset.done $0x0  }
0xd2: {  	s20 =	simm.s32 $0x40;
	[sflag:s7] =	ssyncadd.s32 $0xFFFFC000  }
0xd3: {  	v14 =	vld [tilespmem:s20+$0x30]  }
0xd4: {  	v15 =	vld [tilespmem:s20+$0xFFFFFFD0]  }
0xd5: {  	v16 =	vld [tilespmem:s20+$0xFFFFFFE0]  }
0xd6: {  	v17 =	vld [tilespmem:s20+$0xFFFFFFF0]  }
0xd7: {  	v18 =	vld [tilespmem:s20+$0x0]  }
0xd8: {  	v19 =	vld [tilespmem:s20+$0x10];
	v14 =	vshrl.u32 v14, $0x10  }
0xd9: {  	v15 =	vshrl.u32 v15, $0x10  }
0xda: {  	v16 =	vshrl.u32 v16, $0x10  }
0xdb: {  	v20 =	vld [tilespmem:s20+$0x20];
	v17 =	vshrl.u32 v17, $0x10  }
0xdc: {  	v21 =	vld [tilespmem:s20+$0xFFFFFFC0];
	v18 =	vshrl.u32 v18, $0x10  }
0xdd: {  	v19 =	vshrl.u32 v19, $0x10;
	[tilespmem:v14+s31+$0x0] =	vst.idx.add.s32.msk $0xffff, v9  }
0xde: {  	[tilespmem:v15+s31+$0x0] =	vst.idx.add.s32.msk $0xffff, v9  }
0xdf: {  	[tilespmem:v16+s31+$0x0] =	vst.idx.add.s32.msk $0xffff, v9  }
0xe0: {  	[tilespmem:v17+s31+$0x0] =	vst.idx.add.s32.msk $0xffff, v9  }
0xe1: {  	[tilespmem:v18+s31+$0x0] =	vst.idx.add.s32.msk $0xffff, v9  }
0xe2: {  	s0 =	simm.s32 $0x0;
	s2 =	simm.s32 $0xC0;
	v14 =	vshrl.u32 v20, $0x10;
	v15 =	vshrl.u32 v21, $0x10;
	[tilespmem:v19+s31+$0x0] =	vst.idx.add.s32.msk $0xffff, v9  }
.LBB2_6:
0xe3: {  	v16 =	vld [tilespmem:s2+$0x30];
	s0 =	sadd.s32 $0x8, s0  }
0xe4: {  	v17 =	vld [tilespmem:s2+$0xFFFFFFD0];
	p1 =	slt.u32 s0, $0x3F8  }
0xe5: {  	v18 =	vld [tilespmem:s2+$0xFFFFFFE0]  }
0xe6: {  	v19 =	vld [tilespmem:s2+$0xFFFFFFF0]  }
0xe7: {  	v20 =	vld [tilespmem:s2+$0x0]  }
0xe8: {  	v21 =	vld [tilespmem:s2+$0x10];
	v16 =	vshrl.u32 v16, $0x10  }
0xe9: {  	v17 =	vshrl.u32 v17, $0x10;
	v22 =	vld [tilespmem:s2+$0x20]  }
0xea: {  	v23 =	vld [tilespmem:s2+$0xFFFFFFC0];
	v18 =	vshrl.u32 v18, $0x10  }
0xeb: {  	v19 =	vshrl.u32 v19, $0x10;
	[tilespmem:v15+s31+$0x0] =	vst.idx.add.s32.msk $0xffff, v9  }
0xec: {  	v20 =	vshrl.u32 v20, $0x10;
	[tilespmem:v14+s31+$0x0] =	vst.idx.add.s32.msk $0xffff, v9  }
0xed: {  	v21 =	vshrl.u32 v21, $0x10;
	[tilespmem:v16+s31+$0x0] =	vst.idx.add.s32.msk $0xffff, v9  }
.Ltmp4:
0xee: {  	[tilespmem:v17+s31+$0x0] =	vst.idx.add.s32.msk $0xffff, v9;
	v14 =	vshrl.u32 v22, $0x10;
	(pc) =	sbr.rel @p1 .LBB2_6-.Ltmp4, $4  }
0xef: {  	v15 =	vshrl.u32 v23, $0x10;
	[tilespmem:v18+s31+$0x0] =	vst.idx.add.s32.msk $0xffff, v9  }
0xf0: {  	[tilespmem:v19+s31+$0x0] =	vst.idx.add.s32.msk $0xffff, v9  }
0xf1: {  	[tilespmem:v20+s31+$0x0] =	vst.idx.add.s32.msk $0xffff, v9  }
0xf2: {  	s2 =	sadd.s32 $0x80, s2;
	[tilespmem:v21+s31+$0x0] =	vst.idx.add.s32.msk $0xffff, v9  }
0xf3: {  	_ =	sdelay $0x3  }
0xf4: {  	[tilespmem:v15+s31+$0x0] =	vst.idx.add.s32.msk $0xffff, v9  }
0xf5: {  	[tilespmem:v14+s31+$0x0] =	vst.idx.add.s32.msk $0xffff, v9  }
0xf6: {  	[tilespmem:s8], [sflag:$0x1] =	stream.linear.gather [hbm4b:s21+s8], $0x4000, $0x200038;
	[tilespmem:$0x1B4F8] =	vst v63  }
0xf7: {  	_ =	swait.ge [sflag:s10], $0x4000  }
0xf8: {  	[sflag:s10] =	ssyncset.done $0x0  }
0xf9: {  	s0 =	simm.s32 $0x4040;
	[sflag:s10] =	ssyncadd.s32 $0xFFFFC000  }
0xfa: {  	v14 =	vld [tilespmem:s0+$0x30]  }
0xfb: {  	v15 =	vld [tilespmem:s0+$0xFFFFFFD0]  }
0xfc: {  	v16 =	vld [tilespmem:s0+$0xFFFFFFE0]  }
0xfd: {  	v17 =	vld [tilespmem:s0+$0xFFFFFFF0]  }
0xfe: {  	v18 =	vld [tilespmem:s0+$0x0]  }
0xff: {  	v19 =	vld [tilespmem:s0+$0x10];
	v14 =	vshrl.u32 v14, $0x10  }
0x100: {  	v15 =	vshrl.u32 v15, $0x10  }
0x101: {  	v16 =	vshrl.u32 v16, $0x10  }
0x102: {  	v20 =	vld [tilespmem:s0+$0x20];
	v17 =	vshrl.u32 v17, $0x10  }
0x103: {  	v21 =	vld [tilespmem:s0+$0xFFFFFFC0];
	v18 =	vshrl.u32 v18, $0x10  }
0x104: {  	v19 =	vshrl.u32 v19, $0x10;
	[tilespmem:v14+s31+$0x0] =	vst.idx.add.s32.msk $0xffff, v9  }
0x105: {  	[tilespmem:v15+s31+$0x0] =	vst.idx.add.s32.msk $0xffff, v9  }
0x106: {  	[tilespmem:v16+s31+$0x0] =	vst.idx.add.s32.msk $0xffff, v9  }
0x107: {  	[tilespmem:v17+s31+$0x0] =	vst.idx.add.s32.msk $0xffff, v9  }
0x108: {  	[tilespmem:v18+s31+$0x0] =	vst.idx.add.s32.msk $0xffff, v9  }
0x109: {  	s2 =	simm.s32 $0x40C0;
	s0 =	simm.s32 $0x0;
	v14 =	vshrl.u32 v20, $0x10;
	v15 =	vshrl.u32 v21, $0x10;
	[tilespmem:v19+s31+$0x0] =	vst.idx.add.s32.msk $0xffff, v9  }
.LBB2_8:
0x10a: {  	v16 =	vld [tilespmem:s2+$0x30];
	s0 =	sadd.s32 $0x8, s0  }
0x10b: {  	v17 =	vld [tilespmem:s2+$0xFFFFFFD0];
	p1 =	slt.u32 s0, $0x3F8  }
0x10c: {  	v18 =	vld [tilespmem:s2+$0xFFFFFFE0]  }
0x10d: {  	v19 =	vld [tilespmem:s2+$0xFFFFFFF0]  }
0x10e: {  	v20 =	vld [tilespmem:s2+$0x0]  }
0x10f: {  	v21 =	vld [tilespmem:s2+$0x10];
	v16 =	vshrl.u32 v16, $0x10  }
0x110: {  	v17 =	vshrl.u32 v17, $0x10;
	v22 =	vld [tilespmem:s2+$0x20]  }
0x111: {  	v23 =	vld [tilespmem:s2+$0xFFFFFFC0];
	v18 =	vshrl.u32 v18, $0x10  }
0x112: {  	v19 =	vshrl.u32 v19, $0x10;
	[tilespmem:v15+s31+$0x0] =	vst.idx.add.s32.msk $0xffff, v9  }
0x113: {  	v20 =	vshrl.u32 v20, $0x10;
	[tilespmem:v14+s31+$0x0] =	vst.idx.add.s32.msk $0xffff, v9  }
0x114: {  	v21 =	vshrl.u32 v21, $0x10;
	[tilespmem:v16+s31+$0x0] =	vst.idx.add.s32.msk $0xffff, v9  }
.Ltmp5:
0x115: {  	[tilespmem:v17+s31+$0x0] =	vst.idx.add.s32.msk $0xffff, v9;
	v14 =	vshrl.u32 v22, $0x10;
	(pc) =	sbr.rel @p1 .LBB2_8-.Ltmp5, $4  }
0x116: {  	v15 =	vshrl.u32 v23, $0x10;
	[tilespmem:v18+s31+$0x0] =	vst.idx.add.s32.msk $0xffff, v9  }
0x117: {  	[tilespmem:v19+s31+$0x0] =	vst.idx.add.s32.msk $0xffff, v9  }
0x118: {  	[tilespmem:v20+s31+$0x0] =	vst.idx.add.s32.msk $0xffff, v9  }
0x119: {  	s2 =	sadd.s32 $0x80, s2;
	[tilespmem:v21+s31+$0x0] =	vst.idx.add.s32.msk $0xffff, v9  }
0x11a: {  	_ =	sdelay $0x3  }
0x11b: {  	[tilespmem:v15+s31+$0x0] =	vst.idx.add.s32.msk $0xffff, v9  }
0x11c: {  	[tilespmem:v14+s31+$0x0] =	vst.idx.add.s32.msk $0xffff, v9  }
0x11d: {  	[tilespmem:s6], [sflag:$0x2] =	stream.linear.gather [hbm4b:s25+s8], $0x4000, $0x200038;
	[tilespmem:$0x1B4F8] =	vst v63  }
0x11e: {  	_ =	swait.ge [sflag:s7], $0x4000  }
0x11f: {  	[sflag:s7] =	ssyncset.done $0x0  }
0x120: {  	s0 =	simm.s32 $0x40;
	[sflag:s7] =	ssyncadd.s32 $0xFFFFC000  }
0x121: {  	v14 =	vld [tilespmem:s0+$0x30]  }
0x122: {  	v15 =	vld [tilespmem:s0+$0xFFFFFFD0]  }
0x123: {  	v16 =	vld [tilespmem:s0+$0xFFFFFFE0]  }
0x124: {  	v17 =	vld [tilespmem:s0+$0xFFFFFFF0]  }
0x125: {  	v18 =	vld [tilespmem:s0+$0x0]  }
0x126: {  	v19 =	vld [tilespmem:s0+$0x10];
	v14 =	vshrl.u32 v14, $0x10  }
0x127: {  	v15 =	vshrl.u32 v15, $0x10  }
0x128: {  	v16 =	vshrl.u32 v16, $0x10  }
0x129: {  	v20 =	vld [tilespmem:s0+$0x20];
	v17 =	vshrl.u32 v17, $0x10  }
0x12a: {  	v21 =	vld [tilespmem:s0+$0xFFFFFFC0];
	v18 =	vshrl.u32 v18, $0x10  }
0x12b: {  	v19 =	vshrl.u32 v19, $0x10;
	[tilespmem:v14+s31+$0x0] =	vst.idx.add.s32.msk $0xffff, v9  }
0x12c: {  	[tilespmem:v15+s31+$0x0] =	vst.idx.add.s32.msk $0xffff, v9  }
0x12d: {  	[tilespmem:v16+s31+$0x0] =	vst.idx.add.s32.msk $0xffff, v9  }
0x12e: {  	[tilespmem:v17+s31+$0x0] =	vst.idx.add.s32.msk $0xffff, v9  }
0x12f: {  	[tilespmem:v18+s31+$0x0] =	vst.idx.add.s32.msk $0xffff, v9  }
0x130: {  	s2 =	simm.s32 $0xC0;
	s0 =	simm.s32 $0x0;
	v14 =	vshrl.u32 v20, $0x10;
	v15 =	vshrl.u32 v21, $0x10;
	[tilespmem:v19+s31+$0x0] =	vst.idx.add.s32.msk $0xffff, v9  }
.LBB2_10:
0x131: {  	v16 =	vld [tilespmem:s2+$0x30];
	s0 =	sadd.s32 $0x8, s0  }
0x132: {  	v17 =	vld [tilespmem:s2+$0xFFFFFFD0];
	p1 =	slt.u32 s0, $0x3F8  }
0x133: {  	v18 =	vld [tilespmem:s2+$0xFFFFFFE0]  }
0x134: {  	v19 =	vld [tilespmem:s2+$0xFFFFFFF0]  }
0x135: {  	v20 =	vld [tilespmem:s2+$0x0]  }
0x136: {  	v21 =	vld [tilespmem:s2+$0x10];
	v16 =	vshrl.u32 v16, $0x10  }
0x137: {  	v17 =	vshrl.u32 v17, $0x10;
	v22 =	vld [tilespmem:s2+$0x20]  }
0x138: {  	v23 =	vld [tilespmem:s2+$0xFFFFFFC0];
	v18 =	vshrl.u32 v18, $0x10  }
0x139: {  	v19 =	vshrl.u32 v19, $0x10;
	[tilespmem:v15+s31+$0x0] =	vst.idx.add.s32.msk $0xffff, v9  }
0x13a: {  	v20 =	vshrl.u32 v20, $0x10;
	[tilespmem:v14+s31+$0x0] =	vst.idx.add.s32.msk $0xffff, v9  }
0x13b: {  	v21 =	vshrl.u32 v21, $0x10;
	[tilespmem:v16+s31+$0x0] =	vst.idx.add.s32.msk $0xffff, v9  }
.Ltmp6:
0x13c: {  	[tilespmem:v17+s31+$0x0] =	vst.idx.add.s32.msk $0xffff, v9;
	v14 =	vshrl.u32 v22, $0x10;
	(pc) =	sbr.rel @p1 .LBB2_10-.Ltmp6, $4  }
0x13d: {  	v15 =	vshrl.u32 v23, $0x10;
	[tilespmem:v18+s31+$0x0] =	vst.idx.add.s32.msk $0xffff, v9  }
0x13e: {  	[tilespmem:v19+s31+$0x0] =	vst.idx.add.s32.msk $0xffff, v9  }
0x13f: {  	[tilespmem:v20+s31+$0x0] =	vst.idx.add.s32.msk $0xffff, v9  }
0x140: {  	s2 =	sadd.s32 $0x80, s2;
	[tilespmem:v21+s31+$0x0] =	vst.idx.add.s32.msk $0xffff, v9  }
0x141: {  	_ =	sdelay $0x3  }
0x142: {  	[tilespmem:v15+s31+$0x0] =	vst.idx.add.s32.msk $0xffff, v9  }
0x143: {  	[tilespmem:v14+s31+$0x0] =	vst.idx.add.s32.msk $0xffff, v9  }
0x144: {  	[tilespmem:s8], [sflag:$0x1] =	stream.linear.gather [hbm4b:s5+s8], $0x4000, $0x200038;
	[tilespmem:$0x1B4F8] =	vst v63  }
0x145: {  	_ =	swait.ge [sflag:s10], $0x4000  }
0x146: {  	[sflag:s10] =	ssyncset.done $0x0  }
0x147: {  	s0 =	simm.s32 $0x4040;
	[sflag:s10] =	ssyncadd.s32 $0xFFFFC000  }
0x148: {  	v14 =	vld [tilespmem:s0+$0x30]  }
0x149: {  	v15 =	vld [tilespmem:s0+$0xFFFFFFD0]  }
0x14a: {  	v16 =	vld [tilespmem:s0+$0xFFFFFFE0]  }
0x14b: {  	v17 =	vld [tilespmem:s0+$0xFFFFFFF0]  }
0x14c: {  	v18 =	vld [tilespmem:s0+$0x0]  }
0x14d: {  	v19 =	vld [tilespmem:s0+$0x10];
	v14 =	vshrl.u32 v14, $0x10  }
0x14e: {  	v15 =	vshrl.u32 v15, $0x10  }
0x14f: {  	v16 =	vshrl.u32 v16, $0x10  }
0x150: {  	v20 =	vld [tilespmem:s0+$0x20];
	v17 =	vshrl.u32 v17, $0x10  }
0x151: {  	v21 =	vld [tilespmem:s0+$0xFFFFFFC0];
	v18 =	vshrl.u32 v18, $0x10  }
0x152: {  	v19 =	vshrl.u32 v19, $0x10;
	[tilespmem:v14+s31+$0x0] =	vst.idx.add.s32.msk $0xffff, v9  }
0x153: {  	[tilespmem:v15+s31+$0x0] =	vst.idx.add.s32.msk $0xffff, v9  }
0x154: {  	[tilespmem:v16+s31+$0x0] =	vst.idx.add.s32.msk $0xffff, v9  }
0x155: {  	[tilespmem:v17+s31+$0x0] =	vst.idx.add.s32.msk $0xffff, v9  }
0x156: {  	[tilespmem:v18+s31+$0x0] =	vst.idx.add.s32.msk $0xffff, v9  }
0x157: {  	s2 =	simm.s32 $0x40C0;
	s0 =	simm.s32 $0x0;
	v14 =	vshrl.u32 v20, $0x10;
	v15 =	vshrl.u32 v21, $0x10;
	[tilespmem:v19+s31+$0x0] =	vst.idx.add.s32.msk $0xffff, v9  }
.LBB2_12:
0x158: {  	v16 =	vld [tilespmem:s2+$0x30];
	s0 =	sadd.s32 $0x8, s0  }
0x159: {  	v17 =	vld [tilespmem:s2+$0xFFFFFFD0];
	p1 =	slt.u32 s0, $0x3F8  }
0x15a: {  	v18 =	vld [tilespmem:s2+$0xFFFFFFE0]  }
0x15b: {  	v19 =	vld [tilespmem:s2+$0xFFFFFFF0]  }
0x15c: {  	v20 =	vld [tilespmem:s2+$0x0]  }
0x15d: {  	v21 =	vld [tilespmem:s2+$0x10];
	v16 =	vshrl.u32 v16, $0x10  }
0x15e: {  	v17 =	vshrl.u32 v17, $0x10;
	v22 =	vld [tilespmem:s2+$0x20]  }
0x15f: {  	v23 =	vld [tilespmem:s2+$0xFFFFFFC0];
	v18 =	vshrl.u32 v18, $0x10  }
0x160: {  	v19 =	vshrl.u32 v19, $0x10;
	[tilespmem:v15+s31+$0x0] =	vst.idx.add.s32.msk $0xffff, v9  }
0x161: {  	v20 =	vshrl.u32 v20, $0x10;
	[tilespmem:v14+s31+$0x0] =	vst.idx.add.s32.msk $0xffff, v9  }
0x162: {  	v21 =	vshrl.u32 v21, $0x10;
	[tilespmem:v16+s31+$0x0] =	vst.idx.add.s32.msk $0xffff, v9  }
.Ltmp7:
0x163: {  	[tilespmem:v17+s31+$0x0] =	vst.idx.add.s32.msk $0xffff, v9;
	v14 =	vshrl.u32 v22, $0x10;
	(pc) =	sbr.rel @p1 .LBB2_12-.Ltmp7, $4  }
0x164: {  	v15 =	vshrl.u32 v23, $0x10;
	[tilespmem:v18+s31+$0x0] =	vst.idx.add.s32.msk $0xffff, v9  }
0x165: {  	[tilespmem:v19+s31+$0x0] =	vst.idx.add.s32.msk $0xffff, v9  }
0x166: {  	[tilespmem:v20+s31+$0x0] =	vst.idx.add.s32.msk $0xffff, v9  }
0x167: {  	s2 =	sadd.s32 $0x80, s2;
	[tilespmem:v21+s31+$0x0] =	vst.idx.add.s32.msk $0xffff, v9  }
0x168: {  	_ =	sdelay $0x3  }
0x169: {  	[tilespmem:v15+s31+$0x0] =	vst.idx.add.s32.msk $0xffff, v9  }
0x16a: {  	[tilespmem:v14+s31+$0x0] =	vst.idx.add.s32.msk $0xffff, v9  }
0x16b: {  	[tilespmem:s6], [sflag:$0x2] =	stream.linear.gather [hbm4b:s26+s8], $0x4000, $0x200038;
	[tilespmem:$0x1B4F8] =	vst v63  }
0x16c: {  	_ =	swait.ge [sflag:s7], $0x4000  }
0x16d: {  	[sflag:s7] =	ssyncset.done $0x0  }
0x16e: {  	s0 =	simm.s32 $0x40;
	[sflag:s7] =	ssyncadd.s32 $0xFFFFC000  }
0x16f: {  	v14 =	vld [tilespmem:s0+$0x30]  }
0x170: {  	v15 =	vld [tilespmem:s0+$0xFFFFFFD0]  }
0x171: {  	v16 =	vld [tilespmem:s0+$0xFFFFFFE0]  }
0x172: {  	v17 =	vld [tilespmem:s0+$0xFFFFFFF0]  }
0x173: {  	v18 =	vld [tilespmem:s0+$0x0]  }
0x174: {  	v19 =	vld [tilespmem:s0+$0x10];
	v14 =	vshrl.u32 v14, $0x10  }
0x175: {  	v15 =	vshrl.u32 v15, $0x10  }
0x176: {  	v16 =	vshrl.u32 v16, $0x10  }
0x177: {  	v20 =	vld [tilespmem:s0+$0x20];
	v17 =	vshrl.u32 v17, $0x10  }
0x178: {  	v21 =	vld [tilespmem:s0+$0xFFFFFFC0];
	v18 =	vshrl.u32 v18, $0x10  }
0x179: {  	v19 =	vshrl.u32 v19, $0x10;
	[tilespmem:v14+s31+$0x0] =	vst.idx.add.s32.msk $0xffff, v9  }
0x17a: {  	[tilespmem:v15+s31+$0x0] =	vst.idx.add.s32.msk $0xffff, v9  }
0x17b: {  	[tilespmem:v16+s31+$0x0] =	vst.idx.add.s32.msk $0xffff, v9  }
0x17c: {  	[tilespmem:v17+s31+$0x0] =	vst.idx.add.s32.msk $0xffff, v9  }
0x17d: {  	[tilespmem:v18+s31+$0x0] =	vst.idx.add.s32.msk $0xffff, v9  }
0x17e: {  	s2 =	simm.s32 $0xC0;
	s0 =	simm.s32 $0x0;
	v14 =	vshrl.u32 v20, $0x10;
	v15 =	vshrl.u32 v21, $0x10;
	[tilespmem:v19+s31+$0x0] =	vst.idx.add.s32.msk $0xffff, v9  }
.LBB2_14:
0x17f: {  	v16 =	vld [tilespmem:s2+$0x30];
	s0 =	sadd.s32 $0x8, s0  }
0x180: {  	v17 =	vld [tilespmem:s2+$0xFFFFFFD0];
	p1 =	slt.u32 s0, $0x3F8  }
0x181: {  	v18 =	vld [tilespmem:s2+$0xFFFFFFE0]  }
0x182: {  	v19 =	vld [tilespmem:s2+$0xFFFFFFF0]  }
0x183: {  	v20 =	vld [tilespmem:s2+$0x0]  }
0x184: {  	v21 =	vld [tilespmem:s2+$0x10];
	v16 =	vshrl.u32 v16, $0x10  }
0x185: {  	v17 =	vshrl.u32 v17, $0x10;
	v22 =	vld [tilespmem:s2+$0x20]  }
0x186: {  	v23 =	vld [tilespmem:s2+$0xFFFFFFC0];
	v18 =	vshrl.u32 v18, $0x10  }
0x187: {  	v19 =	vshrl.u32 v19, $0x10;
	[tilespmem:v15+s31+$0x0] =	vst.idx.add.s32.msk $0xffff, v9  }
0x188: {  	v20 =	vshrl.u32 v20, $0x10;
	[tilespmem:v14+s31+$0x0] =	vst.idx.add.s32.msk $0xffff, v9  }
0x189: {  	v21 =	vshrl.u32 v21, $0x10;
	[tilespmem:v16+s31+$0x0] =	vst.idx.add.s32.msk $0xffff, v9  }
.Ltmp8:
0x18a: {  	[tilespmem:v17+s31+$0x0] =	vst.idx.add.s32.msk $0xffff, v9;
	v14 =	vshrl.u32 v22, $0x10;
	(pc) =	sbr.rel @p1 .LBB2_14-.Ltmp8, $4  }
0x18b: {  	v15 =	vshrl.u32 v23, $0x10;
	[tilespmem:v18+s31+$0x0] =	vst.idx.add.s32.msk $0xffff, v9  }
0x18c: {  	[tilespmem:v19+s31+$0x0] =	vst.idx.add.s32.msk $0xffff, v9  }
0x18d: {  	[tilespmem:v20+s31+$0x0] =	vst.idx.add.s32.msk $0xffff, v9  }
0x18e: {  	s2 =	sadd.s32 $0x80, s2;
	[tilespmem:v21+s31+$0x0] =	vst.idx.add.s32.msk $0xffff, v9  }
0x18f: {  	_ =	sdelay $0x3  }
0x190: {  	[tilespmem:v15+s31+$0x0] =	vst.idx.add.s32.msk $0xffff, v9  }
0x191: {  	[tilespmem:v14+s31+$0x0] =	vst.idx.add.s32.msk $0xffff, v9  }
0x192: {  	[tilespmem:s8], [sflag:$0x1] =	stream.linear.gather [hbm4b:s29+s8], $0x4000, $0x200038;
	[tilespmem:$0x1B4F8] =	vst v63  }
0x193: {  	_ =	swait.ge [sflag:s10], $0x4000  }
0x194: {  	[sflag:s10] =	ssyncset.done $0x0  }
0x195: {  	s0 =	simm.s32 $0x4040;
	[sflag:s10] =	ssyncadd.s32 $0xFFFFC000  }
0x196: {  	v14 =	vld [tilespmem:s0+$0x30]  }
0x197: {  	v15 =	vld [tilespmem:s0+$0xFFFFFFD0]  }
0x198: {  	v16 =	vld [tilespmem:s0+$0xFFFFFFE0]  }
0x199: {  	v17 =	vld [tilespmem:s0+$0xFFFFFFF0]  }
0x19a: {  	v18 =	vld [tilespmem:s0+$0x0]  }
0x19b: {  	v19 =	vld [tilespmem:s0+$0x10];
	v14 =	vshrl.u32 v14, $0x10  }
0x19c: {  	v15 =	vshrl.u32 v15, $0x10  }
0x19d: {  	v16 =	vshrl.u32 v16, $0x10  }
0x19e: {  	v20 =	vld [tilespmem:s0+$0x20];
	v17 =	vshrl.u32 v17, $0x10  }
0x19f: {  	v21 =	vld [tilespmem:s0+$0xFFFFFFC0];
	v18 =	vshrl.u32 v18, $0x10  }
0x1a0: {  	v19 =	vshrl.u32 v19, $0x10;
	[tilespmem:v14+s31+$0x0] =	vst.idx.add.s32.msk $0xffff, v9  }
0x1a1: {  	[tilespmem:v15+s31+$0x0] =	vst.idx.add.s32.msk $0xffff, v9  }
0x1a2: {  	[tilespmem:v16+s31+$0x0] =	vst.idx.add.s32.msk $0xffff, v9  }
0x1a3: {  	[tilespmem:v17+s31+$0x0] =	vst.idx.add.s32.msk $0xffff, v9  }
0x1a4: {  	[tilespmem:v18+s31+$0x0] =	vst.idx.add.s32.msk $0xffff, v9  }
0x1a5: {  	s2 =	simm.s32 $0x40C0;
	s0 =	simm.s32 $0x0;
	v14 =	vshrl.u32 v20, $0x10;
	v15 =	vshrl.u32 v21, $0x10;
	[tilespmem:v19+s31+$0x0] =	vst.idx.add.s32.msk $0xffff, v9  }
.LBB2_16:
0x1a6: {  	v16 =	vld [tilespmem:s2+$0x30];
	s0 =	sadd.s32 $0x8, s0  }
0x1a7: {  	v17 =	vld [tilespmem:s2+$0xFFFFFFD0];
	p1 =	slt.u32 s0, $0x3F8  }
0x1a8: {  	v18 =	vld [tilespmem:s2+$0xFFFFFFE0]  }
0x1a9: {  	v19 =	vld [tilespmem:s2+$0xFFFFFFF0]  }
0x1aa: {  	v20 =	vld [tilespmem:s2+$0x0]  }
0x1ab: {  	v21 =	vld [tilespmem:s2+$0x10];
	v16 =	vshrl.u32 v16, $0x10  }
0x1ac: {  	v17 =	vshrl.u32 v17, $0x10;
	v22 =	vld [tilespmem:s2+$0x20]  }
0x1ad: {  	v23 =	vld [tilespmem:s2+$0xFFFFFFC0];
	v18 =	vshrl.u32 v18, $0x10  }
0x1ae: {  	v19 =	vshrl.u32 v19, $0x10;
	[tilespmem:v15+s31+$0x0] =	vst.idx.add.s32.msk $0xffff, v9  }
0x1af: {  	v20 =	vshrl.u32 v20, $0x10;
	[tilespmem:v14+s31+$0x0] =	vst.idx.add.s32.msk $0xffff, v9  }
0x1b0: {  	v21 =	vshrl.u32 v21, $0x10;
	[tilespmem:v16+s31+$0x0] =	vst.idx.add.s32.msk $0xffff, v9  }
.Ltmp9:
0x1b1: {  	[tilespmem:v17+s31+$0x0] =	vst.idx.add.s32.msk $0xffff, v9;
	v14 =	vshrl.u32 v22, $0x10;
	(pc) =	sbr.rel @p1 .LBB2_16-.Ltmp9, $4  }
0x1b2: {  	v15 =	vshrl.u32 v23, $0x10;
	[tilespmem:v18+s31+$0x0] =	vst.idx.add.s32.msk $0xffff, v9  }
0x1b3: {  	[tilespmem:v19+s31+$0x0] =	vst.idx.add.s32.msk $0xffff, v9  }
0x1b4: {  	[tilespmem:v20+s31+$0x0] =	vst.idx.add.s32.msk $0xffff, v9  }
0x1b5: {  	s2 =	sadd.s32 $0x80, s2;
	[tilespmem:v21+s31+$0x0] =	vst.idx.add.s32.msk $0xffff, v9  }
0x1b6: {  	_ =	sdelay $0x3  }
0x1b7: {  	[tilespmem:v15+s31+$0x0] =	vst.idx.add.s32.msk $0xffff, v9  }
0x1b8: {  	[tilespmem:v14+s31+$0x0] =	vst.idx.add.s32.msk $0xffff, v9  }
0x1b9: {  	[tilespmem:s6], [sflag:$0x2] =	stream.linear.gather [hbm4b:s30+s8], $0x4000, $0x200038;
	[tilespmem:$0x1B4F8] =	vst v63  }
0x1ba: {  	_ =	swait.ge [sflag:s7], $0x4000  }
0x1bb: {  	[sflag:s7] =	ssyncset.done $0x0  }
0x1bc: {  	s0 =	simm.s32 $0x40;
	[sflag:s7] =	ssyncadd.s32 $0xFFFFC000  }
0x1bd: {  	v14 =	vld [tilespmem:s0+$0x30]  }
0x1be: {  	v15 =	vld [tilespmem:s0+$0xFFFFFFD0]  }
0x1bf: {  	v16 =	vld [tilespmem:s0+$0xFFFFFFE0]  }
0x1c0: {  	v17 =	vld [tilespmem:s0+$0xFFFFFFF0]  }
0x1c1: {  	v18 =	vld [tilespmem:s0+$0x0]  }
0x1c2: {  	v19 =	vld [tilespmem:s0+$0x10];
	v14 =	vshrl.u32 v14, $0x10  }
0x1c3: {  	v15 =	vshrl.u32 v15, $0x10  }
0x1c4: {  	v16 =	vshrl.u32 v16, $0x10  }
0x1c5: {  	v20 =	vld [tilespmem:s0+$0x20];
	v17 =	vshrl.u32 v17, $0x10  }
0x1c6: {  	v21 =	vld [tilespmem:s0+$0xFFFFFFC0];
	v18 =	vshrl.u32 v18, $0x10  }
0x1c7: {  	v19 =	vshrl.u32 v19, $0x10;
	[tilespmem:v14+s31+$0x0] =	vst.idx.add.s32.msk $0xffff, v9  }
0x1c8: {  	[tilespmem:v15+s31+$0x0] =	vst.idx.add.s32.msk $0xffff, v9  }
0x1c9: {  	[tilespmem:v16+s31+$0x0] =	vst.idx.add.s32.msk $0xffff, v9  }
0x1ca: {  	[tilespmem:v17+s31+$0x0] =	vst.idx.add.s32.msk $0xffff, v9  }
0x1cb: {  	[tilespmem:v18+s31+$0x0] =	vst.idx.add.s32.msk $0xffff, v9  }
0x1cc: {  	s2 =	simm.s32 $0xC0;
	s0 =	simm.s32 $0x0;
	v14 =	vshrl.u32 v20, $0x10;
	v15 =	vshrl.u32 v21, $0x10;
	[tilespmem:v19+s31+$0x0] =	vst.idx.add.s32.msk $0xffff, v9  }
.LBB2_18:
0x1cd: {  	v16 =	vld [tilespmem:s2+$0x30];
	s0 =	sadd.s32 $0x8, s0  }
0x1ce: {  	v17 =	vld [tilespmem:s2+$0xFFFFFFD0];
	p1 =	slt.u32 s0, $0x3F8  }
0x1cf: {  	v18 =	vld [tilespmem:s2+$0xFFFFFFE0]  }
0x1d0: {  	v19 =	vld [tilespmem:s2+$0xFFFFFFF0]  }
0x1d1: {  	v20 =	vld [tilespmem:s2+$0x0]  }
0x1d2: {  	v21 =	vld [tilespmem:s2+$0x10];
	v16 =	vshrl.u32 v16, $0x10  }
0x1d3: {  	v17 =	vshrl.u32 v17, $0x10;
	v22 =	vld [tilespmem:s2+$0x20]  }
0x1d4: {  	v23 =	vld [tilespmem:s2+$0xFFFFFFC0];
	v18 =	vshrl.u32 v18, $0x10  }
0x1d5: {  	v19 =	vshrl.u32 v19, $0x10;
	[tilespmem:v15+s31+$0x0] =	vst.idx.add.s32.msk $0xffff, v9  }
0x1d6: {  	v20 =	vshrl.u32 v20, $0x10;
	[tilespmem:v14+s31+$0x0] =	vst.idx.add.s32.msk $0xffff, v9  }
0x1d7: {  	v21 =	vshrl.u32 v21, $0x10;
	[tilespmem:v16+s31+$0x0] =	vst.idx.add.s32.msk $0xffff, v9  }
.Ltmp10:
0x1d8: {  	[tilespmem:v17+s31+$0x0] =	vst.idx.add.s32.msk $0xffff, v9;
	v14 =	vshrl.u32 v22, $0x10;
	(pc) =	sbr.rel @p1 .LBB2_18-.Ltmp10, $4  }
0x1d9: {  	v15 =	vshrl.u32 v23, $0x10;
	[tilespmem:v18+s31+$0x0] =	vst.idx.add.s32.msk $0xffff, v9  }
0x1da: {  	[tilespmem:v19+s31+$0x0] =	vst.idx.add.s32.msk $0xffff, v9  }
0x1db: {  	[tilespmem:v20+s31+$0x0] =	vst.idx.add.s32.msk $0xffff, v9  }
0x1dc: {  	s2 =	sadd.s32 $0x80, s2;
	[tilespmem:v21+s31+$0x0] =	vst.idx.add.s32.msk $0xffff, v9  }
0x1dd: {  	_ =	sdelay $0x3  }
0x1de: {  	[tilespmem:v15+s31+$0x0] =	vst.idx.add.s32.msk $0xffff, v9  }
0x1df: {  	[tilespmem:v14+s31+$0x0] =	vst.idx.add.s32.msk $0xffff, v9  }
0x1e0: {  	_ =	swait.ge [sflag:s10], $0x4000  }
0x1e1: {  	[sflag:s10] =	ssyncset.done $0x0  }
0x1e2: {  	s0 =	simm.s32 $0x4040;
	[sflag:s10] =	ssyncadd.s32 $0xFFFFC000  }
0x1e3: {  	v14 =	vld [tilespmem:s0+$0x30]  }
0x1e4: {  	v15 =	vld [tilespmem:s0+$0xFFFFFFD0]  }
0x1e5: {  	v16 =	vld [tilespmem:s0+$0xFFFFFFE0]  }
0x1e6: {  	v17 =	vld [tilespmem:s0+$0xFFFFFFF0]  }
0x1e7: {  	v18 =	vld [tilespmem:s0+$0x0]  }
0x1e8: {  	v19 =	vld [tilespmem:s0+$0x10];
	v14 =	vshrl.u32 v14, $0x10  }
0x1e9: {  	v15 =	vshrl.u32 v15, $0x10  }
0x1ea: {  	v16 =	vshrl.u32 v16, $0x10  }
0x1eb: {  	v20 =	vld [tilespmem:s0+$0x20];
	v17 =	vshrl.u32 v17, $0x10  }
0x1ec: {  	v21 =	vld [tilespmem:s0+$0xFFFFFFC0];
	v18 =	vshrl.u32 v18, $0x10  }
0x1ed: {  	v19 =	vshrl.u32 v19, $0x10;
	[tilespmem:v14+s31+$0x0] =	vst.idx.add.s32.msk $0xffff, v9  }
0x1ee: {  	[tilespmem:v15+s31+$0x0] =	vst.idx.add.s32.msk $0xffff, v9  }
0x1ef: {  	[tilespmem:v16+s31+$0x0] =	vst.idx.add.s32.msk $0xffff, v9  }
0x1f0: {  	[tilespmem:v17+s31+$0x0] =	vst.idx.add.s32.msk $0xffff, v9  }
0x1f1: {  	[tilespmem:v18+s31+$0x0] =	vst.idx.add.s32.msk $0xffff, v9  }
0x1f2: {  	s2 =	simm.s32 $0x40C0;
	s0 =	simm.s32 $0x0;
	v14 =	vshrl.u32 v20, $0x10;
	v15 =	vshrl.u32 v21, $0x10;
	[tilespmem:v19+s31+$0x0] =	vst.idx.add.s32.msk $0xffff, v9  }
.LBB2_20:
0x1f3: {  	v16 =	vld [tilespmem:s2+$0x30];
	s0 =	sadd.s32 $0x8, s0  }
0x1f4: {  	v17 =	vld [tilespmem:s2+$0xFFFFFFD0];
	p1 =	slt.u32 s0, $0x3F8  }
0x1f5: {  	v18 =	vld [tilespmem:s2+$0xFFFFFFE0]  }
0x1f6: {  	v19 =	vld [tilespmem:s2+$0xFFFFFFF0]  }
0x1f7: {  	v20 =	vld [tilespmem:s2+$0x0]  }
0x1f8: {  	v21 =	vld [tilespmem:s2+$0x10];
	v16 =	vshrl.u32 v16, $0x10  }
0x1f9: {  	v17 =	vshrl.u32 v17, $0x10;
	v22 =	vld [tilespmem:s2+$0x20]  }
0x1fa: {  	v23 =	vld [tilespmem:s2+$0xFFFFFFC0];
	v18 =	vshrl.u32 v18, $0x10  }
0x1fb: {  	v19 =	vshrl.u32 v19, $0x10;
	[tilespmem:v15+s31+$0x0] =	vst.idx.add.s32.msk $0xffff, v9  }
0x1fc: {  	v20 =	vshrl.u32 v20, $0x10;
	[tilespmem:v14+s31+$0x0] =	vst.idx.add.s32.msk $0xffff, v9  }
0x1fd: {  	v21 =	vshrl.u32 v21, $0x10;
	[tilespmem:v16+s31+$0x0] =	vst.idx.add.s32.msk $0xffff, v9  }
.Ltmp11:
0x1fe: {  	[tilespmem:v17+s31+$0x0] =	vst.idx.add.s32.msk $0xffff, v9;
	v14 =	vshrl.u32 v22, $0x10;
	(pc) =	sbr.rel @p1 .LBB2_20-.Ltmp11, $4  }
0x1ff: {  	v15 =	vshrl.u32 v23, $0x10;
	[tilespmem:v18+s31+$0x0] =	vst.idx.add.s32.msk $0xffff, v9  }
0x200: {  	[tilespmem:v19+s31+$0x0] =	vst.idx.add.s32.msk $0xffff, v9  }
0x201: {  	[tilespmem:v20+s31+$0x0] =	vst.idx.add.s32.msk $0xffff, v9  }
0x202: {  	s2 =	sadd.s32 $0x80, s2;
	[tilespmem:v21+s31+$0x0] =	vst.idx.add.s32.msk $0xffff, v9  }
0x203: {  	_ =	sdelay $0x3  }
0x204: {  	[tilespmem:v15+s31+$0x0] =	vst.idx.add.s32.msk $0xffff, v9  }
0x205: {  	[tilespmem:v14+s31+$0x0] =	vst.idx.add.s32.msk $0xffff, v9;
	s0 =	simm.s32 $0x0  }
0x206: {  	[tilespmem:s0], [sflag:$0x1] =	stream.linear.gather [hbm4b:s4+s0], $0x4000, $0x200038;
	[tilespmem:$0x1B4F8] =	vst v63  }
0x207: {  	_ =	strace $0x90000048  }
0x208: {  	_ =	strace $0x80000049  }
0x209: {  	s2 =	simm.s32 $0x80;
	s3 =	simm.s32 $0x19000;
	_ =	strace $0x8000004A  }
0x20a: {  	[spmem:s12] =	stream.indirect.scatter.add.s32 [tilespmem:s31], [sflag:$0x3], $0x200, s3, s2, $0x2000b8;
	[tilespmem:$0x1B4F8] =	vst v63  }
0x20b: {  	_ =	swait.ge [sflag:s28], $0x10000  }
0x20c: {  	[sflag:s28] =	ssyncset.done $0x0  }
0x20d: {  	[sflag:s28] =	ssyncadd.s32 $0xFFFF0000  }
0x20e: {  	[bflag:$0x0] =	sbarrier.arrive $0xFFFF  }
0x20f: {  	_ =	strace $0x9000004A  }
0x210: {  	[tilespmem:s23], [sflag:$0x3] =	stream.linear.gather [spmem:s17], $0x1000, $0x200038;
	[tilespmem:$0x1B4F8] =	vst v63  }
0x211: {  	_ =	swait.ge [sflag:s28], $0x1000  }
0x212: {  	[sflag:s28] =	ssyncset.done $0x0  }
0x213: {  	s6 =	sand.u32 $0xFF0, s0;
	[sflag:s28] =	ssyncadd.s32 $0xFFFFF000  }
0x214: {  	v14 =	vld [tilespmem:s6+$0x18000];
	_ =	sdelay $0x4  }
0x215: {  	(xrf0) =	vadd.scan.msk.s32 $0xffff, v14;
	_ =	sdelay $0x5  }
0x216: {  	s7 =	sand.u32 $0xF, s0;
	v15, _, _ =	vpop (xrf0)  }
0x217: {  	v14 =	vmov s7;
	v16 =	vbroadcast v15, $0xF;
	(v2sf) =	vpush v15, $0xF  }
0x218: {  	v17 =	vimm.s32 $0x0;
	vm3 =	veq.s32 v14, v0  }
0x219: {  	s10 =	sand.u32 $0xF0, s0;
	s6 =	simm.s32 $0x10;
	v14 =	vsel vm3, v16, v17  }
0x21a: {  	s20 =	sand.u32 $0xFF0, s6;
	[tilespmem:s10+$0x192C0] =	vst v14  }
0x21b: {  	v15 =	vld [tilespmem:s20+$0x18000];
	_ =	sdelay $0x1  }
0x21c: {  	s2 =	simm.s32 $0x2;
	s7 =	simm.s32 $0x1;
	s20 =	simm.s32 $0x3  }
.LBB2_22:
0x21d: {  	p1 =	sne.s32 s20, $0xFF;
	_ =	sdelay $0x1  }
0x21e: {  	(xrf0) =	vadd.scan.msk.s32 $0xffff, v15;
	_ =	sdelay $0x5  }
0x21f: {  	s3 =	sand.u32 $0xF, s7;
	v15, _, _ =	vpop (xrf0);
	s10 =	spop (v2sf)  }
0x220: {  	v16 =	vmov s3;
	v17 =	vbroadcast v15, $0xF;
	(v2sf) =	vpush v15, $0xF;
	s0 =	sadd.s32 s0, s10  }
0x221: {  	vm3 =	veq.s32 v16, v0  }
.Ltmp12:
0x222: {  	s6 =	sadd.s32 $0x10, s6;
	s3 =	sand.u32 $0xF0, s7;
	v14 =	vsel vm3, v17, v14;
	(pc) =	sbr.rel @p1 .LBB2_22-.Ltmp12, $3  }
0x223: {  	s7 =	smov.u32 s2;
	s2 =	smov.u32 s20;
	s10 =	sand.u32 $0xFF0, s6;
	[tilespmem:s3+$0x192C0] =	vst v14  }
0x224: {  	v15 =	vld [tilespmem:s10+$0x18000];
	_ =	sdelay $0x1  }
0x225: {  	s20 =	sadd.s32 $0x1, s20  }
0x226: {  	_ =	sdelay $0x1  }
0x227: {  	(xrf0) =	vadd.scan.msk.s32 $0xffff, v15;
	_ =	sdelay $0x5  }
0x228: {  	s3 =	sand.u32 $0xF, s7;
	v15, _, _ =	vpop (xrf0)  }
0x229: {  	v16 =	vmov s3;
	v17 =	vbroadcast v15, $0xF  }
0x22a: {  	vm3 =	veq.s32 v16, v0  }
0x22b: {  	s7 =	sand.u32 $0xF0, s7;
	s6 =	sadd.s32 $0x10, s6;
	v14 =	vsel vm3, v17, v14  }
0x22c: {  	s6 =	sand.u32 $0xFF0, s6;
	[tilespmem:s7+$0x192C0] =	vst v14  }
0x22d: {  	v60 =	vld [tilespmem:s6+$0x18000];
	_ =	sdelay $0x4  }
0x22e: {  	(xrf0) =	vadd.scan.msk.s32 $0xffff, v60;
	_ =	sdelay $0x5  }
0x22f: {  	(v2sf) =	vpush v15, $0xF;
	v15, _, _ =	vpop (xrf0)  }
0x230: {  	(v2sf) =	vpush v15, $0xF;
	_ =	sdelay $0xb  }
0x231: {  	s10 =	sand.u32 $0xF, s2  }
0x232: {  	v61 =	vmov s10;
	s20 =	spop (v2sf);
	v15 =	vbroadcast v15, $0xF  }
0x233: {  	s0 =	sadd.s32 s0, s20;
	vm3 =	veq.s32 v61, v0;
	s7 =	spop (v2sf)  }
0x234: {  	s10 =	sand.u32 $0xF0, s2;
	s0 =	sadd.s32 s0, s7;
	v14 =	vsel vm3, v15, v14;
	s20 =	spop (v2sf)  }
0x235: {  	[tilespmem:s10+$0x192C0] =	vst v14;
	s0 =	sadd.s32 s0, s20  }
0x236: {  	_ =	strace $0x8000004B;
	v14 =	vmov s0  }
0x237: {  	s6 =	rddreg [dreg:$0x9];
	[tilespmem:$0x19290] =	vst v14  }
0x238: {  	[spmem:s6] =	stream.linear.scatter [tilespmem:s22], [sflag:$0x3], $0x10, $0x200038;
	[tilespmem:$0x1B4F8] =	vst v63  }
0x239: {  	_ =	swait.ge [sflag:s28], $0x10  }
0x23a: {  	[sflag:s28] =	ssyncset.done $0x0  }
0x23b: {  	[sflag:s28] =	ssyncadd.s32 $0xFFFFFFF0  }
0x23c: {  	[bflag:$0x0] =	sbarrier.arrive $0xFFFF  }
0x23d: {  	s7 =	simm.s32 $0x19080;
	_ =	strace $0x9000004B  }
0x23e: {  	[tilespmem:s7], [sflag:$0x3] =	stream.linear.gather [spmem:s14], $0x100, $0x200038;
	[tilespmem:$0x1B4F8] =	vst v63  }
0x23f: {  	_ =	swait.ge [sflag:s28], $0x100  }
0x240: {  	[sflag:s28] =	ssyncset.done $0x0  }
0x241: {  	[sflag:s28] =	ssyncadd.s32 $0xFFFFFF00  }
0x242: {  	v14 =	vld.idx.msk [tilespmem:v10+s7+$0x0], $0xffff;
	_ =	sdelay $0x4  }
0x243: {  	v15 =	vperm.xlane v14, v11;
	_ =	sdelay $0x1  }
0x244: {  	(xrf0) =	vadd.scan.msk.s32 $0xffff, v15;
	_ =	sdelay $0x5  }
0x245: {  	v15, _, _ =	vpop (xrf0)  }
0x246: {  	v15 =	vperm.xlane v15, v11;
	_ =	sdelay $0x1  }
0x247: {  	vm3 =	vgt.s32 v15, $0x1869F  }
0x248: {  	v62 =	vmpcnt.ones.xlane vm3;
	_ =	sdelay $0x1  }
0x249: {  	v16 =	vxor.u32 $0x80000000, v62  }
0x24a: {  	(xrf0) =	vmax.scan.msk.u32 $0xffff, v16;
	_ =	sdelay $0x5  }
0x24b: {  	v16, _, _ =	vpop (xrf0)  }
0x24c: {  	(v2sf) =	vpush v16, $0xF;
	_ =	sdelay $0xe  }
0x24d: {  	s10 =	spop (v2sf)  }
0x24e: {  	s20 =	sadd.s32 $0x7FFFFFFF, s10  }
0x24f: {  	v63 =	vmov s20  }
0x250: {  	vm3 =	veq.s32 v63, v0  }
0x251: {  	v15 =	vnsel vm3, $0x0, v15  }
0x252: {  	v14 =	vnsel vm3, $0x0, v14;
	(xrf0) =	vadd.scan.msk.s32 $0xffff, v15  }
0x253: {  	(xrf0) =	vadd.scan.msk.s32 $0xffff, v14;
	_ =	sdelay $0x4  }
0x254: {  	v14, _, _ =	vpop (xrf0)  }
0x255: {  	(v2sf) =	vpush v14, $0xF;
	v14, _, _ =	vpop (xrf0)  }
0x256: {  	(v2sf) =	vpush v14, $0xF;
	_ =	sdelay $0x9  }
0x257: {  	p1 =	sne.s32 s16, s20  }
.Ltmp13:
0x258: {  	_ = 	snop;
	(pc) =	sbr.rel @p1 .LBB2_27-.Ltmp13, $3  }
0x259: {  	_ =	sdelay $0x1  }
0x25a: {  	s0 =	spop (v2sf)  }
0x25b: {  	s2 =	spop (v2sf)  }
0x25c: {  	_ =	strace $0x8000004C;
	s3 =	simm.s32 $0x192C0  }
0x25d: {  	v14 =	vld [tilespmem:s3+$0x0];
	_ =	sdelay $0x4  }
0x25e: {  	s20 =	simm.s32 $0x192D0;
	(xrf0) =	vadd.scan.msk.s32 $0xffff, v14  }
0x25f: {  	v15 =	vld [tilespmem:s20+$0x0];
	_ =	sdelay $0x3  }
0x260: {  	s0 =	ssub.s32 s0, s2;
	s2 =	simm.s32 $0x1  }
0x261: {  	s6 =	simm.s32 $0x2;
	s7 =	simm.s32 $0x192E0;
	s3 =	simm.s32 $0x0;
	v14 =	vimm.s32 $0x0;
	(xrf0) =	vadd.scan.msk.s32 $0xffff, v15;
	v15, _, _ =	vpop (xrf0)  }
.LBB2_25:
0x262: {  	p1 =	sne.s32 s6, $0xF  }
0x263: {  	v16 =	vld [tilespmem:s7+$0x0];
	v17 =	vmov s3;
	v15 =	vbroadcast v15, $0xF;
	s3 =	smov.u32 s2;
	s2 =	smov.u32 s6;
	s6 =	sadd.s32 $0x1, s6  }
.Ltmp14:
0x264: {  	vm3 =	veq.s32 v17, v0;
	(pc) =	sbr.rel @p1 .LBB2_25-.Ltmp14, $2  }
0x265: {  	v14 =	vsel vm3, v15, v14;
	_ =	sdelay $0x2  }
0x266: {  	s7 =	sadd.s32 $0x10, s7;
	(xrf0) =	vadd.scan.msk.s32 $0xffff, v16;
	v15, _, _ =	vpop (xrf0)  }
0x267: {  	_ =	sdelay $0x4  }
0x268: {  	v16 =	vmov s3;
	v15 =	vbroadcast v15, $0xF;
	v17, _, _ =	vpop (xrf0)  }
0x269: {  	v57 =	vmov s2;
	vm3 =	veq.s32 v16, v0;
	v17 =	vbroadcast v17, $0xF  }
0x26a: {  	v14 =	vsel vm3, v15, v14;
	vm3 =	veq.s32 v57, v0  }
0x26b: {  	v14 =	vsel vm3, v17, v14  }
0x26c: {  	v15 =	vperm.xlane v14, v11;
	_ =	sdelay $0x1  }
0x26d: {  	(xrf0) =	vadd.scan.msk.s32 $0xffff, v15;
	_ =	sdelay $0x5  }
0x26e: {  	v15, _, _ =	vpop (xrf0)  }
0x26f: {  	v15 =	vperm.xlane v15, v11  }
0x270: {  	s20 =	ssub.s32 $0x186A0, s0  }
0x271: {  	vm3 =	vge.s32 v15, s20  }
0x272: {  	v58 =	vmpcnt.ones.xlane vm3;
	_ =	sdelay $0x1  }
0x273: {  	v16 =	vxor.u32 $0x80000000, v58  }
0x274: {  	(xrf0) =	vmax.scan.msk.u32 $0xffff, v16;
	_ =	sdelay $0x5  }
0x275: {  	v16, _, _ =	vpop (xrf0)  }
0x276: {  	(v2sf) =	vpush v16, $0xF;
	_ =	sdelay $0xe  }
0x277: {  	s7 =	spop (v2sf)  }
0x278: {  	s3 =	sadd.s32 $0x7FFFFFFF, s7  }
0x279: {  	v59 =	vmov s3  }
0x27a: {  	vm3 =	veq.s32 v59, v0  }
0x27b: {  	v15 =	vnsel vm3, $0x0, v15  }
0x27c: {  	v14 =	vnsel vm3, $0x0, v14;
	(xrf0) =	vadd.scan.msk.s32 $0xffff, v15  }
0x27d: {  	(xrf0) =	vadd.scan.msk.s32 $0xffff, v14;
	_ =	sdelay $0x4  }
0x27e: {  	v14, _, _ =	vpop (xrf0)  }
0x27f: {  	(v2sf) =	vpush v14, $0xF;
	v14, _, _ =	vpop (xrf0)  }
0x280: {  	(v2sf) =	vpush v14, $0xF  }
0x281: {  	s3 =	sshll.u32 s3, $0x4  }
0x282: {  	v14 =	vld [tilespmem:s3+$0x192C0];
	_ =	sdelay $0x4  }
0x283: {  	v15 =	vperm.xlane v14, v11;
	_ =	sdelay $0x1  }
0x284: {  	(xrf0) =	vadd.scan.msk.s32 $0xffff, v15;
	_ =	sdelay $0x4  }
0x285: {  	s6 =	spop (v2sf)  }
0x286: {  	v15, _, _ =	vpop (xrf0);
	s7 =	spop (v2sf)  }
0x287: {  	v15 =	vperm.xlane v15, v11;
	s6 =	ssub.s32 s6, s7  }
0x288: {  	s2 =	ssub.s32 s20, s6  }
0x289: {  	vm3 =	vge.s32 v15, s2  }
0x28a: {  	v60 =	vmpcnt.ones.xlane vm3;
	_ =	sdelay $0x1  }
0x28b: {  	v16 =	vxor.u32 $0x80000000, v60  }
0x28c: {  	(xrf0) =	vmax.scan.msk.u32 $0xffff, v16;
	_ =	sdelay $0x5  }
0x28d: {  	v16, _, _ =	vpop (xrf0)  }
0x28e: {  	(v2sf) =	vpush v16, $0xF;
	_ =	sdelay $0xe  }
0x28f: {  	s10 =	spop (v2sf)  }
0x290: {  	s7 =	sadd.s32 $0x7FFFFFFF, s10  }
0x291: {  	v61 =	vmov s7  }
0x292: {  	vm3 =	veq.s32 v61, v0  }
0x293: {  	v15 =	vnsel vm3, $0x0, v15  }
0x294: {  	v14 =	vnsel vm3, $0x0, v14;
	(xrf0) =	vadd.scan.msk.s32 $0xffff, v15  }
0x295: {  	(xrf0) =	vadd.scan.msk.s32 $0xffff, v14;
	_ =	sdelay $0x4  }
0x296: {  	v14, _, _ =	vpop (xrf0)  }
0x297: {  	(v2sf) =	vpush v14, $0xF;
	v14, _, _ =	vpop (xrf0)  }
0x298: {  	s3 =	sadd.s32 s3, s7;
	(v2sf) =	vpush v14, $0xF  }
0x299: {  	s3 =	sshll.u32 s3, $0x4  }
0x29a: {  	v14 =	vld [tilespmem:s3+$0x18000];
	_ =	sdelay $0x4  }
0x29b: {  	v15 =	vperm.xlane v14, v11;
	_ =	sdelay $0x1  }
0x29c: {  	(xrf0) =	vadd.scan.msk.s32 $0xffff, v15;
	_ =	sdelay $0x4  }
0x29d: {  	s20 =	spop (v2sf)  }
0x29e: {  	v15, _, _ =	vpop (xrf0);
	s10 =	spop (v2sf)  }
0x29f: {  	v15 =	vperm.xlane v15, v11;
	s7 =	ssub.s32 s20, s10  }
0x2a0: {  	s2 =	ssub.s32 s2, s7  }
0x2a1: {  	vm3 =	vge.s32 v15, s2  }
0x2a2: {  	v62 =	vmpcnt.ones.xlane vm3;
	_ =	sdelay $0x1  }
0x2a3: {  	v16 =	vxor.u32 $0x80000000, v62  }
0x2a4: {  	(xrf0) =	vmax.scan.msk.u32 $0xffff, v16;
	_ =	sdelay $0x5  }
0x2a5: {  	v16, _, _ =	vpop (xrf0)  }
0x2a6: {  	(v2sf) =	vpush v16, $0xF;
	_ =	sdelay $0xe  }
0x2a7: {  	s20 =	spop (v2sf)  }
0x2a8: {  	s2 =	sadd.s32 $0x7FFFFFFF, s20  }
0x2a9: {  	v63 =	vmov s2  }
0x2aa: {  	vm3 =	veq.s32 v63, v0  }
0x2ab: {  	v15 =	vnsel vm3, $0x0, v15  }
0x2ac: {  	v14 =	vnsel vm3, $0x0, v14;
	(xrf0) =	vadd.scan.msk.s32 $0xffff, v15  }
0x2ad: {  	(xrf0) =	vadd.scan.msk.s32 $0xffff, v14;
	_ =	sdelay $0x4  }
0x2ae: {  	v14, _, _ =	vpop (xrf0)  }
0x2af: {  	(v2sf) =	vpush v14, $0xF;
	v14, _, _ =	vpop (xrf0)  }
0x2b0: {  	(v2sf) =	vpush v14, $0xF;
	_ =	sdelay $0xc  }
0x2b1: {  	s6 =	sadd.s32 s6, s0  }
0x2b2: {  	s0 =	sadd.s32 s7, s6;
	s10 =	spop (v2sf)  }
0x2b3: {  	s20 =	spop (v2sf);
	s0 =	sadd.s32 s10, s0  }
0x2b4: {  	s3 =	sadd.s32 s9, s3;
	s0 =	ssub.s32 s20, s0  }
0x2b5: {  	s2 =	sadd.s32 s2, s3;
	s0 =	sadd.s32 $0x186A0, s0  }
0x2b6: {  	v14 =	vmov s2;
	v15 =	vmov s0  }
0x2b7: {  	v14 =	vnsel vm0, $0x0, v14;
	v15 =	vnsel vm1, $0x0, v15  }
0x2b8: {  	v14 =	vadd.s32 v14, v15  }
0x2b9: {  	[tilespmem:$0x19290] =	vst v14  }
0x2ba: {  	[spmem:s15] =	stream.linear.scatter [tilespmem:s22], [sflag:$0x3], $0x10, $0x200038;
	[tilespmem:$0x1B4F8] =	vst v63  }
0x2bb: {  	_ =	swait.ge [sflag:s28], $0x10  }
0x2bc: {  	[sflag:s28] =	ssyncset.done $0x0  }
0x2bd: {  	[sflag:s28] =	ssyncadd.s32 $0xFFFFFFF0  }
0x2be: {  	_ =	strace $0x9000004C  }
.LBB2_27:
0x2bf: {  	_ =	strace $0x8000004D  }
0x2c0: {  	[bflag:$0x0] =	sbarrier.arrive $0xFFFF  }
0x2c1: {  	s0 =	simm.s32 $0x19280;
	_ =	strace $0x9000004D  }
0x2c2: {  	[tilespmem:s0], [sflag:$0x3] =	stream.linear.gather [spmem:s15], $0x10, $0x200038;
	[tilespmem:$0x1B4F8] =	vst v63  }
0x2c3: {  	_ =	swait.ge [sflag:s28], $0x10  }
0x2c4: {  	[sflag:s28] =	ssyncset.done $0x0  }
0x2c5: {  	s22 =	simm.s32 $0x0;
	[sflag:s28] =	ssyncadd.s32 $0xFFFFFFF0  }
0x2c6: {  	s0 =	sand.u32 $0xFF80, s22;
	v14 =	vld [tilespmem:$0x19280];
	_ =	strace $0x90000049  }
0x2c7: {  	_ =	strace $0x8000004E;
	[tilespmem:s0+$0x8070] =	vst v8  }
0x2c8: {  	[tilespmem:s0+$0x8000] =	vst v8  }
0x2c9: {  	[tilespmem:s0+$0x8010] =	vst v8  }
0x2ca: {  	[tilespmem:s0+$0x8020] =	vst v8  }
0x2cb: {  	[tilespmem:s0+$0x8030] =	vst v8  }
0x2cc: {  	[tilespmem:s0+$0x8040] =	vst v8  }
0x2cd: {  	s2 =	simm.s32 $0x0;
	s3 =	simm.s32 $0x80;
	s10 =	simm.s32 $0x2;
	[tilespmem:s0+$0x8050] =	vst v8  }
.LBB2_28:
0x2ce: {  	s2 =	sadd.s32 $0x8, s2;
	[tilespmem:s0+$0x8060] =	vst v8;
	s0 =	sand.u32 $0xFF80, s3  }
0x2cf: {  	[tilespmem:s0+$0x8070] =	vst v8;
	p1 =	slt.u32 s2, $0xFF8  }
0x2d0: {  	[tilespmem:s0+$0x8000] =	vst v8  }
.Ltmp15:
0x2d1: {  	[tilespmem:s0+$0x8010] =	vst v8;
	(pc) =	sbr.rel @p1 .LBB2_28-.Ltmp15, $4  }
0x2d2: {  	[tilespmem:s0+$0x8020] =	vst v8  }
0x2d3: {  	[tilespmem:s0+$0x8030] =	vst v8  }
0x2d4: {  	[tilespmem:s0+$0x8040] =	vst v8  }
0x2d5: {  	s3 =	sadd.s32 $0x80, s3;
	[tilespmem:s0+$0x8050] =	vst v8  }
0x2d6: {  	[tilespmem:s0+$0x8060] =	vst v8;
	s3 =	simm.s32 $0x4000;
	s7 =	simm.s32 $0x1  }
0x2d7: {  	[tilespmem:s3], [sflag:$0x2] =	stream.linear.gather [hbm4b:s19+s8], $0x4000, $0x200038;
	[tilespmem:$0x1B4F8] =	vst v63  }
0x2d8: {  	_ =	swait.ge [sflag:s7], $0x4000  }
0x2d9: {  	[sflag:s7] =	ssyncset.done $0x0  }
0x2da: {  	s6 =	simm.s32 $0x40;
	[sflag:s7] =	ssyncadd.s32 $0xFFFFC000  }
0x2db: {  	v16 =	vld [tilespmem:s6+$0x0];
	_ =	sdelay $0x3  }
0x2dc: {  	v15 =	vbroadcast v14, $0x0  }
0x2dd: {  	v17 =	vshrl.u32 v16, $0x10  }
0x2de: {  	vm3 =	veq.s32 v17, v15  }
0x2df: {  	v18 =	vld [tilespmem:s6+$0xFFFFFFC0];
	v19 =	vand.u32 $0xFFFF, v16;
	_ =	sdelay $0x4  }
0x2e0: {  	v20 =	vshrl.u32 v18, $0x10;
	[tilespmem:v19+s31+$0x0] =	vst.idx.add.s32.msk vm3, v9  }
0x2e1: {  	vm3 =	veq.s32 v20, v15;
	v19 =	vld [tilespmem:s6+$0x10]  }
0x2e2: {  	v21 =	vand.u32 $0xFFFF, v18;
	_ =	sdelay $0x3  }
0x2e3: {  	v22 =	vshrl.u32 v19, $0x10  }
0x2e4: {  	[tilespmem:v21+s31+$0x0] =	vst.idx.add.s32.msk vm3, v9;
	vm3 =	veq.s32 v22, v15  }
0x2e5: {  	v24 =	vand.u32 $0xFFFF, v19;
	v21 =	vld [tilespmem:s6+$0xFFFFFFD0];
	_ =	sdelay $0x1  }
0x2e6: {  	s0 =	simm.s32 $0xC0  }
0x2e7: {  	v25 =	vld [tilespmem:s0+$0x0];
	_ =	sdelay $0x1  }
0x2e8: {  	v23 =	vimm.f32 $0.0e+00;
	vm4 =	vgt.s32 v16, $0xFFFFFFFF;
	v26 =	vshrl.u32 v21, $0x10;
	[tilespmem:v24+s31+$0x0] =	vst.idx.add.s32.msk vm3, v9  }
0x2e9: {  	vm5 =	vgt.u32 v20, v15;
	v24 =	vsel vm4, $0xFFFFFFFF, v13;
	vm4 =	veq.s32 v26, v15;
	v27 =	vld [tilespmem:s6+$0x20]  }
0x2ea: {  	v29 =	vld [tilespmem:s0+$0xFFFFFFC0];
	v28 =	vand.u32 $0xFFFF, v21;
	vm6 =	vgt.s32 v21, $0xFFFFFFFF;
	vm3 =	vgt.s32 v18, $0xFFFFFFFF  }
0x2eb: {  	vm7 =	vgt.u32 v26, v15;
	v26 =	vshrl.u32 v25, $0x10;
	v20 =	vsel vm3, $0xFFFFFFFF, v13  }
0x2ec: {  	vm3 =	vgt.s32 v19, $0xFFFFFFFF;
	v18 =	vxor.u32 v18, v20;
	v20 =	vsel vm6, $0xFFFFFFFF, v13  }
0x2ed: {  	v20 =	vxor.u32 v21, v20;
	v21 =	vsel vm3, $0xFFFFFFFF, v13;
	vm3 =	veq.s32 v26, v15  }
0x2ee: {  	v30 =	vand.u32 $0xFFFF, v25;
	v16 =	vxor.u32 v16, v24;
	v31 =	vshrl.u32 v27, $0x10  }
0x2ef: {  	vm6 =	vgt.u32 v22, v15;
	[tilespmem:v28+s31+$0x0] =	vst.idx.add.s32.msk vm4, v9;
	v28 =	vshrl.u32 v29, $0x10;
	vm4 =	veq.s32 v31, v15  }
0x2f0: {  	v18 =	vnsel vm5, $0x0, v18;
	v32 =	vand.u32 $0xFFFF, v27;
	vm5 =	veq.s32 v28, v15  }
0x2f1: {  	v22 =	vand.u32 $0xFFFF, v29;
	v20 =	vnsel vm7, $0x0, v20;
	v19 =	vxor.u32 v19, v21;
	v21 =	vld [tilespmem:s6+$0xFFFFFFE0]  }
0x2f2: {  	v18 =	vadd.f32 v18, v23;
	vm7 =	vgt.u32 v17, v15;
	v20 =	vadd.f32 v20, v23  }
0x2f3: {  	v17 =	vnsel vm6, $0x0, v19;
	v16 =	vnsel vm7, $0x0, v16;
	vm6 =	vgt.s32 v27, $0xFFFFFFFF;
	[tilespmem:v30+s31+$0x0] =	vst.idx.add.s32.msk vm3, v9  }
0x2f4: {  	v18 =	vadd.f32 v16, v18;
	v24 =	vsel vm6, $0xFFFFFFFF, v13;
	v19 =	vld [tilespmem:s0+$0x10]  }
0x2f5: {  	v17 =	vadd.f32 v17, v20;
	v24 =	vxor.u32 v27, v24;
	vm3 =	vgt.s32 v25, $0xFFFFFFFF;
	[tilespmem:v32+s31+$0x0] =	vst.idx.add.s32.msk vm4, v9  }
0x2f6: {  	v20 =	vsel vm3, $0xFFFFFFFF, v13;
	v30 =	vshrl.u32 v21, $0x10;
	v58 =	vand.u32 $0xFFFF, v21;
	[tilespmem:v22+s31+$0x0] =	vst.idx.add.s32.msk vm5, v9  }
0x2f7: {  	vm3 =	veq.s32 v30, v15;
	vm4 =	vgt.s32 v21, $0xFFFFFFFF;
	vm5 =	vgt.s32 v29, $0xFFFFFFFF;
	v22 =	vld [tilespmem:s0+$0xFFFFFFD0]  }
0x2f8: {  	vm6 =	vgt.u32 v30, v15;
	v16 =	vsel vm4, $0xFFFFFFFF, v13;
	vm4 =	vgt.u32 v28, v15;
	v27 =	vld [tilespmem:s6+$0x30]  }
0x2f9: {  	v28 =	vsel vm5, $0xFFFFFFFF, v13;
	vm5 =	vgt.u32 v31, v15;
	v16 =	vxor.u32 v21, v16  }
0x2fa: {  	v21 =	vshrl.u32 v19, $0x10;
	v28 =	vxor.u32 v29, v28;
	v29 =	vnsel vm5, $0x0, v24  }
0x2fb: {  	v24 =	vand.u32 $0xFFFF, v19;
	v16 =	vnsel vm6, $0x0, v16;
	vm6 =	veq.s32 v21, v15  }
0x2fc: {  	vm5 =	vgt.s32 v19, $0xFFFFFFFF;
	v30 =	vadd.f32 v16, v23;
	v31 =	vshrl.u32 v22, $0x10  }
0x2fd: {  	v33 =	vand.u32 $0xFFFF, v22;
	v34 =	vshrl.u32 v27, $0x10;
	v36 =	vand.u32 $0xFFFF, v27  }
0x2fe: {  	s2 =	simm.s32 $0x140;
	vm8 =	vgt.s32 v22, $0xFFFFFFFF;
	vm9 =	vgt.s32 v27, $0xFFFFFFFF;
	vm7 =	veq.s32 v31, v15  }
0x2ff: {  	v16 =	vld [tilespmem:s2+$0x0];
	vm10 =	vgt.u32 v31, v15;
	v31 =	vsel vm8, $0xFFFFFFFF, v13;
	v35 =	vsel vm9, $0xFFFFFFFF, v13  }
0x300: {  	v22 =	vxor.u32 v22, v31;
	v31 =	vxor.u32 v27, v35;
	v27 =	vnsel vm4, $0x0, v28;
	v28 =	vld [tilespmem:s2+$0xFFFFFFC0]  }
0x301: {  	v20 =	vxor.u32 v25, v20;
	v62 =	vadd.f32 v29, v30;
	[tilespmem:v24+s31+$0x0] =	vst.idx.add.s32.msk vm6, v9;
	v24 =	vsel vm5, $0xFFFFFFFF, v13  }
0x302: {  	vm14 =	veq.s32 v34, v15;
	vm4 =	vgt.u32 v21, v15;
	v19 =	vxor.u32 v19, v24;
	v24 =	vld [tilespmem:s0+$0x20]  }
0x303: {  	[tilespmem:v58+s31+$0x0] =	vst.idx.add.s32.msk vm3, v9;
	v22 =	vnsel vm10, $0x0, v22;
	v27 =	vadd.f32 v27, v18;
	vm5 =	vgt.u32 v26, v15  }
0x304: {  	v40 =	vld [tilespmem:s6+$0xFFFFFFF0];
	v21 =	vand.u32 $0xFFFF, v16;
	v18 =	vadd.f32 v22, v17;
	v17 =	vshrl.u32 v16, $0x10  }
0x305: {  	vm6 =	vgt.s32 v16, $0xFFFFFFFF;
	v19 =	vnsel vm4, $0x0, v19;
	vm4 =	veq.s32 v17, v15;
	[tilespmem:v33+s31+$0x0] =	vst.idx.add.s32.msk vm7, v9  }
0x306: {  	v20 =	vnsel vm5, $0x0, v20;
	v18 =	vadd.f32 v19, v18;
	v60 =	vshrl.u32 v28, $0x10;
	v25 =	vld [tilespmem:s0+$0xFFFFFFE0]  }
0x307: {  	v19 =	vsel vm6, $0xFFFFFFFF, v13;
	vm8 =	veq.s32 v60, v15;
	v26 =	vshrl.u32 v24, $0x10  }
0x308: {  	v37 =	vand.u32 $0xFFFF, v28;
	vm6 =	vgt.s32 v24, $0xFFFFFFFF;
	vm5 =	veq.s32 v26, v15  }
0x309: {  	v30 =	vand.u32 $0xFFFF, v40;
	v59 =	vand.u32 $0xFFFF, v24;
	v22 =	vsel vm6, $0xFFFFFFFF, v13  }
0x30a: {  	vm6 =	vgt.s32 v28, $0xFFFFFFFF;
	v39 =	vxor.u32 v24, v22;
	v22 =	vadd.f32 v20, v27  }
0x30b: {  	[tilespmem:v21+s31+$0x0] =	vst.idx.add.s32.msk vm4, v9;
	v21 =	vsel vm6, $0xFFFFFFFF, v13;
	v61 =	vshrl.u32 v25, $0x10;
	vm3 =	vgt.s32 v25, $0xFFFFFFFF  }
0x30c: {  	vm6 =	vgt.s32 v40, $0xFFFFFFFF;
	v24 =	vld [tilespmem:s2+$0x10];
	vm7 =	veq.s32 v61, v15;
	v20 =	vsel vm3, $0xFFFFFFFF, v13  }
0x30d: {  	v38 =	vand.u32 $0xFFFF, v25;
	vm4 =	vgt.u32 v61, v15;
	[tilespmem:v37+s31+$0x0] =	vst.idx.add.s32.msk vm8, v9;
	v20 =	vxor.u32 v25, v20  }
0x30e: {  	vm3 =	vgt.u32 v60, v15;
	vm8 =	vgt.u32 v34, v15;
	v25 =	vnsel vm4, $0x0, v20;
	[tilespmem:v59+s31+$0x0] =	vst.idx.add.s32.msk vm5, v9  }
0x30f: {  	vm4 =	vgt.u32 v26, v15;
	v26 =	vxor.u32 v28, v21;
	v28 =	vld [tilespmem:s2+$0xFFFFFFD0];
	v21 =	vshrl.u32 v40, $0x10  }
0x310: {  	v32 =	vnsel vm8, $0x0, v31;
	v20 =	vnsel vm4, $0x0, v39;
	v29 =	vld [tilespmem:s0+$0x30];
	vm5 =	veq.s32 v21, v15  }
0x311: {  	vm15 =	vgt.u32 v21, v15;
	v27 =	vshrl.u32 v24, $0x10;
	v21 =	vsel vm6, $0xFFFFFFFF, v13  }
0x312: {  	vm4 =	vgt.s32 v24, $0xFFFFFFFF;
	vm6 =	veq.s32 v27, v15;
	v63 =	vxor.u32 v40, v21  }
0x313: {  	v35 =	vand.u32 $0xFFFF, v24;
	v21 =	vadd.f32 v25, v62;
	v25 =	vnsel vm15, $0x0, v63  }
0x314: {  	[tilespmem:v36+s31+$0x0] =	vst.idx.add.s32.msk vm14, v9;
	v33 =	vadd.f32 v25, v23;
	v31 =	vshrl.u32 v28, $0x10;
	v34 =	vand.u32 $0xFFFF, v28  }
0x315: {  	s22 =	simm.s32 $0x1C0;
	s6 =	simm.s32 $0x4;
	[tilespmem:v38+s31+$0x0] =	vst.idx.add.s32.msk vm7, v9;
	vm7 =	veq.s32 v31, v15;
	v23 =	vshrl.u32 v29, $0x10;
	v25 =	vand.u32 $0xFFFF, v29  }
.LBB2_30:
0x316: {  	s6 =	sadd.s32 $0x2, s6;
	vm8 =	vgt.s32 v28, $0xFFFFFFFF;
	vm9 =	vgt.s32 v29, $0xFFFFFFFF;
	[tilespmem:v30+s31+$0x0] =	vst.idx.add.s32.msk vm5, v9;
	v33 =	vadd.f32 v32, v33  }
0x317: {  	vm5 =	vgt.u32 v31, v15;
	v30 =	vld [tilespmem:s22+$0x0];
	p1 =	slt.u32 s6, $0xFE;
	v31 =	vsel vm8, $0xFFFFFFFF, v13;
	v32 =	vsel vm9, $0xFFFFFFFF, v13  }
0x318: {  	v28 =	vxor.u32 v28, v31;
	[tilespmem:v35+s31+$0x0] =	vst.idx.add.s32.msk vm6, v9;
	v31 =	vsel vm4, $0xFFFFFFFF, v13;
	v32 =	vxor.u32 v29, v32  }
0x319: {  	v26 =	vnsel vm3, $0x0, v26;
	v28 =	vnsel vm5, $0x0, v28;
	v24 =	vxor.u32 v24, v31;
	v29 =	vld [tilespmem:s2+$0x20]  }
0x31a: {  	vm3 =	vgt.u32 v27, v15;
	v22 =	vadd.f32 v26, v22;
	v31 =	vld [tilespmem:s22+$0xFFFFFFC0];
	v18 =	vadd.f32 v28, v18  }
0x31b: {  	v19 =	vxor.u32 v16, v19;
	vm4 =	vgt.u32 v17, v15;
	v27 =	vnsel vm3, $0x0, v24;
	[tilespmem:v34+s31+$0x0] =	vst.idx.add.s32.msk vm7, v9  }
0x31c: {  	v17 =	vshrl.u32 v30, $0x10;
	v24 =	vand.u32 $0xFFFF, v30;
	v26 =	vld [tilespmem:s2+$0xFFFFFFE0];
	v18 =	vadd.f32 v27, v18;
	v16 =	vmovc v30  }
0x31d: {  	v27 =	vnsel vm4, $0x0, v19;
	vm3 =	veq.s32 v17, v15;
	vm5 =	vgt.s32 v16, $0xFFFFFFFF  }
0x31e: {  	v19 =	vsel vm5, $0xFFFFFFFF, v13;
	v28 =	vshrl.u32 v29, $0x10;
	v30 =	vand.u32 $0xFFFF, v29  }
0x31f: {  	vm5 =	vgt.s32 v29, $0xFFFFFFFF;
	v34 =	vshrl.u32 v31, $0x10;
	vm4 =	veq.s32 v28, v15  }
0x320: {  	v35 =	vand.u32 $0xFFFF, v31;
	v36 =	vsel vm5, $0xFFFFFFFF, v13;
	vm7 =	veq.s32 v34, v15  }
0x321: {  	v29 =	vxor.u32 v29, v36;
	v37 =	vshrl.u32 v26, $0x10;
	v38 =	vand.u32 $0xFFFF, v26  }
0x322: {  	v22 =	vadd.f32 v27, v22;
	vm5 =	vgt.s32 v26, $0xFFFFFFFF;
	vm6 =	veq.s32 v37, v15;
	v36 =	vld [tilespmem:s0+$0xFFFFFFF0];
	s0 =	smov.u32 s2;
	s2 =	smov.u32 s22  }
0x323: {  	vm8 =	vgt.s32 v31, $0xFFFFFFFF;
	vm9 =	vgt.u32 v37, v15;
	v27 =	vsel vm5, $0xFFFFFFFF, v13;
	[tilespmem:v24+s31+$0x0] =	vst.idx.add.s32.msk vm3, v9  }
0x324: {  	vm3 =	vgt.u32 v34, v15;
	v34 =	vsel vm8, $0xFFFFFFFF, v13;
	v26 =	vxor.u32 v26, v27;
	v24 =	vld [tilespmem:s22+$0x10]  }
0x325: {  	v21 =	vadd.f32 v20, v21;
	v37 =	vnsel vm9, $0x0, v26;
	[tilespmem:v30+s31+$0x0] =	vst.idx.add.s32.msk vm4, v9;
	vm4 =	vgt.u32 v28, v15  }
0x326: {  	v26 =	vxor.u32 v31, v34;
	[tilespmem:v35+s31+$0x0] =	vst.idx.add.s32.msk vm7, v9;
	v20 =	vnsel vm4, $0x0, v29;
	vm7 =	vgt.u32 v23, v15  }
0x327: {  	vm8 =	veq.s32 v23, v15;
	v28 =	vld [tilespmem:s22+$0xFFFFFFD0];
	v27 =	vshrl.u32 v36, $0x10;
	v30 =	vand.u32 $0xFFFF, v36  }
0x328: {  	vm10 =	vgt.s32 v36, $0xFFFFFFFF;
	v29 =	vld [tilespmem:s0+$0x30];
	vm5 =	veq.s32 v27, v15;
	vm9 =	vgt.u32 v27, v15  }
.Ltmp16:
0x329: {  	v23 =	vsel vm10, $0xFFFFFFFF, v13;
	v27 =	vshrl.u32 v24, $0x10;
	vm4 =	vgt.s32 v24, $0xFFFFFFFF;
	[tilespmem:v38+s31+$0x0] =	vst.idx.add.s32.msk vm6, v9;
	(pc) =	sbr.rel @p1 .LBB2_30-.Ltmp16, $4  }
0x32a: {  	v35 =	vand.u32 $0xFFFF, v24;
	v23 =	vxor.u32 v36, v23;
	vm6 =	veq.s32 v27, v15  }
0x32b: {  	v21 =	vadd.f32 v37, v21;
	v32 =	vnsel vm7, $0x0, v32;
	v23 =	vnsel vm9, $0x0, v23  }
0x32c: {  	v33 =	vadd.f32 v23, v33;
	v31 =	vshrl.u32 v28, $0x10;
	v34 =	vand.u32 $0xFFFF, v28  }
0x32d: {  	s22 =	sadd.s32 $0x80, s22;
	vm7 =	veq.s32 v31, v15;
	v23 =	vshrl.u32 v29, $0x10;
	[tilespmem:v25+s31+$0x0] =	vst.idx.add.s32.msk vm8, v9;
	v25 =	vand.u32 $0xFFFF, v29  }
0x32e: {  	_ =	sdelay $0x4  }
0x32f: {  	[tilespmem:v35+s31+$0x0] =	vst.idx.add.s32.msk vm6, v9  }
0x330: {  	[tilespmem:v34+s31+$0x0] =	vst.idx.add.s32.msk vm7, v9  }
0x331: {  	v35 =	vld [tilespmem:s2+$0x20]  }
0x332: {  	v34 =	vld [tilespmem:s2+$0xFFFFFFE0];
	_ =	sdelay $0x3  }
0x333: {  	v36 =	vshrl.u32 v35, $0x10  }
0x334: {  	v38 =	vshrl.u32 v34, $0x10;
	vm6 =	veq.s32 v36, v15  }
0x335: {  	v37 =	vand.u32 $0xFFFF, v35;
	vm7 =	veq.s32 v38, v15  }
0x336: {  	v39 =	vand.u32 $0xFFFF, v34;
	_ =	sdelay $0x2  }
0x337: {  	v40 =	vld [tilespmem:s0+$0xFFFFFFF0]  }
0x338: {  	[tilespmem:v37+s31+$0x0] =	vst.idx.add.s32.msk vm6, v9  }
0x339: {  	[tilespmem:v39+s31+$0x0] =	vst.idx.add.s32.msk vm7, v9  }
0x33a: {  	v37 =	vld [tilespmem:s2+$0x30]  }
0x33b: {  	v39 =	vld [tilespmem:s2+$0xFFFFFFF0];
	_ =	sdelay $0x2  }
0x33c: {  	v41 =	vshrl.u32 v40, $0x10;
	vm6 =	veq.s32 v23, v15  }
0x33d: {  	vm7 =	veq.s32 v41, v15;
	v42 =	vshrl.u32 v37, $0x10  }
0x33e: {  	v43 =	vand.u32 $0xFFFF, v40;
	v44 =	vshrl.u32 v39, $0x10;
	vm8 =	veq.s32 v42, v15  }
0x33f: {  	v45 =	vand.u32 $0xFFFF, v37;
	vm9 =	veq.s32 v44, v15  }
0x340: {  	v46 =	vand.u32 $0xFFFF, v39  }
0x341: {  	[tilespmem:v30+s31+$0x0] =	vst.idx.add.s32.msk vm5, v9  }
0x342: {  	[tilespmem:v25+s31+$0x0] =	vst.idx.add.s32.msk vm6, v9  }
0x343: {  	[tilespmem:v43+s31+$0x0] =	vst.idx.add.s32.msk vm7, v9  }
0x344: {  	[tilespmem:v45+s31+$0x0] =	vst.idx.add.s32.msk vm8, v9  }
0x345: {  	[tilespmem:v46+s31+$0x0] =	vst.idx.add.s32.msk vm9, v9  }
0x346: {  	[tilespmem:s8], [sflag:$0x1] =	stream.linear.gather [hbm4b:s21+s8], $0x4000, $0x200038;
	[tilespmem:$0x1B4F8] =	vst v63  }
0x347: {  	_ =	swait.ge [sflag:s10], $0x4000  }
0x348: {  	[sflag:s10] =	ssyncset.done $0x0  }
0x349: {  	s6 =	simm.s32 $0x4040;
	[sflag:s10] =	ssyncadd.s32 $0xFFFFC000  }
0x34a: {  	v25 =	vld [tilespmem:s6+$0x0];
	_ =	sdelay $0x1  }
0x34b: {  	vm5 =	vgt.s32 v28, $0xFFFFFFFF  }
0x34c: {  	v30 =	vadd.f32 v32, v33;
	v26 =	vnsel vm3, $0x0, v26;
	vm3 =	vgt.u32 v27, v15  }
0x34d: {  	v16 =	vxor.u32 v16, v19;
	v20 =	vadd.f32 v20, v21;
	v22 =	vadd.f32 v26, v22  }
0x34e: {  	vm7 =	vgt.u32 v31, v15;
	v31 =	vsel vm5, $0xFFFFFFFF, v13;
	v46 =	vshrl.u32 v25, $0x10  }
0x34f: {  	vm6 =	vgt.s32 v29, $0xFFFFFFFF;
	v28 =	vxor.u32 v28, v31;
	v48 =	vld [tilespmem:s6+$0xFFFFFFC0];
	vm5 =	veq.s32 v46, v15  }
0x350: {  	v31 =	vsel vm4, $0xFFFFFFFF, v13;
	v28 =	vnsel vm7, $0x0, v28;
	v49 =	vand.u32 $0xFFFF, v25  }
0x351: {  	v47 =	vsel vm6, $0xFFFFFFFF, v13;
	v24 =	vxor.u32 v24, v31;
	v18 =	vadd.f32 v28, v18  }
0x352: {  	vm4 =	vgt.u32 v17, v15;
	v29 =	vxor.u32 v29, v47;
	v17 =	vnsel vm3, $0x0, v24  }
0x353: {  	v16 =	vnsel vm4, $0x0, v16;
	vm3 =	vgt.s32 v35, $0xFFFFFFFF;
	v17 =	vadd.f32 v17, v18  }
0x354: {  	v18 =	vsel vm3, $0xFFFFFFFF, v13;
	vm3 =	vgt.s32 v34, $0xFFFFFFFF;
	v19 =	vshrl.u32 v48, $0x10  }
0x355: {  	vm4 =	vgt.u32 v36, v15;
	v24 =	vsel vm3, $0xFFFFFFFF, v13;
	vm3 =	veq.s32 v19, v15;
	[tilespmem:v49+s31+$0x0] =	vst.idx.add.s32.msk vm5, v9  }
0x356: {  	v24 =	vxor.u32 v34, v24;
	v27 =	vand.u32 $0xFFFF, v48;
	vm5 =	vgt.u32 v38, v15;
	v26 =	vld [tilespmem:s6+$0x10]  }
0x357: {  	v18 =	vxor.u32 v35, v18;
	v24 =	vnsel vm5, $0x0, v24;
	vm5 =	vgt.s32 v40, $0xFFFFFFFF  }
0x358: {  	v16 =	vadd.f32 v16, v22;
	v18 =	vnsel vm4, $0x0, v18;
	v21 =	vsel vm5, $0xFFFFFFFF, v13  }
0x359: {  	vm4 =	vgt.u32 v23, v15;
	vm5 =	vgt.u32 v41, v15;
	v21 =	vxor.u32 v40, v21  }
0x35a: {  	v23 =	vnsel vm4, $0x0, v29;
	vm4 =	vgt.s32 v39, $0xFFFFFFFF;
	v21 =	vnsel vm5, $0x0, v21  }
0x35b: {  	[tilespmem:v27+s31+$0x0] =	vst.idx.add.s32.msk vm3, v9;
	v27 =	vsel vm4, $0xFFFFFFFF, v13;
	v21 =	vadd.f32 v21, v30;
	v28 =	vshrl.u32 v26, $0x10  }
0x35c: {  	vm4 =	vgt.u32 v44, v15;
	v29 =	vld [tilespmem:s6+$0xFFFFFFD0];
	vm5 =	vgt.s32 v37, $0xFFFFFFFF;
	vm3 =	veq.s32 v28, v15  }
0x35d: {  	v30 =	vand.u32 $0xFFFF, v26;
	v21 =	vadd.f32 v23, v21;
	v23 =	vxor.u32 v39, v27  }
0x35e: {  	s0 =	simm.s32 $0x40C0;
	v20 =	vadd.f32 v24, v20;
	v24 =	vsel vm5, $0xFFFFFFFF, v13;
	v23 =	vnsel vm4, $0x0, v23  }
0x35f: {  	v22 =	vld [tilespmem:s0+$0x0];
	v24 =	vxor.u32 v37, v24;
	vm4 =	vgt.u32 v42, v15;
	v21 =	vadd.f32 v23, v21  }
0x360: {  	v18 =	vadd.f32 v18, v20;
	v20 =	vnsel vm4, $0x0, v24  }
0x361: {  	vm4 =	vgt.s32 v25, $0xFFFFFFFF;
	v23 =	vadd.f32 v20, v21;
	v20 =	vshrl.u32 v29, $0x10  }
0x362: {  	v21 =	vsel vm4, $0xFFFFFFFF, v13;
	vm4 =	veq.s32 v20, v15;
	[tilespmem:v30+s31+$0x0] =	vst.idx.add.s32.msk vm3, v9  }
0x363: {  	v27 =	vand.u32 $0xFFFF, v29;
	v30 =	vld [tilespmem:s0+$0xFFFFFFC0]  }
0x364: {  	v31 =	vshrl.u32 v22, $0x10;
	v50 =	vand.u32 $0xFFFF, v22;
	vm5 =	vgt.u32 v19, v15;
	v24 =	vld [tilespmem:s6+$0x20]  }
0x365: {  	vm6 =	vgt.s32 v29, $0xFFFFFFFF;
	vm7 =	vgt.u32 v20, v15;
	vm3 =	vgt.s32 v48, $0xFFFFFFFF  }
0x366: {  	v20 =	vsel vm6, $0xFFFFFFFF, v13;
	v19 =	vsel vm3, $0xFFFFFFFF, v13;
	vm3 =	vgt.s32 v26, $0xFFFFFFFF  }
0x367: {  	v20 =	vxor.u32 v29, v20;
	v29 =	vsel vm3, $0xFFFFFFFF, v13;
	vm3 =	veq.s32 v31, v15  }
0x368: {  	v20 =	vnsel vm7, $0x0, v20;
	v19 =	vxor.u32 v48, v19;
	[tilespmem:v27+s31+$0x0] =	vst.idx.add.s32.msk vm4, v9;
	v27 =	vshrl.u32 v30, $0x10  }
0x369: {  	v19 =	vnsel vm5, $0x0, v19;
	v51 =	vshrl.u32 v24, $0x10;
	vm5 =	veq.s32 v27, v15  }
0x36a: {  	v17 =	vadd.f32 v20, v17;
	v20 =	vand.u32 $0xFFFF, v30;
	vm4 =	veq.s32 v51, v15  }
0x36b: {  	v26 =	vxor.u32 v26, v29;
	v29 =	vld [tilespmem:s6+$0xFFFFFFE0];
	v52 =	vand.u32 $0xFFFF, v24  }
0x36c: {  	vm6 =	vgt.u32 v28, v15;
	v21 =	vxor.u32 v25, v21;
	vm7 =	vgt.u32 v46, v15  }
0x36d: {  	v16 =	vadd.f32 v19, v16;
	v19 =	vnsel vm6, $0x0, v26;
	vm6 =	vgt.s32 v24, $0xFFFFFFFF;
	[tilespmem:v50+s31+$0x0] =	vst.idx.add.s32.msk vm3, v9  }
0x36e: {  	v17 =	vadd.f32 v19, v17;
	v19 =	vnsel vm7, $0x0, v21;
	v26 =	vsel vm6, $0xFFFFFFFF, v13;
	v21 =	vld [tilespmem:s0+$0x10]  }
0x36f: {  	v19 =	vadd.f32 v19, v16;
	vm3 =	vgt.s32 v22, $0xFFFFFFFF;
	v24 =	vxor.u32 v24, v26;
	[tilespmem:v20+s31+$0x0] =	vst.idx.add.s32.msk vm5, v9  }
0x370: {  	v25 =	vsel vm3, $0xFFFFFFFF, v13;
	v28 =	vshrl.u32 v29, $0x10;
	v53 =	vand.u32 $0xFFFF, v29;
	[tilespmem:v52+s31+$0x0] =	vst.idx.add.s32.msk vm4, v9  }
0x371: {  	vm3 =	veq.s32 v28, v15;
	vm5 =	vgt.s32 v30, $0xFFFFFFFF;
	vm4 =	vgt.s32 v29, $0xFFFFFFFF;
	v20 =	vld [tilespmem:s0+$0xFFFFFFD0]  }
0x372: {  	vm6 =	vgt.u32 v28, v15;
	v16 =	vsel vm4, $0xFFFFFFFF, v13;
	vm4 =	vgt.u32 v27, v15  }
0x373: {  	v26 =	vld [tilespmem:s6+$0x30];
	v27 =	vsel vm5, $0xFFFFFFFF, v13;
	v28 =	vshrl.u32 v21, $0x10;
	vm5 =	vgt.u32 v51, v15  }
0x374: {  	v16 =	vxor.u32 v29, v16;
	v27 =	vxor.u32 v30, v27;
	v29 =	vnsel vm5, $0x0, v24  }
0x375: {  	v24 =	vand.u32 $0xFFFF, v21;
	v16 =	vnsel vm6, $0x0, v16;
	vm6 =	veq.s32 v28, v15  }
0x376: {  	vm5 =	vgt.s32 v21, $0xFFFFFFFF;
	v30 =	vadd.f32 v16, v18;
	v18 =	vshrl.u32 v20, $0x10  }
0x377: {  	s2 =	simm.s32 $0x4140;
	v54 =	vand.u32 $0xFFFF, v20;
	vm8 =	vgt.s32 v20, $0xFFFFFFFF;
	vm7 =	veq.s32 v18, v15  }
0x378: {  	v16 =	vld [tilespmem:s2+$0x0];
	v55 =	vshrl.u32 v26, $0x10;
	v56 =	vand.u32 $0xFFFF, v26;
	vm13 =	vgt.s32 v26, $0xFFFFFFFF  }
0x379: {  	vm10 =	vgt.u32 v18, v15;
	v18 =	vsel vm8, $0xFFFFFFFF, v13;
	v57 =	vsel vm13, $0xFFFFFFFF, v13  }
0x37a: {  	v18 =	vxor.u32 v20, v18;
	v20 =	vsel vm5, $0xFFFFFFFF, v13;
	v58 =	vxor.u32 v26, v57;
	v26 =	vld [tilespmem:s2+$0xFFFFFFC0]  }
0x37b: {  	vm5 =	vgt.u32 v31, v15;
	vm14 =	veq.s32 v55, v15;
	v18 =	vnsel vm10, $0x0, v18;
	[tilespmem:v24+s31+$0x0] =	vst.idx.add.s32.msk vm6, v9  }
0x37c: {  	v20 =	vxor.u32 v21, v20;
	v24 =	vnsel vm4, $0x0, v27;
	v18 =	vadd.f32 v18, v17;
	v21 =	vld [tilespmem:s0+$0x20]  }
0x37d: {  	[tilespmem:v53+s31+$0x0] =	vst.idx.add.s32.msk vm3, v9;
	vm4 =	vgt.u32 v28, v15;
	v17 =	vshrl.u32 v16, $0x10;
	vm6 =	vgt.s32 v16, $0xFFFFFFFF  }
0x37e: {  	v63 =	vld [tilespmem:s6+$0xFFFFFFF0];
	v24 =	vadd.f32 v24, v19;
	v20 =	vnsel vm4, $0x0, v20;
	vm4 =	veq.s32 v17, v15  }
0x37f: {  	v19 =	vxor.u32 v22, v25;
	v25 =	vand.u32 $0xFFFF, v16;
	v18 =	vadd.f32 v20, v18;
	[tilespmem:v54+s31+$0x0] =	vst.idx.add.s32.msk vm7, v9  }
0x380: {  	v20 =	vnsel vm5, $0x0, v19;
	v19 =	vsel vm6, $0xFFFFFFFF, v13;
	v27 =	vld [tilespmem:s0+$0xFFFFFFE0];
	v59 =	vshrl.u32 v26, $0x10  }
0x381: {  	v60 =	vand.u32 $0xFFFF, v26;
	vm8 =	veq.s32 v59, v15;
	vm6 =	vgt.s32 v21, $0xFFFFFFFF  }
0x382: {  	v28 =	vshrl.u32 v21, $0x10;
	v31 =	vand.u32 $0xFFFF, v21;
	v22 =	vsel vm6, $0xFFFFFFFF, v13  }
0x383: {  	vm5 =	veq.s32 v28, v15;
	vm6 =	vgt.s32 v26, $0xFFFFFFFF;
	v21 =	vxor.u32 v21, v22  }
0x384: {  	[tilespmem:v25+s31+$0x0] =	vst.idx.add.s32.msk vm4, v9;
	v22 =	vadd.f32 v20, v24;
	v25 =	vsel vm6, $0xFFFFFFFF, v13;
	vm6 =	vgt.s32 v63, $0xFFFFFFFF  }
0x385: {  	v24 =	vld [tilespmem:s2+$0x10];
	v61 =	vshrl.u32 v27, $0x10;
	vm3 =	vgt.s32 v27, $0xFFFFFFFF;
	v26 =	vxor.u32 v26, v25  }
0x386: {  	vm7 =	veq.s32 v61, v15;
	vm4 =	vgt.u32 v61, v15;
	v20 =	vsel vm3, $0xFFFFFFFF, v13  }
0x387: {  	v62 =	vand.u32 $0xFFFF, v27;
	vm3 =	vgt.u32 v59, v15;
	v20 =	vxor.u32 v27, v20;
	[tilespmem:v60+s31+$0x0] =	vst.idx.add.s32.msk vm8, v9  }
0x388: {  	vm8 =	vgt.u32 v55, v15;
	v32 =	vnsel vm4, $0x0, v20;
	vm4 =	vgt.u32 v28, v15;
	v28 =	vld [tilespmem:s2+$0xFFFFFFD0]  }
0x389: {  	[tilespmem:v31+s31+$0x0] =	vst.idx.add.s32.msk vm5, v9;
	v31 =	vadd.f32 v29, v30;
	v20 =	vnsel vm4, $0x0, v21;
	v21 =	vshrl.u32 v63, $0x10  }
0x38a: {  	v30 =	vand.u32 $0xFFFF, v63;
	v27 =	vshrl.u32 v24, $0x10;
	v29 =	vld [tilespmem:s0+$0x30];
	vm5 =	veq.s32 v21, v15  }
0x38b: {  	vm4 =	vgt.s32 v24, $0xFFFFFFFF;
	vm15 =	vgt.u32 v21, v15;
	v21 =	vsel vm6, $0xFFFFFFFF, v13  }
0x38c: {  	v35 =	vand.u32 $0xFFFF, v24;
	vm6 =	veq.s32 v27, v15;
	v25 =	vxor.u32 v63, v21  }
0x38d: {  	v21 =	vadd.f32 v32, v31;
	v32 =	vnsel vm8, $0x0, v58;
	v25 =	vnsel vm15, $0x0, v25  }
0x38e: {  	[tilespmem:v56+s31+$0x0] =	vst.idx.add.s32.msk vm14, v9;
	v31 =	vshrl.u32 v28, $0x10;
	v34 =	vand.u32 $0xFFFF, v28;
	v33 =	vadd.f32 v25, v23  }
0x38f: {  	s22 =	simm.s32 $0x41C0;
	s6 =	simm.s32 $0x4;
	[tilespmem:v62+s31+$0x0] =	vst.idx.add.s32.msk vm7, v9;
	vm7 =	veq.s32 v31, v15;
	v23 =	vshrl.u32 v29, $0x10;
	v25 =	vand.u32 $0xFFFF, v29  }
.LBB2_32:
0x390: {  	s6 =	sadd.s32 $0x2, s6;
	vm8 =	vgt.s32 v28, $0xFFFFFFFF;
	vm9 =	vgt.s32 v29, $0xFFFFFFFF;
	[tilespmem:v30+s31+$0x0] =	vst.idx.add.s32.msk vm5, v9;
	v33 =	vadd.f32 v32, v33  }
0x391: {  	vm5 =	vgt.u32 v31, v15;
	v30 =	vld [tilespmem:s22+$0x0];
	p1 =	slt.u32 s6, $0xFE;
	v31 =	vsel vm8, $0xFFFFFFFF, v13;
	v32 =	vsel vm9, $0xFFFFFFFF, v13  }
0x392: {  	v28 =	vxor.u32 v28, v31;
	[tilespmem:v35+s31+$0x0] =	vst.idx.add.s32.msk vm6, v9;
	v31 =	vsel vm4, $0xFFFFFFFF, v13;
	v32 =	vxor.u32 v29, v32  }
0x393: {  	v26 =	vnsel vm3, $0x0, v26;
	v28 =	vnsel vm5, $0x0, v28;
	v24 =	vxor.u32 v24, v31;
	v29 =	vld [tilespmem:s2+$0x20]  }
0x394: {  	vm3 =	vgt.u32 v27, v15;
	v22 =	vadd.f32 v26, v22;
	v31 =	vld [tilespmem:s22+$0xFFFFFFC0];
	v18 =	vadd.f32 v28, v18  }
0x395: {  	v19 =	vxor.u32 v16, v19;
	vm4 =	vgt.u32 v17, v15;
	v27 =	vnsel vm3, $0x0, v24;
	[tilespmem:v34+s31+$0x0] =	vst.idx.add.s32.msk vm7, v9  }
0x396: {  	v17 =	vshrl.u32 v30, $0x10;
	v24 =	vand.u32 $0xFFFF, v30;
	v26 =	vld [tilespmem:s2+$0xFFFFFFE0];
	v18 =	vadd.f32 v27, v18;
	v16 =	vmovc v30  }
0x397: {  	v27 =	vnsel vm4, $0x0, v19;
	vm3 =	veq.s32 v17, v15;
	vm5 =	vgt.s32 v16, $0xFFFFFFFF  }
0x398: {  	v19 =	vsel vm5, $0xFFFFFFFF, v13;
	v28 =	vshrl.u32 v29, $0x10;
	v30 =	vand.u32 $0xFFFF, v29  }
0x399: {  	vm5 =	vgt.s32 v29, $0xFFFFFFFF;
	v34 =	vshrl.u32 v31, $0x10;
	vm4 =	veq.s32 v28, v15  }
0x39a: {  	v35 =	vand.u32 $0xFFFF, v31;
	v36 =	vsel vm5, $0xFFFFFFFF, v13;
	vm7 =	veq.s32 v34, v15  }
0x39b: {  	v29 =	vxor.u32 v29, v36;
	v37 =	vshrl.u32 v26, $0x10;
	v38 =	vand.u32 $0xFFFF, v26  }
0x39c: {  	v22 =	vadd.f32 v27, v22;
	vm5 =	vgt.s32 v26, $0xFFFFFFFF;
	vm6 =	veq.s32 v37, v15;
	v36 =	vld [tilespmem:s0+$0xFFFFFFF0];
	s0 =	smov.u32 s2;
	s2 =	smov.u32 s22  }
0x39d: {  	vm8 =	vgt.s32 v31, $0xFFFFFFFF;
	vm9 =	vgt.u32 v37, v15;
	v27 =	vsel vm5, $0xFFFFFFFF, v13;
	[tilespmem:v24+s31+$0x0] =	vst.idx.add.s32.msk vm3, v9  }
0x39e: {  	vm3 =	vgt.u32 v34, v15;
	v34 =	vsel vm8, $0xFFFFFFFF, v13;
	v26 =	vxor.u32 v26, v27;
	v24 =	vld [tilespmem:s22+$0x10]  }
0x39f: {  	v21 =	vadd.f32 v20, v21;
	v37 =	vnsel vm9, $0x0, v26;
	[tilespmem:v30+s31+$0x0] =	vst.idx.add.s32.msk vm4, v9;
	vm4 =	vgt.u32 v28, v15  }
0x3a0: {  	v26 =	vxor.u32 v31, v34;
	[tilespmem:v35+s31+$0x0] =	vst.idx.add.s32.msk vm7, v9;
	v20 =	vnsel vm4, $0x0, v29;
	vm7 =	vgt.u32 v23, v15  }
0x3a1: {  	vm8 =	veq.s32 v23, v15;
	v28 =	vld [tilespmem:s22+$0xFFFFFFD0];
	v27 =	vshrl.u32 v36, $0x10;
	v30 =	vand.u32 $0xFFFF, v36  }
0x3a2: {  	vm10 =	vgt.s32 v36, $0xFFFFFFFF;
	v29 =	vld [tilespmem:s0+$0x30];
	vm5 =	veq.s32 v27, v15;
	vm9 =	vgt.u32 v27, v15  }
.Ltmp17:
0x3a3: {  	v23 =	vsel vm10, $0xFFFFFFFF, v13;
	v27 =	vshrl.u32 v24, $0x10;
	vm4 =	vgt.s32 v24, $0xFFFFFFFF;
	[tilespmem:v38+s31+$0x0] =	vst.idx.add.s32.msk vm6, v9;
	(pc) =	sbr.rel @p1 .LBB2_32-.Ltmp17, $4  }
0x3a4: {  	v35 =	vand.u32 $0xFFFF, v24;
	v23 =	vxor.u32 v36, v23;
	vm6 =	veq.s32 v27, v15  }
0x3a5: {  	v21 =	vadd.f32 v37, v21;
	v32 =	vnsel vm7, $0x0, v32;
	v23 =	vnsel vm9, $0x0, v23  }
0x3a6: {  	v33 =	vadd.f32 v23, v33;
	v31 =	vshrl.u32 v28, $0x10;
	v34 =	vand.u32 $0xFFFF, v28  }
0x3a7: {  	s22 =	sadd.s32 $0x80, s22;
	vm7 =	veq.s32 v31, v15;
	v23 =	vshrl.u32 v29, $0x10;
	[tilespmem:v25+s31+$0x0] =	vst.idx.add.s32.msk vm8, v9;
	v25 =	vand.u32 $0xFFFF, v29  }
0x3a8: {  	_ =	sdelay $0x4  }
0x3a9: {  	[tilespmem:v35+s31+$0x0] =	vst.idx.add.s32.msk vm6, v9  }
0x3aa: {  	[tilespmem:v34+s31+$0x0] =	vst.idx.add.s32.msk vm7, v9  }
0x3ab: {  	v35 =	vld [tilespmem:s2+$0x20]  }
0x3ac: {  	v34 =	vld [tilespmem:s2+$0xFFFFFFE0];
	_ =	sdelay $0x3  }
0x3ad: {  	v36 =	vshrl.u32 v35, $0x10  }
0x3ae: {  	v38 =	vshrl.u32 v34, $0x10;
	vm6 =	veq.s32 v36, v15  }
0x3af: {  	v37 =	vand.u32 $0xFFFF, v35;
	vm7 =	veq.s32 v38, v15  }
0x3b0: {  	v39 =	vand.u32 $0xFFFF, v34;
	_ =	sdelay $0x2  }
0x3b1: {  	v40 =	vld [tilespmem:s0+$0xFFFFFFF0]  }
0x3b2: {  	[tilespmem:v37+s31+$0x0] =	vst.idx.add.s32.msk vm6, v9  }
0x3b3: {  	[tilespmem:v39+s31+$0x0] =	vst.idx.add.s32.msk vm7, v9  }
0x3b4: {  	v37 =	vld [tilespmem:s2+$0x30]  }
0x3b5: {  	v39 =	vld [tilespmem:s2+$0xFFFFFFF0];
	_ =	sdelay $0x2  }
0x3b6: {  	v41 =	vshrl.u32 v40, $0x10;
	vm6 =	veq.s32 v23, v15  }
0x3b7: {  	vm7 =	veq.s32 v41, v15;
	v42 =	vshrl.u32 v37, $0x10  }
0x3b8: {  	v43 =	vand.u32 $0xFFFF, v40;
	v44 =	vshrl.u32 v39, $0x10;
	vm8 =	veq.s32 v42, v15  }
0x3b9: {  	v45 =	vand.u32 $0xFFFF, v37;
	vm9 =	veq.s32 v44, v15  }
0x3ba: {  	v46 =	vand.u32 $0xFFFF, v39  }
0x3bb: {  	[tilespmem:v30+s31+$0x0] =	vst.idx.add.s32.msk vm5, v9  }
0x3bc: {  	[tilespmem:v25+s31+$0x0] =	vst.idx.add.s32.msk vm6, v9  }
0x3bd: {  	[tilespmem:v43+s31+$0x0] =	vst.idx.add.s32.msk vm7, v9  }
0x3be: {  	[tilespmem:v45+s31+$0x0] =	vst.idx.add.s32.msk vm8, v9  }
0x3bf: {  	[tilespmem:v46+s31+$0x0] =	vst.idx.add.s32.msk vm9, v9  }
0x3c0: {  	[tilespmem:s3], [sflag:$0x2] =	stream.linear.gather [hbm4b:s25+s8], $0x4000, $0x200038;
	[tilespmem:$0x1B4F8] =	vst v63  }
0x3c1: {  	_ =	swait.ge [sflag:s7], $0x4000  }
0x3c2: {  	[sflag:s7] =	ssyncset.done $0x0  }
0x3c3: {  	s6 =	simm.s32 $0x40;
	[sflag:s7] =	ssyncadd.s32 $0xFFFFC000  }
0x3c4: {  	v25 =	vld [tilespmem:s6+$0x0];
	_ =	sdelay $0x1  }
0x3c5: {  	vm5 =	vgt.s32 v28, $0xFFFFFFFF  }
0x3c6: {  	v30 =	vadd.f32 v32, v33;
	v26 =	vnsel vm3, $0x0, v26;
	vm3 =	vgt.u32 v27, v15  }
0x3c7: {  	v16 =	vxor.u32 v16, v19;
	v20 =	vadd.f32 v20, v21;
	v22 =	vadd.f32 v26, v22  }
0x3c8: {  	vm7 =	vgt.u32 v31, v15;
	v31 =	vsel vm5, $0xFFFFFFFF, v13;
	v46 =	vshrl.u32 v25, $0x10  }
0x3c9: {  	vm6 =	vgt.s32 v29, $0xFFFFFFFF;
	v28 =	vxor.u32 v28, v31;
	v48 =	vld [tilespmem:s6+$0xFFFFFFC0];
	vm5 =	veq.s32 v46, v15  }
0x3ca: {  	v31 =	vsel vm4, $0xFFFFFFFF, v13;
	v28 =	vnsel vm7, $0x0, v28;
	v49 =	vand.u32 $0xFFFF, v25  }
0x3cb: {  	v47 =	vsel vm6, $0xFFFFFFFF, v13;
	v24 =	vxor.u32 v24, v31;
	v18 =	vadd.f32 v28, v18  }
0x3cc: {  	vm4 =	vgt.u32 v17, v15;
	v29 =	vxor.u32 v29, v47;
	v17 =	vnsel vm3, $0x0, v24  }
0x3cd: {  	v16 =	vnsel vm4, $0x0, v16;
	vm3 =	vgt.s32 v35, $0xFFFFFFFF;
	v17 =	vadd.f32 v17, v18  }
0x3ce: {  	v18 =	vsel vm3, $0xFFFFFFFF, v13;
	vm3 =	vgt.s32 v34, $0xFFFFFFFF;
	v19 =	vshrl.u32 v48, $0x10  }
0x3cf: {  	vm4 =	vgt.u32 v36, v15;
	v24 =	vsel vm3, $0xFFFFFFFF, v13;
	vm3 =	veq.s32 v19, v15;
	[tilespmem:v49+s31+$0x0] =	vst.idx.add.s32.msk vm5, v9  }
0x3d0: {  	v24 =	vxor.u32 v34, v24;
	v27 =	vand.u32 $0xFFFF, v48;
	vm5 =	vgt.u32 v38, v15;
	v26 =	vld [tilespmem:s6+$0x10]  }
0x3d1: {  	v18 =	vxor.u32 v35, v18;
	v24 =	vnsel vm5, $0x0, v24;
	vm5 =	vgt.s32 v40, $0xFFFFFFFF  }
0x3d2: {  	v16 =	vadd.f32 v16, v22;
	v18 =	vnsel vm4, $0x0, v18;
	v21 =	vsel vm5, $0xFFFFFFFF, v13  }
0x3d3: {  	vm4 =	vgt.u32 v23, v15;
	vm5 =	vgt.u32 v41, v15;
	v21 =	vxor.u32 v40, v21  }
0x3d4: {  	v23 =	vnsel vm4, $0x0, v29;
	vm4 =	vgt.s32 v39, $0xFFFFFFFF;
	v21 =	vnsel vm5, $0x0, v21  }
0x3d5: {  	[tilespmem:v27+s31+$0x0] =	vst.idx.add.s32.msk vm3, v9;
	v27 =	vsel vm4, $0xFFFFFFFF, v13;
	v21 =	vadd.f32 v21, v30;
	v28 =	vshrl.u32 v26, $0x10  }
0x3d6: {  	vm4 =	vgt.u32 v44, v15;
	v29 =	vld [tilespmem:s6+$0xFFFFFFD0];
	vm5 =	vgt.s32 v37, $0xFFFFFFFF;
	vm3 =	veq.s32 v28, v15  }
0x3d7: {  	v30 =	vand.u32 $0xFFFF, v26;
	v21 =	vadd.f32 v23, v21;
	v23 =	vxor.u32 v39, v27  }
0x3d8: {  	s0 =	simm.s32 $0xC0;
	v20 =	vadd.f32 v24, v20;
	v24 =	vsel vm5, $0xFFFFFFFF, v13;
	v23 =	vnsel vm4, $0x0, v23  }
0x3d9: {  	v22 =	vld [tilespmem:s0+$0x0];
	v24 =	vxor.u32 v37, v24;
	vm4 =	vgt.u32 v42, v15;
	v21 =	vadd.f32 v23, v21  }
0x3da: {  	v18 =	vadd.f32 v18, v20;
	v20 =	vnsel vm4, $0x0, v24  }
0x3db: {  	vm4 =	vgt.s32 v25, $0xFFFFFFFF;
	v23 =	vadd.f32 v20, v21;
	v20 =	vshrl.u32 v29, $0x10  }
0x3dc: {  	v21 =	vsel vm4, $0xFFFFFFFF, v13;
	vm4 =	veq.s32 v20, v15;
	[tilespmem:v30+s31+$0x0] =	vst.idx.add.s32.msk vm3, v9  }
0x3dd: {  	v27 =	vand.u32 $0xFFFF, v29;
	v30 =	vld [tilespmem:s0+$0xFFFFFFC0]  }
0x3de: {  	v31 =	vshrl.u32 v22, $0x10;
	v50 =	vand.u32 $0xFFFF, v22;
	vm5 =	vgt.u32 v19, v15;
	v24 =	vld [tilespmem:s6+$0x20]  }
0x3df: {  	vm6 =	vgt.s32 v29, $0xFFFFFFFF;
	vm7 =	vgt.u32 v20, v15;
	vm3 =	vgt.s32 v48, $0xFFFFFFFF  }
0x3e0: {  	v20 =	vsel vm6, $0xFFFFFFFF, v13;
	v19 =	vsel vm3, $0xFFFFFFFF, v13;
	vm3 =	vgt.s32 v26, $0xFFFFFFFF  }
0x3e1: {  	v20 =	vxor.u32 v29, v20;
	v29 =	vsel vm3, $0xFFFFFFFF, v13;
	vm3 =	veq.s32 v31, v15  }
0x3e2: {  	v20 =	vnsel vm7, $0x0, v20;
	v19 =	vxor.u32 v48, v19;
	[tilespmem:v27+s31+$0x0] =	vst.idx.add.s32.msk vm4, v9;
	v27 =	vshrl.u32 v30, $0x10  }
0x3e3: {  	v19 =	vnsel vm5, $0x0, v19;
	v51 =	vshrl.u32 v24, $0x10;
	vm5 =	veq.s32 v27, v15  }
0x3e4: {  	v17 =	vadd.f32 v20, v17;
	v20 =	vand.u32 $0xFFFF, v30;
	vm4 =	veq.s32 v51, v15  }
0x3e5: {  	v26 =	vxor.u32 v26, v29;
	v29 =	vld [tilespmem:s6+$0xFFFFFFE0];
	v52 =	vand.u32 $0xFFFF, v24  }
0x3e6: {  	vm6 =	vgt.u32 v28, v15;
	v21 =	vxor.u32 v25, v21;
	vm7 =	vgt.u32 v46, v15  }
0x3e7: {  	v16 =	vadd.f32 v19, v16;
	v19 =	vnsel vm6, $0x0, v26;
	vm6 =	vgt.s32 v24, $0xFFFFFFFF;
	[tilespmem:v50+s31+$0x0] =	vst.idx.add.s32.msk vm3, v9  }
0x3e8: {  	v17 =	vadd.f32 v19, v17;
	v19 =	vnsel vm7, $0x0, v21;
	v26 =	vsel vm6, $0xFFFFFFFF, v13;
	v21 =	vld [tilespmem:s0+$0x10]  }
0x3e9: {  	v19 =	vadd.f32 v19, v16;
	vm3 =	vgt.s32 v22, $0xFFFFFFFF;
	v24 =	vxor.u32 v24, v26;
	[tilespmem:v20+s31+$0x0] =	vst.idx.add.s32.msk vm5, v9  }
0x3ea: {  	v25 =	vsel vm3, $0xFFFFFFFF, v13;
	v28 =	vshrl.u32 v29, $0x10;
	v53 =	vand.u32 $0xFFFF, v29;
	[tilespmem:v52+s31+$0x0] =	vst.idx.add.s32.msk vm4, v9  }
0x3eb: {  	vm3 =	veq.s32 v28, v15;
	vm5 =	vgt.s32 v30, $0xFFFFFFFF;
	vm4 =	vgt.s32 v29, $0xFFFFFFFF;
	v20 =	vld [tilespmem:s0+$0xFFFFFFD0]  }
0x3ec: {  	vm6 =	vgt.u32 v28, v15;
	v16 =	vsel vm4, $0xFFFFFFFF, v13;
	vm4 =	vgt.u32 v27, v15  }
0x3ed: {  	v26 =	vld [tilespmem:s6+$0x30];
	v27 =	vsel vm5, $0xFFFFFFFF, v13;
	v28 =	vshrl.u32 v21, $0x10;
	vm5 =	vgt.u32 v51, v15  }
0x3ee: {  	v16 =	vxor.u32 v29, v16;
	v27 =	vxor.u32 v30, v27;
	v29 =	vnsel vm5, $0x0, v24  }
0x3ef: {  	v24 =	vand.u32 $0xFFFF, v21;
	v16 =	vnsel vm6, $0x0, v16;
	vm6 =	veq.s32 v28, v15  }
0x3f0: {  	vm5 =	vgt.s32 v21, $0xFFFFFFFF;
	v30 =	vadd.f32 v16, v18;
	v18 =	vshrl.u32 v20, $0x10  }
0x3f1: {  	s2 =	simm.s32 $0x140;
	v54 =	vand.u32 $0xFFFF, v20;
	vm8 =	vgt.s32 v20, $0xFFFFFFFF;
	vm7 =	veq.s32 v18, v15  }
0x3f2: {  	v16 =	vld [tilespmem:s2+$0x0];
	v55 =	vshrl.u32 v26, $0x10;
	v56 =	vand.u32 $0xFFFF, v26;
	vm13 =	vgt.s32 v26, $0xFFFFFFFF  }
0x3f3: {  	vm10 =	vgt.u32 v18, v15;
	v18 =	vsel vm8, $0xFFFFFFFF, v13;
	v57 =	vsel vm13, $0xFFFFFFFF, v13  }
0x3f4: {  	v18 =	vxor.u32 v20, v18;
	v20 =	vsel vm5, $0xFFFFFFFF, v13;
	v58 =	vxor.u32 v26, v57;
	v26 =	vld [tilespmem:s2+$0xFFFFFFC0]  }
0x3f5: {  	vm5 =	vgt.u32 v31, v15;
	vm14 =	veq.s32 v55, v15;
	v18 =	vnsel vm10, $0x0, v18;
	[tilespmem:v24+s31+$0x0] =	vst.idx.add.s32.msk vm6, v9  }
0x3f6: {  	v20 =	vxor.u32 v21, v20;
	v24 =	vnsel vm4, $0x0, v27;
	v18 =	vadd.f32 v18, v17;
	v21 =	vld [tilespmem:s0+$0x20]  }
0x3f7: {  	[tilespmem:v53+s31+$0x0] =	vst.idx.add.s32.msk vm3, v9;
	vm4 =	vgt.u32 v28, v15;
	v17 =	vshrl.u32 v16, $0x10;
	vm6 =	vgt.s32 v16, $0xFFFFFFFF  }
0x3f8: {  	v63 =	vld [tilespmem:s6+$0xFFFFFFF0];
	v24 =	vadd.f32 v24, v19;
	v20 =	vnsel vm4, $0x0, v20;
	vm4 =	veq.s32 v17, v15  }
0x3f9: {  	v19 =	vxor.u32 v22, v25;
	v25 =	vand.u32 $0xFFFF, v16;
	v18 =	vadd.f32 v20, v18;
	[tilespmem:v54+s31+$0x0] =	vst.idx.add.s32.msk vm7, v9  }
0x3fa: {  	v20 =	vnsel vm5, $0x0, v19;
	v19 =	vsel vm6, $0xFFFFFFFF, v13;
	v27 =	vld [tilespmem:s0+$0xFFFFFFE0];
	v59 =	vshrl.u32 v26, $0x10  }
0x3fb: {  	v60 =	vand.u32 $0xFFFF, v26;
	vm8 =	veq.s32 v59, v15;
	vm6 =	vgt.s32 v21, $0xFFFFFFFF  }
0x3fc: {  	v28 =	vshrl.u32 v21, $0x10;
	v31 =	vand.u32 $0xFFFF, v21;
	v22 =	vsel vm6, $0xFFFFFFFF, v13  }
0x3fd: {  	vm5 =	veq.s32 v28, v15;
	vm6 =	vgt.s32 v26, $0xFFFFFFFF;
	v21 =	vxor.u32 v21, v22  }
0x3fe: {  	[tilespmem:v25+s31+$0x0] =	vst.idx.add.s32.msk vm4, v9;
	v22 =	vadd.f32 v20, v24;
	v25 =	vsel vm6, $0xFFFFFFFF, v13;
	vm6 =	vgt.s32 v63, $0xFFFFFFFF  }
0x3ff: {  	v24 =	vld [tilespmem:s2+$0x10];
	v61 =	vshrl.u32 v27, $0x10;
	vm3 =	vgt.s32 v27, $0xFFFFFFFF;
	v26 =	vxor.u32 v26, v25  }
0x400: {  	vm7 =	veq.s32 v61, v15;
	vm4 =	vgt.u32 v61, v15;
	v20 =	vsel vm3, $0xFFFFFFFF, v13  }
0x401: {  	v62 =	vand.u32 $0xFFFF, v27;
	vm3 =	vgt.u32 v59, v15;
	v20 =	vxor.u32 v27, v20;
	[tilespmem:v60+s31+$0x0] =	vst.idx.add.s32.msk vm8, v9  }
0x402: {  	vm8 =	vgt.u32 v55, v15;
	v32 =	vnsel vm4, $0x0, v20;
	vm4 =	vgt.u32 v28, v15;
	v28 =	vld [tilespmem:s2+$0xFFFFFFD0]  }
0x403: {  	[tilespmem:v31+s31+$0x0] =	vst.idx.add.s32.msk vm5, v9;
	v31 =	vadd.f32 v29, v30;
	v20 =	vnsel vm4, $0x0, v21;
	v21 =	vshrl.u32 v63, $0x10  }
0x404: {  	v30 =	vand.u32 $0xFFFF, v63;
	v27 =	vshrl.u32 v24, $0x10;
	v29 =	vld [tilespmem:s0+$0x30];
	vm5 =	veq.s32 v21, v15  }
0x405: {  	vm4 =	vgt.s32 v24, $0xFFFFFFFF;
	vm15 =	vgt.u32 v21, v15;
	v21 =	vsel vm6, $0xFFFFFFFF, v13  }
0x406: {  	v35 =	vand.u32 $0xFFFF, v24;
	vm6 =	veq.s32 v27, v15;
	v25 =	vxor.u32 v63, v21  }
0x407: {  	v21 =	vadd.f32 v32, v31;
	v32 =	vnsel vm8, $0x0, v58;
	v25 =	vnsel vm15, $0x0, v25  }
0x408: {  	[tilespmem:v56+s31+$0x0] =	vst.idx.add.s32.msk vm14, v9;
	v31 =	vshrl.u32 v28, $0x10;
	v34 =	vand.u32 $0xFFFF, v28;
	v33 =	vadd.f32 v25, v23  }
0x409: {  	s22 =	simm.s32 $0x1C0;
	s6 =	simm.s32 $0x4;
	[tilespmem:v62+s31+$0x0] =	vst.idx.add.s32.msk vm7, v9;
	vm7 =	veq.s32 v31, v15;
	v23 =	vshrl.u32 v29, $0x10;
	v25 =	vand.u32 $0xFFFF, v29  }
.LBB2_34:
0x40a: {  	s6 =	sadd.s32 $0x2, s6;
	vm8 =	vgt.s32 v28, $0xFFFFFFFF;
	vm9 =	vgt.s32 v29, $0xFFFFFFFF;
	[tilespmem:v30+s31+$0x0] =	vst.idx.add.s32.msk vm5, v9;
	v33 =	vadd.f32 v32, v33  }
0x40b: {  	vm5 =	vgt.u32 v31, v15;
	v30 =	vld [tilespmem:s22+$0x0];
	p1 =	slt.u32 s6, $0xFE;
	v31 =	vsel vm8, $0xFFFFFFFF, v13;
	v32 =	vsel vm9, $0xFFFFFFFF, v13  }
0x40c: {  	v28 =	vxor.u32 v28, v31;
	[tilespmem:v35+s31+$0x0] =	vst.idx.add.s32.msk vm6, v9;
	v31 =	vsel vm4, $0xFFFFFFFF, v13;
	v32 =	vxor.u32 v29, v32  }
0x40d: {  	v26 =	vnsel vm3, $0x0, v26;
	v28 =	vnsel vm5, $0x0, v28;
	v24 =	vxor.u32 v24, v31;
	v29 =	vld [tilespmem:s2+$0x20]  }
0x40e: {  	vm3 =	vgt.u32 v27, v15;
	v22 =	vadd.f32 v26, v22;
	v31 =	vld [tilespmem:s22+$0xFFFFFFC0];
	v18 =	vadd.f32 v28, v18  }
0x40f: {  	v19 =	vxor.u32 v16, v19;
	vm4 =	vgt.u32 v17, v15;
	v27 =	vnsel vm3, $0x0, v24;
	[tilespmem:v34+s31+$0x0] =	vst.idx.add.s32.msk vm7, v9  }
0x410: {  	v17 =	vshrl.u32 v30, $0x10;
	v24 =	vand.u32 $0xFFFF, v30;
	v26 =	vld [tilespmem:s2+$0xFFFFFFE0];
	v18 =	vadd.f32 v27, v18;
	v16 =	vmovc v30  }
0x411: {  	v27 =	vnsel vm4, $0x0, v19;
	vm3 =	veq.s32 v17, v15;
	vm5 =	vgt.s32 v16, $0xFFFFFFFF  }
0x412: {  	v19 =	vsel vm5, $0xFFFFFFFF, v13;
	v28 =	vshrl.u32 v29, $0x10;
	v30 =	vand.u32 $0xFFFF, v29  }
0x413: {  	vm5 =	vgt.s32 v29, $0xFFFFFFFF;
	v34 =	vshrl.u32 v31, $0x10;
	vm4 =	veq.s32 v28, v15  }
0x414: {  	v35 =	vand.u32 $0xFFFF, v31;
	v36 =	vsel vm5, $0xFFFFFFFF, v13;
	vm7 =	veq.s32 v34, v15  }
0x415: {  	v29 =	vxor.u32 v29, v36;
	v37 =	vshrl.u32 v26, $0x10;
	v38 =	vand.u32 $0xFFFF, v26  }
0x416: {  	v22 =	vadd.f32 v27, v22;
	vm5 =	vgt.s32 v26, $0xFFFFFFFF;
	vm6 =	veq.s32 v37, v15;
	v36 =	vld [tilespmem:s0+$0xFFFFFFF0];
	s0 =	smov.u32 s2;
	s2 =	smov.u32 s22  }
0x417: {  	vm8 =	vgt.s32 v31, $0xFFFFFFFF;
	vm9 =	vgt.u32 v37, v15;
	v27 =	vsel vm5, $0xFFFFFFFF, v13;
	[tilespmem:v24+s31+$0x0] =	vst.idx.add.s32.msk vm3, v9  }
0x418: {  	vm3 =	vgt.u32 v34, v15;
	v34 =	vsel vm8, $0xFFFFFFFF, v13;
	v26 =	vxor.u32 v26, v27;
	v24 =	vld [tilespmem:s22+$0x10]  }
0x419: {  	v21 =	vadd.f32 v20, v21;
	v37 =	vnsel vm9, $0x0, v26;
	[tilespmem:v30+s31+$0x0] =	vst.idx.add.s32.msk vm4, v9;
	vm4 =	vgt.u32 v28, v15  }
0x41a: {  	v26 =	vxor.u32 v31, v34;
	[tilespmem:v35+s31+$0x0] =	vst.idx.add.s32.msk vm7, v9;
	v20 =	vnsel vm4, $0x0, v29;
	vm7 =	vgt.u32 v23, v15  }
0x41b: {  	vm8 =	veq.s32 v23, v15;
	v28 =	vld [tilespmem:s22+$0xFFFFFFD0];
	v27 =	vshrl.u32 v36, $0x10;
	v30 =	vand.u32 $0xFFFF, v36  }
0x41c: {  	vm10 =	vgt.s32 v36, $0xFFFFFFFF;
	v29 =	vld [tilespmem:s0+$0x30];
	vm5 =	veq.s32 v27, v15;
	vm9 =	vgt.u32 v27, v15  }
.Ltmp18:
0x41d: {  	v23 =	vsel vm10, $0xFFFFFFFF, v13;
	v27 =	vshrl.u32 v24, $0x10;
	vm4 =	vgt.s32 v24, $0xFFFFFFFF;
	[tilespmem:v38+s31+$0x0] =	vst.idx.add.s32.msk vm6, v9;
	(pc) =	sbr.rel @p1 .LBB2_34-.Ltmp18, $4  }
0x41e: {  	v35 =	vand.u32 $0xFFFF, v24;
	v23 =	vxor.u32 v36, v23;
	vm6 =	veq.s32 v27, v15  }
0x41f: {  	v21 =	vadd.f32 v37, v21;
	v32 =	vnsel vm7, $0x0, v32;
	v23 =	vnsel vm9, $0x0, v23  }
0x420: {  	v33 =	vadd.f32 v23, v33;
	v31 =	vshrl.u32 v28, $0x10;
	v34 =	vand.u32 $0xFFFF, v28  }
0x421: {  	s22 =	sadd.s32 $0x80, s22;
	vm7 =	veq.s32 v31, v15;
	v23 =	vshrl.u32 v29, $0x10;
	[tilespmem:v25+s31+$0x0] =	vst.idx.add.s32.msk vm8, v9;
	v25 =	vand.u32 $0xFFFF, v29  }
0x422: {  	_ =	sdelay $0x4  }
0x423: {  	[tilespmem:v35+s31+$0x0] =	vst.idx.add.s32.msk vm6, v9  }
0x424: {  	[tilespmem:v34+s31+$0x0] =	vst.idx.add.s32.msk vm7, v9  }
0x425: {  	v35 =	vld [tilespmem:s2+$0x20]  }
0x426: {  	v34 =	vld [tilespmem:s2+$0xFFFFFFE0];
	_ =	sdelay $0x3  }
0x427: {  	v36 =	vshrl.u32 v35, $0x10  }
0x428: {  	v38 =	vshrl.u32 v34, $0x10;
	vm6 =	veq.s32 v36, v15  }
0x429: {  	v37 =	vand.u32 $0xFFFF, v35;
	vm7 =	veq.s32 v38, v15  }
0x42a: {  	v39 =	vand.u32 $0xFFFF, v34;
	_ =	sdelay $0x2  }
0x42b: {  	v40 =	vld [tilespmem:s0+$0xFFFFFFF0]  }
0x42c: {  	[tilespmem:v37+s31+$0x0] =	vst.idx.add.s32.msk vm6, v9  }
0x42d: {  	[tilespmem:v39+s31+$0x0] =	vst.idx.add.s32.msk vm7, v9  }
0x42e: {  	v37 =	vld [tilespmem:s2+$0x30]  }
0x42f: {  	v39 =	vld [tilespmem:s2+$0xFFFFFFF0];
	_ =	sdelay $0x2  }
0x430: {  	v41 =	vshrl.u32 v40, $0x10;
	vm6 =	veq.s32 v23, v15  }
0x431: {  	vm7 =	veq.s32 v41, v15;
	v42 =	vshrl.u32 v37, $0x10  }
0x432: {  	v43 =	vand.u32 $0xFFFF, v40;
	v44 =	vshrl.u32 v39, $0x10;
	vm8 =	veq.s32 v42, v15  }
0x433: {  	v45 =	vand.u32 $0xFFFF, v37;
	vm9 =	veq.s32 v44, v15  }
0x434: {  	v46 =	vand.u32 $0xFFFF, v39  }
0x435: {  	[tilespmem:v30+s31+$0x0] =	vst.idx.add.s32.msk vm5, v9  }
0x436: {  	[tilespmem:v25+s31+$0x0] =	vst.idx.add.s32.msk vm6, v9  }
0x437: {  	[tilespmem:v43+s31+$0x0] =	vst.idx.add.s32.msk vm7, v9  }
0x438: {  	[tilespmem:v45+s31+$0x0] =	vst.idx.add.s32.msk vm8, v9  }
0x439: {  	[tilespmem:v46+s31+$0x0] =	vst.idx.add.s32.msk vm9, v9  }
0x43a: {  	[tilespmem:s8], [sflag:$0x1] =	stream.linear.gather [hbm4b:s5+s8], $0x4000, $0x200038;
	[tilespmem:$0x1B4F8] =	vst v63  }
0x43b: {  	_ =	swait.ge [sflag:s10], $0x4000  }
0x43c: {  	[sflag:s10] =	ssyncset.done $0x0  }
0x43d: {  	s6 =	simm.s32 $0x4040;
	[sflag:s10] =	ssyncadd.s32 $0xFFFFC000  }
0x43e: {  	v25 =	vld [tilespmem:s6+$0x0];
	_ =	sdelay $0x1  }
0x43f: {  	vm5 =	vgt.s32 v28, $0xFFFFFFFF  }
0x440: {  	v30 =	vadd.f32 v32, v33;
	v26 =	vnsel vm3, $0x0, v26;
	vm3 =	vgt.u32 v27, v15  }
0x441: {  	v16 =	vxor.u32 v16, v19;
	v20 =	vadd.f32 v20, v21;
	v22 =	vadd.f32 v26, v22  }
0x442: {  	vm7 =	vgt.u32 v31, v15;
	v31 =	vsel vm5, $0xFFFFFFFF, v13;
	v46 =	vshrl.u32 v25, $0x10  }
0x443: {  	vm6 =	vgt.s32 v29, $0xFFFFFFFF;
	v28 =	vxor.u32 v28, v31;
	v48 =	vld [tilespmem:s6+$0xFFFFFFC0];
	vm5 =	veq.s32 v46, v15  }
0x444: {  	v31 =	vsel vm4, $0xFFFFFFFF, v13;
	v28 =	vnsel vm7, $0x0, v28;
	v49 =	vand.u32 $0xFFFF, v25  }
0x445: {  	v47 =	vsel vm6, $0xFFFFFFFF, v13;
	v24 =	vxor.u32 v24, v31;
	v18 =	vadd.f32 v28, v18  }
0x446: {  	vm4 =	vgt.u32 v17, v15;
	v29 =	vxor.u32 v29, v47;
	v17 =	vnsel vm3, $0x0, v24  }
0x447: {  	v16 =	vnsel vm4, $0x0, v16;
	vm3 =	vgt.s32 v35, $0xFFFFFFFF;
	v17 =	vadd.f32 v17, v18  }
0x448: {  	v18 =	vsel vm3, $0xFFFFFFFF, v13;
	vm3 =	vgt.s32 v34, $0xFFFFFFFF;
	v19 =	vshrl.u32 v48, $0x10  }
0x449: {  	vm4 =	vgt.u32 v36, v15;
	v24 =	vsel vm3, $0xFFFFFFFF, v13;
	vm3 =	veq.s32 v19, v15;
	[tilespmem:v49+s31+$0x0] =	vst.idx.add.s32.msk vm5, v9  }
0x44a: {  	v24 =	vxor.u32 v34, v24;
	v27 =	vand.u32 $0xFFFF, v48;
	vm5 =	vgt.u32 v38, v15;
	v26 =	vld [tilespmem:s6+$0x10]  }
0x44b: {  	v18 =	vxor.u32 v35, v18;
	v24 =	vnsel vm5, $0x0, v24;
	vm5 =	vgt.s32 v40, $0xFFFFFFFF  }
0x44c: {  	v16 =	vadd.f32 v16, v22;
	v18 =	vnsel vm4, $0x0, v18;
	v21 =	vsel vm5, $0xFFFFFFFF, v13  }
0x44d: {  	vm4 =	vgt.u32 v23, v15;
	vm5 =	vgt.u32 v41, v15;
	v21 =	vxor.u32 v40, v21  }
0x44e: {  	v23 =	vnsel vm4, $0x0, v29;
	vm4 =	vgt.s32 v39, $0xFFFFFFFF;
	v21 =	vnsel vm5, $0x0, v21  }
0x44f: {  	[tilespmem:v27+s31+$0x0] =	vst.idx.add.s32.msk vm3, v9;
	v27 =	vsel vm4, $0xFFFFFFFF, v13;
	v21 =	vadd.f32 v21, v30;
	v28 =	vshrl.u32 v26, $0x10  }
0x450: {  	vm4 =	vgt.u32 v44, v15;
	v29 =	vld [tilespmem:s6+$0xFFFFFFD0];
	vm5 =	vgt.s32 v37, $0xFFFFFFFF;
	vm3 =	veq.s32 v28, v15  }
0x451: {  	v30 =	vand.u32 $0xFFFF, v26;
	v21 =	vadd.f32 v23, v21;
	v23 =	vxor.u32 v39, v27  }
0x452: {  	s0 =	simm.s32 $0x40C0;
	v20 =	vadd.f32 v24, v20;
	v24 =	vsel vm5, $0xFFFFFFFF, v13;
	v23 =	vnsel vm4, $0x0, v23  }
0x453: {  	v22 =	vld [tilespmem:s0+$0x0];
	v24 =	vxor.u32 v37, v24;
	vm4 =	vgt.u32 v42, v15;
	v21 =	vadd.f32 v23, v21  }
0x454: {  	v18 =	vadd.f32 v18, v20;
	v20 =	vnsel vm4, $0x0, v24  }
0x455: {  	vm4 =	vgt.s32 v25, $0xFFFFFFFF;
	v23 =	vadd.f32 v20, v21;
	v20 =	vshrl.u32 v29, $0x10  }
0x456: {  	v21 =	vsel vm4, $0xFFFFFFFF, v13;
	vm4 =	veq.s32 v20, v15;
	[tilespmem:v30+s31+$0x0] =	vst.idx.add.s32.msk vm3, v9  }
0x457: {  	v27 =	vand.u32 $0xFFFF, v29;
	v30 =	vld [tilespmem:s0+$0xFFFFFFC0]  }
0x458: {  	v31 =	vshrl.u32 v22, $0x10;
	v50 =	vand.u32 $0xFFFF, v22;
	vm5 =	vgt.u32 v19, v15;
	v24 =	vld [tilespmem:s6+$0x20]  }
0x459: {  	vm6 =	vgt.s32 v29, $0xFFFFFFFF;
	vm7 =	vgt.u32 v20, v15;
	vm3 =	vgt.s32 v48, $0xFFFFFFFF  }
0x45a: {  	v20 =	vsel vm6, $0xFFFFFFFF, v13;
	v19 =	vsel vm3, $0xFFFFFFFF, v13;
	vm3 =	vgt.s32 v26, $0xFFFFFFFF  }
0x45b: {  	v20 =	vxor.u32 v29, v20;
	v29 =	vsel vm3, $0xFFFFFFFF, v13;
	vm3 =	veq.s32 v31, v15  }
0x45c: {  	v20 =	vnsel vm7, $0x0, v20;
	v19 =	vxor.u32 v48, v19;
	[tilespmem:v27+s31+$0x0] =	vst.idx.add.s32.msk vm4, v9;
	v27 =	vshrl.u32 v30, $0x10  }
0x45d: {  	v19 =	vnsel vm5, $0x0, v19;
	v51 =	vshrl.u32 v24, $0x10;
	vm5 =	veq.s32 v27, v15  }
0x45e: {  	v17 =	vadd.f32 v20, v17;
	v20 =	vand.u32 $0xFFFF, v30;
	vm4 =	veq.s32 v51, v15  }
0x45f: {  	v26 =	vxor.u32 v26, v29;
	v29 =	vld [tilespmem:s6+$0xFFFFFFE0];
	v52 =	vand.u32 $0xFFFF, v24  }
0x460: {  	vm6 =	vgt.u32 v28, v15;
	v21 =	vxor.u32 v25, v21;
	vm7 =	vgt.u32 v46, v15  }
0x461: {  	v16 =	vadd.f32 v19, v16;
	v19 =	vnsel vm6, $0x0, v26;
	vm6 =	vgt.s32 v24, $0xFFFFFFFF;
	[tilespmem:v50+s31+$0x0] =	vst.idx.add.s32.msk vm3, v9  }
0x462: {  	v17 =	vadd.f32 v19, v17;
	v19 =	vnsel vm7, $0x0, v21;
	v26 =	vsel vm6, $0xFFFFFFFF, v13;
	v21 =	vld [tilespmem:s0+$0x10]  }
0x463: {  	v19 =	vadd.f32 v19, v16;
	vm3 =	vgt.s32 v22, $0xFFFFFFFF;
	v24 =	vxor.u32 v24, v26;
	[tilespmem:v20+s31+$0x0] =	vst.idx.add.s32.msk vm5, v9  }
0x464: {  	v25 =	vsel vm3, $0xFFFFFFFF, v13;
	v28 =	vshrl.u32 v29, $0x10;
	v53 =	vand.u32 $0xFFFF, v29;
	[tilespmem:v52+s31+$0x0] =	vst.idx.add.s32.msk vm4, v9  }
0x465: {  	vm3 =	veq.s32 v28, v15;
	vm5 =	vgt.s32 v30, $0xFFFFFFFF;
	vm4 =	vgt.s32 v29, $0xFFFFFFFF;
	v20 =	vld [tilespmem:s0+$0xFFFFFFD0]  }
0x466: {  	vm6 =	vgt.u32 v28, v15;
	v16 =	vsel vm4, $0xFFFFFFFF, v13;
	vm4 =	vgt.u32 v27, v15  }
0x467: {  	v26 =	vld [tilespmem:s6+$0x30];
	v27 =	vsel vm5, $0xFFFFFFFF, v13;
	v28 =	vshrl.u32 v21, $0x10;
	vm5 =	vgt.u32 v51, v15  }
0x468: {  	v16 =	vxor.u32 v29, v16;
	v27 =	vxor.u32 v30, v27;
	v29 =	vnsel vm5, $0x0, v24  }
0x469: {  	v24 =	vand.u32 $0xFFFF, v21;
	v16 =	vnsel vm6, $0x0, v16;
	vm6 =	veq.s32 v28, v15  }
0x46a: {  	vm5 =	vgt.s32 v21, $0xFFFFFFFF;
	v30 =	vadd.f32 v16, v18;
	v18 =	vshrl.u32 v20, $0x10  }
0x46b: {  	s2 =	simm.s32 $0x4140;
	v54 =	vand.u32 $0xFFFF, v20;
	vm8 =	vgt.s32 v20, $0xFFFFFFFF;
	vm7 =	veq.s32 v18, v15  }
0x46c: {  	v16 =	vld [tilespmem:s2+$0x0];
	v55 =	vshrl.u32 v26, $0x10;
	v56 =	vand.u32 $0xFFFF, v26;
	vm13 =	vgt.s32 v26, $0xFFFFFFFF  }
0x46d: {  	vm10 =	vgt.u32 v18, v15;
	v18 =	vsel vm8, $0xFFFFFFFF, v13;
	v57 =	vsel vm13, $0xFFFFFFFF, v13  }
0x46e: {  	v18 =	vxor.u32 v20, v18;
	v20 =	vsel vm5, $0xFFFFFFFF, v13;
	v58 =	vxor.u32 v26, v57;
	v26 =	vld [tilespmem:s2+$0xFFFFFFC0]  }
0x46f: {  	vm5 =	vgt.u32 v31, v15;
	vm14 =	veq.s32 v55, v15;
	v18 =	vnsel vm10, $0x0, v18;
	[tilespmem:v24+s31+$0x0] =	vst.idx.add.s32.msk vm6, v9  }
0x470: {  	v20 =	vxor.u32 v21, v20;
	v24 =	vnsel vm4, $0x0, v27;
	v18 =	vadd.f32 v18, v17;
	v21 =	vld [tilespmem:s0+$0x20]  }
0x471: {  	[tilespmem:v53+s31+$0x0] =	vst.idx.add.s32.msk vm3, v9;
	vm4 =	vgt.u32 v28, v15;
	v17 =	vshrl.u32 v16, $0x10;
	vm6 =	vgt.s32 v16, $0xFFFFFFFF  }
0x472: {  	v63 =	vld [tilespmem:s6+$0xFFFFFFF0];
	v24 =	vadd.f32 v24, v19;
	v20 =	vnsel vm4, $0x0, v20;
	vm4 =	veq.s32 v17, v15  }
0x473: {  	v19 =	vxor.u32 v22, v25;
	v25 =	vand.u32 $0xFFFF, v16;
	v18 =	vadd.f32 v20, v18;
	[tilespmem:v54+s31+$0x0] =	vst.idx.add.s32.msk vm7, v9  }
0x474: {  	v20 =	vnsel vm5, $0x0, v19;
	v19 =	vsel vm6, $0xFFFFFFFF, v13;
	v27 =	vld [tilespmem:s0+$0xFFFFFFE0];
	v59 =	vshrl.u32 v26, $0x10  }
0x475: {  	v60 =	vand.u32 $0xFFFF, v26;
	vm8 =	veq.s32 v59, v15;
	vm6 =	vgt.s32 v21, $0xFFFFFFFF  }
0x476: {  	v28 =	vshrl.u32 v21, $0x10;
	v31 =	vand.u32 $0xFFFF, v21;
	v22 =	vsel vm6, $0xFFFFFFFF, v13  }
0x477: {  	vm5 =	veq.s32 v28, v15;
	vm6 =	vgt.s32 v26, $0xFFFFFFFF;
	v21 =	vxor.u32 v21, v22  }
0x478: {  	[tilespmem:v25+s31+$0x0] =	vst.idx.add.s32.msk vm4, v9;
	v22 =	vadd.f32 v20, v24;
	v25 =	vsel vm6, $0xFFFFFFFF, v13;
	vm6 =	vgt.s32 v63, $0xFFFFFFFF  }
0x479: {  	v24 =	vld [tilespmem:s2+$0x10];
	v61 =	vshrl.u32 v27, $0x10;
	vm3 =	vgt.s32 v27, $0xFFFFFFFF;
	v26 =	vxor.u32 v26, v25  }
0x47a: {  	vm7 =	veq.s32 v61, v15;
	vm4 =	vgt.u32 v61, v15;
	v20 =	vsel vm3, $0xFFFFFFFF, v13  }
0x47b: {  	v62 =	vand.u32 $0xFFFF, v27;
	vm3 =	vgt.u32 v59, v15;
	v20 =	vxor.u32 v27, v20;
	[tilespmem:v60+s31+$0x0] =	vst.idx.add.s32.msk vm8, v9  }
0x47c: {  	vm8 =	vgt.u32 v55, v15;
	v32 =	vnsel vm4, $0x0, v20;
	vm4 =	vgt.u32 v28, v15;
	v28 =	vld [tilespmem:s2+$0xFFFFFFD0]  }
0x47d: {  	[tilespmem:v31+s31+$0x0] =	vst.idx.add.s32.msk vm5, v9;
	v31 =	vadd.f32 v29, v30;
	v20 =	vnsel vm4, $0x0, v21;
	v21 =	vshrl.u32 v63, $0x10  }
0x47e: {  	v30 =	vand.u32 $0xFFFF, v63;
	v27 =	vshrl.u32 v24, $0x10;
	v29 =	vld [tilespmem:s0+$0x30];
	vm5 =	veq.s32 v21, v15  }
0x47f: {  	vm4 =	vgt.s32 v24, $0xFFFFFFFF;
	vm15 =	vgt.u32 v21, v15;
	v21 =	vsel vm6, $0xFFFFFFFF, v13  }
0x480: {  	v35 =	vand.u32 $0xFFFF, v24;
	vm6 =	veq.s32 v27, v15;
	v25 =	vxor.u32 v63, v21  }
0x481: {  	v21 =	vadd.f32 v32, v31;
	v32 =	vnsel vm8, $0x0, v58;
	v25 =	vnsel vm15, $0x0, v25  }
0x482: {  	[tilespmem:v56+s31+$0x0] =	vst.idx.add.s32.msk vm14, v9;
	v31 =	vshrl.u32 v28, $0x10;
	v34 =	vand.u32 $0xFFFF, v28;
	v33 =	vadd.f32 v25, v23  }
0x483: {  	s22 =	simm.s32 $0x41C0;
	s6 =	simm.s32 $0x4;
	[tilespmem:v62+s31+$0x0] =	vst.idx.add.s32.msk vm7, v9;
	vm7 =	veq.s32 v31, v15;
	v23 =	vshrl.u32 v29, $0x10;
	v25 =	vand.u32 $0xFFFF, v29  }
.LBB2_36:
0x484: {  	s6 =	sadd.s32 $0x2, s6;
	vm8 =	vgt.s32 v28, $0xFFFFFFFF;
	vm9 =	vgt.s32 v29, $0xFFFFFFFF;
	[tilespmem:v30+s31+$0x0] =	vst.idx.add.s32.msk vm5, v9;
	v33 =	vadd.f32 v32, v33  }
0x485: {  	vm5 =	vgt.u32 v31, v15;
	v30 =	vld [tilespmem:s22+$0x0];
	p1 =	slt.u32 s6, $0xFE;
	v31 =	vsel vm8, $0xFFFFFFFF, v13;
	v32 =	vsel vm9, $0xFFFFFFFF, v13  }
0x486: {  	v28 =	vxor.u32 v28, v31;
	[tilespmem:v35+s31+$0x0] =	vst.idx.add.s32.msk vm6, v9;
	v31 =	vsel vm4, $0xFFFFFFFF, v13;
	v32 =	vxor.u32 v29, v32  }
0x487: {  	v26 =	vnsel vm3, $0x0, v26;
	v28 =	vnsel vm5, $0x0, v28;
	v24 =	vxor.u32 v24, v31;
	v29 =	vld [tilespmem:s2+$0x20]  }
0x488: {  	vm3 =	vgt.u32 v27, v15;
	v22 =	vadd.f32 v26, v22;
	v31 =	vld [tilespmem:s22+$0xFFFFFFC0];
	v18 =	vadd.f32 v28, v18  }
0x489: {  	v19 =	vxor.u32 v16, v19;
	vm4 =	vgt.u32 v17, v15;
	v27 =	vnsel vm3, $0x0, v24;
	[tilespmem:v34+s31+$0x0] =	vst.idx.add.s32.msk vm7, v9  }
0x48a: {  	v17 =	vshrl.u32 v30, $0x10;
	v24 =	vand.u32 $0xFFFF, v30;
	v26 =	vld [tilespmem:s2+$0xFFFFFFE0];
	v18 =	vadd.f32 v27, v18;
	v16 =	vmovc v30  }
0x48b: {  	v27 =	vnsel vm4, $0x0, v19;
	vm3 =	veq.s32 v17, v15;
	vm5 =	vgt.s32 v16, $0xFFFFFFFF  }
0x48c: {  	v19 =	vsel vm5, $0xFFFFFFFF, v13;
	v28 =	vshrl.u32 v29, $0x10;
	v30 =	vand.u32 $0xFFFF, v29  }
0x48d: {  	vm5 =	vgt.s32 v29, $0xFFFFFFFF;
	v34 =	vshrl.u32 v31, $0x10;
	vm4 =	veq.s32 v28, v15  }
0x48e: {  	v35 =	vand.u32 $0xFFFF, v31;
	v36 =	vsel vm5, $0xFFFFFFFF, v13;
	vm7 =	veq.s32 v34, v15  }
0x48f: {  	v29 =	vxor.u32 v29, v36;
	v37 =	vshrl.u32 v26, $0x10;
	v38 =	vand.u32 $0xFFFF, v26  }
0x490: {  	v22 =	vadd.f32 v27, v22;
	vm5 =	vgt.s32 v26, $0xFFFFFFFF;
	vm6 =	veq.s32 v37, v15;
	v36 =	vld [tilespmem:s0+$0xFFFFFFF0];
	s0 =	smov.u32 s2;
	s2 =	smov.u32 s22  }
0x491: {  	vm8 =	vgt.s32 v31, $0xFFFFFFFF;
	vm9 =	vgt.u32 v37, v15;
	v27 =	vsel vm5, $0xFFFFFFFF, v13;
	[tilespmem:v24+s31+$0x0] =	vst.idx.add.s32.msk vm3, v9  }
0x492: {  	vm3 =	vgt.u32 v34, v15;
	v34 =	vsel vm8, $0xFFFFFFFF, v13;
	v26 =	vxor.u32 v26, v27;
	v24 =	vld [tilespmem:s22+$0x10]  }
0x493: {  	v21 =	vadd.f32 v20, v21;
	v37 =	vnsel vm9, $0x0, v26;
	[tilespmem:v30+s31+$0x0] =	vst.idx.add.s32.msk vm4, v9;
	vm4 =	vgt.u32 v28, v15  }
0x494: {  	v26 =	vxor.u32 v31, v34;
	[tilespmem:v35+s31+$0x0] =	vst.idx.add.s32.msk vm7, v9;
	v20 =	vnsel vm4, $0x0, v29;
	vm7 =	vgt.u32 v23, v15  }
0x495: {  	vm8 =	veq.s32 v23, v15;
	v28 =	vld [tilespmem:s22+$0xFFFFFFD0];
	v27 =	vshrl.u32 v36, $0x10;
	v30 =	vand.u32 $0xFFFF, v36  }
0x496: {  	vm10 =	vgt.s32 v36, $0xFFFFFFFF;
	v29 =	vld [tilespmem:s0+$0x30];
	vm5 =	veq.s32 v27, v15;
	vm9 =	vgt.u32 v27, v15  }
.Ltmp19:
0x497: {  	v23 =	vsel vm10, $0xFFFFFFFF, v13;
	v27 =	vshrl.u32 v24, $0x10;
	vm4 =	vgt.s32 v24, $0xFFFFFFFF;
	[tilespmem:v38+s31+$0x0] =	vst.idx.add.s32.msk vm6, v9;
	(pc) =	sbr.rel @p1 .LBB2_36-.Ltmp19, $4  }
0x498: {  	v35 =	vand.u32 $0xFFFF, v24;
	v23 =	vxor.u32 v36, v23;
	vm6 =	veq.s32 v27, v15  }
0x499: {  	v21 =	vadd.f32 v37, v21;
	v32 =	vnsel vm7, $0x0, v32;
	v23 =	vnsel vm9, $0x0, v23  }
0x49a: {  	v33 =	vadd.f32 v23, v33;
	v31 =	vshrl.u32 v28, $0x10;
	v34 =	vand.u32 $0xFFFF, v28  }
0x49b: {  	s22 =	sadd.s32 $0x80, s22;
	vm7 =	veq.s32 v31, v15;
	v23 =	vshrl.u32 v29, $0x10;
	[tilespmem:v25+s31+$0x0] =	vst.idx.add.s32.msk vm8, v9;
	v25 =	vand.u32 $0xFFFF, v29  }
0x49c: {  	_ =	sdelay $0x4  }
0x49d: {  	[tilespmem:v35+s31+$0x0] =	vst.idx.add.s32.msk vm6, v9  }
0x49e: {  	[tilespmem:v34+s31+$0x0] =	vst.idx.add.s32.msk vm7, v9  }
0x49f: {  	v35 =	vld [tilespmem:s2+$0x20]  }
0x4a0: {  	v34 =	vld [tilespmem:s2+$0xFFFFFFE0];
	_ =	sdelay $0x3  }
0x4a1: {  	v36 =	vshrl.u32 v35, $0x10  }
0x4a2: {  	v38 =	vshrl.u32 v34, $0x10;
	vm6 =	veq.s32 v36, v15  }
0x4a3: {  	v37 =	vand.u32 $0xFFFF, v35;
	vm7 =	veq.s32 v38, v15  }
0x4a4: {  	v39 =	vand.u32 $0xFFFF, v34;
	_ =	sdelay $0x2  }
0x4a5: {  	v40 =	vld [tilespmem:s0+$0xFFFFFFF0]  }
0x4a6: {  	[tilespmem:v37+s31+$0x0] =	vst.idx.add.s32.msk vm6, v9  }
0x4a7: {  	[tilespmem:v39+s31+$0x0] =	vst.idx.add.s32.msk vm7, v9  }
0x4a8: {  	v37 =	vld [tilespmem:s2+$0x30]  }
0x4a9: {  	v39 =	vld [tilespmem:s2+$0xFFFFFFF0];
	_ =	sdelay $0x2  }
0x4aa: {  	v41 =	vshrl.u32 v40, $0x10;
	vm6 =	veq.s32 v23, v15  }
0x4ab: {  	vm7 =	veq.s32 v41, v15;
	v42 =	vshrl.u32 v37, $0x10  }
0x4ac: {  	v43 =	vand.u32 $0xFFFF, v40;
	v44 =	vshrl.u32 v39, $0x10;
	vm8 =	veq.s32 v42, v15  }
0x4ad: {  	v45 =	vand.u32 $0xFFFF, v37;
	vm9 =	veq.s32 v44, v15  }
0x4ae: {  	v46 =	vand.u32 $0xFFFF, v39  }
0x4af: {  	[tilespmem:v30+s31+$0x0] =	vst.idx.add.s32.msk vm5, v9  }
0x4b0: {  	[tilespmem:v25+s31+$0x0] =	vst.idx.add.s32.msk vm6, v9  }
0x4b1: {  	[tilespmem:v43+s31+$0x0] =	vst.idx.add.s32.msk vm7, v9  }
0x4b2: {  	[tilespmem:v45+s31+$0x0] =	vst.idx.add.s32.msk vm8, v9  }
0x4b3: {  	[tilespmem:v46+s31+$0x0] =	vst.idx.add.s32.msk vm9, v9  }
0x4b4: {  	[tilespmem:s3], [sflag:$0x2] =	stream.linear.gather [hbm4b:s26+s8], $0x4000, $0x200038;
	[tilespmem:$0x1B4F8] =	vst v63  }
0x4b5: {  	_ =	swait.ge [sflag:s7], $0x4000  }
0x4b6: {  	[sflag:s7] =	ssyncset.done $0x0  }
0x4b7: {  	s6 =	simm.s32 $0x40;
	[sflag:s7] =	ssyncadd.s32 $0xFFFFC000  }
0x4b8: {  	v25 =	vld [tilespmem:s6+$0x0];
	_ =	sdelay $0x1  }
0x4b9: {  	vm5 =	vgt.s32 v28, $0xFFFFFFFF  }
0x4ba: {  	v30 =	vadd.f32 v32, v33;
	v26 =	vnsel vm3, $0x0, v26;
	vm3 =	vgt.u32 v27, v15  }
0x4bb: {  	v16 =	vxor.u32 v16, v19;
	v20 =	vadd.f32 v20, v21;
	v22 =	vadd.f32 v26, v22  }
0x4bc: {  	vm7 =	vgt.u32 v31, v15;
	v31 =	vsel vm5, $0xFFFFFFFF, v13;
	v46 =	vshrl.u32 v25, $0x10  }
0x4bd: {  	vm6 =	vgt.s32 v29, $0xFFFFFFFF;
	v28 =	vxor.u32 v28, v31;
	v48 =	vld [tilespmem:s6+$0xFFFFFFC0];
	vm5 =	veq.s32 v46, v15  }
0x4be: {  	v31 =	vsel vm4, $0xFFFFFFFF, v13;
	v28 =	vnsel vm7, $0x0, v28;
	v49 =	vand.u32 $0xFFFF, v25  }
0x4bf: {  	v47 =	vsel vm6, $0xFFFFFFFF, v13;
	v24 =	vxor.u32 v24, v31;
	v18 =	vadd.f32 v28, v18  }
0x4c0: {  	vm4 =	vgt.u32 v17, v15;
	v29 =	vxor.u32 v29, v47;
	v17 =	vnsel vm3, $0x0, v24  }
0x4c1: {  	v16 =	vnsel vm4, $0x0, v16;
	vm3 =	vgt.s32 v35, $0xFFFFFFFF;
	v17 =	vadd.f32 v17, v18  }
0x4c2: {  	v18 =	vsel vm3, $0xFFFFFFFF, v13;
	vm3 =	vgt.s32 v34, $0xFFFFFFFF;
	v19 =	vshrl.u32 v48, $0x10  }
0x4c3: {  	vm4 =	vgt.u32 v36, v15;
	v24 =	vsel vm3, $0xFFFFFFFF, v13;
	vm3 =	veq.s32 v19, v15;
	[tilespmem:v49+s31+$0x0] =	vst.idx.add.s32.msk vm5, v9  }
0x4c4: {  	v24 =	vxor.u32 v34, v24;
	v27 =	vand.u32 $0xFFFF, v48;
	vm5 =	vgt.u32 v38, v15;
	v26 =	vld [tilespmem:s6+$0x10]  }
0x4c5: {  	v18 =	vxor.u32 v35, v18;
	v24 =	vnsel vm5, $0x0, v24;
	vm5 =	vgt.s32 v40, $0xFFFFFFFF  }
0x4c6: {  	v16 =	vadd.f32 v16, v22;
	v18 =	vnsel vm4, $0x0, v18;
	v21 =	vsel vm5, $0xFFFFFFFF, v13  }
0x4c7: {  	vm4 =	vgt.u32 v23, v15;
	vm5 =	vgt.u32 v41, v15;
	v21 =	vxor.u32 v40, v21  }
0x4c8: {  	v23 =	vnsel vm4, $0x0, v29;
	vm4 =	vgt.s32 v39, $0xFFFFFFFF;
	v21 =	vnsel vm5, $0x0, v21  }
0x4c9: {  	[tilespmem:v27+s31+$0x0] =	vst.idx.add.s32.msk vm3, v9;
	v27 =	vsel vm4, $0xFFFFFFFF, v13;
	v21 =	vadd.f32 v21, v30;
	v28 =	vshrl.u32 v26, $0x10  }
0x4ca: {  	vm4 =	vgt.u32 v44, v15;
	v29 =	vld [tilespmem:s6+$0xFFFFFFD0];
	vm5 =	vgt.s32 v37, $0xFFFFFFFF;
	vm3 =	veq.s32 v28, v15  }
0x4cb: {  	v30 =	vand.u32 $0xFFFF, v26;
	v21 =	vadd.f32 v23, v21;
	v23 =	vxor.u32 v39, v27  }
0x4cc: {  	s0 =	simm.s32 $0xC0;
	v20 =	vadd.f32 v24, v20;
	v24 =	vsel vm5, $0xFFFFFFFF, v13;
	v23 =	vnsel vm4, $0x0, v23  }
0x4cd: {  	v22 =	vld [tilespmem:s0+$0x0];
	v24 =	vxor.u32 v37, v24;
	vm4 =	vgt.u32 v42, v15;
	v21 =	vadd.f32 v23, v21  }
0x4ce: {  	v18 =	vadd.f32 v18, v20;
	v20 =	vnsel vm4, $0x0, v24  }
0x4cf: {  	vm4 =	vgt.s32 v25, $0xFFFFFFFF;
	v23 =	vadd.f32 v20, v21;
	v20 =	vshrl.u32 v29, $0x10  }
0x4d0: {  	v21 =	vsel vm4, $0xFFFFFFFF, v13;
	vm4 =	veq.s32 v20, v15;
	[tilespmem:v30+s31+$0x0] =	vst.idx.add.s32.msk vm3, v9  }
0x4d1: {  	v27 =	vand.u32 $0xFFFF, v29;
	v30 =	vld [tilespmem:s0+$0xFFFFFFC0]  }
0x4d2: {  	v31 =	vshrl.u32 v22, $0x10;
	v50 =	vand.u32 $0xFFFF, v22;
	vm5 =	vgt.u32 v19, v15;
	v24 =	vld [tilespmem:s6+$0x20]  }
0x4d3: {  	vm6 =	vgt.s32 v29, $0xFFFFFFFF;
	vm7 =	vgt.u32 v20, v15;
	vm3 =	vgt.s32 v48, $0xFFFFFFFF  }
0x4d4: {  	v20 =	vsel vm6, $0xFFFFFFFF, v13;
	v19 =	vsel vm3, $0xFFFFFFFF, v13;
	vm3 =	vgt.s32 v26, $0xFFFFFFFF  }
0x4d5: {  	v20 =	vxor.u32 v29, v20;
	v29 =	vsel vm3, $0xFFFFFFFF, v13;
	vm3 =	veq.s32 v31, v15  }
0x4d6: {  	v20 =	vnsel vm7, $0x0, v20;
	v19 =	vxor.u32 v48, v19;
	[tilespmem:v27+s31+$0x0] =	vst.idx.add.s32.msk vm4, v9;
	v27 =	vshrl.u32 v30, $0x10  }
0x4d7: {  	v19 =	vnsel vm5, $0x0, v19;
	v51 =	vshrl.u32 v24, $0x10;
	vm5 =	veq.s32 v27, v15  }
0x4d8: {  	v17 =	vadd.f32 v20, v17;
	v20 =	vand.u32 $0xFFFF, v30;
	vm4 =	veq.s32 v51, v15  }
0x4d9: {  	v26 =	vxor.u32 v26, v29;
	v29 =	vld [tilespmem:s6+$0xFFFFFFE0];
	v52 =	vand.u32 $0xFFFF, v24  }
0x4da: {  	vm6 =	vgt.u32 v28, v15;
	v21 =	vxor.u32 v25, v21;
	vm7 =	vgt.u32 v46, v15  }
0x4db: {  	v16 =	vadd.f32 v19, v16;
	v19 =	vnsel vm6, $0x0, v26;
	vm6 =	vgt.s32 v24, $0xFFFFFFFF;
	[tilespmem:v50+s31+$0x0] =	vst.idx.add.s32.msk vm3, v9  }
0x4dc: {  	v17 =	vadd.f32 v19, v17;
	v19 =	vnsel vm7, $0x0, v21;
	v26 =	vsel vm6, $0xFFFFFFFF, v13;
	v21 =	vld [tilespmem:s0+$0x10]  }
0x4dd: {  	v19 =	vadd.f32 v19, v16;
	vm3 =	vgt.s32 v22, $0xFFFFFFFF;
	v24 =	vxor.u32 v24, v26;
	[tilespmem:v20+s31+$0x0] =	vst.idx.add.s32.msk vm5, v9  }
0x4de: {  	v25 =	vsel vm3, $0xFFFFFFFF, v13;
	v28 =	vshrl.u32 v29, $0x10;
	v53 =	vand.u32 $0xFFFF, v29;
	[tilespmem:v52+s31+$0x0] =	vst.idx.add.s32.msk vm4, v9  }
0x4df: {  	vm3 =	veq.s32 v28, v15;
	vm5 =	vgt.s32 v30, $0xFFFFFFFF;
	vm4 =	vgt.s32 v29, $0xFFFFFFFF;
	v20 =	vld [tilespmem:s0+$0xFFFFFFD0]  }
0x4e0: {  	vm6 =	vgt.u32 v28, v15;
	v16 =	vsel vm4, $0xFFFFFFFF, v13;
	vm4 =	vgt.u32 v27, v15  }
0x4e1: {  	v26 =	vld [tilespmem:s6+$0x30];
	v27 =	vsel vm5, $0xFFFFFFFF, v13;
	v28 =	vshrl.u32 v21, $0x10;
	vm5 =	vgt.u32 v51, v15  }
0x4e2: {  	v16 =	vxor.u32 v29, v16;
	v27 =	vxor.u32 v30, v27;
	v29 =	vnsel vm5, $0x0, v24  }
0x4e3: {  	v24 =	vand.u32 $0xFFFF, v21;
	v16 =	vnsel vm6, $0x0, v16;
	vm6 =	veq.s32 v28, v15  }
0x4e4: {  	vm5 =	vgt.s32 v21, $0xFFFFFFFF;
	v30 =	vadd.f32 v16, v18;
	v18 =	vshrl.u32 v20, $0x10  }
0x4e5: {  	s2 =	simm.s32 $0x140;
	v54 =	vand.u32 $0xFFFF, v20;
	vm8 =	vgt.s32 v20, $0xFFFFFFFF;
	vm7 =	veq.s32 v18, v15  }
0x4e6: {  	v16 =	vld [tilespmem:s2+$0x0];
	v55 =	vshrl.u32 v26, $0x10;
	v56 =	vand.u32 $0xFFFF, v26;
	vm13 =	vgt.s32 v26, $0xFFFFFFFF  }
0x4e7: {  	vm10 =	vgt.u32 v18, v15;
	v18 =	vsel vm8, $0xFFFFFFFF, v13;
	v57 =	vsel vm13, $0xFFFFFFFF, v13  }
0x4e8: {  	v18 =	vxor.u32 v20, v18;
	v20 =	vsel vm5, $0xFFFFFFFF, v13;
	v58 =	vxor.u32 v26, v57;
	v26 =	vld [tilespmem:s2+$0xFFFFFFC0]  }
0x4e9: {  	vm5 =	vgt.u32 v31, v15;
	vm14 =	veq.s32 v55, v15;
	v18 =	vnsel vm10, $0x0, v18;
	[tilespmem:v24+s31+$0x0] =	vst.idx.add.s32.msk vm6, v9  }
0x4ea: {  	v20 =	vxor.u32 v21, v20;
	v24 =	vnsel vm4, $0x0, v27;
	v18 =	vadd.f32 v18, v17;
	v21 =	vld [tilespmem:s0+$0x20]  }
0x4eb: {  	[tilespmem:v53+s31+$0x0] =	vst.idx.add.s32.msk vm3, v9;
	vm4 =	vgt.u32 v28, v15;
	v17 =	vshrl.u32 v16, $0x10;
	vm6 =	vgt.s32 v16, $0xFFFFFFFF  }
0x4ec: {  	v63 =	vld [tilespmem:s6+$0xFFFFFFF0];
	v24 =	vadd.f32 v24, v19;
	v20 =	vnsel vm4, $0x0, v20;
	vm4 =	veq.s32 v17, v15  }
0x4ed: {  	v19 =	vxor.u32 v22, v25;
	v25 =	vand.u32 $0xFFFF, v16;
	v18 =	vadd.f32 v20, v18;
	[tilespmem:v54+s31+$0x0] =	vst.idx.add.s32.msk vm7, v9  }
0x4ee: {  	v20 =	vnsel vm5, $0x0, v19;
	v19 =	vsel vm6, $0xFFFFFFFF, v13;
	v27 =	vld [tilespmem:s0+$0xFFFFFFE0];
	v59 =	vshrl.u32 v26, $0x10  }
0x4ef: {  	v60 =	vand.u32 $0xFFFF, v26;
	vm8 =	veq.s32 v59, v15;
	vm6 =	vgt.s32 v21, $0xFFFFFFFF  }
0x4f0: {  	v28 =	vshrl.u32 v21, $0x10;
	v31 =	vand.u32 $0xFFFF, v21;
	v22 =	vsel vm6, $0xFFFFFFFF, v13  }
0x4f1: {  	vm5 =	veq.s32 v28, v15;
	vm6 =	vgt.s32 v26, $0xFFFFFFFF;
	v21 =	vxor.u32 v21, v22  }
0x4f2: {  	[tilespmem:v25+s31+$0x0] =	vst.idx.add.s32.msk vm4, v9;
	v22 =	vadd.f32 v20, v24;
	v25 =	vsel vm6, $0xFFFFFFFF, v13;
	vm6 =	vgt.s32 v63, $0xFFFFFFFF  }
0x4f3: {  	v24 =	vld [tilespmem:s2+$0x10];
	v61 =	vshrl.u32 v27, $0x10;
	vm3 =	vgt.s32 v27, $0xFFFFFFFF;
	v26 =	vxor.u32 v26, v25  }
0x4f4: {  	vm7 =	veq.s32 v61, v15;
	vm4 =	vgt.u32 v61, v15;
	v20 =	vsel vm3, $0xFFFFFFFF, v13  }
0x4f5: {  	v62 =	vand.u32 $0xFFFF, v27;
	vm3 =	vgt.u32 v59, v15;
	v20 =	vxor.u32 v27, v20;
	[tilespmem:v60+s31+$0x0] =	vst.idx.add.s32.msk vm8, v9  }
0x4f6: {  	vm8 =	vgt.u32 v55, v15;
	v32 =	vnsel vm4, $0x0, v20;
	vm4 =	vgt.u32 v28, v15;
	v28 =	vld [tilespmem:s2+$0xFFFFFFD0]  }
0x4f7: {  	[tilespmem:v31+s31+$0x0] =	vst.idx.add.s32.msk vm5, v9;
	v31 =	vadd.f32 v29, v30;
	v20 =	vnsel vm4, $0x0, v21;
	v21 =	vshrl.u32 v63, $0x10  }
0x4f8: {  	v30 =	vand.u32 $0xFFFF, v63;
	v27 =	vshrl.u32 v24, $0x10;
	v29 =	vld [tilespmem:s0+$0x30];
	vm5 =	veq.s32 v21, v15  }
0x4f9: {  	vm4 =	vgt.s32 v24, $0xFFFFFFFF;
	vm15 =	vgt.u32 v21, v15;
	v21 =	vsel vm6, $0xFFFFFFFF, v13  }
0x4fa: {  	v35 =	vand.u32 $0xFFFF, v24;
	vm6 =	veq.s32 v27, v15;
	v25 =	vxor.u32 v63, v21  }
0x4fb: {  	v21 =	vadd.f32 v32, v31;
	v32 =	vnsel vm8, $0x0, v58;
	v25 =	vnsel vm15, $0x0, v25  }
0x4fc: {  	[tilespmem:v56+s31+$0x0] =	vst.idx.add.s32.msk vm14, v9;
	v31 =	vshrl.u32 v28, $0x10;
	v34 =	vand.u32 $0xFFFF, v28;
	v33 =	vadd.f32 v25, v23  }
0x4fd: {  	s22 =	simm.s32 $0x1C0;
	s6 =	simm.s32 $0x4;
	[tilespmem:v62+s31+$0x0] =	vst.idx.add.s32.msk vm7, v9;
	vm7 =	veq.s32 v31, v15;
	v23 =	vshrl.u32 v29, $0x10;
	v25 =	vand.u32 $0xFFFF, v29  }
.LBB2_38:
0x4fe: {  	s6 =	sadd.s32 $0x2, s6;
	vm8 =	vgt.s32 v28, $0xFFFFFFFF;
	vm9 =	vgt.s32 v29, $0xFFFFFFFF;
	[tilespmem:v30+s31+$0x0] =	vst.idx.add.s32.msk vm5, v9;
	v33 =	vadd.f32 v32, v33  }
0x4ff: {  	vm5 =	vgt.u32 v31, v15;
	v30 =	vld [tilespmem:s22+$0x0];
	p1 =	slt.u32 s6, $0xFE;
	v31 =	vsel vm8, $0xFFFFFFFF, v13;
	v32 =	vsel vm9, $0xFFFFFFFF, v13  }
0x500: {  	v28 =	vxor.u32 v28, v31;
	[tilespmem:v35+s31+$0x0] =	vst.idx.add.s32.msk vm6, v9;
	v31 =	vsel vm4, $0xFFFFFFFF, v13;
	v32 =	vxor.u32 v29, v32  }
0x501: {  	v26 =	vnsel vm3, $0x0, v26;
	v28 =	vnsel vm5, $0x0, v28;
	v24 =	vxor.u32 v24, v31;
	v29 =	vld [tilespmem:s2+$0x20]  }
0x502: {  	vm3 =	vgt.u32 v27, v15;
	v22 =	vadd.f32 v26, v22;
	v31 =	vld [tilespmem:s22+$0xFFFFFFC0];
	v18 =	vadd.f32 v28, v18  }
0x503: {  	v19 =	vxor.u32 v16, v19;
	vm4 =	vgt.u32 v17, v15;
	v27 =	vnsel vm3, $0x0, v24;
	[tilespmem:v34+s31+$0x0] =	vst.idx.add.s32.msk vm7, v9  }
0x504: {  	v17 =	vshrl.u32 v30, $0x10;
	v24 =	vand.u32 $0xFFFF, v30;
	v26 =	vld [tilespmem:s2+$0xFFFFFFE0];
	v18 =	vadd.f32 v27, v18;
	v16 =	vmovc v30  }
0x505: {  	v27 =	vnsel vm4, $0x0, v19;
	vm3 =	veq.s32 v17, v15;
	vm5 =	vgt.s32 v16, $0xFFFFFFFF  }
0x506: {  	v19 =	vsel vm5, $0xFFFFFFFF, v13;
	v28 =	vshrl.u32 v29, $0x10;
	v30 =	vand.u32 $0xFFFF, v29  }
0x507: {  	vm5 =	vgt.s32 v29, $0xFFFFFFFF;
	v34 =	vshrl.u32 v31, $0x10;
	vm4 =	veq.s32 v28, v15  }
0x508: {  	v35 =	vand.u32 $0xFFFF, v31;
	v36 =	vsel vm5, $0xFFFFFFFF, v13;
	vm7 =	veq.s32 v34, v15  }
0x509: {  	v29 =	vxor.u32 v29, v36;
	v37 =	vshrl.u32 v26, $0x10;
	v38 =	vand.u32 $0xFFFF, v26  }
0x50a: {  	v22 =	vadd.f32 v27, v22;
	vm5 =	vgt.s32 v26, $0xFFFFFFFF;
	vm6 =	veq.s32 v37, v15;
	v36 =	vld [tilespmem:s0+$0xFFFFFFF0];
	s0 =	smov.u32 s2;
	s2 =	smov.u32 s22  }
0x50b: {  	vm8 =	vgt.s32 v31, $0xFFFFFFFF;
	vm9 =	vgt.u32 v37, v15;
	v27 =	vsel vm5, $0xFFFFFFFF, v13;
	[tilespmem:v24+s31+$0x0] =	vst.idx.add.s32.msk vm3, v9  }
0x50c: {  	vm3 =	vgt.u32 v34, v15;
	v34 =	vsel vm8, $0xFFFFFFFF, v13;
	v26 =	vxor.u32 v26, v27;
	v24 =	vld [tilespmem:s22+$0x10]  }
0x50d: {  	v21 =	vadd.f32 v20, v21;
	v37 =	vnsel vm9, $0x0, v26;
	[tilespmem:v30+s31+$0x0] =	vst.idx.add.s32.msk vm4, v9;
	vm4 =	vgt.u32 v28, v15  }
0x50e: {  	v26 =	vxor.u32 v31, v34;
	[tilespmem:v35+s31+$0x0] =	vst.idx.add.s32.msk vm7, v9;
	v20 =	vnsel vm4, $0x0, v29;
	vm7 =	vgt.u32 v23, v15  }
0x50f: {  	vm8 =	veq.s32 v23, v15;
	v28 =	vld [tilespmem:s22+$0xFFFFFFD0];
	v27 =	vshrl.u32 v36, $0x10;
	v30 =	vand.u32 $0xFFFF, v36  }
0x510: {  	vm10 =	vgt.s32 v36, $0xFFFFFFFF;
	v29 =	vld [tilespmem:s0+$0x30];
	vm5 =	veq.s32 v27, v15;
	vm9 =	vgt.u32 v27, v15  }
.Ltmp20:
0x511: {  	v23 =	vsel vm10, $0xFFFFFFFF, v13;
	v27 =	vshrl.u32 v24, $0x10;
	vm4 =	vgt.s32 v24, $0xFFFFFFFF;
	[tilespmem:v38+s31+$0x0] =	vst.idx.add.s32.msk vm6, v9;
	(pc) =	sbr.rel @p1 .LBB2_38-.Ltmp20, $4  }
0x512: {  	v35 =	vand.u32 $0xFFFF, v24;
	v23 =	vxor.u32 v36, v23;
	vm6 =	veq.s32 v27, v15  }
0x513: {  	v21 =	vadd.f32 v37, v21;
	v32 =	vnsel vm7, $0x0, v32;
	v23 =	vnsel vm9, $0x0, v23  }
0x514: {  	v33 =	vadd.f32 v23, v33;
	v31 =	vshrl.u32 v28, $0x10;
	v34 =	vand.u32 $0xFFFF, v28  }
0x515: {  	s22 =	sadd.s32 $0x80, s22;
	vm7 =	veq.s32 v31, v15;
	v23 =	vshrl.u32 v29, $0x10;
	[tilespmem:v25+s31+$0x0] =	vst.idx.add.s32.msk vm8, v9;
	v25 =	vand.u32 $0xFFFF, v29  }
0x516: {  	_ =	sdelay $0x4  }
0x517: {  	[tilespmem:v35+s31+$0x0] =	vst.idx.add.s32.msk vm6, v9  }
0x518: {  	[tilespmem:v34+s31+$0x0] =	vst.idx.add.s32.msk vm7, v9  }
0x519: {  	v35 =	vld [tilespmem:s2+$0x20]  }
0x51a: {  	v34 =	vld [tilespmem:s2+$0xFFFFFFE0];
	_ =	sdelay $0x3  }
0x51b: {  	v36 =	vshrl.u32 v35, $0x10  }
0x51c: {  	v38 =	vshrl.u32 v34, $0x10;
	vm6 =	veq.s32 v36, v15  }
0x51d: {  	v37 =	vand.u32 $0xFFFF, v35;
	vm7 =	veq.s32 v38, v15  }
0x51e: {  	v39 =	vand.u32 $0xFFFF, v34;
	_ =	sdelay $0x2  }
0x51f: {  	v40 =	vld [tilespmem:s0+$0xFFFFFFF0]  }
0x520: {  	[tilespmem:v37+s31+$0x0] =	vst.idx.add.s32.msk vm6, v9  }
0x521: {  	[tilespmem:v39+s31+$0x0] =	vst.idx.add.s32.msk vm7, v9  }
0x522: {  	v37 =	vld [tilespmem:s2+$0x30]  }
0x523: {  	v39 =	vld [tilespmem:s2+$0xFFFFFFF0];
	_ =	sdelay $0x2  }
0x524: {  	v41 =	vshrl.u32 v40, $0x10;
	vm6 =	veq.s32 v23, v15  }
0x525: {  	vm7 =	veq.s32 v41, v15;
	v42 =	vshrl.u32 v37, $0x10  }
0x526: {  	v43 =	vand.u32 $0xFFFF, v40;
	v44 =	vshrl.u32 v39, $0x10;
	vm8 =	veq.s32 v42, v15  }
0x527: {  	v45 =	vand.u32 $0xFFFF, v37;
	vm9 =	veq.s32 v44, v15  }
0x528: {  	v46 =	vand.u32 $0xFFFF, v39  }
0x529: {  	[tilespmem:v30+s31+$0x0] =	vst.idx.add.s32.msk vm5, v9  }
0x52a: {  	[tilespmem:v25+s31+$0x0] =	vst.idx.add.s32.msk vm6, v9  }
0x52b: {  	[tilespmem:v43+s31+$0x0] =	vst.idx.add.s32.msk vm7, v9  }
0x52c: {  	[tilespmem:v45+s31+$0x0] =	vst.idx.add.s32.msk vm8, v9  }
0x52d: {  	[tilespmem:v46+s31+$0x0] =	vst.idx.add.s32.msk vm9, v9  }
0x52e: {  	[tilespmem:s8], [sflag:$0x1] =	stream.linear.gather [hbm4b:s29+s8], $0x4000, $0x200038;
	[tilespmem:$0x1B4F8] =	vst v63  }
0x52f: {  	_ =	swait.ge [sflag:s10], $0x4000  }
0x530: {  	[sflag:s10] =	ssyncset.done $0x0  }
0x531: {  	s6 =	simm.s32 $0x4040;
	[sflag:s10] =	ssyncadd.s32 $0xFFFFC000  }
0x532: {  	v25 =	vld [tilespmem:s6+$0x0];
	_ =	sdelay $0x1  }
0x533: {  	vm5 =	vgt.s32 v28, $0xFFFFFFFF  }
0x534: {  	v30 =	vadd.f32 v32, v33;
	v26 =	vnsel vm3, $0x0, v26;
	vm3 =	vgt.u32 v27, v15  }
0x535: {  	v16 =	vxor.u32 v16, v19;
	v20 =	vadd.f32 v20, v21;
	v22 =	vadd.f32 v26, v22  }
0x536: {  	vm7 =	vgt.u32 v31, v15;
	v31 =	vsel vm5, $0xFFFFFFFF, v13;
	v46 =	vshrl.u32 v25, $0x10  }
0x537: {  	vm6 =	vgt.s32 v29, $0xFFFFFFFF;
	v28 =	vxor.u32 v28, v31;
	v48 =	vld [tilespmem:s6+$0xFFFFFFC0];
	vm5 =	veq.s32 v46, v15  }
0x538: {  	v31 =	vsel vm4, $0xFFFFFFFF, v13;
	v28 =	vnsel vm7, $0x0, v28;
	v49 =	vand.u32 $0xFFFF, v25  }
0x539: {  	v47 =	vsel vm6, $0xFFFFFFFF, v13;
	v24 =	vxor.u32 v24, v31;
	v18 =	vadd.f32 v28, v18  }
0x53a: {  	vm4 =	vgt.u32 v17, v15;
	v29 =	vxor.u32 v29, v47;
	v17 =	vnsel vm3, $0x0, v24  }
0x53b: {  	v16 =	vnsel vm4, $0x0, v16;
	vm3 =	vgt.s32 v35, $0xFFFFFFFF;
	v17 =	vadd.f32 v17, v18  }
0x53c: {  	v18 =	vsel vm3, $0xFFFFFFFF, v13;
	vm3 =	vgt.s32 v34, $0xFFFFFFFF;
	v19 =	vshrl.u32 v48, $0x10  }
0x53d: {  	vm4 =	vgt.u32 v36, v15;
	v24 =	vsel vm3, $0xFFFFFFFF, v13;
	vm3 =	veq.s32 v19, v15;
	[tilespmem:v49+s31+$0x0] =	vst.idx.add.s32.msk vm5, v9  }
0x53e: {  	v24 =	vxor.u32 v34, v24;
	v27 =	vand.u32 $0xFFFF, v48;
	vm5 =	vgt.u32 v38, v15;
	v26 =	vld [tilespmem:s6+$0x10]  }
0x53f: {  	v18 =	vxor.u32 v35, v18;
	v24 =	vnsel vm5, $0x0, v24;
	vm5 =	vgt.s32 v40, $0xFFFFFFFF  }
0x540: {  	v16 =	vadd.f32 v16, v22;
	v18 =	vnsel vm4, $0x0, v18;
	v21 =	vsel vm5, $0xFFFFFFFF, v13  }
0x541: {  	vm4 =	vgt.u32 v23, v15;
	vm5 =	vgt.u32 v41, v15;
	v21 =	vxor.u32 v40, v21  }
0x542: {  	v23 =	vnsel vm4, $0x0, v29;
	vm4 =	vgt.s32 v39, $0xFFFFFFFF;
	v21 =	vnsel vm5, $0x0, v21  }
0x543: {  	[tilespmem:v27+s31+$0x0] =	vst.idx.add.s32.msk vm3, v9;
	v27 =	vsel vm4, $0xFFFFFFFF, v13;
	v21 =	vadd.f32 v21, v30;
	v28 =	vshrl.u32 v26, $0x10  }
0x544: {  	vm4 =	vgt.u32 v44, v15;
	v29 =	vld [tilespmem:s6+$0xFFFFFFD0];
	vm5 =	vgt.s32 v37, $0xFFFFFFFF;
	vm3 =	veq.s32 v28, v15  }
0x545: {  	v30 =	vand.u32 $0xFFFF, v26;
	v21 =	vadd.f32 v23, v21;
	v23 =	vxor.u32 v39, v27  }
0x546: {  	s0 =	simm.s32 $0x40C0;
	v20 =	vadd.f32 v24, v20;
	v24 =	vsel vm5, $0xFFFFFFFF, v13;
	v23 =	vnsel vm4, $0x0, v23  }
0x547: {  	v22 =	vld [tilespmem:s0+$0x0];
	v24 =	vxor.u32 v37, v24;
	vm4 =	vgt.u32 v42, v15;
	v21 =	vadd.f32 v23, v21  }
0x548: {  	v18 =	vadd.f32 v18, v20;
	v20 =	vnsel vm4, $0x0, v24  }
0x549: {  	vm4 =	vgt.s32 v25, $0xFFFFFFFF;
	v23 =	vadd.f32 v20, v21;
	v20 =	vshrl.u32 v29, $0x10  }
0x54a: {  	v21 =	vsel vm4, $0xFFFFFFFF, v13;
	vm4 =	veq.s32 v20, v15;
	[tilespmem:v30+s31+$0x0] =	vst.idx.add.s32.msk vm3, v9  }
0x54b: {  	v27 =	vand.u32 $0xFFFF, v29;
	v30 =	vld [tilespmem:s0+$0xFFFFFFC0]  }
0x54c: {  	v31 =	vshrl.u32 v22, $0x10;
	v50 =	vand.u32 $0xFFFF, v22;
	vm5 =	vgt.u32 v19, v15;
	v24 =	vld [tilespmem:s6+$0x20]  }
0x54d: {  	vm6 =	vgt.s32 v29, $0xFFFFFFFF;
	vm7 =	vgt.u32 v20, v15;
	vm3 =	vgt.s32 v48, $0xFFFFFFFF  }
0x54e: {  	v20 =	vsel vm6, $0xFFFFFFFF, v13;
	v19 =	vsel vm3, $0xFFFFFFFF, v13;
	vm3 =	vgt.s32 v26, $0xFFFFFFFF  }
0x54f: {  	v20 =	vxor.u32 v29, v20;
	v29 =	vsel vm3, $0xFFFFFFFF, v13;
	vm3 =	veq.s32 v31, v15  }
0x550: {  	v20 =	vnsel vm7, $0x0, v20;
	v19 =	vxor.u32 v48, v19;
	[tilespmem:v27+s31+$0x0] =	vst.idx.add.s32.msk vm4, v9;
	v27 =	vshrl.u32 v30, $0x10  }
0x551: {  	v19 =	vnsel vm5, $0x0, v19;
	v51 =	vshrl.u32 v24, $0x10;
	vm5 =	veq.s32 v27, v15  }
0x552: {  	v17 =	vadd.f32 v20, v17;
	v20 =	vand.u32 $0xFFFF, v30;
	vm4 =	veq.s32 v51, v15  }
0x553: {  	v26 =	vxor.u32 v26, v29;
	v29 =	vld [tilespmem:s6+$0xFFFFFFE0];
	v52 =	vand.u32 $0xFFFF, v24  }
0x554: {  	vm6 =	vgt.u32 v28, v15;
	v21 =	vxor.u32 v25, v21;
	vm7 =	vgt.u32 v46, v15  }
0x555: {  	v16 =	vadd.f32 v19, v16;
	v19 =	vnsel vm6, $0x0, v26;
	vm6 =	vgt.s32 v24, $0xFFFFFFFF;
	[tilespmem:v50+s31+$0x0] =	vst.idx.add.s32.msk vm3, v9  }
0x556: {  	v17 =	vadd.f32 v19, v17;
	v19 =	vnsel vm7, $0x0, v21;
	v26 =	vsel vm6, $0xFFFFFFFF, v13;
	v21 =	vld [tilespmem:s0+$0x10]  }
0x557: {  	v19 =	vadd.f32 v19, v16;
	vm3 =	vgt.s32 v22, $0xFFFFFFFF;
	v24 =	vxor.u32 v24, v26;
	[tilespmem:v20+s31+$0x0] =	vst.idx.add.s32.msk vm5, v9  }
0x558: {  	v25 =	vsel vm3, $0xFFFFFFFF, v13;
	v28 =	vshrl.u32 v29, $0x10;
	v53 =	vand.u32 $0xFFFF, v29;
	[tilespmem:v52+s31+$0x0] =	vst.idx.add.s32.msk vm4, v9  }
0x559: {  	vm3 =	veq.s32 v28, v15;
	vm5 =	vgt.s32 v30, $0xFFFFFFFF;
	vm4 =	vgt.s32 v29, $0xFFFFFFFF;
	v20 =	vld [tilespmem:s0+$0xFFFFFFD0]  }
0x55a: {  	vm6 =	vgt.u32 v28, v15;
	v16 =	vsel vm4, $0xFFFFFFFF, v13;
	vm4 =	vgt.u32 v27, v15  }
0x55b: {  	v26 =	vld [tilespmem:s6+$0x30];
	v27 =	vsel vm5, $0xFFFFFFFF, v13;
	v28 =	vshrl.u32 v21, $0x10;
	vm5 =	vgt.u32 v51, v15  }
0x55c: {  	v16 =	vxor.u32 v29, v16;
	v27 =	vxor.u32 v30, v27;
	v29 =	vnsel vm5, $0x0, v24  }
0x55d: {  	v24 =	vand.u32 $0xFFFF, v21;
	v16 =	vnsel vm6, $0x0, v16;
	vm6 =	veq.s32 v28, v15  }
0x55e: {  	vm5 =	vgt.s32 v21, $0xFFFFFFFF;
	v30 =	vadd.f32 v16, v18;
	v18 =	vshrl.u32 v20, $0x10  }
0x55f: {  	s2 =	simm.s32 $0x4140;
	v54 =	vand.u32 $0xFFFF, v20;
	vm8 =	vgt.s32 v20, $0xFFFFFFFF;
	vm7 =	veq.s32 v18, v15  }
0x560: {  	v16 =	vld [tilespmem:s2+$0x0];
	v55 =	vshrl.u32 v26, $0x10;
	v56 =	vand.u32 $0xFFFF, v26;
	vm13 =	vgt.s32 v26, $0xFFFFFFFF  }
0x561: {  	vm10 =	vgt.u32 v18, v15;
	v18 =	vsel vm8, $0xFFFFFFFF, v13;
	v57 =	vsel vm13, $0xFFFFFFFF, v13  }
0x562: {  	v18 =	vxor.u32 v20, v18;
	v20 =	vsel vm5, $0xFFFFFFFF, v13;
	v58 =	vxor.u32 v26, v57;
	v26 =	vld [tilespmem:s2+$0xFFFFFFC0]  }
0x563: {  	vm5 =	vgt.u32 v31, v15;
	vm14 =	veq.s32 v55, v15;
	v18 =	vnsel vm10, $0x0, v18;
	[tilespmem:v24+s31+$0x0] =	vst.idx.add.s32.msk vm6, v9  }
0x564: {  	v20 =	vxor.u32 v21, v20;
	v24 =	vnsel vm4, $0x0, v27;
	v18 =	vadd.f32 v18, v17;
	v21 =	vld [tilespmem:s0+$0x20]  }
0x565: {  	[tilespmem:v53+s31+$0x0] =	vst.idx.add.s32.msk vm3, v9;
	vm4 =	vgt.u32 v28, v15;
	v17 =	vshrl.u32 v16, $0x10;
	vm6 =	vgt.s32 v16, $0xFFFFFFFF  }
0x566: {  	v63 =	vld [tilespmem:s6+$0xFFFFFFF0];
	v24 =	vadd.f32 v24, v19;
	v20 =	vnsel vm4, $0x0, v20;
	vm4 =	veq.s32 v17, v15  }
0x567: {  	v19 =	vxor.u32 v22, v25;
	v25 =	vand.u32 $0xFFFF, v16;
	v18 =	vadd.f32 v20, v18;
	[tilespmem:v54+s31+$0x0] =	vst.idx.add.s32.msk vm7, v9  }
0x568: {  	v20 =	vnsel vm5, $0x0, v19;
	v19 =	vsel vm6, $0xFFFFFFFF, v13;
	v27 =	vld [tilespmem:s0+$0xFFFFFFE0];
	v59 =	vshrl.u32 v26, $0x10  }
0x569: {  	v60 =	vand.u32 $0xFFFF, v26;
	vm8 =	veq.s32 v59, v15;
	vm6 =	vgt.s32 v21, $0xFFFFFFFF  }
0x56a: {  	v28 =	vshrl.u32 v21, $0x10;
	v31 =	vand.u32 $0xFFFF, v21;
	v22 =	vsel vm6, $0xFFFFFFFF, v13  }
0x56b: {  	vm5 =	veq.s32 v28, v15;
	vm6 =	vgt.s32 v26, $0xFFFFFFFF;
	v21 =	vxor.u32 v21, v22  }
0x56c: {  	[tilespmem:v25+s31+$0x0] =	vst.idx.add.s32.msk vm4, v9;
	v22 =	vadd.f32 v20, v24;
	v25 =	vsel vm6, $0xFFFFFFFF, v13;
	vm6 =	vgt.s32 v63, $0xFFFFFFFF  }
0x56d: {  	v24 =	vld [tilespmem:s2+$0x10];
	v61 =	vshrl.u32 v27, $0x10;
	vm3 =	vgt.s32 v27, $0xFFFFFFFF;
	v26 =	vxor.u32 v26, v25  }
0x56e: {  	vm7 =	veq.s32 v61, v15;
	vm4 =	vgt.u32 v61, v15;
	v20 =	vsel vm3, $0xFFFFFFFF, v13  }
0x56f: {  	v62 =	vand.u32 $0xFFFF, v27;
	vm3 =	vgt.u32 v59, v15;
	v20 =	vxor.u32 v27, v20;
	[tilespmem:v60+s31+$0x0] =	vst.idx.add.s32.msk vm8, v9  }
0x570: {  	vm8 =	vgt.u32 v55, v15;
	v32 =	vnsel vm4, $0x0, v20;
	vm4 =	vgt.u32 v28, v15;
	v28 =	vld [tilespmem:s2+$0xFFFFFFD0]  }
0x571: {  	[tilespmem:v31+s31+$0x0] =	vst.idx.add.s32.msk vm5, v9;
	v31 =	vadd.f32 v29, v30;
	v20 =	vnsel vm4, $0x0, v21;
	v21 =	vshrl.u32 v63, $0x10  }
0x572: {  	v30 =	vand.u32 $0xFFFF, v63;
	v27 =	vshrl.u32 v24, $0x10;
	v29 =	vld [tilespmem:s0+$0x30];
	vm5 =	veq.s32 v21, v15  }
0x573: {  	vm4 =	vgt.s32 v24, $0xFFFFFFFF;
	vm15 =	vgt.u32 v21, v15;
	v21 =	vsel vm6, $0xFFFFFFFF, v13  }
0x574: {  	v35 =	vand.u32 $0xFFFF, v24;
	vm6 =	veq.s32 v27, v15;
	v25 =	vxor.u32 v63, v21  }
0x575: {  	v21 =	vadd.f32 v32, v31;
	v32 =	vnsel vm8, $0x0, v58;
	v25 =	vnsel vm15, $0x0, v25  }
0x576: {  	[tilespmem:v56+s31+$0x0] =	vst.idx.add.s32.msk vm14, v9;
	v31 =	vshrl.u32 v28, $0x10;
	v34 =	vand.u32 $0xFFFF, v28;
	v33 =	vadd.f32 v25, v23  }
0x577: {  	s22 =	simm.s32 $0x41C0;
	s6 =	simm.s32 $0x4;
	[tilespmem:v62+s31+$0x0] =	vst.idx.add.s32.msk vm7, v9;
	vm7 =	veq.s32 v31, v15;
	v23 =	vshrl.u32 v29, $0x10;
	v25 =	vand.u32 $0xFFFF, v29  }
.LBB2_40:
0x578: {  	s6 =	sadd.s32 $0x2, s6;
	vm8 =	vgt.s32 v28, $0xFFFFFFFF;
	vm9 =	vgt.s32 v29, $0xFFFFFFFF;
	[tilespmem:v30+s31+$0x0] =	vst.idx.add.s32.msk vm5, v9;
	v33 =	vadd.f32 v32, v33  }
0x579: {  	vm5 =	vgt.u32 v31, v15;
	v30 =	vld [tilespmem:s22+$0x0];
	p1 =	slt.u32 s6, $0xFE;
	v31 =	vsel vm8, $0xFFFFFFFF, v13;
	v32 =	vsel vm9, $0xFFFFFFFF, v13  }
0x57a: {  	v28 =	vxor.u32 v28, v31;
	[tilespmem:v35+s31+$0x0] =	vst.idx.add.s32.msk vm6, v9;
	v31 =	vsel vm4, $0xFFFFFFFF, v13;
	v32 =	vxor.u32 v29, v32  }
0x57b: {  	v26 =	vnsel vm3, $0x0, v26;
	v28 =	vnsel vm5, $0x0, v28;
	v24 =	vxor.u32 v24, v31;
	v29 =	vld [tilespmem:s2+$0x20]  }
0x57c: {  	vm3 =	vgt.u32 v27, v15;
	v22 =	vadd.f32 v26, v22;
	v31 =	vld [tilespmem:s22+$0xFFFFFFC0];
	v18 =	vadd.f32 v28, v18  }
0x57d: {  	v19 =	vxor.u32 v16, v19;
	vm4 =	vgt.u32 v17, v15;
	v27 =	vnsel vm3, $0x0, v24;
	[tilespmem:v34+s31+$0x0] =	vst.idx.add.s32.msk vm7, v9  }
0x57e: {  	v17 =	vshrl.u32 v30, $0x10;
	v24 =	vand.u32 $0xFFFF, v30;
	v26 =	vld [tilespmem:s2+$0xFFFFFFE0];
	v18 =	vadd.f32 v27, v18;
	v16 =	vmovc v30  }
0x57f: {  	v27 =	vnsel vm4, $0x0, v19;
	vm3 =	veq.s32 v17, v15;
	vm5 =	vgt.s32 v16, $0xFFFFFFFF  }
0x580: {  	v19 =	vsel vm5, $0xFFFFFFFF, v13;
	v28 =	vshrl.u32 v29, $0x10;
	v30 =	vand.u32 $0xFFFF, v29  }
0x581: {  	vm5 =	vgt.s32 v29, $0xFFFFFFFF;
	v34 =	vshrl.u32 v31, $0x10;
	vm4 =	veq.s32 v28, v15  }
0x582: {  	v35 =	vand.u32 $0xFFFF, v31;
	v36 =	vsel vm5, $0xFFFFFFFF, v13;
	vm7 =	veq.s32 v34, v15  }
0x583: {  	v29 =	vxor.u32 v29, v36;
	v37 =	vshrl.u32 v26, $0x10;
	v38 =	vand.u32 $0xFFFF, v26  }
0x584: {  	v22 =	vadd.f32 v27, v22;
	vm5 =	vgt.s32 v26, $0xFFFFFFFF;
	vm6 =	veq.s32 v37, v15;
	v36 =	vld [tilespmem:s0+$0xFFFFFFF0];
	s0 =	smov.u32 s2;
	s2 =	smov.u32 s22  }
0x585: {  	vm8 =	vgt.s32 v31, $0xFFFFFFFF;
	vm9 =	vgt.u32 v37, v15;
	v27 =	vsel vm5, $0xFFFFFFFF, v13;
	[tilespmem:v24+s31+$0x0] =	vst.idx.add.s32.msk vm3, v9  }
0x586: {  	vm3 =	vgt.u32 v34, v15;
	v34 =	vsel vm8, $0xFFFFFFFF, v13;
	v26 =	vxor.u32 v26, v27;
	v24 =	vld [tilespmem:s22+$0x10]  }
0x587: {  	v21 =	vadd.f32 v20, v21;
	v37 =	vnsel vm9, $0x0, v26;
	[tilespmem:v30+s31+$0x0] =	vst.idx.add.s32.msk vm4, v9;
	vm4 =	vgt.u32 v28, v15  }
0x588: {  	v26 =	vxor.u32 v31, v34;
	[tilespmem:v35+s31+$0x0] =	vst.idx.add.s32.msk vm7, v9;
	v20 =	vnsel vm4, $0x0, v29;
	vm7 =	vgt.u32 v23, v15  }
0x589: {  	vm8 =	veq.s32 v23, v15;
	v28 =	vld [tilespmem:s22+$0xFFFFFFD0];
	v27 =	vshrl.u32 v36, $0x10;
	v30 =	vand.u32 $0xFFFF, v36  }
0x58a: {  	vm10 =	vgt.s32 v36, $0xFFFFFFFF;
	v29 =	vld [tilespmem:s0+$0x30];
	vm5 =	veq.s32 v27, v15;
	vm9 =	vgt.u32 v27, v15  }
.Ltmp21:
0x58b: {  	v23 =	vsel vm10, $0xFFFFFFFF, v13;
	v27 =	vshrl.u32 v24, $0x10;
	vm4 =	vgt.s32 v24, $0xFFFFFFFF;
	[tilespmem:v38+s31+$0x0] =	vst.idx.add.s32.msk vm6, v9;
	(pc) =	sbr.rel @p1 .LBB2_40-.Ltmp21, $4  }
0x58c: {  	v35 =	vand.u32 $0xFFFF, v24;
	v23 =	vxor.u32 v36, v23;
	vm6 =	veq.s32 v27, v15  }
0x58d: {  	v21 =	vadd.f32 v37, v21;
	v32 =	vnsel vm7, $0x0, v32;
	v23 =	vnsel vm9, $0x0, v23  }
0x58e: {  	v33 =	vadd.f32 v23, v33;
	v31 =	vshrl.u32 v28, $0x10;
	v34 =	vand.u32 $0xFFFF, v28  }
0x58f: {  	s22 =	sadd.s32 $0x80, s22;
	vm7 =	veq.s32 v31, v15;
	v23 =	vshrl.u32 v29, $0x10;
	[tilespmem:v25+s31+$0x0] =	vst.idx.add.s32.msk vm8, v9;
	v25 =	vand.u32 $0xFFFF, v29  }
0x590: {  	_ =	sdelay $0x4  }
0x591: {  	[tilespmem:v35+s31+$0x0] =	vst.idx.add.s32.msk vm6, v9  }
0x592: {  	[tilespmem:v34+s31+$0x0] =	vst.idx.add.s32.msk vm7, v9  }
0x593: {  	v35 =	vld [tilespmem:s2+$0x20]  }
0x594: {  	v34 =	vld [tilespmem:s2+$0xFFFFFFE0];
	_ =	sdelay $0x3  }
0x595: {  	v36 =	vshrl.u32 v35, $0x10  }
0x596: {  	v38 =	vshrl.u32 v34, $0x10;
	vm6 =	veq.s32 v36, v15  }
0x597: {  	v37 =	vand.u32 $0xFFFF, v35;
	vm7 =	veq.s32 v38, v15  }
0x598: {  	v39 =	vand.u32 $0xFFFF, v34;
	_ =	sdelay $0x2  }
0x599: {  	v40 =	vld [tilespmem:s0+$0xFFFFFFF0]  }
0x59a: {  	[tilespmem:v37+s31+$0x0] =	vst.idx.add.s32.msk vm6, v9  }
0x59b: {  	[tilespmem:v39+s31+$0x0] =	vst.idx.add.s32.msk vm7, v9  }
0x59c: {  	v37 =	vld [tilespmem:s2+$0x30]  }
0x59d: {  	v39 =	vld [tilespmem:s2+$0xFFFFFFF0];
	_ =	sdelay $0x2  }
0x59e: {  	v41 =	vshrl.u32 v40, $0x10;
	vm6 =	veq.s32 v23, v15  }
0x59f: {  	vm7 =	veq.s32 v41, v15;
	v42 =	vshrl.u32 v37, $0x10  }
0x5a0: {  	v43 =	vand.u32 $0xFFFF, v40;
	v44 =	vshrl.u32 v39, $0x10;
	vm8 =	veq.s32 v42, v15  }
0x5a1: {  	v45 =	vand.u32 $0xFFFF, v37;
	vm9 =	veq.s32 v44, v15  }
0x5a2: {  	v46 =	vand.u32 $0xFFFF, v39  }
0x5a3: {  	[tilespmem:v30+s31+$0x0] =	vst.idx.add.s32.msk vm5, v9  }
0x5a4: {  	[tilespmem:v25+s31+$0x0] =	vst.idx.add.s32.msk vm6, v9  }
0x5a5: {  	[tilespmem:v43+s31+$0x0] =	vst.idx.add.s32.msk vm7, v9  }
0x5a6: {  	[tilespmem:v45+s31+$0x0] =	vst.idx.add.s32.msk vm8, v9  }
0x5a7: {  	[tilespmem:v46+s31+$0x0] =	vst.idx.add.s32.msk vm9, v9  }
0x5a8: {  	[tilespmem:s3], [sflag:$0x2] =	stream.linear.gather [hbm4b:s30+s8], $0x4000, $0x200038;
	[tilespmem:$0x1B4F8] =	vst v63  }
0x5a9: {  	_ =	swait.ge [sflag:s7], $0x4000  }
0x5aa: {  	[sflag:s7] =	ssyncset.done $0x0  }
0x5ab: {  	s6 =	simm.s32 $0x40;
	[sflag:s7] =	ssyncadd.s32 $0xFFFFC000  }
0x5ac: {  	v25 =	vld [tilespmem:s6+$0x0];
	_ =	sdelay $0x1  }
0x5ad: {  	vm5 =	vgt.s32 v28, $0xFFFFFFFF  }
0x5ae: {  	v30 =	vadd.f32 v32, v33;
	v26 =	vnsel vm3, $0x0, v26;
	vm3 =	vgt.u32 v27, v15  }
0x5af: {  	v16 =	vxor.u32 v16, v19;
	v20 =	vadd.f32 v20, v21;
	v22 =	vadd.f32 v26, v22  }
0x5b0: {  	vm7 =	vgt.u32 v31, v15;
	v31 =	vsel vm5, $0xFFFFFFFF, v13;
	v46 =	vshrl.u32 v25, $0x10  }
0x5b1: {  	vm6 =	vgt.s32 v29, $0xFFFFFFFF;
	v28 =	vxor.u32 v28, v31;
	v48 =	vld [tilespmem:s6+$0xFFFFFFC0];
	vm5 =	veq.s32 v46, v15  }
0x5b2: {  	v31 =	vsel vm4, $0xFFFFFFFF, v13;
	v28 =	vnsel vm7, $0x0, v28;
	v49 =	vand.u32 $0xFFFF, v25  }
0x5b3: {  	v47 =	vsel vm6, $0xFFFFFFFF, v13;
	v24 =	vxor.u32 v24, v31;
	v18 =	vadd.f32 v28, v18  }
0x5b4: {  	vm4 =	vgt.u32 v17, v15;
	v29 =	vxor.u32 v29, v47;
	v17 =	vnsel vm3, $0x0, v24  }
0x5b5: {  	v16 =	vnsel vm4, $0x0, v16;
	vm3 =	vgt.s32 v35, $0xFFFFFFFF;
	v17 =	vadd.f32 v17, v18  }
0x5b6: {  	v18 =	vsel vm3, $0xFFFFFFFF, v13;
	vm3 =	vgt.s32 v34, $0xFFFFFFFF;
	v19 =	vshrl.u32 v48, $0x10  }
0x5b7: {  	vm4 =	vgt.u32 v36, v15;
	v24 =	vsel vm3, $0xFFFFFFFF, v13;
	vm3 =	veq.s32 v19, v15;
	[tilespmem:v49+s31+$0x0] =	vst.idx.add.s32.msk vm5, v9  }
0x5b8: {  	v24 =	vxor.u32 v34, v24;
	v27 =	vand.u32 $0xFFFF, v48;
	vm5 =	vgt.u32 v38, v15;
	v26 =	vld [tilespmem:s6+$0x10]  }
0x5b9: {  	v18 =	vxor.u32 v35, v18;
	v24 =	vnsel vm5, $0x0, v24;
	vm5 =	vgt.s32 v40, $0xFFFFFFFF  }
0x5ba: {  	v16 =	vadd.f32 v16, v22;
	v18 =	vnsel vm4, $0x0, v18;
	v21 =	vsel vm5, $0xFFFFFFFF, v13  }
0x5bb: {  	vm4 =	vgt.u32 v23, v15;
	vm5 =	vgt.u32 v41, v15;
	v21 =	vxor.u32 v40, v21  }
0x5bc: {  	v23 =	vnsel vm4, $0x0, v29;
	vm4 =	vgt.s32 v39, $0xFFFFFFFF;
	v21 =	vnsel vm5, $0x0, v21  }
0x5bd: {  	[tilespmem:v27+s31+$0x0] =	vst.idx.add.s32.msk vm3, v9;
	v27 =	vsel vm4, $0xFFFFFFFF, v13;
	v21 =	vadd.f32 v21, v30;
	v28 =	vshrl.u32 v26, $0x10  }
0x5be: {  	vm4 =	vgt.u32 v44, v15;
	v29 =	vld [tilespmem:s6+$0xFFFFFFD0];
	vm5 =	vgt.s32 v37, $0xFFFFFFFF;
	vm3 =	veq.s32 v28, v15  }
0x5bf: {  	v30 =	vand.u32 $0xFFFF, v26;
	v21 =	vadd.f32 v23, v21;
	v23 =	vxor.u32 v39, v27  }
0x5c0: {  	s0 =	simm.s32 $0xC0;
	v20 =	vadd.f32 v24, v20;
	v24 =	vsel vm5, $0xFFFFFFFF, v13;
	v23 =	vnsel vm4, $0x0, v23  }
0x5c1: {  	v22 =	vld [tilespmem:s0+$0x0];
	v24 =	vxor.u32 v37, v24;
	vm4 =	vgt.u32 v42, v15;
	v21 =	vadd.f32 v23, v21  }
0x5c2: {  	v18 =	vadd.f32 v18, v20;
	v20 =	vnsel vm4, $0x0, v24  }
0x5c3: {  	vm4 =	vgt.s32 v25, $0xFFFFFFFF;
	v23 =	vadd.f32 v20, v21;
	v20 =	vshrl.u32 v29, $0x10  }
0x5c4: {  	v21 =	vsel vm4, $0xFFFFFFFF, v13;
	vm4 =	veq.s32 v20, v15;
	[tilespmem:v30+s31+$0x0] =	vst.idx.add.s32.msk vm3, v9  }
0x5c5: {  	v27 =	vand.u32 $0xFFFF, v29;
	v30 =	vld [tilespmem:s0+$0xFFFFFFC0]  }
0x5c6: {  	v31 =	vshrl.u32 v22, $0x10;
	v50 =	vand.u32 $0xFFFF, v22;
	vm5 =	vgt.u32 v19, v15;
	v24 =	vld [tilespmem:s6+$0x20]  }
0x5c7: {  	vm6 =	vgt.s32 v29, $0xFFFFFFFF;
	vm7 =	vgt.u32 v20, v15;
	vm3 =	vgt.s32 v48, $0xFFFFFFFF  }
0x5c8: {  	v20 =	vsel vm6, $0xFFFFFFFF, v13;
	v19 =	vsel vm3, $0xFFFFFFFF, v13;
	vm3 =	vgt.s32 v26, $0xFFFFFFFF  }
0x5c9: {  	v20 =	vxor.u32 v29, v20;
	v29 =	vsel vm3, $0xFFFFFFFF, v13;
	vm3 =	veq.s32 v31, v15  }
0x5ca: {  	v20 =	vnsel vm7, $0x0, v20;
	v19 =	vxor.u32 v48, v19;
	[tilespmem:v27+s31+$0x0] =	vst.idx.add.s32.msk vm4, v9;
	v27 =	vshrl.u32 v30, $0x10  }
0x5cb: {  	v19 =	vnsel vm5, $0x0, v19;
	v51 =	vshrl.u32 v24, $0x10;
	vm5 =	veq.s32 v27, v15  }
0x5cc: {  	v17 =	vadd.f32 v20, v17;
	v20 =	vand.u32 $0xFFFF, v30;
	vm4 =	veq.s32 v51, v15  }
0x5cd: {  	v26 =	vxor.u32 v26, v29;
	v29 =	vld [tilespmem:s6+$0xFFFFFFE0];
	v52 =	vand.u32 $0xFFFF, v24  }
0x5ce: {  	vm6 =	vgt.u32 v28, v15;
	v21 =	vxor.u32 v25, v21;
	vm7 =	vgt.u32 v46, v15  }
0x5cf: {  	v16 =	vadd.f32 v19, v16;
	v19 =	vnsel vm6, $0x0, v26;
	vm6 =	vgt.s32 v24, $0xFFFFFFFF;
	[tilespmem:v50+s31+$0x0] =	vst.idx.add.s32.msk vm3, v9  }
0x5d0: {  	v17 =	vadd.f32 v19, v17;
	v19 =	vnsel vm7, $0x0, v21;
	v26 =	vsel vm6, $0xFFFFFFFF, v13;
	v21 =	vld [tilespmem:s0+$0x10]  }
0x5d1: {  	v19 =	vadd.f32 v19, v16;
	vm3 =	vgt.s32 v22, $0xFFFFFFFF;
	v24 =	vxor.u32 v24, v26;
	[tilespmem:v20+s31+$0x0] =	vst.idx.add.s32.msk vm5, v9  }
0x5d2: {  	v25 =	vsel vm3, $0xFFFFFFFF, v13;
	v28 =	vshrl.u32 v29, $0x10;
	v53 =	vand.u32 $0xFFFF, v29;
	[tilespmem:v52+s31+$0x0] =	vst.idx.add.s32.msk vm4, v9  }
0x5d3: {  	vm3 =	veq.s32 v28, v15;
	vm5 =	vgt.s32 v30, $0xFFFFFFFF;
	vm4 =	vgt.s32 v29, $0xFFFFFFFF;
	v20 =	vld [tilespmem:s0+$0xFFFFFFD0]  }
0x5d4: {  	vm6 =	vgt.u32 v28, v15;
	v16 =	vsel vm4, $0xFFFFFFFF, v13;
	vm4 =	vgt.u32 v27, v15  }
0x5d5: {  	v26 =	vld [tilespmem:s6+$0x30];
	v27 =	vsel vm5, $0xFFFFFFFF, v13;
	v28 =	vshrl.u32 v21, $0x10;
	vm5 =	vgt.u32 v51, v15  }
0x5d6: {  	v16 =	vxor.u32 v29, v16;
	v27 =	vxor.u32 v30, v27;
	v29 =	vnsel vm5, $0x0, v24  }
0x5d7: {  	v24 =	vand.u32 $0xFFFF, v21;
	v16 =	vnsel vm6, $0x0, v16;
	vm6 =	veq.s32 v28, v15  }
0x5d8: {  	vm5 =	vgt.s32 v21, $0xFFFFFFFF;
	v30 =	vadd.f32 v16, v18;
	v18 =	vshrl.u32 v20, $0x10  }
0x5d9: {  	s2 =	simm.s32 $0x140;
	v54 =	vand.u32 $0xFFFF, v20;
	vm8 =	vgt.s32 v20, $0xFFFFFFFF;
	vm7 =	veq.s32 v18, v15  }
0x5da: {  	v16 =	vld [tilespmem:s2+$0x0];
	v55 =	vshrl.u32 v26, $0x10;
	v56 =	vand.u32 $0xFFFF, v26;
	vm13 =	vgt.s32 v26, $0xFFFFFFFF  }
0x5db: {  	vm10 =	vgt.u32 v18, v15;
	v18 =	vsel vm8, $0xFFFFFFFF, v13;
	v57 =	vsel vm13, $0xFFFFFFFF, v13  }
0x5dc: {  	v18 =	vxor.u32 v20, v18;
	v20 =	vsel vm5, $0xFFFFFFFF, v13;
	v58 =	vxor.u32 v26, v57;
	v26 =	vld [tilespmem:s2+$0xFFFFFFC0]  }
0x5dd: {  	vm5 =	vgt.u32 v31, v15;
	vm14 =	veq.s32 v55, v15;
	v18 =	vnsel vm10, $0x0, v18;
	[tilespmem:v24+s31+$0x0] =	vst.idx.add.s32.msk vm6, v9  }
0x5de: {  	v20 =	vxor.u32 v21, v20;
	v24 =	vnsel vm4, $0x0, v27;
	v18 =	vadd.f32 v18, v17;
	v21 =	vld [tilespmem:s0+$0x20]  }
0x5df: {  	[tilespmem:v53+s31+$0x0] =	vst.idx.add.s32.msk vm3, v9;
	vm4 =	vgt.u32 v28, v15;
	v17 =	vshrl.u32 v16, $0x10;
	vm6 =	vgt.s32 v16, $0xFFFFFFFF  }
0x5e0: {  	v63 =	vld [tilespmem:s6+$0xFFFFFFF0];
	v24 =	vadd.f32 v24, v19;
	v20 =	vnsel vm4, $0x0, v20;
	vm4 =	veq.s32 v17, v15  }
0x5e1: {  	v19 =	vxor.u32 v22, v25;
	v25 =	vand.u32 $0xFFFF, v16;
	v18 =	vadd.f32 v20, v18;
	[tilespmem:v54+s31+$0x0] =	vst.idx.add.s32.msk vm7, v9  }
0x5e2: {  	v20 =	vnsel vm5, $0x0, v19;
	v19 =	vsel vm6, $0xFFFFFFFF, v13;
	v27 =	vld [tilespmem:s0+$0xFFFFFFE0];
	v59 =	vshrl.u32 v26, $0x10  }
0x5e3: {  	v60 =	vand.u32 $0xFFFF, v26;
	vm8 =	veq.s32 v59, v15;
	vm6 =	vgt.s32 v21, $0xFFFFFFFF  }
0x5e4: {  	v28 =	vshrl.u32 v21, $0x10;
	v31 =	vand.u32 $0xFFFF, v21;
	v22 =	vsel vm6, $0xFFFFFFFF, v13  }
0x5e5: {  	vm5 =	veq.s32 v28, v15;
	vm6 =	vgt.s32 v26, $0xFFFFFFFF;
	v21 =	vxor.u32 v21, v22  }
0x5e6: {  	[tilespmem:v25+s31+$0x0] =	vst.idx.add.s32.msk vm4, v9;
	v22 =	vadd.f32 v20, v24;
	v25 =	vsel vm6, $0xFFFFFFFF, v13;
	vm6 =	vgt.s32 v63, $0xFFFFFFFF  }
0x5e7: {  	v24 =	vld [tilespmem:s2+$0x10];
	v61 =	vshrl.u32 v27, $0x10;
	vm3 =	vgt.s32 v27, $0xFFFFFFFF;
	v26 =	vxor.u32 v26, v25  }
0x5e8: {  	vm7 =	veq.s32 v61, v15;
	vm4 =	vgt.u32 v61, v15;
	v20 =	vsel vm3, $0xFFFFFFFF, v13  }
0x5e9: {  	v62 =	vand.u32 $0xFFFF, v27;
	vm3 =	vgt.u32 v59, v15;
	v20 =	vxor.u32 v27, v20;
	[tilespmem:v60+s31+$0x0] =	vst.idx.add.s32.msk vm8, v9  }
0x5ea: {  	vm8 =	vgt.u32 v55, v15;
	v32 =	vnsel vm4, $0x0, v20;
	vm4 =	vgt.u32 v28, v15;
	v28 =	vld [tilespmem:s2+$0xFFFFFFD0]  }
0x5eb: {  	[tilespmem:v31+s31+$0x0] =	vst.idx.add.s32.msk vm5, v9;
	v31 =	vadd.f32 v29, v30;
	v20 =	vnsel vm4, $0x0, v21;
	v21 =	vshrl.u32 v63, $0x10  }
0x5ec: {  	v30 =	vand.u32 $0xFFFF, v63;
	v27 =	vshrl.u32 v24, $0x10;
	v29 =	vld [tilespmem:s0+$0x30];
	vm5 =	veq.s32 v21, v15  }
0x5ed: {  	vm4 =	vgt.s32 v24, $0xFFFFFFFF;
	vm15 =	vgt.u32 v21, v15;
	v21 =	vsel vm6, $0xFFFFFFFF, v13  }
0x5ee: {  	v35 =	vand.u32 $0xFFFF, v24;
	vm6 =	veq.s32 v27, v15;
	v25 =	vxor.u32 v63, v21  }
0x5ef: {  	v21 =	vadd.f32 v32, v31;
	v32 =	vnsel vm8, $0x0, v58;
	v25 =	vnsel vm15, $0x0, v25  }
0x5f0: {  	[tilespmem:v56+s31+$0x0] =	vst.idx.add.s32.msk vm14, v9;
	v31 =	vshrl.u32 v28, $0x10;
	v34 =	vand.u32 $0xFFFF, v28;
	v33 =	vadd.f32 v25, v23  }
0x5f1: {  	s22 =	simm.s32 $0x1C0;
	s6 =	simm.s32 $0x4;
	[tilespmem:v62+s31+$0x0] =	vst.idx.add.s32.msk vm7, v9;
	vm7 =	veq.s32 v31, v15;
	v23 =	vshrl.u32 v29, $0x10;
	v25 =	vand.u32 $0xFFFF, v29  }
.LBB2_42:
0x5f2: {  	s6 =	sadd.s32 $0x2, s6;
	vm8 =	vgt.s32 v28, $0xFFFFFFFF;
	vm9 =	vgt.s32 v29, $0xFFFFFFFF;
	[tilespmem:v30+s31+$0x0] =	vst.idx.add.s32.msk vm5, v9;
	v33 =	vadd.f32 v32, v33  }
0x5f3: {  	vm5 =	vgt.u32 v31, v15;
	v30 =	vld [tilespmem:s22+$0x0];
	p1 =	slt.u32 s6, $0xFE;
	v31 =	vsel vm8, $0xFFFFFFFF, v13;
	v32 =	vsel vm9, $0xFFFFFFFF, v13  }
0x5f4: {  	v28 =	vxor.u32 v28, v31;
	[tilespmem:v35+s31+$0x0] =	vst.idx.add.s32.msk vm6, v9;
	v31 =	vsel vm4, $0xFFFFFFFF, v13;
	v32 =	vxor.u32 v29, v32  }
0x5f5: {  	v26 =	vnsel vm3, $0x0, v26;
	v28 =	vnsel vm5, $0x0, v28;
	v24 =	vxor.u32 v24, v31;
	v29 =	vld [tilespmem:s2+$0x20]  }
0x5f6: {  	vm3 =	vgt.u32 v27, v15;
	v22 =	vadd.f32 v26, v22;
	v31 =	vld [tilespmem:s22+$0xFFFFFFC0];
	v18 =	vadd.f32 v28, v18  }
0x5f7: {  	v19 =	vxor.u32 v16, v19;
	vm4 =	vgt.u32 v17, v15;
	v27 =	vnsel vm3, $0x0, v24;
	[tilespmem:v34+s31+$0x0] =	vst.idx.add.s32.msk vm7, v9  }
0x5f8: {  	v17 =	vshrl.u32 v30, $0x10;
	v24 =	vand.u32 $0xFFFF, v30;
	v26 =	vld [tilespmem:s2+$0xFFFFFFE0];
	v18 =	vadd.f32 v27, v18;
	v16 =	vmovc v30  }
0x5f9: {  	v27 =	vnsel vm4, $0x0, v19;
	vm3 =	veq.s32 v17, v15;
	vm5 =	vgt.s32 v16, $0xFFFFFFFF  }
0x5fa: {  	v19 =	vsel vm5, $0xFFFFFFFF, v13;
	v28 =	vshrl.u32 v29, $0x10;
	v30 =	vand.u32 $0xFFFF, v29  }
0x5fb: {  	vm5 =	vgt.s32 v29, $0xFFFFFFFF;
	v34 =	vshrl.u32 v31, $0x10;
	vm4 =	veq.s32 v28, v15  }
0x5fc: {  	v35 =	vand.u32 $0xFFFF, v31;
	v36 =	vsel vm5, $0xFFFFFFFF, v13;
	vm7 =	veq.s32 v34, v15  }
0x5fd: {  	v29 =	vxor.u32 v29, v36;
	v37 =	vshrl.u32 v26, $0x10;
	v38 =	vand.u32 $0xFFFF, v26  }
0x5fe: {  	v22 =	vadd.f32 v27, v22;
	vm5 =	vgt.s32 v26, $0xFFFFFFFF;
	vm6 =	veq.s32 v37, v15;
	v36 =	vld [tilespmem:s0+$0xFFFFFFF0];
	s0 =	smov.u32 s2;
	s2 =	smov.u32 s22  }
0x5ff: {  	vm8 =	vgt.s32 v31, $0xFFFFFFFF;
	vm9 =	vgt.u32 v37, v15;
	v27 =	vsel vm5, $0xFFFFFFFF, v13;
	[tilespmem:v24+s31+$0x0] =	vst.idx.add.s32.msk vm3, v9  }
0x600: {  	vm3 =	vgt.u32 v34, v15;
	v34 =	vsel vm8, $0xFFFFFFFF, v13;
	v26 =	vxor.u32 v26, v27;
	v24 =	vld [tilespmem:s22+$0x10]  }
0x601: {  	v21 =	vadd.f32 v20, v21;
	v37 =	vnsel vm9, $0x0, v26;
	[tilespmem:v30+s31+$0x0] =	vst.idx.add.s32.msk vm4, v9;
	vm4 =	vgt.u32 v28, v15  }
0x602: {  	v26 =	vxor.u32 v31, v34;
	[tilespmem:v35+s31+$0x0] =	vst.idx.add.s32.msk vm7, v9;
	v20 =	vnsel vm4, $0x0, v29;
	vm7 =	vgt.u32 v23, v15  }
0x603: {  	vm8 =	veq.s32 v23, v15;
	v28 =	vld [tilespmem:s22+$0xFFFFFFD0];
	v27 =	vshrl.u32 v36, $0x10;
	v30 =	vand.u32 $0xFFFF, v36  }
0x604: {  	vm10 =	vgt.s32 v36, $0xFFFFFFFF;
	v29 =	vld [tilespmem:s0+$0x30];
	vm5 =	veq.s32 v27, v15;
	vm9 =	vgt.u32 v27, v15  }
.Ltmp22:
0x605: {  	v23 =	vsel vm10, $0xFFFFFFFF, v13;
	v27 =	vshrl.u32 v24, $0x10;
	vm4 =	vgt.s32 v24, $0xFFFFFFFF;
	[tilespmem:v38+s31+$0x0] =	vst.idx.add.s32.msk vm6, v9;
	(pc) =	sbr.rel @p1 .LBB2_42-.Ltmp22, $4  }
0x606: {  	v35 =	vand.u32 $0xFFFF, v24;
	v23 =	vxor.u32 v36, v23;
	vm6 =	veq.s32 v27, v15  }
0x607: {  	v21 =	vadd.f32 v37, v21;
	v32 =	vnsel vm7, $0x0, v32;
	v23 =	vnsel vm9, $0x0, v23  }
0x608: {  	v33 =	vadd.f32 v23, v33;
	v31 =	vshrl.u32 v28, $0x10;
	v34 =	vand.u32 $0xFFFF, v28  }
0x609: {  	s22 =	sadd.s32 $0x80, s22;
	vm7 =	veq.s32 v31, v15;
	v23 =	vshrl.u32 v29, $0x10;
	[tilespmem:v25+s31+$0x0] =	vst.idx.add.s32.msk vm8, v9;
	v25 =	vand.u32 $0xFFFF, v29  }
0x60a: {  	_ =	sdelay $0x4  }
0x60b: {  	[tilespmem:v35+s31+$0x0] =	vst.idx.add.s32.msk vm6, v9  }
0x60c: {  	[tilespmem:v34+s31+$0x0] =	vst.idx.add.s32.msk vm7, v9  }
0x60d: {  	v35 =	vld [tilespmem:s2+$0x20]  }
0x60e: {  	v34 =	vld [tilespmem:s2+$0xFFFFFFE0];
	_ =	sdelay $0x3  }
0x60f: {  	v36 =	vshrl.u32 v35, $0x10  }
0x610: {  	v38 =	vshrl.u32 v34, $0x10;
	vm6 =	veq.s32 v36, v15  }
0x611: {  	v37 =	vand.u32 $0xFFFF, v35;
	vm7 =	veq.s32 v38, v15  }
0x612: {  	v39 =	vand.u32 $0xFFFF, v34;
	_ =	sdelay $0x2  }
0x613: {  	v40 =	vld [tilespmem:s0+$0xFFFFFFF0]  }
0x614: {  	[tilespmem:v37+s31+$0x0] =	vst.idx.add.s32.msk vm6, v9  }
0x615: {  	[tilespmem:v39+s31+$0x0] =	vst.idx.add.s32.msk vm7, v9  }
0x616: {  	v37 =	vld [tilespmem:s2+$0x30]  }
0x617: {  	v39 =	vld [tilespmem:s2+$0xFFFFFFF0];
	_ =	sdelay $0x2  }
0x618: {  	v41 =	vshrl.u32 v40, $0x10;
	vm6 =	veq.s32 v23, v15  }
0x619: {  	vm7 =	veq.s32 v41, v15;
	v42 =	vshrl.u32 v37, $0x10  }
0x61a: {  	v43 =	vand.u32 $0xFFFF, v40;
	v44 =	vshrl.u32 v39, $0x10;
	vm8 =	veq.s32 v42, v15  }
0x61b: {  	v45 =	vand.u32 $0xFFFF, v37;
	vm9 =	veq.s32 v44, v15  }
0x61c: {  	v46 =	vand.u32 $0xFFFF, v39  }
0x61d: {  	[tilespmem:v30+s31+$0x0] =	vst.idx.add.s32.msk vm5, v9  }
0x61e: {  	[tilespmem:v25+s31+$0x0] =	vst.idx.add.s32.msk vm6, v9  }
0x61f: {  	[tilespmem:v43+s31+$0x0] =	vst.idx.add.s32.msk vm7, v9  }
0x620: {  	[tilespmem:v45+s31+$0x0] =	vst.idx.add.s32.msk vm8, v9  }
0x621: {  	[tilespmem:v46+s31+$0x0] =	vst.idx.add.s32.msk vm9, v9  }
0x622: {  	_ =	swait.ge [sflag:s10], $0x4000  }
0x623: {  	[sflag:s10] =	ssyncset.done $0x0  }
0x624: {  	s6 =	simm.s32 $0x4040;
	[sflag:s10] =	ssyncadd.s32 $0xFFFFC000  }
0x625: {  	v25 =	vld [tilespmem:s6+$0x0];
	_ =	sdelay $0x2  }
0x626: {  	vm5 =	vgt.s32 v28, $0xFFFFFFFF;
	v30 =	vadd.f32 v32, v33;
	v26 =	vnsel vm3, $0x0, v26  }
0x627: {  	vm3 =	vgt.u32 v27, v15;
	v16 =	vxor.u32 v16, v19;
	v20 =	vadd.f32 v20, v21  }
0x628: {  	vm7 =	vgt.u32 v31, v15;
	v31 =	vsel vm5, $0xFFFFFFFF, v13;
	v63 =	vshrl.u32 v25, $0x10  }
0x629: {  	v22 =	vadd.f32 v26, v22;
	v28 =	vxor.u32 v28, v31;
	v46 =	vld [tilespmem:s6+$0xFFFFFFC0];
	vm5 =	veq.s32 v63, v15  }
0x62a: {  	v31 =	vsel vm4, $0xFFFFFFFF, v13;
	v28 =	vnsel vm7, $0x0, v28;
	v47 =	vand.u32 $0xFFFF, v25  }
0x62b: {  	vm4 =	vgt.u32 v17, v15;
	v24 =	vxor.u32 v24, v31;
	v18 =	vadd.f32 v28, v18  }
0x62c: {  	vm6 =	vgt.s32 v29, $0xFFFFFFFF;
	v16 =	vnsel vm4, $0x0, v16;
	v17 =	vnsel vm3, $0x0, v24  }
0x62d: {  	vm4 =	vgt.u32 v36, v15;
	vm3 =	vgt.s32 v35, $0xFFFFFFFF;
	v17 =	vadd.f32 v17, v18  }
0x62e: {  	v18 =	vsel vm3, $0xFFFFFFFF, v13;
	vm3 =	vgt.s32 v34, $0xFFFFFFFF;
	v19 =	vshrl.u32 v46, $0x10  }
0x62f: {  	v18 =	vxor.u32 v35, v18;
	v24 =	vsel vm3, $0xFFFFFFFF, v13;
	vm3 =	veq.s32 v19, v15;
	[tilespmem:v47+s31+$0x0] =	vst.idx.add.s32.msk vm5, v9  }
0x630: {  	v24 =	vxor.u32 v34, v24;
	v27 =	vand.u32 $0xFFFF, v46;
	vm5 =	vgt.u32 v38, v15;
	v26 =	vld [tilespmem:s6+$0x10]  }
0x631: {  	v45 =	vsel vm6, $0xFFFFFFFF, v13;
	v24 =	vnsel vm5, $0x0, v24;
	vm5 =	vgt.s32 v40, $0xFFFFFFFF  }
0x632: {  	v18 =	vnsel vm4, $0x0, v18;
	vm4 =	vgt.u32 v23, v15;
	v21 =	vsel vm5, $0xFFFFFFFF, v13  }
0x633: {  	v29 =	vxor.u32 v29, v45;
	vm5 =	vgt.u32 v41, v15;
	v21 =	vxor.u32 v40, v21  }
0x634: {  	v23 =	vnsel vm4, $0x0, v29;
	vm4 =	vgt.s32 v39, $0xFFFFFFFF;
	v21 =	vnsel vm5, $0x0, v21  }
0x635: {  	[tilespmem:v27+s31+$0x0] =	vst.idx.add.s32.msk vm3, v9;
	v27 =	vsel vm4, $0xFFFFFFFF, v13;
	v21 =	vadd.f32 v21, v30;
	v28 =	vshrl.u32 v26, $0x10  }
0x636: {  	vm4 =	vgt.u32 v44, v15;
	v29 =	vld [tilespmem:s6+$0xFFFFFFD0];
	vm5 =	vgt.s32 v37, $0xFFFFFFFF;
	vm3 =	veq.s32 v28, v15  }
0x637: {  	v30 =	vand.u32 $0xFFFF, v26;
	v21 =	vadd.f32 v23, v21;
	v23 =	vxor.u32 v39, v27  }
0x638: {  	v20 =	vadd.f32 v24, v20;
	v24 =	vsel vm5, $0xFFFFFFFF, v13;
	v23 =	vnsel vm4, $0x0, v23  }
0x639: {  	s0 =	simm.s32 $0x40C0;
	v24 =	vxor.u32 v37, v24;
	vm4 =	vgt.u32 v42, v15;
	v21 =	vadd.f32 v23, v21  }
0x63a: {  	v16 =	vadd.f32 v16, v22;
	v18 =	vadd.f32 v18, v20;
	v20 =	vnsel vm4, $0x0, v24;
	v23 =	vld [tilespmem:s0+$0x0]  }
0x63b: {  	vm4 =	vgt.s32 v25, $0xFFFFFFFF;
	v22 =	vadd.f32 v20, v21;
	v20 =	vshrl.u32 v29, $0x10  }
0x63c: {  	v21 =	vsel vm4, $0xFFFFFFFF, v13;
	vm4 =	veq.s32 v20, v15;
	[tilespmem:v30+s31+$0x0] =	vst.idx.add.s32.msk vm3, v9  }
0x63d: {  	vm5 =	vgt.u32 v19, v15;
	vm6 =	vgt.s32 v29, $0xFFFFFFFF;
	v27 =	vand.u32 $0xFFFF, v29;
	v30 =	vld [tilespmem:s0+$0xFFFFFFC0]  }
0x63e: {  	vm7 =	vgt.u32 v20, v15;
	v20 =	vsel vm6, $0xFFFFFFFF, v13;
	vm3 =	vgt.s32 v46, $0xFFFFFFFF;
	v24 =	vld [tilespmem:s6+$0x20]  }
0x63f: {  	v19 =	vsel vm3, $0xFFFFFFFF, v13;
	vm3 =	vgt.s32 v26, $0xFFFFFFFF;
	v31 =	vshrl.u32 v23, $0x10  }
0x640: {  	v20 =	vxor.u32 v29, v20;
	v29 =	vsel vm3, $0xFFFFFFFF, v13;
	vm3 =	veq.s32 v31, v15  }
0x641: {  	vm6 =	vgt.u32 v28, v15;
	v48 =	vand.u32 $0xFFFF, v23;
	v20 =	vnsel vm7, $0x0, v20  }
0x642: {  	v19 =	vxor.u32 v46, v19;
	v17 =	vadd.f32 v20, v17;
	[tilespmem:v27+s31+$0x0] =	vst.idx.add.s32.msk vm4, v9;
	v27 =	vshrl.u32 v30, $0x10  }
0x643: {  	v19 =	vnsel vm5, $0x0, v19;
	v49 =	vshrl.u32 v24, $0x10;
	vm5 =	veq.s32 v27, v15  }
0x644: {  	v26 =	vxor.u32 v26, v29;
	v20 =	vand.u32 $0xFFFF, v30;
	v29 =	vld [tilespmem:s6+$0xFFFFFFE0];
	vm4 =	veq.s32 v49, v15  }
0x645: {  	v21 =	vxor.u32 v25, v21;
	vm7 =	vgt.u32 v63, v15;
	v50 =	vand.u32 $0xFFFF, v24  }
0x646: {  	v16 =	vadd.f32 v19, v16;
	v19 =	vnsel vm6, $0x0, v26;
	vm6 =	vgt.s32 v24, $0xFFFFFFFF;
	[tilespmem:v48+s31+$0x0] =	vst.idx.add.s32.msk vm3, v9  }
0x647: {  	v17 =	vadd.f32 v19, v17;
	v19 =	vnsel vm7, $0x0, v21;
	v26 =	vsel vm6, $0xFFFFFFFF, v13;
	v21 =	vld [tilespmem:s0+$0x10]  }
0x648: {  	v19 =	vadd.f32 v19, v16;
	vm3 =	vgt.s32 v23, $0xFFFFFFFF;
	v24 =	vxor.u32 v24, v26  }
0x649: {  	v25 =	vsel vm3, $0xFFFFFFFF, v13;
	v28 =	vshrl.u32 v29, $0x10;
	v51 =	vand.u32 $0xFFFF, v29;
	[tilespmem:v20+s31+$0x0] =	vst.idx.add.s32.msk vm5, v9  }
0x64a: {  	vm3 =	veq.s32 v28, v15;
	vm5 =	vgt.s32 v30, $0xFFFFFFFF;
	[tilespmem:v50+s31+$0x0] =	vst.idx.add.s32.msk vm4, v9;
	vm4 =	vgt.s32 v29, $0xFFFFFFFF  }
0x64b: {  	vm6 =	vgt.u32 v28, v15;
	v20 =	vld [tilespmem:s0+$0xFFFFFFD0];
	v16 =	vsel vm4, $0xFFFFFFFF, v13;
	vm4 =	vgt.u32 v27, v15  }
0x64c: {  	v27 =	vsel vm5, $0xFFFFFFFF, v13;
	v28 =	vshrl.u32 v21, $0x10;
	vm5 =	vgt.u32 v49, v15  }
0x64d: {  	v26 =	vld [tilespmem:s6+$0x30];
	v16 =	vxor.u32 v29, v16;
	v27 =	vxor.u32 v30, v27;
	v29 =	vnsel vm5, $0x0, v24  }
0x64e: {  	v24 =	vand.u32 $0xFFFF, v21;
	v16 =	vnsel vm6, $0x0, v16;
	vm6 =	veq.s32 v28, v15  }
0x64f: {  	vm5 =	vgt.s32 v21, $0xFFFFFFFF;
	v27 =	vnsel vm4, $0x0, v27;
	vm4 =	vgt.u32 v28, v15  }
0x650: {  	v18 =	vadd.f32 v16, v18;
	v27 =	vadd.f32 v27, v19;
	v30 =	vshrl.u32 v20, $0x10  }
0x651: {  	s2 =	simm.s32 $0x4140;
	v52 =	vand.u32 $0xFFFF, v20;
	vm8 =	vgt.s32 v20, $0xFFFFFFFF;
	vm7 =	veq.s32 v30, v15  }
0x652: {  	v16 =	vld [tilespmem:s2+$0x0];
	v53 =	vshrl.u32 v26, $0x10;
	vm10 =	vgt.u32 v30, v15;
	v30 =	vsel vm8, $0xFFFFFFFF, v13  }
0x653: {  	v54 =	vand.u32 $0xFFFF, v26;
	vm13 =	vgt.s32 v26, $0xFFFFFFFF;
	v20 =	vxor.u32 v20, v30;
	v30 =	vld [tilespmem:s2+$0xFFFFFFC0]  }
0x654: {  	v55 =	vsel vm13, $0xFFFFFFFF, v13;
	vm14 =	veq.s32 v53, v15;
	[tilespmem:v24+s31+$0x0] =	vst.idx.add.s32.msk vm6, v9;
	v24 =	vsel vm5, $0xFFFFFFFF, v13  }
0x655: {  	v26 =	vxor.u32 v26, v55;
	v20 =	vnsel vm10, $0x0, v20;
	v21 =	vxor.u32 v21, v24;
	v24 =	vld [tilespmem:s0+$0x20]  }
0x656: {  	v19 =	vadd.f32 v20, v17;
	vm5 =	vgt.u32 v31, v15;
	v20 =	vxor.u32 v23, v25  }
0x657: {  	v17 =	vshrl.u32 v16, $0x10;
	v25 =	vand.u32 $0xFFFF, v16;
	v21 =	vnsel vm4, $0x0, v21;
	[tilespmem:v52+s31+$0x0] =	vst.idx.add.s32.msk vm7, v9  }
0x658: {  	vm6 =	vgt.s32 v16, $0xFFFFFFFF;
	vm4 =	veq.s32 v17, v15;
	v19 =	vadd.f32 v21, v19;
	v28 =	vld [tilespmem:s0+$0xFFFFFFE0]  }
0x659: {  	v21 =	vnsel vm5, $0x0, v20;
	v20 =	vsel vm6, $0xFFFFFFFF, v13;
	v57 =	vshrl.u32 v30, $0x10  }
0x65a: {  	v58 =	vand.u32 $0xFFFF, v30;
	vm8 =	veq.s32 v57, v15;
	vm6 =	vgt.s32 v24, $0xFFFFFFFF  }
0x65b: {  	v31 =	vshrl.u32 v24, $0x10;
	v56 =	vand.u32 $0xFFFF, v24;
	v23 =	vsel vm6, $0xFFFFFFFF, v13  }
0x65c: {  	[tilespmem:v51+s31+$0x0] =	vst.idx.add.s32.msk vm3, v9;
	vm5 =	veq.s32 v31, v15;
	vm6 =	vgt.s32 v30, $0xFFFFFFFF;
	v61 =	vxor.u32 v24, v23  }
0x65d: {  	v23 =	vadd.f32 v21, v27;
	v21 =	vld [tilespmem:s6+$0xFFFFFFF0];
	v27 =	vsel vm6, $0xFFFFFFFF, v13;
	vm3 =	vgt.s32 v28, $0xFFFFFFFF  }
0x65e: {  	[tilespmem:v25+s31+$0x0] =	vst.idx.add.s32.msk vm4, v9;
	v59 =	vshrl.u32 v28, $0x10;
	v60 =	vand.u32 $0xFFFF, v28;
	v25 =	vsel vm3, $0xFFFFFFFF, v13  }
0x65f: {  	v24 =	vld [tilespmem:s2+$0x10];
	vm7 =	veq.s32 v59, v15;
	vm4 =	vgt.u32 v59, v15;
	v25 =	vxor.u32 v28, v25  }
0x660: {  	vm3 =	vgt.u32 v57, v15;
	[tilespmem:v58+s31+$0x0] =	vst.idx.add.s32.msk vm8, v9;
	vm8 =	vgt.u32 v53, v15;
	v62 =	vnsel vm4, $0x0, v25  }
0x661: {  	v28 =	vld [tilespmem:s2+$0xFFFFFFD0];
	vm4 =	vgt.u32 v31, v15;
	v31 =	vadd.f32 v29, v18;
	v25 =	vxor.u32 v30, v27  }
0x662: {  	[tilespmem:v56+s31+$0x0] =	vst.idx.add.s32.msk vm5, v9;
	v18 =	vnsel vm4, $0x0, v61;
	v27 =	vshrl.u32 v21, $0x10;
	v32 =	vand.u32 $0xFFFF, v21  }
0x663: {  	vm6 =	vgt.s32 v21, $0xFFFFFFFF;
	v29 =	vld [tilespmem:s0+$0x30];
	vm5 =	veq.s32 v27, v15;
	vm15 =	vgt.u32 v27, v15  }
0x664: {  	v27 =	vshrl.u32 v24, $0x10;
	vm4 =	vgt.s32 v24, $0xFFFFFFFF;
	v30 =	vsel vm6, $0xFFFFFFFF, v13  }
0x665: {  	v35 =	vand.u32 $0xFFFF, v24;
	vm6 =	veq.s32 v27, v15;
	v30 =	vxor.u32 v21, v30  }
0x666: {  	v21 =	vadd.f32 v62, v31;
	v31 =	vnsel vm8, $0x0, v26;
	v63 =	vnsel vm15, $0x0, v30  }
0x667: {  	[tilespmem:v54+s31+$0x0] =	vst.idx.add.s32.msk vm14, v9;
	v30 =	vshrl.u32 v28, $0x10;
	v34 =	vand.u32 $0xFFFF, v28;
	v33 =	vadd.f32 v63, v22  }
0x668: {  	s22 =	simm.s32 $0x41C0;
	s6 =	simm.s32 $0x4;
	[tilespmem:v60+s31+$0x0] =	vst.idx.add.s32.msk vm7, v9;
	vm7 =	veq.s32 v30, v15;
	v22 =	vshrl.u32 v29, $0x10;
	v26 =	vand.u32 $0xFFFF, v29  }
.LBB2_44:
0x669: {  	s6 =	sadd.s32 $0x2, s6;
	vm8 =	vgt.s32 v28, $0xFFFFFFFF;
	vm9 =	vgt.s32 v29, $0xFFFFFFFF;
	[tilespmem:v32+s31+$0x0] =	vst.idx.add.s32.msk vm5, v9;
	v33 =	vadd.f32 v31, v33  }
0x66a: {  	vm5 =	vgt.u32 v30, v15;
	v31 =	vld [tilespmem:s22+$0x0];
	p1 =	slt.u32 s6, $0xFE;
	v30 =	vsel vm8, $0xFFFFFFFF, v13;
	v32 =	vsel vm9, $0xFFFFFFFF, v13  }
0x66b: {  	v28 =	vxor.u32 v28, v30;
	[tilespmem:v35+s31+$0x0] =	vst.idx.add.s32.msk vm6, v9;
	v30 =	vsel vm4, $0xFFFFFFFF, v13;
	v36 =	vxor.u32 v29, v32  }
0x66c: {  	v25 =	vnsel vm3, $0x0, v25;
	v28 =	vnsel vm5, $0x0, v28;
	v24 =	vxor.u32 v24, v30;
	v29 =	vld [tilespmem:s2+$0x20]  }
0x66d: {  	vm3 =	vgt.u32 v27, v15;
	v23 =	vadd.f32 v25, v23;
	v30 =	vld [tilespmem:s22+$0xFFFFFFC0];
	v19 =	vadd.f32 v28, v19  }
0x66e: {  	v20 =	vxor.u32 v16, v20;
	vm4 =	vgt.u32 v17, v15;
	v27 =	vnsel vm3, $0x0, v24;
	[tilespmem:v34+s31+$0x0] =	vst.idx.add.s32.msk vm7, v9  }
0x66f: {  	v17 =	vshrl.u32 v31, $0x10;
	v24 =	vand.u32 $0xFFFF, v31;
	v25 =	vld [tilespmem:s2+$0xFFFFFFE0];
	v19 =	vadd.f32 v27, v19;
	v16 =	vmovc v31  }
0x670: {  	v27 =	vnsel vm4, $0x0, v20;
	vm3 =	veq.s32 v17, v15;
	vm5 =	vgt.s32 v16, $0xFFFFFFFF  }
0x671: {  	v20 =	vsel vm5, $0xFFFFFFFF, v13;
	v28 =	vshrl.u32 v29, $0x10;
	v31 =	vand.u32 $0xFFFF, v29  }
0x672: {  	vm5 =	vgt.s32 v29, $0xFFFFFFFF;
	v32 =	vshrl.u32 v30, $0x10;
	vm4 =	veq.s32 v28, v15  }
0x673: {  	v34 =	vand.u32 $0xFFFF, v30;
	v35 =	vsel vm5, $0xFFFFFFFF, v13;
	vm7 =	veq.s32 v32, v15  }
0x674: {  	v29 =	vxor.u32 v29, v35;
	v37 =	vshrl.u32 v25, $0x10;
	v38 =	vand.u32 $0xFFFF, v25  }
0x675: {  	v23 =	vadd.f32 v27, v23;
	vm5 =	vgt.s32 v25, $0xFFFFFFFF;
	vm6 =	veq.s32 v37, v15;
	v39 =	vld [tilespmem:s0+$0xFFFFFFF0];
	s0 =	smov.u32 s2;
	s2 =	smov.u32 s22  }
0x676: {  	vm8 =	vgt.s32 v30, $0xFFFFFFFF;
	vm9 =	vgt.u32 v37, v15;
	v27 =	vsel vm5, $0xFFFFFFFF, v13;
	[tilespmem:v24+s31+$0x0] =	vst.idx.add.s32.msk vm3, v9  }
0x677: {  	vm3 =	vgt.u32 v32, v15;
	v32 =	vsel vm8, $0xFFFFFFFF, v13;
	v25 =	vxor.u32 v25, v27;
	v24 =	vld [tilespmem:s22+$0x10]  }
0x678: {  	v21 =	vadd.f32 v18, v21;
	v37 =	vnsel vm9, $0x0, v25;
	[tilespmem:v31+s31+$0x0] =	vst.idx.add.s32.msk vm4, v9;
	vm4 =	vgt.u32 v28, v15  }
0x679: {  	v25 =	vxor.u32 v30, v32;
	[tilespmem:v34+s31+$0x0] =	vst.idx.add.s32.msk vm7, v9;
	v18 =	vnsel vm4, $0x0, v29;
	vm7 =	vgt.u32 v22, v15  }
0x67a: {  	vm8 =	veq.s32 v22, v15;
	v28 =	vld [tilespmem:s22+$0xFFFFFFD0];
	v27 =	vshrl.u32 v39, $0x10;
	v32 =	vand.u32 $0xFFFF, v39  }
0x67b: {  	vm10 =	vgt.s32 v39, $0xFFFFFFFF;
	v29 =	vld [tilespmem:s0+$0x30];
	vm5 =	veq.s32 v27, v15;
	vm9 =	vgt.u32 v27, v15  }
.Ltmp23:
0x67c: {  	v22 =	vsel vm10, $0xFFFFFFFF, v13;
	v27 =	vshrl.u32 v24, $0x10;
	vm4 =	vgt.s32 v24, $0xFFFFFFFF;
	[tilespmem:v38+s31+$0x0] =	vst.idx.add.s32.msk vm6, v9;
	(pc) =	sbr.rel @p1 .LBB2_44-.Ltmp23, $4  }
0x67d: {  	v35 =	vand.u32 $0xFFFF, v24;
	v22 =	vxor.u32 v39, v22;
	vm6 =	veq.s32 v27, v15  }
0x67e: {  	v21 =	vadd.f32 v37, v21;
	v31 =	vnsel vm7, $0x0, v36;
	v22 =	vnsel vm9, $0x0, v22  }
0x67f: {  	v33 =	vadd.f32 v22, v33;
	v30 =	vshrl.u32 v28, $0x10;
	v34 =	vand.u32 $0xFFFF, v28  }
0x680: {  	s22 =	sadd.s32 $0x80, s22;
	vm7 =	veq.s32 v30, v15;
	v22 =	vshrl.u32 v29, $0x10;
	[tilespmem:v26+s31+$0x0] =	vst.idx.add.s32.msk vm8, v9;
	v26 =	vand.u32 $0xFFFF, v29  }
0x681: {  	_ =	sdelay $0x4  }
0x682: {  	[tilespmem:v35+s31+$0x0] =	vst.idx.add.s32.msk vm6, v9  }
0x683: {  	[tilespmem:v34+s31+$0x0] =	vst.idx.add.s32.msk vm7, v9  }
0x684: {  	v35 =	vld [tilespmem:s2+$0x20]  }
0x685: {  	v34 =	vld [tilespmem:s2+$0xFFFFFFE0];
	_ =	sdelay $0x3  }
0x686: {  	v36 =	vshrl.u32 v35, $0x10  }
0x687: {  	v38 =	vshrl.u32 v34, $0x10;
	vm13 =	veq.s32 v36, v15  }
0x688: {  	v37 =	vand.u32 $0xFFFF, v35;
	vm14 =	veq.s32 v38, v15  }
0x689: {  	v39 =	vand.u32 $0xFFFF, v34;
	_ =	sdelay $0x2  }
0x68a: {  	v40 =	vld [tilespmem:s0+$0xFFFFFFF0]  }
0x68b: {  	(v2sf) =	vpush v14, $0x0;
	[tilespmem:v37+s31+$0x0] =	vst.idx.add.s32.msk vm13, v9  }
0x68c: {  	[tilespmem:v39+s31+$0x0] =	vst.idx.add.s32.msk vm14, v9  }
0x68d: {  	v37 =	vld [tilespmem:s2+$0x30]  }
0x68e: {  	v39 =	vld [tilespmem:s2+$0xFFFFFFF0];
	_ =	sdelay $0x2  }
0x68f: {  	vm15 =	veq.s32 v22, v15;
	v41 =	vshrl.u32 v40, $0x10  }
0x690: {  	vm12 =	veq.s32 v41, v15;
	v42 =	vshrl.u32 v37, $0x10  }
0x691: {  	v43 =	vand.u32 $0xFFFF, v40;
	v44 =	vshrl.u32 v39, $0x10;
	vm8 =	veq.s32 v42, v15  }
0x692: {  	v45 =	vand.u32 $0xFFFF, v37;
	vm9 =	veq.s32 v44, v15  }
0x693: {  	v46 =	vand.u32 $0xFFFF, v39  }
0x694: {  	[tilespmem:v32+s31+$0x0] =	vst.idx.add.s32.msk vm5, v9  }
0x695: {  	[tilespmem:v26+s31+$0x0] =	vst.idx.add.s32.msk vm15, v9  }
0x696: {  	[tilespmem:v43+s31+$0x0] =	vst.idx.add.s32.msk vm12, v9  }
0x697: {  	[tilespmem:v45+s31+$0x0] =	vst.idx.add.s32.msk vm8, v9  }
0x698: {  	s7 =	spop (v2sf);
	[tilespmem:v46+s31+$0x0] =	vst.idx.add.s32.msk vm9, v9  }
0x699: {  	_ =	strace $0x9000004E  }
0x69a: {  	_ =	strace $0x8000004F  }
0x69b: {  	s10 =	simm.s32 $0x80;
	s3 =	simm.s32 $0x19000;
	_ =	strace $0x80000050  }
0x69c: {  	[spmem:s13] =	stream.indirect.scatter.add.s32 [tilespmem:s31], [sflag:$0x3], $0x200, s3, s10, $0x2000b8;
	[tilespmem:$0x1B4F8] =	vst v63  }
0x69d: {  	_ =	swait.ge [sflag:s28], $0x10000  }
0x69e: {  	[sflag:s28] =	ssyncset.done $0x0  }
0x69f: {  	[sflag:s28] =	ssyncadd.s32 $0xFFFF0000  }
0x6a0: {  	[bflag:$0x0] =	sbarrier.arrive $0xFFFF  }
0x6a1: {  	_ =	strace $0x90000050  }
0x6a2: {  	[tilespmem:s23], [sflag:$0x3] =	stream.linear.gather [spmem:s18], $0x1000, $0x200038;
	[tilespmem:$0x1B4F8] =	vst v63  }
0x6a3: {  	_ =	swait.ge [sflag:s28], $0x1000  }
0x6a4: {  	s20 =	simm.s32 $0x0;
	[sflag:s28] =	ssyncset.done $0x0  }
0x6a5: {  	s22 =	sand.u32 $0xFF0, s20;
	[sflag:s28] =	ssyncadd.s32 $0xFFFFF000  }
0x6a6: {  	v59 =	vld [tilespmem:s22+$0x18000];
	_ =	sdelay $0x4  }
0x6a7: {  	(xrf0) =	vadd.scan.msk.s32 $0xffff, v59;
	_ =	sdelay $0x2  }
0x6a8: {  	s0 =	sshll.u32 s7, $0x10;
	s23 =	sadd.s32 $0x0, s9  }
0x6a9: {  	s3 =	sor.u32 s0, s23  }
0x6aa: {  	vm9 =	vgt.u32 v17, v15;
	v60 =	vmov s3  }
0x6ab: {  	v17 =	vxor.u32 v16, v20;
	v62 =	vor.u32 s3, v0;
	vm13 =	vgt.s32 v60, $0xFFFFFFFF;
	v20, _, _ =	vpop (xrf0)  }
0x6ac: {  	v63 =	vsel vm13, $0xFFFFFFFF, v13;
	v61 =	vcvt.s32.f32 v59;
	(v2sf) =	vpush v20, $0xF  }
0x6ad: {  	v43 =	vxor.u32 v62, v63  }
0x6ae: {  	v32 =	vmul.f32 v61, v43;
	_ =	sdelay $0x1  }
0x6af: {  	(xrf2) =	vadd.scan.msk.f32 $0xffff, v32;
	_ =	sdelay $0x1  }
0x6b0: {  	v31 =	vadd.f32 v31, v33;
	v47 =	vsel vm4, $0xFFFFFFFF, v13;
	vm14 =	vgt.s32 v28, $0xFFFFFFFF  }
0x6b1: {  	v25 =	vnsel vm3, $0x0, v25;
	vm3 =	vgt.u32 v27, v15;
	v43 =	vsel vm14, $0xFFFFFFFF, v13  }
0x6b2: {  	v52 =	vimm.s32 $0x0;
	vm8 =	vgt.u32 v30, v15;
	v26 =	vxor.u32 v28, v43  }
0x6b3: {  	v18 =	vadd.f32 v18, v21;
	v24 =	vxor.u32 v24, v47;
	v48 =	vnsel vm8, $0x0, v26  }
0x6b4: {  	vm11 =	vgt.s32 v40, $0xFFFFFFFF;
	vm15 =	vgt.s32 v29, $0xFFFFFFFF;
	v19 =	vadd.f32 v48, v19  }
0x6b5: {  	vm10 =	vgt.u32 v41, v15;
	v16 =	vnsel vm3, $0x0, v24;
	vm3 =	vgt.s32 v35, $0xFFFFFFFF  }
0x6b6: {  	v16 =	vadd.f32 v16, v19;
	v19 =	vsel vm3, $0xFFFFFFFF, v13;
	vm3 =	vgt.s32 v34, $0xFFFFFFFF  }
0x6b7: {  	s6 =	sand.u32 $0xF, s20;
	v54 =	vsel vm11, $0xFFFFFFFF, v13;
	v49 =	vxor.u32 v35, v19;
	v19 =	vsel vm3, $0xFFFFFFFF, v13  }
0x6b8: {  	v20 =	vbroadcast v20, $0xF;
	v50 =	vxor.u32 v34, v19;
	v19 =	vmov s6;
	v51, _, _ =	vpop (xrf2)  }
0x6b9: {  	s7 =	sand.u32 $0xF0, s20;
	vm12 =	veq.s32 v19, v0;
	v53 =	vbroadcast v51, $0xF;
	s20 =	spop (v2sf);
	(v2sf) =	vpush v51, $0xF  }
0x6ba: {  	v55 =	vxor.u32 v40, v54;
	v19 =	vsel vm12, v20, v52;
	v20 =	vimm.f32 $0.0e+00  }
0x6bb: {  	v21 =	vnsel vm10, $0x0, v55;
	s2 =	simm.s32 $0x10;
	v45 =	vsel vm15, $0xFFFFFFFF, v13;
	[tilespmem:s7+$0x192C0] =	vst v19;
	v20 =	vsel vm12, v53, v20  }
0x6bc: {  	v21 =	vadd.f32 v21, v31;
	v46 =	vxor.u32 v29, v45;
	s10 =	sadd.s32 $0x10, s9;
	vm13 =	vgt.u32 v22, v15;
	s6 =	sand.u32 $0xFF0, s2;
	[tilespmem:s7+$0x193C0] =	vst v20  }
0x6bd: {  	s3 =	sor.u32 s0, s10;
	v56 =	vnsel vm13, $0x0, v46;
	v22 =	vld [tilespmem:s6+$0x18000]  }
0x6be: {  	v23 =	vadd.f32 v25, v23;
	v21 =	vadd.f32 v56, v21;
	v59 =	vmov s3  }
0x6bf: {  	vm15 =	vgt.s32 v59, $0xFFFFFFFF;
	vm14 =	vgt.s32 v39, $0xFFFFFFFF;
	v61 =	vor.u32 s3, v0  }
0x6c0: {  	v62 =	vsel vm15, $0xFFFFFFFF, v13;
	v58 =	vsel vm14, $0xFFFFFFFF, v13;
	vm3 =	vgt.u32 v38, v15  }
0x6c1: {  	v29 =	vxor.u32 v61, v62;
	v25 =	vnsel vm3, $0x0, v50;
	vm3 =	vgt.u32 v36, v15  }
0x6c2: {  	v24 =	vnsel vm3, $0x0, v49;
	vm3 =	vgt.s32 v37, $0xFFFFFFFF;
	v60 =	vcvt.s32.f32 v22;
	(xrf0) =	vadd.scan.msk.s32 $0xffff, v22  }
0x6c3: {  	v27 =	vxor.u32 v39, v58;
	v57 =	vsel vm3, $0xFFFFFFFF, v13;
	vm3 =	vgt.u32 v44, v15  }
0x6c4: {  	v18 =	vadd.f32 v25, v18;
	v27 =	vnsel vm3, $0x0, v27;
	v63 =	vmul.f32 v60, v29  }
0x6c5: {  	v25 =	vxor.u32 v37, v57;
	vm3 =	vgt.u32 v42, v15;
	v21 =	vadd.f32 v27, v21  }
0x6c6: {  	v17 =	vnsel vm9, $0x0, v17;
	s23 =	simm.f32 $0.0e+00;
	s22 =	simm.s32 $0x2;
	v15 =	vadd.f32 v24, v18;
	v18 =	vnsel vm3, $0x0, v25;
	(xrf2) =	vadd.scan.msk.f32 $0xffff, v63  }
0x6c7: {  	v17 =	vadd.f32 v17, v23;
	v18 =	vadd.f32 v18, v21;
	s7 =	simm.s32 $0x1;
	s6 =	sadd.s32 $0x0, s20;
	s20 =	simm.s32 $0x3  }
.LBB2_46:
0x6c8: {  	p1 =	sne.s32 s20, $0xFF;
	s3 =	sand.u32 $0xF, s7;
	v21, _, _ =	vpop (xrf0);
	s10 =	spop (v2sf)  }
0x6c9: {  	v22 =	vmov s3;
	v23 =	vbroadcast v21, $0xF;
	(v2sf) =	vpush v21, $0xF;
	s23 =	sadd.f32 s10, s23  }
0x6ca: {  	vm3 =	veq.s32 v22, v0  }
0x6cb: {  	s3 =	sand.u32 $0xF0, s7;
	s7 =	smov.u32 s22;
	s22 =	smov.u32 s20;
	v19 =	vsel vm3, v23, v19  }
0x6cc: {  	[tilespmem:s3+$0x192C0] =	vst v19;
	_ =	sdelay $0x3  }
0x6cd: {  	v21, _, _ =	vpop (xrf2)  }
0x6ce: {  	v22 =	vbroadcast v21, $0xF;
	(v2sf) =	vpush v21, $0xF;
	_ =	sdelay $0x1  }
0x6cf: {  	s2 =	sadd.s32 $0x10, s2;
	v20 =	vsel vm3, v22, v20  }
0x6d0: {  	s10 =	sand.u32 $0xFF0, s2;
	[tilespmem:s3+$0x193C0] =	vst v20  }
0x6d1: {  	v21 =	vld [tilespmem:s10+$0x18000]  }
0x6d2: {  	s3 =	sadd.s32 s2, s9  }
0x6d3: {  	s3 =	sor.u32 s0, s3  }
0x6d4: {  	v22 =	vmov s3;
	s10 =	spop (v2sf)  }
0x6d5: {  	vm3 =	vgt.s32 v22, $0xFFFFFFFF;
	s6 =	sadd.s32 s6, s10  }
0x6d6: {  	v23 =	vor.u32 s3, v0;
	v24 =	vsel vm3, $0xFFFFFFFF, v13;
	v22 =	vcvt.s32.f32 v21;
	(xrf0) =	vadd.scan.msk.s32 $0xffff, v21  }
.Ltmp24:
0x6d7: {  	v21 =	vxor.u32 v23, v24;
	(pc) =	sbr.rel @p1 .LBB2_46-.Ltmp24, $3  }
0x6d8: {  	v21 =	vmul.f32 v22, v21;
	_ =	sdelay $0x1  }
0x6d9: {  	(xrf2) =	vadd.scan.msk.f32 $0xffff, v21  }
0x6da: {  	s20 =	sadd.s32 $0x1, s20  }
0x6db: {  	_ =	sdelay $0x6  }
0x6dc: {  	s3 =	sand.u32 $0xF, s7;
	v21, _, _ =	vpop (xrf0)  }
0x6dd: {  	v22 =	vmov s3;
	v23 =	vbroadcast v21, $0xF;
	v24, _, _ =	vpop (xrf2)  }
0x6de: {  	vm3 =	veq.s32 v22, v0;
	v55 =	vbroadcast v24, $0xF  }
0x6df: {  	s7 =	sand.u32 $0xF0, s7;
	v19 =	vsel vm3, v23, v19  }
0x6e0: {  	s2 =	sadd.s32 $0x10, s2;
	[tilespmem:s7+$0x192C0] =	vst v19;
	v20 =	vsel vm3, v55, v20  }
0x6e1: {  	s10 =	sand.u32 $0xFF0, s2;
	[tilespmem:s7+$0x193C0] =	vst v20  }
0x6e2: {  	v56 =	vld [tilespmem:s10+$0x18000]  }
0x6e3: {  	s2 =	sadd.s32 s2, s9  }
0x6e4: {  	s2 =	sor.u32 s0, s2  }
0x6e5: {  	v57 =	vmov s2  }
0x6e6: {  	vm3 =	vgt.s32 v57, $0xFFFFFFFF  }
0x6e7: {  	v25 =	vor.u32 s2, v0;
	v26 =	vsel vm3, $0xFFFFFFFF, v13;
	v58 =	vcvt.s32.f32 v56  }
0x6e8: {  	v25 =	vxor.u32 v25, v26  }
0x6e9: {  	v23 =	vmul.f32 v58, v25;
	_ =	sdelay $0x1  }
0x6ea: {  	(xrf2) =	vadd.scan.msk.f32 $0xffff, v23;
	_ =	sdelay $0x2  }
0x6eb: {  	(xrf0) =	vadd.scan.msk.s32 $0xffff, v56;
	_ =	sdelay $0x4  }
0x6ec: {  	(v2sf) =	vpush v21, $0xF  }
0x6ed: {  	(v2sf) =	vpush v24, $0xF;
	v59, _, _ =	vpop (xrf0)  }
0x6ee: {  	(v2sf) =	vpush v59, $0xF;
	v60, _, _ =	vpop (xrf2)  }
0x6ef: {  	(v2sf) =	vpush v60, $0xF;
	_ =	sdelay $0x7  }
0x6f0: {  	(v2sf) =	vpush v14, $0x1;
	_ =	sdelay $0x2  }
0x6f1: {  	s20 =	spop (v2sf)  }
0x6f2: {  	s2 =	sadd.f32 s20, s23;
	s3 =	spop (v2sf)  }
0x6f3: {  	s23 =	spop (v2sf)  }
0x6f4: {  	s2 =	sadd.f32 s23, s2;
	s10 =	spop (v2sf)  }
0x6f5: {  	s20 =	spop (v2sf)  }
0x6f6: {  	s2 =	sadd.f32 s20, s2  }
0x6f7: {  	s23 =	sand.u32 $0xF, s22  }
0x6f8: {  	v21 =	vbroadcast v59, $0xF;
	v61 =	vmov s23;
	v62 =	vmov s2  }
0x6f9: {  	vm3 =	veq.s32 v61, v0;
	v22 =	vbroadcast v60, $0xF;
	v63 =	vadd.f32 $0.0e+00, v62  }
0x6fa: {  	v19 =	vsel vm3, v21, v19;
	s20 =	sand.u32 $0xF0, s22  }
0x6fb: {  	[tilespmem:s20+$0x192C0] =	vst v19;
	v19 =	vsel vm3, v22, v20;
	v20 =	vbroadcast v63, $0x0  }
0x6fc: {  	[tilespmem:s20+$0x193C0] =	vst v19  }
0x6fd: {  	s22 =	simm.s32 $0x192A0;
	s2 =	spop (v2sf);
	[tilespmem:$0x192A0] =	vst v20  }
0x6fe: {  	[spmem:s1] =	stream.linear.scatter [tilespmem:s22], [sflag:$0x3], $0x10, $0x200038;
	[tilespmem:$0x1B4F8] =	vst v63  }
0x6ff: {  	_ =	swait.ge [sflag:s28], $0x10  }
0x700: {  	s3 =	sadd.s32 s6, s3;
	[sflag:s28] =	ssyncset.done $0x0  }
0x701: {  	s3 =	sadd.s32 s3, s10;
	[sflag:s28] =	ssyncadd.s32 $0xFFFFFFF0  }
0x702: {  	v19 =	vmov s3;
	_ =	strace $0x80000051  }
0x703: {  	s22 =	simm.s32 $0x19290;
	[tilespmem:$0x19290] =	vst v19;
	s23 =	rddreg [dreg:$0xb]  }
0x704: {  	[spmem:s23] =	stream.linear.scatter [tilespmem:s22], [sflag:$0x3], $0x10, $0x200038;
	[tilespmem:$0x1B4F8] =	vst v63  }
0x705: {  	_ =	swait.ge [sflag:s28], $0x10  }
0x706: {  	[sflag:s28] =	ssyncset.done $0x0  }
0x707: {  	[sflag:s28] =	ssyncadd.s32 $0xFFFFFFF0  }
0x708: {  	[bflag:$0x0] =	sbarrier.arrive $0xFFFF  }
0x709: {  	_ =	strace $0x90000051  }
0x70a: {  	s7 =	simm.s32 $0x19080;
	s6 =	rddreg [dreg:$0xc]  }
0x70b: {  	[tilespmem:s7], [sflag:$0x3] =	stream.linear.gather [spmem:s6], $0x100, $0x200038;
	[tilespmem:$0x1B4F8] =	vst v63  }
0x70c: {  	_ =	swait.ge [sflag:s28], $0x100  }
0x70d: {  	[sflag:s28] =	ssyncset.done $0x0  }
0x70e: {  	[sflag:s28] =	ssyncadd.s32 $0xFFFFFF00  }
0x70f: {  	v19 =	vld.idx.msk [tilespmem:v10+s7+$0x0], $0xffff;
	_ =	sdelay $0x4  }
0x710: {  	v20 =	vperm.xlane v19, v11;
	_ =	sdelay $0x1  }
0x711: {  	(xrf0) =	vadd.scan.msk.s32 $0xffff, v20;
	_ =	sdelay $0x5  }
0x712: {  	v20, _, _ =	vpop (xrf0)  }
0x713: {  	v14 =	vbroadcast v14, $0x1;
	v20 =	vperm.xlane v20, v11;
	_ =	sdelay $0x1  }
0x714: {  	vm3 =	vge.s32 v20, v14  }
0x715: {  	v14 =	vmpcnt.ones.xlane vm3;
	_ =	sdelay $0x1  }
0x716: {  	v14 =	vxor.u32 $0x80000000, v14  }
0x717: {  	(xrf0) =	vmax.scan.msk.u32 $0xffff, v14;
	_ =	sdelay $0x5  }
0x718: {  	v14, _, _ =	vpop (xrf0)  }
0x719: {  	(v2sf) =	vpush v14, $0xF;
	_ =	sdelay $0xe  }
0x71a: {  	s10 =	spop (v2sf)  }
0x71b: {  	s20 =	sadd.s32 $0x7FFFFFFF, s10  }
0x71c: {  	v14 =	vmov s20  }
0x71d: {  	vm3 =	veq.s32 v14, v0  }
0x71e: {  	v14 =	vnsel vm3, $0x0, v20  }
0x71f: {  	(xrf0) =	vadd.scan.msk.s32 $0xffff, v14;
	v14 =	vnsel vm3, $0x0, v19  }
0x720: {  	(xrf0) =	vadd.scan.msk.s32 $0xffff, v14;
	_ =	sdelay $0x4  }
0x721: {  	v14, _, _ =	vpop (xrf0)  }
0x722: {  	(v2sf) =	vpush v14, $0xF;
	v14, _, _ =	vpop (xrf0)  }
0x723: {  	(v2sf) =	vpush v14, $0xF;
	_ =	sdelay $0xb  }
0x724: {  	s23 =	simm.s32 $0x19180  }
0x725: {  	[tilespmem:s23], [sflag:$0x3] =	stream.linear.gather [spmem:s24], $0x100, $0x200038;
	[tilespmem:$0x1B4F8] =	vst v63  }
0x726: {  	s3 =	spop (v2sf)  }
0x727: {  	s6 =	spop (v2sf)  }
0x728: {  	_ =	swait.ge [sflag:s28], $0x100  }
0x729: {  	[sflag:s28] =	ssyncset.done $0x0  }
0x72a: {  	[sflag:s28] =	ssyncadd.s32 $0xFFFFFF00  }
0x72b: {  	v14 =	vld.idx.msk [tilespmem:v10+s23+$0x0], $0xffff;
	_ =	sdelay $0x4  }
0x72c: {  	v19 =	vperm.xlane v14, v11;
	_ =	sdelay $0x1  }
0x72d: {  	(xrf2) =	vadd.scan.msk.f32 $0xffff, v19;
	_ =	sdelay $0x9  }
0x72e: {  	v19, _, _ =	vpop (xrf2)  }
0x72f: {  	v19 =	vperm.xlane v19, v11;
	_ =	sdelay $0x1  }
0x730: {  	v19 =	vnsel vm3, $0x0, v19  }
0x731: {  	v14 =	vnsel vm3, $0x0, v14;
	(xrf2) =	vadd.scan.msk.f32 $0xffff, v19  }
0x732: {  	(xrf2) =	vadd.scan.msk.f32 $0xffff, v14;
	_ =	sdelay $0x8  }
0x733: {  	v14, _, _ =	vpop (xrf2)  }
0x734: {  	(v2sf) =	vpush v14, $0xF;
	v14, _, _ =	vpop (xrf2)  }
0x735: {  	(v2sf) =	vpush v14, $0xF;
	_ =	sdelay $0x9  }
0x736: {  	p1 =	sne.s32 s16, s20  }
.Ltmp25:
0x737: {  	_ = 	snop;
	(pc) =	sbr.rel @p1 .LBB2_53-.Ltmp25, $3  }
0x738: {  	_ =	sdelay $0x1  }
0x739: {  	s7 =	spop (v2sf)  }
0x73a: {  	s20 =	rddreg [dreg:$0xf];
	s10 =	spop (v2sf)  }
0x73b: {  	_ =	strace $0x80000052;
	s20 =	simm.s32 $0x192C0  }
0x73c: {  	v14 =	vld [tilespmem:s20+$0x0];
	_ =	sdelay $0x4  }
0x73d: {  	s1 =	smov.u32 s29;
	s30 =	smov.u32 s26;
	s26 =	simm.s32 $0x192D0;
	(xrf0) =	vadd.scan.msk.s32 $0xffff, v14  }
0x73e: {  	s8 =	smov.u32 s5;
	s5 =	smov.u32 s25;
	s29 =	smov.u32 s21;
	v19 =	vld [tilespmem:s26+$0x0]  }
0x73f: {  	s21 =	smov.u32 s19;
	s19 =	smov.u32 s18;
	s18 =	smov.u32 s17  }
0x740: {  	s17 =	smov.u32 s4;
	s16 =	smov.u32 s24;
	s4 =	smov.u32 s15  }
0x741: {  	s15 =	smov.u32 s14;
	s14 =	smov.u32 s13;
	s13 =	smov.u32 s12  }
0x742: {  	s6 =	ssub.s32 s3, s6;
	s22 =	ssub.f32 s7, s10;
	s7 =	simm.s32 $0x0  }
0x743: {  	s3 =	simm.s32 $0x1;
	s10 =	simm.s32 $0x2;
	s20 =	simm.s32 $0x192E0;
	v14 =	vimm.s32 $0x0;
	(xrf0) =	vadd.scan.msk.s32 $0xffff, v19;
	v19, _, _ =	vpop (xrf0)  }
.LBB2_49:
0x744: {  	p1 =	sne.s32 s10, $0xF  }
0x745: {  	v20 =	vld [tilespmem:s20+$0x0];
	v21 =	vmov s7;
	v19 =	vbroadcast v19, $0xF;
	s7 =	smov.u32 s3;
	s3 =	smov.u32 s10;
	s10 =	sadd.s32 $0x1, s10  }
.Ltmp26:
0x746: {  	vm3 =	veq.s32 v21, v0;
	(pc) =	sbr.rel @p1 .LBB2_49-.Ltmp26, $2  }
0x747: {  	v14 =	vsel vm3, v19, v14;
	_ =	sdelay $0x2  }
0x748: {  	s20 =	sadd.s32 $0x10, s20;
	(xrf0) =	vadd.scan.msk.s32 $0xffff, v20;
	v19, _, _ =	vpop (xrf0)  }
0x749: {  	_ =	sdelay $0x4  }
0x74a: {  	v20 =	vmov s7;
	v19 =	vbroadcast v19, $0xF;
	v21, _, _ =	vpop (xrf0)  }
0x74b: {  	vm3 =	veq.s32 v20, v0;
	v20 =	vmov s3;
	v21 =	vbroadcast v21, $0xF  }
0x74c: {  	v14 =	vsel vm3, v19, v14;
	vm3 =	veq.s32 v20, v0  }
0x74d: {  	v14 =	vsel vm3, v21, v14  }
0x74e: {  	v19 =	vperm.xlane v14, v11;
	_ =	sdelay $0x1  }
0x74f: {  	(xrf0) =	vadd.scan.msk.s32 $0xffff, v19;
	_ =	sdelay $0x5  }
0x750: {  	v19, _, _ =	vpop (xrf0)  }
0x751: {  	v19 =	vperm.xlane v19, v11  }
0x752: {  	s12 =	smov.u32 s11;
	s11 =	ssub.s32 s2, s6  }
0x753: {  	vm3 =	vge.s32 v19, s11  }
0x754: {  	v20 =	vmpcnt.ones.xlane vm3;
	_ =	sdelay $0x1  }
0x755: {  	v20 =	vxor.u32 $0x80000000, v20  }
0x756: {  	(xrf0) =	vmax.scan.msk.u32 $0xffff, v20;
	_ =	sdelay $0x5  }
0x757: {  	v20, _, _ =	vpop (xrf0)  }
0x758: {  	(v2sf) =	vpush v20, $0xF;
	_ =	sdelay $0xe  }
0x759: {  	s20 =	spop (v2sf)  }
0x75a: {  	s7 =	sadd.s32 $0x7FFFFFFF, s20  }
0x75b: {  	v20 =	vmov s7  }
0x75c: {  	vm3 =	veq.s32 v20, v0  }
0x75d: {  	v19 =	vnsel vm3, $0x0, v19  }
0x75e: {  	v14 =	vnsel vm3, $0x0, v14;
	(xrf0) =	vadd.scan.msk.s32 $0xffff, v19  }
0x75f: {  	(xrf0) =	vadd.scan.msk.s32 $0xffff, v14;
	_ =	sdelay $0x4  }
0x760: {  	v14, _, _ =	vpop (xrf0)  }
0x761: {  	(v2sf) =	vpush v14, $0xF;
	v14, _, _ =	vpop (xrf0)  }
0x762: {  	(v2sf) =	vpush v14, $0xF  }
0x763: {  	s20 =	sshll.u32 s7, $0x4  }
0x764: {  	v14 =	vld [tilespmem:s20+$0x192C0];
	_ =	sdelay $0x4  }
0x765: {  	v19 =	vperm.xlane v14, v11;
	_ =	sdelay $0x1  }
0x766: {  	(xrf0) =	vadd.scan.msk.s32 $0xffff, v19;
	_ =	sdelay $0x4  }
0x767: {  	s23 =	spop (v2sf)  }
0x768: {  	v19, _, _ =	vpop (xrf0);
	s10 =	spop (v2sf)  }
0x769: {  	v19 =	vperm.xlane v19, v11;
	s23 =	ssub.s32 s23, s10  }
0x76a: {  	s3 =	ssub.s32 s11, s23  }
0x76b: {  	vm4 =	vge.s32 v19, s3  }
0x76c: {  	v20 =	vmpcnt.ones.xlane vm4;
	_ =	sdelay $0x1  }
0x76d: {  	v20 =	vxor.u32 $0x80000000, v20  }
0x76e: {  	(xrf0) =	vmax.scan.msk.u32 $0xffff, v20;
	_ =	sdelay $0x5  }
0x76f: {  	v20, _, _ =	vpop (xrf0)  }
0x770: {  	(v2sf) =	vpush v20, $0xF;
	_ =	sdelay $0xe  }
0x771: {  	s24 =	spop (v2sf)  }
0x772: {  	s7 =	sadd.s32 $0x7FFFFFFF, s24  }
0x773: {  	v20 =	vmov s7  }
0x774: {  	vm4 =	veq.s32 v20, v0  }
0x775: {  	v19 =	vnsel vm4, $0x0, v19  }
0x776: {  	v14 =	vnsel vm4, $0x0, v14;
	(xrf0) =	vadd.scan.msk.s32 $0xffff, v19  }
0x777: {  	(xrf0) =	vadd.scan.msk.s32 $0xffff, v14;
	_ =	sdelay $0x4  }
0x778: {  	v14, _, _ =	vpop (xrf0)  }
0x779: {  	(v2sf) =	vpush v14, $0xF;
	v14, _, _ =	vpop (xrf0)  }
0x77a: {  	s25 =	simm.s32 $0x193C0;
	s7 =	sadd.s32 s20, s7;
	(v2sf) =	vpush v14, $0xF  }
0x77b: {  	s7 =	sshll.u32 s7, $0x4;
	v19 =	vld [tilespmem:s25+$0x0]  }
0x77c: {  	v14 =	vld [tilespmem:s7+$0x18000];
	_ =	sdelay $0x4  }
0x77d: {  	s26 =	simm.s32 $0x193D0;
	(xrf2) =	vadd.scan.msk.f32 $0xffff, v19;
	v20 =	vperm.xlane v14, v11  }
0x77e: {  	v21 =	vld [tilespmem:s26+$0x0]  }
0x77f: {  	(xrf0) =	vadd.scan.msk.s32 $0xffff, v20;
	_ =	sdelay $0x3  }
0x780: {  	s11 =	simm.s32 $0x193E0;
	(xrf2) =	vadd.scan.msk.f32 $0xffff, v21  }
0x781: {  	v23 =	vld [tilespmem:s11+$0x0];
	s24 =	spop (v2sf)  }
0x782: {  	v19, _, _ =	vpop (xrf0);
	s25 =	spop (v2sf)  }
0x783: {  	v19 =	vperm.xlane v19, v11;
	s25 =	ssub.s32 s24, s25  }
0x784: {  	s26 =	simm.s32 $0x0;
	v22, _, _ =	vpop (xrf2);
	s3 =	ssub.s32 s3, s25  }
0x785: {  	v24 =	vmov s26;
	s26 =	simm.s32 $0x3;
	v22 =	vbroadcast v22, $0xF;
	vm5 =	vge.s32 v19, s3  }
0x786: {  	s10 =	simm.s32 $0x193F0;
	v21 =	vimm.f32 $0.0e+00;
	(xrf2) =	vadd.scan.msk.f32 $0xffff, v23;
	s24 =	simm.s32 $0x2;
	s3 =	simm.s32 $0x1;
	v20 =	vmpcnt.ones.xlane vm5;
	vm5 =	veq.s32 v24, v0  }
.LBB2_51:
0x787: {  	v23 =	vld [tilespmem:s10+$0x0];
	p1 =	sne.s32 s26, $0xF;
	v21 =	vsel vm5, v22, v21;
	s11 =	smov.u32 s26;
	s26 =	sadd.s32 $0x1, s26  }
.Ltmp27:
0x788: {  	(pc) =	sbr.rel @p1 .LBB2_51-.Ltmp27, $4  }
0x789: {  	_ = 	snop  }
0x78a: {  	v22, _, _ =	vpop (xrf2)  }
0x78b: {  	v24 =	vmov s3;
	s3 =	smov.u32 s24;
	s24 =	smov.u32 s11;
	v22 =	vbroadcast v22, $0xF  }
0x78c: {  	s10 =	sadd.s32 $0x10, s10;
	vm5 =	veq.s32 v24, v0;
	(xrf2) =	vadd.scan.msk.f32 $0xffff, v23  }
.Ltmp28:
0x78d: {  	_ = 	snop;
	(pc) =	sbr.rel .LBB2_52-.Ltmp28, $1  }
0x78e: {  	_ =	sdelay $0x3  }
.LBB2_54:
0x78f: {  	_ =	sfence.sel $0x180000  }
0x790: {  	[bflag:$0x0] =	sbarrier.arrive $0xFFFF  }
0x791: {  	_ =	strace $0x90000047  }
0x792: {  	[bflag:$0x2] =	sbarrier.arrive $0xFFFF  }
0x793: {  	p0 =	sne.s32 s16, $0x0;
	s0 =	rddreg [dreg:$0x7]  }
0x794: {  	s0 =	sadd.s32 @!p0 $0x100000, s0  }
0x795: {  	[sflag:s0] =	ssyncadd.tile.s32 @!p0 $0x1;
	_ =	shalt  }
.Lfunc_end2:
_tile_overlayer_lowered:
.L_overlay_start_2:
0x796: {  	(tag) =	ssettag $0x2  }
0x797: {  	s0 =	rddreg [dreg:$0x0];
	s2 =	stileid.u32  }
0x798: {  	s1 =	rddreg [dreg:$0x1];
	p0 =	sne.s32 s2, $0x0  }
0x799: {  	s3 =	rddreg [dreg:$0x2];
	[bflag:$0x3] =	sbarrier.arrive $0xFFFF;
	s2 =	simm.s32 @!p0 $0x1C03  }
0x79a: {  	[timem:s3], [sflag:s2] =	dma.local @!p0 [hbm:s0], s1  }
0x79b: {  	s0 =	simm.s32 @!p0 $0x3  }
0x79c: {  	_ =	swait.ge @!p0 [sflag:s0], s1  }
0x79d: {  	s1 =	ssub.s32 @!p0 $0x0, s1;
	[sflag:s0] =	ssyncset.done @!p0 $0x0  }
0x79e: {  	[sflag:s0] =	ssyncadd.s32 @!p0 s1  }
0x79f: {  	[bflag:$0x3] =	sbarrier.arrive $0xFFFF  }
0x7a0: {  	_ =	shalt  }

</sc_bundles>
